<compile_context>
chip_gen: v7x
topology: tpu7x:2x2x1
jax: 0.10.2.dev20260603
libtpu: 0.0.44.dev20260713+nightly
codegen_flags: <defaults>
</compile_context>

<pallas_src>
import functools

import jax
import jax.numpy as jnp
import numpy as np
from jax import lax
from jax.experimental import pallas as pl
from jax.experimental.pallas import tpu as pltpu
from jax.experimental.pallas import tpu_sc as plsc

WIDTH = 1024
HEIGHT = 1024
NBATCH = 16
NPTS = 42
TOTAL = NBATCH * NPTS
LANES = 16
NCHUNK = TOTAL // LANES
NWORK = 14
NSLOTS = 3

_BOFFS = (np.arange(TOTAL, dtype=np.int32) // NPTS) * WIDTH

_mesh = plsc.VectorSubcoreMesh(core_axis_name="c", subcore_axis_name="s")


@functools.partial(
    pl.kernel,
    out_type=jax.ShapeDtypeStruct((LANES,), jnp.float32),
    mesh=_mesh,
    scratch_types=[
        pltpu.VMEM((2 * TOTAL,), jnp.float32),
        pltpu.VMEM((TOTAL,), jnp.int32),
        pltpu.VMEM((NSLOTS * LANES, LANES), jnp.float32),
        pltpu.VMEM((NWORK, LANES), jnp.float32),
        pltpu.VMEM((LANES,), jnp.float32),
        pltpu.HBM((NWORK, LANES), jnp.float32),
        pltpu.SemaphoreType.DMA,
    ],
)
def _mask_loss_sc(pred_hbm, boffs_hbm, dist_hbm, out_hbm,
                  pred_v, boffs_v, seg_v, part_v, out_v, parts_hbm, sem):
    cid = lax.axis_index("c")
    sid = lax.axis_index("s")

    @pl.when(jnp.logical_and(cid == 0, sid < NWORK))
    def _():
        pltpu.sync_copy(pred_hbm, pred_v)
        pltpu.sync_copy(boffs_hbm, boffs_v)
        lane = lax.iota(jnp.int32, LANES)
        zero = jnp.zeros((LANES,), jnp.float32)

        copies, ts, iis = [], [], []
        for l in range(NSLOTS):
            c = sid * NSLOTS + l
            boffs = boffs_v[pl.ds(c * LANES, LANES)]
            for h in range(2):
                v = pred_v[pl.ds(c * 2 * LANES + h * LANES, LANES)]
                ii = jnp.minimum(
                    ((v + 1.0) * (WIDTH * 0.5)).astype(jnp.int32), WIDTH - 1
                )
                q = v / v
                t = jnp.where(q >= 1.0, jnp.float32(1.0), 0.0 * q)
                ts.append(t)
                iis.append(ii)
                for j in range(LANES // 2):
                    p_local = l * LANES + h * (LANES // 2) + j
                    row = boffs[h * (LANES // 2) + j] + ii[2 * j]
                    yj = ii[2 * j + 1]
                    ybase = pl.multiple_of(
                        jnp.bitwise_and(yj, jnp.int32(-16)), 16
                    )
                    cp = pltpu.make_async_copy(
                        dist_hbm.at[row, pl.ds(ybase, LANES)],
                        seg_v.at[p_local],
                        sem,
                    )
                    cp.start()
                    copies.append(cp)

        for cp in copies:
            cp.wait()
        acc = zero
        for l in range(NSLOTS):
            for h in range(2):
                t = ts[2 * l + h]
                ii = iis[2 * l + h]
                for j in range(LANES // 2):
                    p_local = l * LANES + h * (LANES // 2) + j
                    w = t[2 * j] * t[2 * j + 1]
                    d = jnp.bitwise_and(ii[2 * j + 1], jnp.int32(15))
                    seg = seg_v[p_local]
                    sel = lane == jnp.full((LANES,), d, jnp.int32)
                    acc = acc + jnp.where(
                        sel, seg * jnp.full((LANES,), w, jnp.float32), zero
                    )

        out_v[...] = acc
        pltpu.sync_copy(out_v, parts_hbm.at[sid])

    @pl.when(cid == 0)
    def _():
        plsc.subcore_barrier()

        @pl.when(sid == 0)
        def _():
            pltpu.sync_copy(parts_hbm, part_v)
            tot_v = jnp.zeros((LANES,), jnp.float32)
            for t in range(NWORK):
                tot_v = tot_v + part_v[t]
            total = tot_v[0]
            for i in range(1, LANES):
                total = total + tot_v[i]
            out_v[...] = jnp.full((LANES,), total * (1.0 / TOTAL), jnp.float32)
            pltpu.sync_copy(out_v, out_hbm)


def kernel(predict, distmap):
    out = _mask_loss_sc(predict.reshape(-1), jnp.asarray(_BOFFS),
                        distmap.reshape(NBATCH * WIDTH, HEIGHT))
    return out[0]

# --- scband reference (transcript-rebuilt; emitter-appended) ---
"""Pipeline reference for scband-mask-loss-62843961475340 (READ-ONLY COPY).

The authoritative reference and input builder live on the scoring server;
editing this copy changes nothing except your own understanding.
"""

import jax, jax.numpy as jnp
import numpy as np

WIDTH = 1024
HEIGHT = 1024


def setup_inputs(seed: int = 0) -> dict:
    key = jax.random.key(seed)
    k1, k2 = jax.random.split(key)
    B = 16
    predict = jax.random.uniform(k1, (B, 84), dtype=jnp.float32)
    distmap = jax.random.normal(k2, (B, 1024, 1024), dtype=jnp.float32)
    return {"predict": predict, "distmap": distmap}


def reference(predict, distmap):
    # Faithful vectorization of the per-batch / per-point python loop.
    B = distmap.shape[0]
    p = predict.reshape(B, 42, 2)
    px = p[..., 0]
    py = p[..., 1]
    x = WIDTH * (px + 1.0) / 2.0
    y = HEIGHT * (py + 1.0) / 2.0
    # int() in torch truncates toward zero and detaches from autograd
    xi = jax.lax.stop_gradient(x).astype(jnp.int32)
    yi = jax.lax.stop_gradient(y).astype(jnp.int32)
    # torch.div(p, p, rounding_mode='trunc') == trunc(p/p) == 1 for p != 0
    x_one = jnp.trunc(px / px)
    y_one = jnp.trunc(py / py)
    b_idx = jnp.arange(B)[:, None]  # [B, 1] broadcast against [B, 42]
    vals = distmap[b_idx, xi, yi]   # gather: [B, 42]
    loss = jnp.sum(vals * x_one * y_one)
    loss = loss / B / 42
    return loss

if __name__ == "__main__":
    import jax
    _d = setup_inputs()
    print(jax.jit(kernel)(*tuple(_d.values())))

</pallas_src>

<mosaic_0001>
#map = affine_map<(d0, d1) -> (0)>
#map1 = affine_map<(d0, d1) -> (0, 0)>
module attributes {stable_mosaic.version = 14 : i64} {
  func.func @_mask_loss_sc(%arg0: i32, %arg1: i32, %arg2: memref<1344xf32, #tpu.memory_space<hbm>>, %arg3: memref<672xi32, #tpu.memory_space<hbm>>, %arg4: memref<16384x1024xf32, #tpu.memory_space<hbm>>, %arg5: memref<16xf32, #tpu.memory_space<hbm>>, %arg6: memref<1344xf32, #tpu.memory_space<vmem>>, %arg7: memref<672xi32, #tpu.memory_space<vmem>>, %arg8: memref<48x16xf32, #tpu.memory_space<vmem>>, %arg9: memref<14x16xf32, #tpu.memory_space<vmem>>, %arg10: memref<16xf32, #tpu.memory_space<vmem>>, %arg11: memref<14x16xf32, #tpu.memory_space<hbm>>, %arg12: memref<!tpu.dma_semaphore, #tpu.memory_space<semaphore_mem>>) attributes {dimension_semantics = [#tpu.dimension_semantics<core_parallel>, #tpu.dimension_semantics<subcore_parallel>], iteration_bounds = array<i64: 2, 16>, scalar_prefetch = 0 : i64, scratch_operands = 7 : i64, tpu.core_type = #tpu.core_type<sc_vector_subcore>, window_params = [{transform_indices = #map}, {transform_indices = #map}, {transform_indices = #map1}, {transform_indices = #map}]} {
    %eq3A = arith.constant 0 : i32
    %eq3A_0 = arith.cmpi eq, %arg0, %eq3A : i32
    %lt3A = arith.constant 14 : i32
    %lt3A_1 = arith.cmpi slt, %arg1, %lt3A : i32
    %and3A = arith.andi %eq3A_0, %lt3A_1 : i1
    %convert_element_type3A = arith.extui %and3A : i1 to i32
    %cond3A = arith.constant 0 : i32
    %cond3A_2 = arith.cmpi ne, %convert_element_type3A, %cond3A : i32
    scf.if %cond3A_2 {
      "tpu.region"() ({
        %run_scoped3A = tpu.sem_alloc : memref<!tpu.dma_semaphore, #tpu.memory_space<semaphore_mem>>
        tpu.enqueue_dma source(%arg2 : memref<1344xf32, #tpu.memory_space<hbm>>) target(%arg6 : memref<1344xf32, #tpu.memory_space<vmem>>) target_semaphore(%run_scoped3A : memref<!tpu.dma_semaphore, #tpu.memory_space<semaphore_mem>>)
        tpu.wait_dma2 semaphore(%run_scoped3A : memref<!tpu.dma_semaphore, #tpu.memory_space<semaphore_mem>>) src(%arg2 : memref<1344xf32, #tpu.memory_space<hbm>>) dst(%arg6 : memref<1344xf32, #tpu.memory_space<vmem>>)
        tpu.yield
      }) : () -> ()
      "tpu.region"() ({
        %run_scoped3A = tpu.sem_alloc : memref<!tpu.dma_semaphore, #tpu.memory_space<semaphore_mem>>
        tpu.enqueue_dma source(%arg3 : memref<672xi32, #tpu.memory_space<hbm>>) target(%arg7 : memref<672xi32, #tpu.memory_space<vmem>>) target_semaphore(%run_scoped3A : memref<!tpu.dma_semaphore, #tpu.memory_space<semaphore_mem>>)
        tpu.wait_dma2 semaphore(%run_scoped3A : memref<!tpu.dma_semaphore, #tpu.memory_space<semaphore_mem>>) src(%arg3 : memref<672xi32, #tpu.memory_space<hbm>>) dst(%arg7 : memref<672xi32, #tpu.memory_space<vmem>>)
        tpu.yield
      }) : () -> ()
      %iota3A = tpu.iota {dimensions = array<i32: 0>} : vector<16xi32>
      %broadcast_in_dim3A = arith.constant 0.000000e+00 : f32
      %broadcast_in_dim3A_8 = vector.broadcast %broadcast_in_dim3A : f32 to vector<16xf32>
      %mul3A = arith.constant 3 : i32
      %mul3A_9 = arith.muli %arg1, %mul3A : i32
      %add3A = arith.constant 0 : i32
      %add3A_10 = arith.addi %mul3A_9, %add3A : i32
      %mul3A_11 = arith.constant 16 : i32
      %mul3A_12 = arith.muli %add3A_10, %mul3A_11 : i32
      %get3A = arith.index_cast %mul3A_12 : i32 to index
      %get3A_13 = tpu.vector_load %arg7[%get3A] {strides = array<i32>} : memref<672xi32, #tpu.memory_space<vmem>>, vector<16xi32>,
      %get3A_14 = vector.shape_cast %get3A_13 : vector<16xi32> to vector<16xi32>
      %mul3A_15 = arith.constant 2 : i32
      %mul3A_16 = arith.muli %add3A_10, %mul3A_15 : i32
      %mul3A_17 = arith.constant 16 : i32
      %mul3A_18 = arith.muli %mul3A_16, %mul3A_17 : i32
      %add3A_19 = arith.constant 0 : i32
      %add3A_20 = arith.addi %mul3A_18, %add3A_19 : i32
      %get3A_21 = arith.index_cast %add3A_20 : i32 to index
      %get3A_22 = tpu.vector_load %arg6[%get3A_21] {strides = array<i32>} : memref<1344xf32, #tpu.memory_space<vmem>>, vector<16xf32>,
      %get3A_23 = vector.shape_cast %get3A_22 : vector<16xf32> to vector<16xf32>
      %add3A_24 = arith.constant 1.000000e+00 : f32
      %add3A_25 = vector.broadcast %add3A_24 : f32 to vector<16xf32>
      %add3A_26 = arith.addf %get3A_23, %add3A_25 : vector<16xf32>
      %mul3A_27 = arith.constant 5.120000e+02 : f32
      %mul3A_28 = vector.broadcast %mul3A_27 : f32 to vector<16xf32>
      %mul3A_29 = arith.mulf %add3A_26, %mul3A_28 : vector<16xf32>
      %convert_element_type3A_30 = arith.fptosi %mul3A_29 : vector<16xf32> to vector<16xi32>
      %min3A = arith.constant 1023 : i32
      %min3A_31 = vector.broadcast %min3A : i32 to vector<16xi32>
      %min3A_32 = arith.minsi %convert_element_type3A_30, %min3A_31 : vector<16xi32>
      %div3A = arith.divf %get3A_23, %get3A_23 : vector<16xf32>
      %ge3A = arith.constant 1.000000e+00 : f32
      %ge3A_33 = vector.broadcast %ge3A : f32 to vector<16xf32>
      %ge3A_34 = arith.cmpf oge, %div3A, %ge3A_33 : vector<16xf32>
      %mul3A_35 = arith.constant 0.000000e+00 : f32
      %mul3A_36 = vector.broadcast %mul3A_35 : f32 to vector<16xf32>
      %mul3A_37 = arith.mulf %mul3A_36, %div3A : vector<16xf32>
      %jit3A = arith.constant 1.000000e+00 : f32
      %broadcast_in_dim3A_38 = vector.broadcast %jit3A : f32 to vector<16xf32>
      %select_n3A = arith.select %ge3A_34, %broadcast_in_dim3A_38, %mul3A_37 : vector<16xi1>, vector<16xf32>
      %slice3A = vector.extract_strided_slice %get3A_14 {offsets = [0], sizes = [1], strides = [1]} : vector<16xi32> to vector<1xi32>
      %squeeze3A = vector.extract %slice3A[0] : i32 from vector<1xi32>
      %slice3A_39 = vector.extract_strided_slice %min3A_32 {offsets = [0], sizes = [1], strides = [1]} : vector<16xi32> to vector<1xi32>
      %squeeze3A_40 = vector.extract %slice3A_39[0] : i32 from vector<1xi32>
      %add3A_41 = arith.addi %squeeze3A, %squeeze3A_40 : i32
      %slice3A_42 = vector.extract_strided_slice %min3A_32 {offsets = [1], sizes = [1], strides = [1]} : vector<16xi32> to vector<1xi32>
      %squeeze3A_43 = vector.extract %slice3A_42[0] : i32 from vector<1xi32>
      %and3A_44 = arith.constant -16 : i32
      %and3A_45 = arith.andi %squeeze3A_43, %and3A_44 : i32
      %multiple_of3A = tpu.assume_multiple %and3A_45, 16 : i32
      %dma_start3A = arith.constant 0 : i32
      %dma_start3A_46 = arith.constant 0 : i32
      %dma_start3A_47 = tpu.memref_slice %arg8[%dma_start3A, %dma_start3A_46] : memref<48x16xf32, #tpu.memory_space<vmem>> -> memref<1x16xf32, #tpu.memory_space<vmem>>
      %dma_start3A_48 = tpu.memref_squeeze %dma_start3A_47 : memref<1x16xf32, #tpu.memory_space<vmem>> -> memref<16xf32, #tpu.memory_space<vmem>>
      %dma_start3A_49 = tpu.memref_slice %arg4[%add3A_41, %multiple_of3A] : memref<16384x1024xf32, #tpu.memory_space<hbm>> -> memref<1x16xf32, #tpu.memory_space<hbm>>
      %dma_start3A_50 = tpu.memref_squeeze %dma_start3A_49 : memref<1x16xf32, #tpu.memory_space<hbm>> -> memref<16xf32, #tpu.memory_space<hbm>>
      %dma_start3A_51 = arith.constant 0 : i32
      %dma_start3A_52 = tpu.memref_slice %arg8[%dma_start3A, %dma_start3A_51] : memref<48x16xf32, #tpu.memory_space<vmem>> -> memref<1x16xf32, #tpu.memory_space<vmem>>
      %dma_start3A_53 = tpu.memref_squeeze %dma_start3A_52 : memref<1x16xf32, #tpu.memory_space<vmem>> -> memref<16xf32, #tpu.memory_space<vmem>>
      %dma_start3A_54 = tpu.memref_slice %arg4[%add3A_41, %multiple_of3A] : memref<16384x1024xf32, #tpu.memory_space<hbm>> -> memref<1x16xf32, #tpu.memory_space<hbm>>
      %dma_start3A_55 = tpu.memref_squeeze %dma_start3A_54 : memref<1x16xf32, #tpu.memory_space<hbm>> -> memref<16xf32, #tpu.memory_space<hbm>>
      tpu.enqueue_dma source(%dma_start3A_55 : memref<16xf32, #tpu.memory_space<hbm>>) target(%dma_start3A_53 : memref<16xf32, #tpu.memory_space<vmem>>) target_semaphore(%arg12 : memref<!tpu.dma_semaphore, #tpu.memory_space<semaphore_mem>>)
      %slice3A_56 = vector.extract_strided_slice %get3A_14 {offsets = [1], sizes = [1], strides = [1]} : vector<16xi32> to vector<1xi32>
      %squeeze3A_57 = vector.extract %slice3A_56[0] : i32 from vector<1xi32>
      %slice3A_58 = vector.extract_strided_slice %min3A_32 {offsets = [2], sizes = [1], strides = [1]} : vector<16xi32> to vector<1xi32>
      %squeeze3A_59 = vector.extract %slice3A_58[0] : i32 from vector<1xi32>
      %add3A_60 = arith.addi %squeeze3A_57, %squeeze3A_59 : i32
      %slice3A_61 = vector.extract_strided_slice %min3A_32 {offsets = [3], sizes = [1], strides = [1]} : vector<16xi32> to vector<1xi32>
      %squeeze3A_62 = vector.extract %slice3A_61[0] : i32 from vector<1xi32>
      %and3A_63 = arith.constant -16 : i32
      %and3A_64 = arith.andi %squeeze3A_62, %and3A_63 : i32
      %multiple_of3A_65 = tpu.assume_multiple %and3A_64, 16 : i32
      %dma_start3A_66 = arith.constant 1 : i32
      %dma_start3A_67 = arith.constant 0 : i32
      %dma_start3A_68 = tpu.memref_slice %arg8[%dma_start3A_66, %dma_start3A_67] : memref<48x16xf32, #tpu.memory_space<vmem>> -> memref<1x16xf32, #tpu.memory_space<vmem>>
      %dma_start3A_69 = tpu.memref_squeeze %dma_start3A_68 : memref<1x16xf32, #tpu.memory_space<vmem>> -> memref<16xf32, #tpu.memory_space<vmem>>
      %dma_start3A_70 = tpu.memref_slice %arg4[%add3A_60, %multiple_of3A_65] : memref<16384x1024xf32, #tpu.memory_space<hbm>> -> memref<1x16xf32, #tpu.memory_space<hbm>>
      %dma_start3A_71 = tpu.memref_squeeze %dma_start3A_70 : memref<1x16xf32, #tpu.memory_space<hbm>> -> memref<16xf32, #tpu.memory_space<hbm>>
      %dma_start3A_72 = arith.constant 0 : i32
      %dma_start3A_73 = tpu.memref_slice %arg8[%dma_start3A_66, %dma_start3A_72] : memref<48x16xf32, #tpu.memory_space<vmem>> -> memref<1x16xf32, #tpu.memory_space<vmem>>
      %dma_start3A_74 = tpu.memref_squeeze %dma_start3A_73 : memref<1x16xf32, #tpu.memory_space<vmem>> -> memref<16xf32, #tpu.memory_space<vmem>>
      %dma_start3A_75 = tpu.memref_slice %arg4[%add3A_60, %multiple_of3A_65] : memref<16384x1024xf32, #tpu.memory_space<hbm>> -> memref<1x16xf32, #tpu.memory_space<hbm>>
      %dma_start3A_76 = tpu.memref_squeeze %dma_start3A_75 : memref<1x16xf32, #tpu.memory_space<hbm>> -> memref<16xf32, #tpu.memory_space<hbm>>
      tpu.enqueue_dma source(%dma_start3A_76 : memref<16xf32, #tpu.memory_space<hbm>>) target(%dma_start3A_74 : memref<16xf32, #tpu.memory_space<vmem>>) target_semaphore(%arg12 : memref<!tpu.dma_semaphore, #tpu.memory_space<semaphore_mem>>)
      %slice3A_77 = vector.extract_strided_slice %get3A_14 {offsets = [2], sizes = [1], strides = [1]} : vector<16xi32> to vector<1xi32>
      %squeeze3A_78 = vector.extract %slice3A_77[0] : i32 from vector<1xi32>
      %slice3A_79 = vector.extract_strided_slice %min3A_32 {offsets = [4], sizes = [1], strides = [1]} : vector<16xi32> to vector<1xi32>
      %squeeze3A_80 = vector.extract %slice3A_79[0] : i32 from vector<1xi32>
      %add3A_81 = arith.addi %squeeze3A_78, %squeeze3A_80 : i32
      %slice3A_82 = vector.extract_strided_slice %min3A_32 {offsets = [5], sizes = [1], strides = [1]} : vector<16xi32> to vector<1xi32>
      %squeeze3A_83 = vector.extract %slice3A_82[0] : i32 from vector<1xi32>
      %and3A_84 = arith.constant -16 : i32
      %and3A_85 = arith.andi %squeeze3A_83, %and3A_84 : i32
      %multiple_of3A_86 = tpu.assume_multiple %and3A_85, 16 : i32
      %dma_start3A_87 = arith.constant 2 : i32
      %dma_start3A_88 = arith.constant 0 : i32
      %dma_start3A_89 = tpu.memref_slice %arg8[%dma_start3A_87, %dma_start3A_88] : memref<48x16xf32, #tpu.memory_space<vmem>> -> memref<1x16xf32, #tpu.memory_space<vmem>>
      %dma_start3A_90 = tpu.memref_squeeze %dma_start3A_89 : memref<1x16xf32, #tpu.memory_space<vmem>> -> memref<16xf32, #tpu.memory_space<vmem>>
      %dma_start3A_91 = tpu.memref_slice %arg4[%add3A_81, %multiple_of3A_86] : memref<16384x1024xf32, #tpu.memory_space<hbm>> -> memref<1x16xf32, #tpu.memory_space<hbm>>
      %dma_start3A_92 = tpu.memref_squeeze %dma_start3A_91 : memref<1x16xf32, #tpu.memory_space<hbm>> -> memref<16xf32, #tpu.memory_space<hbm>>
      %dma_start3A_93 = arith.constant 0 : i32
      %dma_start3A_94 = tpu.memref_slice %arg8[%dma_start3A_87, %dma_start3A_93] : memref<48x16xf32, #tpu.memory_space<vmem>> -> memref<1x16xf32, #tpu.memory_space<vmem>>
      %dma_start3A_95 = tpu.memref_squeeze %dma_start3A_94 : memref<1x16xf32, #tpu.memory_space<vmem>> -> memref<16xf32, #tpu.memory_space<vmem>>
      %dma_start3A_96 = tpu.memref_slice %arg4[%add3A_81, %multiple_of3A_86] : memref<16384x1024xf32, #tpu.memory_space<hbm>> -> memref<1x16xf32, #tpu.memory_space<hbm>>
      %dma_start3A_97 = tpu.memref_squeeze %dma_start3A_96 : memref<1x16xf32, #tpu.memory_space<hbm>> -> memref<16xf32, #tpu.memory_space<hbm>>
      tpu.enqueue_dma source(%dma_start3A_97 : memref<16xf32, #tpu.memory_space<hbm>>) target(%dma_start3A_95 : memref<16xf32, #tpu.memory_space<vmem>>) target_semaphore(%arg12 : memref<!tpu.dma_semaphore, #tpu.memory_space<semaphore_mem>>)
      %slice3A_98 = vector.extract_strided_slice %get3A_14 {offsets = [3], sizes = [1], strides = [1]} : vector<16xi32> to vector<1xi32>
      %squeeze3A_99 = vector.extract %slice3A_98[0] : i32 from vector<1xi32>
      %slice3A_100 = vector.extract_strided_slice %min3A_32 {offsets = [6], sizes = [1], strides = [1]} : vector<16xi32> to vector<1xi32>
      %squeeze3A_101 = vector.extract %slice3A_100[0] : i32 from vector<1xi32>
      %add3A_102 = arith.addi %squeeze3A_99, %squeeze3A_101 : i32
      %slice3A_103 = vector.extract_strided_slice %min3A_32 {offsets = [7], sizes = [1], strides = [1]} : vector<16xi32> to vector<1xi32>
      %squeeze3A_104 = vector.extract %slice3A_103[0] : i32 from vector<1xi32>
      %and3A_105 = arith.constant -16 : i32
      %and3A_106 = arith.andi %squeeze3A_104, %and3A_105 : i32
      %multiple_of3A_107 = tpu.assume_multiple %and3A_106, 16 : i32
      %dma_start3A_108 = arith.constant 3 : i32
      %dma_start3A_109 = arith.constant 0 : i32
      %dma_start3A_110 = tpu.memref_slice %arg8[%dma_start3A_108, %dma_start3A_109] : memref<48x16xf32, #tpu.memory_space<vmem>> -> memref<1x16xf32, #tpu.memory_space<vmem>>
      %dma_start3A_111 = tpu.memref_squeeze %dma_start3A_110 : memref<1x16xf32, #tpu.memory_space<vmem>> -> memref<16xf32, #tpu.memory_space<vmem>>
      %dma_start3A_112 = tpu.memref_slice %arg4[%add3A_102, %multiple_of3A_107] : memref<16384x1024xf32, #tpu.memory_space<hbm>> -> memref<1x16xf32, #tpu.memory_space<hbm>>
      %dma_start3A_113 = tpu.memref_squeeze %dma_start3A_112 : memref<1x16xf32, #tpu.memory_space<hbm>> -> memref<16xf32, #tpu.memory_space<hbm>>
      %dma_start3A_114 = arith.constant 0 : i32
      %dma_start3A_115 = tpu.memref_slice %arg8[%dma_start3A_108, %dma_start3A_114] : memref<48x16xf32, #tpu.memory_space<vmem>> -> memref<1x16xf32, #tpu.memory_space<vmem>>
      %dma_start3A_116 = tpu.memref_squeeze %dma_start3A_115 : memref<1x16xf32, #tpu.memory_space<vmem>> -> memref<16xf32, #tpu.memory_space<vmem>>
      %dma_start3A_117 = tpu.memref_slice %arg4[%add3A_102, %multiple_of3A_107] : memref<16384x1024xf32, #tpu.memory_space<hbm>> -> memref<1x16xf32, #tpu.memory_space<hbm>>
      %dma_start3A_118 = tpu.memref_squeeze %dma_start3A_117 : memref<1x16xf32, #tpu.memory_space<hbm>> -> memref<16xf32, #tpu.memory_space<hbm>>
      tpu.enqueue_dma source(%dma_start3A_118 : memref<16xf32, #tpu.memory_space<hbm>>) target(%dma_start3A_116 : memref<16xf32, #tpu.memory_space<vmem>>) target_semaphore(%arg12 : memref<!tpu.dma_semaphore, #tpu.memory_space<semaphore_mem>>)
      %slice3A_119 = vector.extract_strided_slice %get3A_14 {offsets = [4], sizes = [1], strides = [1]} : vector<16xi32> to vector<1xi32>
      %squeeze3A_120 = vector.extract %slice3A_119[0] : i32 from vector<1xi32>
      %slice3A_121 = vector.extract_strided_slice %min3A_32 {offsets = [8], sizes = [1], strides = [1]} : vector<16xi32> to vector<1xi32>
      %squeeze3A_122 = vector.extract %slice3A_121[0] : i32 from vector<1xi32>
      %add3A_123 = arith.addi %squeeze3A_120, %squeeze3A_122 : i32
      %slice3A_124 = vector.extract_strided_slice %min3A_32 {offsets = [9], sizes = [1], strides = [1]} : vector<16xi32> to vector<1xi32>
      %squeeze3A_125 = vector.extract %slice3A_124[0] : i32 from vector<1xi32>
      %and3A_126 = arith.constant -16 : i32
      %and3A_127 = arith.andi %squeeze3A_125, %and3A_126 : i32
      %multiple_of3A_128 = tpu.assume_multiple %and3A_127, 16 : i32
      %dma_start3A_129 = arith.constant 4 : i32
      %dma_start3A_130 = arith.constant 0 : i32
      %dma_start3A_131 = tpu.memref_slice %arg8[%dma_start3A_129, %dma_start3A_130] : memref<48x16xf32, #tpu.memory_space<vmem>> -> memref<1x16xf32, #tpu.memory_space<vmem>>
      %dma_start3A_132 = tpu.memref_squeeze %dma_start3A_131 : memref<1x16xf32, #tpu.memory_space<vmem>> -> memref<16xf32, #tpu.memory_space<vmem>>
      %dma_start3A_133 = tpu.memref_slice %arg4[%add3A_123, %multiple_of3A_128] : memref<16384x1024xf32, #tpu.memory_space<hbm>> -> memref<1x16xf32, #tpu.memory_space<hbm>>
      %dma_start3A_134 = tpu.memref_squeeze %dma_start3A_133 : memref<1x16xf32, #tpu.memory_space<hbm>> -> memref<16xf32, #tpu.memory_space<hbm>>
      %dma_start3A_135 = arith.constant 0 : i32
      %dma_start3A_136 = tpu.memref_slice %arg8[%dma_start3A_129, %dma_start3A_135] : memref<48x16xf32, #tpu.memory_space<vmem>> -> memref<1x16xf32, #tpu.memory_space<vmem>>
      %dma_start3A_137 = tpu.memref_squeeze %dma_start3A_136 : memref<1x16xf32, #tpu.memory_space<vmem>> -> memref<16xf32, #tpu.memory_space<vmem>>
      %dma_start3A_138 = tpu.memref_slice %arg4[%add3A_123, %multiple_of3A_128] : memref<16384x1024xf32, #tpu.memory_space<hbm>> -> memref<1x16xf32, #tpu.memory_space<hbm>>
      %dma_start3A_139 = tpu.memref_squeeze %dma_start3A_138 : memref<1x16xf32, #tpu.memory_space<hbm>> -> memref<16xf32, #tpu.memory_space<hbm>>
      tpu.enqueue_dma source(%dma_start3A_139 : memref<16xf32, #tpu.memory_space<hbm>>) target(%dma_start3A_137 : memref<16xf32, #tpu.memory_space<vmem>>) target_semaphore(%arg12 : memref<!tpu.dma_semaphore, #tpu.memory_space<semaphore_mem>>)
      %slice3A_140 = vector.extract_strided_slice %get3A_14 {offsets = [5], sizes = [1], strides = [1]} : vector<16xi32> to vector<1xi32>
      %squeeze3A_141 = vector.extract %slice3A_140[0] : i32 from vector<1xi32>
      %slice3A_142 = vector.extract_strided_slice %min3A_32 {offsets = [10], sizes = [1], strides = [1]} : vector<16xi32> to vector<1xi32>
      %squeeze3A_143 = vector.extract %slice3A_142[0] : i32 from vector<1xi32>
      %add3A_144 = arith.addi %squeeze3A_141, %squeeze3A_143 : i32
      %slice3A_145 = vector.extract_strided_slice %min3A_32 {offsets = [11], sizes = [1], strides = [1]} : vector<16xi32> to vector<1xi32>
      %squeeze3A_146 = vector.extract %slice3A_145[0] : i32 from vector<1xi32>
      %and3A_147 = arith.constant -16 : i32
      %and3A_148 = arith.andi %squeeze3A_146, %and3A_147 : i32
      %multiple_of3A_149 = tpu.assume_multiple %and3A_148, 16 : i32
      %dma_start3A_150 = arith.constant 5 : i32
      %dma_start3A_151 = arith.constant 0 : i32
      %dma_start3A_152 = tpu.memref_slice %arg8[%dma_start3A_150, %dma_start3A_151] : memref<48x16xf32, #tpu.memory_space<vmem>> -> memref<1x16xf32, #tpu.memory_space<vmem>>
      %dma_start3A_153 = tpu.memref_squeeze %dma_start3A_152 : memref<1x16xf32, #tpu.memory_space<vmem>> -> memref<16xf32, #tpu.memory_space<vmem>>
      %dma_start3A_154 = tpu.memref_slice %arg4[%add3A_144, %multiple_of3A_149] : memref<16384x1024xf32, #tpu.memory_space<hbm>> -> memref<1x16xf32, #tpu.memory_space<hbm>>
      %dma_start3A_155 = tpu.memref_squeeze %dma_start3A_154 : memref<1x16xf32, #tpu.memory_space<hbm>> -> memref<16xf32, #tpu.memory_space<hbm>>
      %dma_start3A_156 = arith.constant 0 : i32
      %dma_start3A_157 = tpu.memref_slice %arg8[%dma_start3A_150, %dma_start3A_156] : memref<48x16xf32, #tpu.memory_space<vmem>> -> memref<1x16xf32, #tpu.memory_space<vmem>>
      %dma_start3A_158 = tpu.memref_squeeze %dma_start3A_157 : memref<1x16xf32, #tpu.memory_space<vmem>> -> memref<16xf32, #tpu.memory_space<vmem>>
      %dma_start3A_159 = tpu.memref_slice %arg4[%add3A_144, %multiple_of3A_149] : memref<16384x1024xf32, #tpu.memory_space<hbm>> -> memref<1x16xf32, #tpu.memory_space<hbm>>
      %dma_start3A_160 = tpu.memref_squeeze %dma_start3A_159 : memref<1x16xf32, #tpu.memory_space<hbm>> -> memref<16xf32, #tpu.memory_space<hbm>>
      tpu.enqueue_dma source(%dma_start3A_160 : memref<16xf32, #tpu.memory_space<hbm>>) target(%dma_start3A_158 : memref<16xf32, #tpu.memory_space<vmem>>) target_semaphore(%arg12 : memref<!tpu.dma_semaphore, #tpu.memory_space<semaphore_mem>>)
      %slice3A_161 = vector.extract_strided_slice %get3A_14 {offsets = [6], sizes = [1], strides = [1]} : vector<16xi32> to vector<1xi32>
      %squeeze3A_162 = vector.extract %slice3A_161[0] : i32 from vector<1xi32>
      %slice3A_163 = vector.extract_strided_slice %min3A_32 {offsets = [12], sizes = [1], strides = [1]} : vector<16xi32> to vector<1xi32>
      %squeeze3A_164 = vector.extract %slice3A_163[0] : i32 from vector<1xi32>
      %add3A_165 = arith.addi %squeeze3A_162, %squeeze3A_164 : i32
      %slice3A_166 = vector.extract_strided_slice %min3A_32 {offsets = [13], sizes = [1], strides = [1]} : vector<16xi32> to vector<1xi32>
      %squeeze3A_167 = vector.extract %slice3A_166[0] : i32 from vector<1xi32>
      %and3A_168 = arith.constant -16 : i32
      %and3A_169 = arith.andi %squeeze3A_167, %and3A_168 : i32
      %multiple_of3A_170 = tpu.assume_multiple %and3A_169, 16 : i32
      %dma_start3A_171 = arith.constant 6 : i32
      %dma_start3A_172 = arith.constant 0 : i32
      %dma_start3A_173 = tpu.memref_slice %arg8[%dma_start3A_171, %dma_start3A_172] : memref<48x16xf32, #tpu.memory_space<vmem>> -> memref<1x16xf32, #tpu.memory_space<vmem>>
      %dma_start3A_174 = tpu.memref_squeeze %dma_start3A_173 : memref<1x16xf32, #tpu.memory_space<vmem>> -> memref<16xf32, #tpu.memory_space<vmem>>
      %dma_start3A_175 = tpu.memref_slice %arg4[%add3A_165, %multiple_of3A_170] : memref<16384x1024xf32, #tpu.memory_space<hbm>> -> memref<1x16xf32, #tpu.memory_space<hbm>>
      %dma_start3A_176 = tpu.memref_squeeze %dma_start3A_175 : memref<1x16xf32, #tpu.memory_space<hbm>> -> memref<16xf32, #tpu.memory_space<hbm>>
      %dma_start3A_177 = arith.constant 0 : i32
      %dma_start3A_178 = tpu.memref_slice %arg8[%dma_start3A_171, %dma_start3A_177] : memref<48x16xf32, #tpu.memory_space<vmem>> -> memref<1x16xf32, #tpu.memory_space<vmem>>
      %dma_start3A_179 = tpu.memref_squeeze %dma_start3A_178 : memref<1x16xf32, #tpu.memory_space<vmem>> -> memref<16xf32, #tpu.memory_space<vmem>>
      %dma_start3A_180 = tpu.memref_slice %arg4[%add3A_165, %multiple_of3A_170] : memref<16384x1024xf32, #tpu.memory_space<hbm>> -> memref<1x16xf32, #tpu.memory_space<hbm>>
      %dma_start3A_181 = tpu.memref_squeeze %dma_start3A_180 : memref<1x16xf32, #tpu.memory_space<hbm>> -> memref<16xf32, #tpu.memory_space<hbm>>
      tpu.enqueue_dma source(%dma_start3A_181 : memref<16xf32, #tpu.memory_space<hbm>>) target(%dma_start3A_179 : memref<16xf32, #tpu.memory_space<vmem>>) target_semaphore(%arg12 : memref<!tpu.dma_semaphore, #tpu.memory_space<semaphore_mem>>)
      %slice3A_182 = vector.extract_strided_slice %get3A_14 {offsets = [7], sizes = [1], strides = [1]} : vector<16xi32> to vector<1xi32>
      %squeeze3A_183 = vector.extract %slice3A_182[0] : i32 from vector<1xi32>
      %slice3A_184 = vector.extract_strided_slice %min3A_32 {offsets = [14], sizes = [1], strides = [1]} : vector<16xi32> to vector<1xi32>
      %squeeze3A_185 = vector.extract %slice3A_184[0] : i32 from vector<1xi32>
      %add3A_186 = arith.addi %squeeze3A_183, %squeeze3A_185 : i32
      %slice3A_187 = vector.extract_strided_slice %min3A_32 {offsets = [15], sizes = [1], strides = [1]} : vector<16xi32> to vector<1xi32>
      %squeeze3A_188 = vector.extract %slice3A_187[0] : i32 from vector<1xi32>
      %and3A_189 = arith.constant -16 : i32
      %and3A_190 = arith.andi %squeeze3A_188, %and3A_189 : i32
      %multiple_of3A_191 = tpu.assume_multiple %and3A_190, 16 : i32
      %dma_start3A_192 = arith.constant 7 : i32
      %dma_start3A_193 = arith.constant 0 : i32
      %dma_start3A_194 = tpu.memref_slice %arg8[%dma_start3A_192, %dma_start3A_193] : memref<48x16xf32, #tpu.memory_space<vmem>> -> memref<1x16xf32, #tpu.memory_space<vmem>>
      %dma_start3A_195 = tpu.memref_squeeze %dma_start3A_194 : memref<1x16xf32, #tpu.memory_space<vmem>> -> memref<16xf32, #tpu.memory_space<vmem>>
      %dma_start3A_196 = tpu.memref_slice %arg4[%add3A_186, %multiple_of3A_191] : memref<16384x1024xf32, #tpu.memory_space<hbm>> -> memref<1x16xf32, #tpu.memory_space<hbm>>
      %dma_start3A_197 = tpu.memref_squeeze %dma_start3A_196 : memref<1x16xf32, #tpu.memory_space<hbm>> -> memref<16xf32, #tpu.memory_space<hbm>>
      %dma_start3A_198 = arith.constant 0 : i32
      %dma_start3A_199 = tpu.memref_slice %arg8[%dma_start3A_192, %dma_start3A_198] : memref<48x16xf32, #tpu.memory_space<vmem>> -> memref<1x16xf32, #tpu.memory_space<vmem>>
      %dma_start3A_200 = tpu.memref_squeeze %dma_start3A_199 : memref<1x16xf32, #tpu.memory_space<vmem>> -> memref<16xf32, #tpu.memory_space<vmem>>
      %dma_start3A_201 = tpu.memref_slice %arg4[%add3A_186, %multiple_of3A_191] : memref<16384x1024xf32, #tpu.memory_space<hbm>> -> memref<1x16xf32, #tpu.memory_space<hbm>>
      %dma_start3A_202 = tpu.memref_squeeze %dma_start3A_201 : memref<1x16xf32, #tpu.memory_space<hbm>> -> memref<16xf32, #tpu.memory_space<hbm>>
      tpu.enqueue_dma source(%dma_start3A_202 : memref<16xf32, #tpu.memory_space<hbm>>) target(%dma_start3A_200 : memref<16xf32, #tpu.memory_space<vmem>>) target_semaphore(%arg12 : memref<!tpu.dma_semaphore, #tpu.memory_space<semaphore_mem>>)
      %mul3A_203 = arith.constant 2 : i32
      %mul3A_204 = arith.muli %add3A_10, %mul3A_203 : i32
      %mul3A_205 = arith.constant 16 : i32
      %mul3A_206 = arith.muli %mul3A_204, %mul3A_205 : i32
      %add3A_207 = arith.constant 16 : i32
      %add3A_208 = arith.addi %mul3A_206, %add3A_207 : i32
      %get3A_209 = arith.index_cast %add3A_208 : i32 to index
      %get3A_210 = tpu.vector_load %arg6[%get3A_209] {strides = array<i32>} : memref<1344xf32, #tpu.memory_space<vmem>>, vector<16xf32>,
      %get3A_211 = vector.shape_cast %get3A_210 : vector<16xf32> to vector<16xf32>
      %add3A_212 = arith.constant 1.000000e+00 : f32
      %add3A_213 = vector.broadcast %add3A_212 : f32 to vector<16xf32>
      %add3A_214 = arith.addf %get3A_211, %add3A_213 : vector<16xf32>
      %mul3A_215 = arith.constant 5.120000e+02 : f32
      %mul3A_216 = vector.broadcast %mul3A_215 : f32 to vector<16xf32>
      %mul3A_217 = arith.mulf %add3A_214, %mul3A_216 : vector<16xf32>
      %convert_element_type3A_218 = arith.fptosi %mul3A_217 : vector<16xf32> to vector<16xi32>
      %min3A_219 = arith.constant 1023 : i32
      %min3A_220 = vector.broadcast %min3A_219 : i32 to vector<16xi32>
      %min3A_221 = arith.minsi %convert_element_type3A_218, %min3A_220 : vector<16xi32>
      %div3A_222 = arith.divf %get3A_211, %get3A_211 : vector<16xf32>
      %ge3A_223 = arith.constant 1.000000e+00 : f32
      %ge3A_224 = vector.broadcast %ge3A_223 : f32 to vector<16xf32>
      %ge3A_225 = arith.cmpf oge, %div3A_222, %ge3A_224 : vector<16xf32>
      %mul3A_226 = arith.constant 0.000000e+00 : f32
      %mul3A_227 = vector.broadcast %mul3A_226 : f32 to vector<16xf32>
      %mul3A_228 = arith.mulf %mul3A_227, %div3A_222 : vector<16xf32>
      %jit3A_229 = arith.constant 1.000000e+00 : f32
      %broadcast_in_dim3A_230 = vector.broadcast %jit3A_229 : f32 to vector<16xf32>
      %select_n3A_231 = arith.select %ge3A_225, %broadcast_in_dim3A_230, %mul3A_228 : vector<16xi1>, vector<16xf32>
      %slice3A_232 = vector.extract_strided_slice %get3A_14 {offsets = [8], sizes = [1], strides = [1]} : vector<16xi32> to vector<1xi32>
      %squeeze3A_233 = vector.extract %slice3A_232[0] : i32 from vector<1xi32>
      %slice3A_234 = vector.extract_strided_slice %min3A_221 {offsets = [0], sizes = [1], strides = [1]} : vector<16xi32> to vector<1xi32>
      %squeeze3A_235 = vector.extract %slice3A_234[0] : i32 from vector<1xi32>
      %add3A_236 = arith.addi %squeeze3A_233, %squeeze3A_235 : i32
      %slice3A_237 = vector.extract_strided_slice %min3A_221 {offsets = [1], sizes = [1], strides = [1]} : vector<16xi32> to vector<1xi32>
      %squeeze3A_238 = vector.extract %slice3A_237[0] : i32 from vector<1xi32>
      %and3A_239 = arith.constant -16 : i32
      %and3A_240 = arith.andi %squeeze3A_238, %and3A_239 : i32
      %multiple_of3A_241 = tpu.assume_multiple %and3A_240, 16 : i32
      %dma_start3A_242 = arith.constant 8 : i32
      %dma_start3A_243 = arith.constant 0 : i32
      %dma_start3A_244 = tpu.memref_slice %arg8[%dma_start3A_242, %dma_start3A_243] : memref<48x16xf32, #tpu.memory_space<vmem>> -> memref<1x16xf32, #tpu.memory_space<vmem>>
      %dma_start3A_245 = tpu.memref_squeeze %dma_start3A_244 : memref<1x16xf32, #tpu.memory_space<vmem>> -> memref<16xf32, #tpu.memory_space<vmem>>
      %dma_start3A_246 = tpu.memref_slice %arg4[%add3A_236, %multiple_of3A_241] : memref<16384x1024xf32, #tpu.memory_space<hbm>> -> memref<1x16xf32, #tpu.memory_space<hbm>>
      %dma_start3A_247 = tpu.memref_squeeze %dma_start3A_246 : memref<1x16xf32, #tpu.memory_space<hbm>> -> memref<16xf32, #tpu.memory_space<hbm>>
      %dma_start3A_248 = arith.constant 0 : i32
      %dma_start3A_249 = tpu.memref_slice %arg8[%dma_start3A_242, %dma_start3A_248] : memref<48x16xf32, #tpu.memory_space<vmem>> -> memref<1x16xf32, #tpu.memory_space<vmem>>
      %dma_start3A_250 = tpu.memref_squeeze %dma_start3A_249 : memref<1x16xf32, #tpu.memory_space<vmem>> -> memref<16xf32, #tpu.memory_space<vmem>>
      %dma_start3A_251 = tpu.memref_slice %arg4[%add3A_236, %multiple_of3A_241] : memref<16384x1024xf32, #tpu.memory_space<hbm>> -> memref<1x16xf32, #tpu.memory_space<hbm>>
      %dma_start3A_252 = tpu.memref_squeeze %dma_start3A_251 : memref<1x16xf32, #tpu.memory_space<hbm>> -> memref<16xf32, #tpu.memory_space<hbm>>
      tpu.enqueue_dma source(%dma_start3A_252 : memref<16xf32, #tpu.memory_space<hbm>>) target(%dma_start3A_250 : memref<16xf32, #tpu.memory_space<vmem>>) target_semaphore(%arg12 : memref<!tpu.dma_semaphore, #tpu.memory_space<semaphore_mem>>)
      %slice3A_253 = vector.extract_strided_slice %get3A_14 {offsets = [9], sizes = [1], strides = [1]} : vector<16xi32> to vector<1xi32>
      %squeeze3A_254 = vector.extract %slice3A_253[0] : i32 from vector<1xi32>
      %slice3A_255 = vector.extract_strided_slice %min3A_221 {offsets = [2], sizes = [1], strides = [1]} : vector<16xi32> to vector<1xi32>
      %squeeze3A_256 = vector.extract %slice3A_255[0] : i32 from vector<1xi32>
      %add3A_257 = arith.addi %squeeze3A_254, %squeeze3A_256 : i32
      %slice3A_258 = vector.extract_strided_slice %min3A_221 {offsets = [3], sizes = [1], strides = [1]} : vector<16xi32> to vector<1xi32>
      %squeeze3A_259 = vector.extract %slice3A_258[0] : i32 from vector<1xi32>
      %and3A_260 = arith.constant -16 : i32
      %and3A_261 = arith.andi %squeeze3A_259, %and3A_260 : i32
      %multiple_of3A_262 = tpu.assume_multiple %and3A_261, 16 : i32
      %dma_start3A_263 = arith.constant 9 : i32
      %dma_start3A_264 = arith.constant 0 : i32
      %dma_start3A_265 = tpu.memref_slice %arg8[%dma_start3A_263, %dma_start3A_264] : memref<48x16xf32, #tpu.memory_space<vmem>> -> memref<1x16xf32, #tpu.memory_space<vmem>>
      %dma_start3A_266 = tpu.memref_squeeze %dma_start3A_265 : memref<1x16xf32, #tpu.memory_space<vmem>> -> memref<16xf32, #tpu.memory_space<vmem>>
      %dma_start3A_267 = tpu.memref_slice %arg4[%add3A_257, %multiple_of3A_262] : memref<16384x1024xf32, #tpu.memory_space<hbm>> -> memref<1x16xf32, #tpu.memory_space<hbm>>
      %dma_start3A_268 = tpu.memref_squeeze %dma_start3A_267 : memref<1x16xf32, #tpu.memory_space<hbm>> -> memref<16xf32, #tpu.memory_space<hbm>>
      %dma_start3A_269 = arith.constant 0 : i32
      %dma_start3A_270 = tpu.memref_slice %arg8[%dma_start3A_263, %dma_start3A_269] : memref<48x16xf32, #tpu.memory_space<vmem>> -> memref<1x16xf32, #tpu.memory_space<vmem>>
      %dma_start3A_271 = tpu.memref_squeeze %dma_start3A_270 : memref<1x16xf32, #tpu.memory_space<vmem>> -> memref<16xf32, #tpu.memory_space<vmem>>
      %dma_start3A_272 = tpu.memref_slice %arg4[%add3A_257, %multiple_of3A_262] : memref<16384x1024xf32, #tpu.memory_space<hbm>> -> memref<1x16xf32, #tpu.memory_space<hbm>>
      %dma_start3A_273 = tpu.memref_squeeze %dma_start3A_272 : memref<1x16xf32, #tpu.memory_space<hbm>> -> memref<16xf32, #tpu.memory_space<hbm>>
      tpu.enqueue_dma source(%dma_start3A_273 : memref<16xf32, #tpu.memory_space<hbm>>) target(%dma_start3A_271 : memref<16xf32, #tpu.memory_space<vmem>>) target_semaphore(%arg12 : memref<!tpu.dma_semaphore, #tpu.memory_space<semaphore_mem>>)
      %slice3A_274 = vector.extract_strided_slice %get3A_14 {offsets = [10], sizes = [1], strides = [1]} : vector<16xi32> to vector<1xi32>
      %squeeze3A_275 = vector.extract %slice3A_274[0] : i32 from vector<1xi32>
      %slice3A_276 = vector.extract_strided_slice %min3A_221 {offsets = [4], sizes = [1], strides = [1]} : vector<16xi32> to vector<1xi32>
      %squeeze3A_277 = vector.extract %slice3A_276[0] : i32 from vector<1xi32>
      %add3A_278 = arith.addi %squeeze3A_275, %squeeze3A_277 : i32
      %slice3A_279 = vector.extract_strided_slice %min3A_221 {offsets = [5], sizes = [1], strides = [1]} : vector<16xi32> to vector<1xi32>
      %squeeze3A_280 = vector.extract %slice3A_279[0] : i32 from vector<1xi32>
      %and3A_281 = arith.constant -16 : i32
      %and3A_282 = arith.andi %squeeze3A_280, %and3A_281 : i32
      %multiple_of3A_283 = tpu.assume_multiple %and3A_282, 16 : i32
      %dma_start3A_284 = arith.constant 10 : i32
      %dma_start3A_285 = arith.constant 0 : i32
      %dma_start3A_286 = tpu.memref_slice %arg8[%dma_start3A_284, %dma_start3A_285] : memref<48x16xf32, #tpu.memory_space<vmem>> -> memref<1x16xf32, #tpu.memory_space<vmem>>
      %dma_start3A_287 = tpu.memref_squeeze %dma_start3A_286 : memref<1x16xf32, #tpu.memory_space<vmem>> -> memref<16xf32, #tpu.memory_space<vmem>>
      %dma_start3A_288 = tpu.memref_slice %arg4[%add3A_278, %multiple_of3A_283] : memref<16384x1024xf32, #tpu.memory_space<hbm>> -> memref<1x16xf32, #tpu.memory_space<hbm>>
      %dma_start3A_289 = tpu.memref_squeeze %dma_start3A_288 : memref<1x16xf32, #tpu.memory_space<hbm>> -> memref<16xf32, #tpu.memory_space<hbm>>
      %dma_start3A_290 = arith.constant 0 : i32
      %dma_start3A_291 = tpu.memref_slice %arg8[%dma_start3A_284, %dma_start3A_290] : memref<48x16xf32, #tpu.memory_space<vmem>> -> memref<1x16xf32, #tpu.memory_space<vmem>>
      %dma_start3A_292 = tpu.memref_squeeze %dma_start3A_291 : memref<1x16xf32, #tpu.memory_space<vmem>> -> memref<16xf32, #tpu.memory_space<vmem>>
      %dma_start3A_293 = tpu.memref_slice %arg4[%add3A_278, %multiple_of3A_283] : memref<16384x1024xf32, #tpu.memory_space<hbm>> -> memref<1x16xf32, #tpu.memory_space<hbm>>
      %dma_start3A_294 = tpu.memref_squeeze %dma_start3A_293 : memref<1x16xf32, #tpu.memory_space<hbm>> -> memref<16xf32, #tpu.memory_space<hbm>>
      tpu.enqueue_dma source(%dma_start3A_294 : memref<16xf32, #tpu.memory_space<hbm>>) target(%dma_start3A_292 : memref<16xf32, #tpu.memory_space<vmem>>) target_semaphore(%arg12 : memref<!tpu.dma_semaphore, #tpu.memory_space<semaphore_mem>>)
      %slice3A_295 = vector.extract_strided_slice %get3A_14 {offsets = [11], sizes = [1], strides = [1]} : vector<16xi32> to vector<1xi32>
      %squeeze3A_296 = vector.extract %slice3A_295[0] : i32 from vector<1xi32>
      %slice3A_297 = vector.extract_strided_slice %min3A_221 {offsets = [6], sizes = [1], strides = [1]} : vector<16xi32> to vector<1xi32>
      %squeeze3A_298 = vector.extract %slice3A_297[0] : i32 from vector<1xi32>
      %add3A_299 = arith.addi %squeeze3A_296, %squeeze3A_298 : i32
      %slice3A_300 = vector.extract_strided_slice %min3A_221 {offsets = [7], sizes = [1], strides = [1]} : vector<16xi32> to vector<1xi32>
      %squeeze3A_301 = vector.extract %slice3A_300[0] : i32 from vector<1xi32>
      %and3A_302 = arith.constant -16 : i32
      %and3A_303 = arith.andi %squeeze3A_301, %and3A_302 : i32
      %multiple_of3A_304 = tpu.assume_multiple %and3A_303, 16 : i32
      %dma_start3A_305 = arith.constant 11 : i32
      %dma_start3A_306 = arith.constant 0 : i32
      %dma_start3A_307 = tpu.memref_slice %arg8[%dma_start3A_305, %dma_start3A_306] : memref<48x16xf32, #tpu.memory_space<vmem>> -> memref<1x16xf32, #tpu.memory_space<vmem>>
      %dma_start3A_308 = tpu.memref_squeeze %dma_start3A_307 : memref<1x16xf32, #tpu.memory_space<vmem>> -> memref<16xf32, #tpu.memory_space<vmem>>
      %dma_start3A_309 = tpu.memref_slice %arg4[%add3A_299, %multiple_of3A_304] : memref<16384x1024xf32, #tpu.memory_space<hbm>> -> memref<1x16xf32, #tpu.memory_space<hbm>>
      %dma_start3A_310 = tpu.memref_squeeze %dma_start3A_309 : memref<1x16xf32, #tpu.memory_space<hbm>> -> memref<16xf32, #tpu.memory_space<hbm>>
      %dma_start3A_311 = arith.constant 0 : i32
      %dma_start3A_312 = tpu.memref_slice %arg8[%dma_start3A_305, %dma_start3A_311] : memref<48x16xf32, #tpu.memory_space<vmem>> -> memref<1x16xf32, #tpu.memory_space<vmem>>
      %dma_start3A_313 = tpu.memref_squeeze %dma_start3A_312 : memref<1x16xf32, #tpu.memory_space<vmem>> -> memref<16xf32, #tpu.memory_space<vmem>>
      %dma_start3A_314 = tpu.memref_slice %arg4[%add3A_299, %multiple_of3A_304] : memref<16384x1024xf32, #tpu.memory_space<hbm>> -> memref<1x16xf32, #tpu.memory_space<hbm>>
      %dma_start3A_315 = tpu.memref_squeeze %dma_start3A_314 : memref<1x16xf32, #tpu.memory_space<hbm>> -> memref<16xf32, #tpu.memory_space<hbm>>
      tpu.enqueue_dma source(%dma_start3A_315 : memref<16xf32, #tpu.memory_space<hbm>>) target(%dma_start3A_313 : memref<16xf32, #tpu.memory_space<vmem>>) target_semaphore(%arg12 : memref<!tpu.dma_semaphore, #tpu.memory_space<semaphore_mem>>)
      %slice3A_316 = vector.extract_strided_slice %get3A_14 {offsets = [12], sizes = [1], strides = [1]} : vector<16xi32> to vector<1xi32>
      %squeeze3A_317 = vector.extract %slice3A_316[0] : i32 from vector<1xi32>
      %slice3A_318 = vector.extract_strided_slice %min3A_221 {offsets = [8], sizes = [1], strides = [1]} : vector<16xi32> to vector<1xi32>
      %squeeze3A_319 = vector.extract %slice3A_318[0] : i32 from vector<1xi32>
      %add3A_320 = arith.addi %squeeze3A_317, %squeeze3A_319 : i32
      %slice3A_321 = vector.extract_strided_slice %min3A_221 {offsets = [9], sizes = [1], strides = [1]} : vector<16xi32> to vector<1xi32>
      %squeeze3A_322 = vector.extract %slice3A_321[0] : i32 from vector<1xi32>
      %and3A_323 = arith.constant -16 : i32
      %and3A_324 = arith.andi %squeeze3A_322, %and3A_323 : i32
      %multiple_of3A_325 = tpu.assume_multiple %and3A_324, 16 : i32
      %dma_start3A_326 = arith.constant 12 : i32
      %dma_start3A_327 = arith.constant 0 : i32
      %dma_start3A_328 = tpu.memref_slice %arg8[%dma_start3A_326, %dma_start3A_327] : memref<48x16xf32, #tpu.memory_space<vmem>> -> memref<1x16xf32, #tpu.memory_space<vmem>>
      %dma_start3A_329 = tpu.memref_squeeze %dma_start3A_328 : memref<1x16xf32, #tpu.memory_space<vmem>> -> memref<16xf32, #tpu.memory_space<vmem>>
      %dma_start3A_330 = tpu.memref_slice %arg4[%add3A_320, %multiple_of3A_325] : memref<16384x1024xf32, #tpu.memory_space<hbm>> -> memref<1x16xf32, #tpu.memory_space<hbm>>
      %dma_start3A_331 = tpu.memref_squeeze %dma_start3A_330 : memref<1x16xf32, #tpu.memory_space<hbm>> -> memref<16xf32, #tpu.memory_space<hbm>>
      %dma_start3A_332 = arith.constant 0 : i32
      %dma_start3A_333 = tpu.memref_slice %arg8[%dma_start3A_326, %dma_start3A_332] : memref<48x16xf32, #tpu.memory_space<vmem>> -> memref<1x16xf32, #tpu.memory_space<vmem>>
      %dma_start3A_334 = tpu.memref_squeeze %dma_start3A_333 : memref<1x16xf32, #tpu.memory_space<vmem>> -> memref<16xf32, #tpu.memory_space<vmem>>
      %dma_start3A_335 = tpu.memref_slice %arg4[%add3A_320, %multiple_of3A_325] : memref<16384x1024xf32, #tpu.memory_space<hbm>> -> memref<1x16xf32, #tpu.memory_space<hbm>>
      %dma_start3A_336 = tpu.memref_squeeze %dma_start3A_335 : memref<1x16xf32, #tpu.memory_space<hbm>> -> memref<16xf32, #tpu.memory_space<hbm>>
      tpu.enqueue_dma source(%dma_start3A_336 : memref<16xf32, #tpu.memory_space<hbm>>) target(%dma_start3A_334 : memref<16xf32, #tpu.memory_space<vmem>>) target_semaphore(%arg12 : memref<!tpu.dma_semaphore, #tpu.memory_space<semaphore_mem>>)
      %slice3A_337 = vector.extract_strided_slice %get3A_14 {offsets = [13], sizes = [1], strides = [1]} : vector<16xi32> to vector<1xi32>
      %squeeze3A_338 = vector.extract %slice3A_337[0] : i32 from vector<1xi32>
      %slice3A_339 = vector.extract_strided_slice %min3A_221 {offsets = [10], sizes = [1], strides = [1]} : vector<16xi32> to vector<1xi32>
      %squeeze3A_340 = vector.extract %slice3A_339[0] : i32 from vector<1xi32>
      %add3A_341 = arith.addi %squeeze3A_338, %squeeze3A_340 : i32
      %slice3A_342 = vector.extract_strided_slice %min3A_221 {offsets = [11], sizes = [1], strides = [1]} : vector<16xi32> to vector<1xi32>
      %squeeze3A_343 = vector.extract %slice3A_342[0] : i32 from vector<1xi32>
      %and3A_344 = arith.constant -16 : i32
      %and3A_345 = arith.andi %squeeze3A_343, %and3A_344 : i32
      %multiple_of3A_346 = tpu.assume_multiple %and3A_345, 16 : i32
      %dma_start3A_347 = arith.constant 13 : i32
      %dma_start3A_348 = arith.constant 0 : i32
      %dma_start3A_349 = tpu.memref_slice %arg8[%dma_start3A_347, %dma_start3A_348] : memref<48x16xf32, #tpu.memory_space<vmem>> -> memref<1x16xf32, #tpu.memory_space<vmem>>
      %dma_start3A_350 = tpu.memref_squeeze %dma_start3A_349 : memref<1x16xf32, #tpu.memory_space<vmem>> -> memref<16xf32, #tpu.memory_space<vmem>>
      %dma_start3A_351 = tpu.memref_slice %arg4[%add3A_341, %multiple_of3A_346] : memref<16384x1024xf32, #tpu.memory_space<hbm>> -> memref<1x16xf32, #tpu.memory_space<hbm>>
      %dma_start3A_352 = tpu.memref_squeeze %dma_start3A_351 : memref<1x16xf32, #tpu.memory_space<hbm>> -> memref<16xf32, #tpu.memory_space<hbm>>
      %dma_start3A_353 = arith.constant 0 : i32
      %dma_start3A_354 = tpu.memref_slice %arg8[%dma_start3A_347, %dma_start3A_353] : memref<48x16xf32, #tpu.memory_space<vmem>> -> memref<1x16xf32, #tpu.memory_space<vmem>>
      %dma_start3A_355 = tpu.memref_squeeze %dma_start3A_354 : memref<1x16xf32, #tpu.memory_space<vmem>> -> memref<16xf32, #tpu.memory_space<vmem>>
      %dma_start3A_356 = tpu.memref_slice %arg4[%add3A_341, %multiple_of3A_346] : memref<16384x1024xf32, #tpu.memory_space<hbm>> -> memref<1x16xf32, #tpu.memory_space<hbm>>
      %dma_start3A_357 = tpu.memref_squeeze %dma_start3A_356 : memref<1x16xf32, #tpu.memory_space<hbm>> -> memref<16xf32, #tpu.memory_space<hbm>>
      tpu.enqueue_dma source(%dma_start3A_357 : memref<16xf32, #tpu.memory_space<hbm>>) target(%dma_start3A_355 : memref<16xf32, #tpu.memory_space<vmem>>) target_semaphore(%arg12 : memref<!tpu.dma_semaphore, #tpu.memory_space<semaphore_mem>>)
      %slice3A_358 = vector.extract_strided_slice %get3A_14 {offsets = [14], sizes = [1], strides = [1]} : vector<16xi32> to vector<1xi32>
      %squeeze3A_359 = vector.extract %slice3A_358[0] : i32 from vector<1xi32>
      %slice3A_360 = vector.extract_strided_slice %min3A_221 {offsets = [12], sizes = [1], strides = [1]} : vector<16xi32> to vector<1xi32>
      %squeeze3A_361 = vector.extract %slice3A_360[0] : i32 from vector<1xi32>
      %add3A_362 = arith.addi %squeeze3A_359, %squeeze3A_361 : i32
      %slice3A_363 = vector.extract_strided_slice %min3A_221 {offsets = [13], sizes = [1], strides = [1]} : vector<16xi32> to vector<1xi32>
      %squeeze3A_364 = vector.extract %slice3A_363[0] : i32 from vector<1xi32>
      %and3A_365 = arith.constant -16 : i32
      %and3A_366 = arith.andi %squeeze3A_364, %and3A_365 : i32
      %multiple_of3A_367 = tpu.assume_multiple %and3A_366, 16 : i32
      %dma_start3A_368 = arith.constant 14 : i32
      %dma_start3A_369 = arith.constant 0 : i32
      %dma_start3A_370 = tpu.memref_slice %arg8[%dma_start3A_368, %dma_start3A_369] : memref<48x16xf32, #tpu.memory_space<vmem>> -> memref<1x16xf32, #tpu.memory_space<vmem>>
      %dma_start3A_371 = tpu.memref_squeeze %dma_start3A_370 : memref<1x16xf32, #tpu.memory_space<vmem>> -> memref<16xf32, #tpu.memory_space<vmem>>
      %dma_start3A_372 = tpu.memref_slice %arg4[%add3A_362, %multiple_of3A_367] : memref<16384x1024xf32, #tpu.memory_space<hbm>> -> memref<1x16xf32, #tpu.memory_space<hbm>>
      %dma_start3A_373 = tpu.memref_squeeze %dma_start3A_372 : memref<1x16xf32, #tpu.memory_space<hbm>> -> memref<16xf32, #tpu.memory_space<hbm>>
      %dma_start3A_374 = arith.constant 0 : i32
      %dma_start3A_375 = tpu.memref_slice %arg8[%dma_start3A_368, %dma_start3A_374] : memref<48x16xf32, #tpu.memory_space<vmem>> -> memref<1x16xf32, #tpu.memory_space<vmem>>
      %dma_start3A_376 = tpu.memref_squeeze %dma_start3A_375 : memref<1x16xf32, #tpu.memory_space<vmem>> -> memref<16xf32, #tpu.memory_space<vmem>>
      %dma_start3A_377 = tpu.memref_slice %arg4[%add3A_362, %multiple_of3A_367] : memref<16384x1024xf32, #tpu.memory_space<hbm>> -> memref<1x16xf32, #tpu.memory_space<hbm>>
      %dma_start3A_378 = tpu.memref_squeeze %dma_start3A_377 : memref<1x16xf32, #tpu.memory_space<hbm>> -> memref<16xf32, #tpu.memory_space<hbm>>
      tpu.enqueue_dma source(%dma_start3A_378 : memref<16xf32, #tpu.memory_space<hbm>>) target(%dma_start3A_376 : memref<16xf32, #tpu.memory_space<vmem>>) target_semaphore(%arg12 : memref<!tpu.dma_semaphore, #tpu.memory_space<semaphore_mem>>)
      %slice3A_379 = vector.extract_strided_slice %get3A_14 {offsets = [15], sizes = [1], strides = [1]} : vector<16xi32> to vector<1xi32>
      %squeeze3A_380 = vector.extract %slice3A_379[0] : i32 from vector<1xi32>
      %slice3A_381 = vector.extract_strided_slice %min3A_221 {offsets = [14], sizes = [1], strides = [1]} : vector<16xi32> to vector<1xi32>
      %squeeze3A_382 = vector.extract %slice3A_381[0] : i32 from vector<1xi32>
      %add3A_383 = arith.addi %squeeze3A_380, %squeeze3A_382 : i32
      %slice3A_384 = vector.extract_strided_slice %min3A_221 {offsets = [15], sizes = [1], strides = [1]} : vector<16xi32> to vector<1xi32>
      %squeeze3A_385 = vector.extract %slice3A_384[0] : i32 from vector<1xi32>
      %and3A_386 = arith.constant -16 : i32
      %and3A_387 = arith.andi %squeeze3A_385, %and3A_386 : i32
      %multiple_of3A_388 = tpu.assume_multiple %and3A_387, 16 : i32
      %dma_start3A_389 = arith.constant 15 : i32
      %dma_start3A_390 = arith.constant 0 : i32
      %dma_start3A_391 = tpu.memref_slice %arg8[%dma_start3A_389, %dma_start3A_390] : memref<48x16xf32, #tpu.memory_space<vmem>> -> memref<1x16xf32, #tpu.memory_space<vmem>>
      %dma_start3A_392 = tpu.memref_squeeze %dma_start3A_391 : memref<1x16xf32, #tpu.memory_space<vmem>> -> memref<16xf32, #tpu.memory_space<vmem>>
      %dma_start3A_393 = tpu.memref_slice %arg4[%add3A_383, %multiple_of3A_388] : memref<16384x1024xf32, #tpu.memory_space<hbm>> -> memref<1x16xf32, #tpu.memory_space<hbm>>
      %dma_start3A_394 = tpu.memref_squeeze %dma_start3A_393 : memref<1x16xf32, #tpu.memory_space<hbm>> -> memref<16xf32, #tpu.memory_space<hbm>>
      %dma_start3A_395 = arith.constant 0 : i32
      %dma_start3A_396 = tpu.memref_slice %arg8[%dma_start3A_389, %dma_start3A_395] : memref<48x16xf32, #tpu.memory_space<vmem>> -> memref<1x16xf32, #tpu.memory_space<vmem>>
      %dma_start3A_397 = tpu.memref_squeeze %dma_start3A_396 : memref<1x16xf32, #tpu.memory_space<vmem>> -> memref<16xf32, #tpu.memory_space<vmem>>
      %dma_start3A_398 = tpu.memref_slice %arg4[%add3A_383, %multiple_of3A_388] : memref<16384x1024xf32, #tpu.memory_space<hbm>> -> memref<1x16xf32, #tpu.memory_space<hbm>>
      %dma_start3A_399 = tpu.memref_squeeze %dma_start3A_398 : memref<1x16xf32, #tpu.memory_space<hbm>> -> memref<16xf32, #tpu.memory_space<hbm>>
      tpu.enqueue_dma source(%dma_start3A_399 : memref<16xf32, #tpu.memory_space<hbm>>) target(%dma_start3A_397 : memref<16xf32, #tpu.memory_space<vmem>>) target_semaphore(%arg12 : memref<!tpu.dma_semaphore, #tpu.memory_space<semaphore_mem>>)
      %mul3A_400 = arith.constant 3 : i32
      %mul3A_401 = arith.muli %arg1, %mul3A_400 : i32
      %add3A_402 = arith.constant 1 : i32
      %add3A_403 = arith.addi %mul3A_401, %add3A_402 : i32
      %mul3A_404 = arith.constant 16 : i32
      %mul3A_405 = arith.muli %add3A_403, %mul3A_404 : i32
      %get3A_406 = arith.index_cast %mul3A_405 : i32 to index
      %get3A_407 = tpu.vector_load %arg7[%get3A_406] {strides = array<i32>} : memref<672xi32, #tpu.memory_space<vmem>>, vector<16xi32>,
      %get3A_408 = vector.shape_cast %get3A_407 : vector<16xi32> to vector<16xi32>
      %mul3A_409 = arith.constant 2 : i32
      %mul3A_410 = arith.muli %add3A_403, %mul3A_409 : i32
      %mul3A_411 = arith.constant 16 : i32
      %mul3A_412 = arith.muli %mul3A_410, %mul3A_411 : i32
      %add3A_413 = arith.constant 0 : i32
      %add3A_414 = arith.addi %mul3A_412, %add3A_413 : i32
      %get3A_415 = arith.index_cast %add3A_414 : i32 to index
      %get3A_416 = tpu.vector_load %arg6[%get3A_415] {strides = array<i32>} : memref<1344xf32, #tpu.memory_space<vmem>>, vector<16xf32>,
      %get3A_417 = vector.shape_cast %get3A_416 : vector<16xf32> to vector<16xf32>
      %add3A_418 = arith.constant 1.000000e+00 : f32
      %add3A_419 = vector.broadcast %add3A_418 : f32 to vector<16xf32>
      %add3A_420 = arith.addf %get3A_417, %add3A_419 : vector<16xf32>
      %mul3A_421 = arith.constant 5.120000e+02 : f32
      %mul3A_422 = vector.broadcast %mul3A_421 : f32 to vector<16xf32>
      %mul3A_423 = arith.mulf %add3A_420, %mul3A_422 : vector<16xf32>
      %convert_element_type3A_424 = arith.fptosi %mul3A_423 : vector<16xf32> to vector<16xi32>
      %min3A_425 = arith.constant 1023 : i32
      %min3A_426 = vector.broadcast %min3A_425 : i32 to vector<16xi32>
      %min3A_427 = arith.minsi %convert_element_type3A_424, %min3A_426 : vector<16xi32>
      %div3A_428 = arith.divf %get3A_417, %get3A_417 : vector<16xf32>
      %ge3A_429 = arith.constant 1.000000e+00 : f32
      %ge3A_430 = vector.broadcast %ge3A_429 : f32 to vector<16xf32>
      %ge3A_431 = arith.cmpf oge, %div3A_428, %ge3A_430 : vector<16xf32>
      %mul3A_432 = arith.constant 0.000000e+00 : f32
      %mul3A_433 = vector.broadcast %mul3A_432 : f32 to vector<16xf32>
      %mul3A_434 = arith.mulf %mul3A_433, %div3A_428 : vector<16xf32>
      %jit3A_435 = arith.constant 1.000000e+00 : f32
      %broadcast_in_dim3A_436 = vector.broadcast %jit3A_435 : f32 to vector<16xf32>
      %select_n3A_437 = arith.select %ge3A_431, %broadcast_in_dim3A_436, %mul3A_434 : vector<16xi1>, vector<16xf32>
      %slice3A_438 = vector.extract_strided_slice %get3A_408 {offsets = [0], sizes = [1], strides = [1]} : vector<16xi32> to vector<1xi32>
      %squeeze3A_439 = vector.extract %slice3A_438[0] : i32 from vector<1xi32>
      %slice3A_440 = vector.extract_strided_slice %min3A_427 {offsets = [0], sizes = [1], strides = [1]} : vector<16xi32> to vector<1xi32>
      %squeeze3A_441 = vector.extract %slice3A_440[0] : i32 from vector<1xi32>
      %add3A_442 = arith.addi %squeeze3A_439, %squeeze3A_441 : i32
      %slice3A_443 = vector.extract_strided_slice %min3A_427 {offsets = [1], sizes = [1], strides = [1]} : vector<16xi32> to vector<1xi32>
      %squeeze3A_444 = vector.extract %slice3A_443[0] : i32 from vector<1xi32>
      %and3A_445 = arith.constant -16 : i32
      %and3A_446 = arith.andi %squeeze3A_444, %and3A_445 : i32
      %multiple_of3A_447 = tpu.assume_multiple %and3A_446, 16 : i32
      %dma_start3A_448 = arith.constant 16 : i32
      %dma_start3A_449 = arith.constant 0 : i32
      %dma_start3A_450 = tpu.memref_slice %arg8[%dma_start3A_448, %dma_start3A_449] : memref<48x16xf32, #tpu.memory_space<vmem>> -> memref<1x16xf32, #tpu.memory_space<vmem>>
      %dma_start3A_451 = tpu.memref_squeeze %dma_start3A_450 : memref<1x16xf32, #tpu.memory_space<vmem>> -> memref<16xf32, #tpu.memory_space<vmem>>
      %dma_start3A_452 = tpu.memref_slice %arg4[%add3A_442, %multiple_of3A_447] : memref<16384x1024xf32, #tpu.memory_space<hbm>> -> memref<1x16xf32, #tpu.memory_space<hbm>>
      %dma_start3A_453 = tpu.memref_squeeze %dma_start3A_452 : memref<1x16xf32, #tpu.memory_space<hbm>> -> memref<16xf32, #tpu.memory_space<hbm>>
      %dma_start3A_454 = arith.constant 0 : i32
      %dma_start3A_455 = tpu.memref_slice %arg8[%dma_start3A_448, %dma_start3A_454] : memref<48x16xf32, #tpu.memory_space<vmem>> -> memref<1x16xf32, #tpu.memory_space<vmem>>
      %dma_start3A_456 = tpu.memref_squeeze %dma_start3A_455 : memref<1x16xf32, #tpu.memory_space<vmem>> -> memref<16xf32, #tpu.memory_space<vmem>>
      %dma_start3A_457 = tpu.memref_slice %arg4[%add3A_442, %multiple_of3A_447] : memref<16384x1024xf32, #tpu.memory_space<hbm>> -> memref<1x16xf32, #tpu.memory_space<hbm>>
      %dma_start3A_458 = tpu.memref_squeeze %dma_start3A_457 : memref<1x16xf32, #tpu.memory_space<hbm>> -> memref<16xf32, #tpu.memory_space<hbm>>
      tpu.enqueue_dma source(%dma_start3A_458 : memref<16xf32, #tpu.memory_space<hbm>>) target(%dma_start3A_456 : memref<16xf32, #tpu.memory_space<vmem>>) target_semaphore(%arg12 : memref<!tpu.dma_semaphore, #tpu.memory_space<semaphore_mem>>)
      %slice3A_459 = vector.extract_strided_slice %get3A_408 {offsets = [1], sizes = [1], strides = [1]} : vector<16xi32> to vector<1xi32>
      %squeeze3A_460 = vector.extract %slice3A_459[0] : i32 from vector<1xi32>
      %slice3A_461 = vector.extract_strided_slice %min3A_427 {offsets = [2], sizes = [1], strides = [1]} : vector<16xi32> to vector<1xi32>
      %squeeze3A_462 = vector.extract %slice3A_461[0] : i32 from vector<1xi32>
      %add3A_463 = arith.addi %squeeze3A_460, %squeeze3A_462 : i32
      %slice3A_464 = vector.extract_strided_slice %min3A_427 {offsets = [3], sizes = [1], strides = [1]} : vector<16xi32> to vector<1xi32>
      %squeeze3A_465 = vector.extract %slice3A_464[0] : i32 from vector<1xi32>
      %and3A_466 = arith.constant -16 : i32
      %and3A_467 = arith.andi %squeeze3A_465, %and3A_466 : i32
      %multiple_of3A_468 = tpu.assume_multiple %and3A_467, 16 : i32
      %dma_start3A_469 = arith.constant 17 : i32
      %dma_start3A_470 = arith.constant 0 : i32
      %dma_start3A_471 = tpu.memref_slice %arg8[%dma_start3A_469, %dma_start3A_470] : memref<48x16xf32, #tpu.memory_space<vmem>> -> memref<1x16xf32, #tpu.memory_space<vmem>>
      %dma_start3A_472 = tpu.memref_squeeze %dma_start3A_471 : memref<1x16xf32, #tpu.memory_space<vmem>> -> memref<16xf32, #tpu.memory_space<vmem>>
      %dma_start3A_473 = tpu.memref_slice %arg4[%add3A_463, %multiple_of3A_468] : memref<16384x1024xf32, #tpu.memory_space<hbm>> -> memref<1x16xf32, #tpu.memory_space<hbm>>
      %dma_start3A_474 = tpu.memref_squeeze %dma_start3A_473 : memref<1x16xf32, #tpu.memory_space<hbm>> -> memref<16xf32, #tpu.memory_space<hbm>>
      %dma_start3A_475 = arith.constant 0 : i32
      %dma_start3A_476 = tpu.memref_slice %arg8[%dma_start3A_469, %dma_start3A_475] : memref<48x16xf32, #tpu.memory_space<vmem>> -> memref<1x16xf32, #tpu.memory_space<vmem>>
      %dma_start3A_477 = tpu.memref_squeeze %dma_start3A_476 : memref<1x16xf32, #tpu.memory_space<vmem>> -> memref<16xf32, #tpu.memory_space<vmem>>
      %dma_start3A_478 = tpu.memref_slice %arg4[%add3A_463, %multiple_of3A_468] : memref<16384x1024xf32, #tpu.memory_space<hbm>> -> memref<1x16xf32, #tpu.memory_space<hbm>>
      %dma_start3A_479 = tpu.memref_squeeze %dma_start3A_478 : memref<1x16xf32, #tpu.memory_space<hbm>> -> memref<16xf32, #tpu.memory_space<hbm>>
      tpu.enqueue_dma source(%dma_start3A_479 : memref<16xf32, #tpu.memory_space<hbm>>) target(%dma_start3A_477 : memref<16xf32, #tpu.memory_space<vmem>>) target_semaphore(%arg12 : memref<!tpu.dma_semaphore, #tpu.memory_space<semaphore_mem>>)
      %slice3A_480 = vector.extract_strided_slice %get3A_408 {offsets = [2], sizes = [1], strides = [1]} : vector<16xi32> to vector<1xi32>
      %squeeze3A_481 = vector.extract %slice3A_480[0] : i32 from vector<1xi32>
      %slice3A_482 = vector.extract_strided_slice %min3A_427 {offsets = [4], sizes = [1], strides = [1]} : vector<16xi32> to vector<1xi32>
      %squeeze3A_483 = vector.extract %slice3A_482[0] : i32 from vector<1xi32>
      %add3A_484 = arith.addi %squeeze3A_481, %squeeze3A_483 : i32
      %slice3A_485 = vector.extract_strided_slice %min3A_427 {offsets = [5], sizes = [1], strides = [1]} : vector<16xi32> to vector<1xi32>
      %squeeze3A_486 = vector.extract %slice3A_485[0] : i32 from vector<1xi32>
      %and3A_487 = arith.constant -16 : i32
      %and3A_488 = arith.andi %squeeze3A_486, %and3A_487 : i32
      %multiple_of3A_489 = tpu.assume_multiple %and3A_488, 16 : i32
      %dma_start3A_490 = arith.constant 18 : i32
      %dma_start3A_491 = arith.constant 0 : i32
      %dma_start3A_492 = tpu.memref_slice %arg8[%dma_start3A_490, %dma_start3A_491] : memref<48x16xf32, #tpu.memory_space<vmem>> -> memref<1x16xf32, #tpu.memory_space<vmem>>
      %dma_start3A_493 = tpu.memref_squeeze %dma_start3A_492 : memref<1x16xf32, #tpu.memory_space<vmem>> -> memref<16xf32, #tpu.memory_space<vmem>>
      %dma_start3A_494 = tpu.memref_slice %arg4[%add3A_484, %multiple_of3A_489] : memref<16384x1024xf32, #tpu.memory_space<hbm>> -> memref<1x16xf32, #tpu.memory_space<hbm>>
      %dma_start3A_495 = tpu.memref_squeeze %dma_start3A_494 : memref<1x16xf32, #tpu.memory_space<hbm>> -> memref<16xf32, #tpu.memory_space<hbm>>
      %dma_start3A_496 = arith.constant 0 : i32
      %dma_start3A_497 = tpu.memref_slice %arg8[%dma_start3A_490, %dma_start3A_496] : memref<48x16xf32, #tpu.memory_space<vmem>> -> memref<1x16xf32, #tpu.memory_space<vmem>>
      %dma_start3A_498 = tpu.memref_squeeze %dma_start3A_497 : memref<1x16xf32, #tpu.memory_space<vmem>> -> memref<16xf32, #tpu.memory_space<vmem>>
      %dma_start3A_499 = tpu.memref_slice %arg4[%add3A_484, %multiple_of3A_489] : memref<16384x1024xf32, #tpu.memory_space<hbm>> -> memref<1x16xf32, #tpu.memory_space<hbm>>
      %dma_start3A_500 = tpu.memref_squeeze %dma_start3A_499 : memref<1x16xf32, #tpu.memory_space<hbm>> -> memref<16xf32, #tpu.memory_space<hbm>>
      tpu.enqueue_dma source(%dma_start3A_500 : memref<16xf32, #tpu.memory_space<hbm>>) target(%dma_start3A_498 : memref<16xf32, #tpu.memory_space<vmem>>) target_semaphore(%arg12 : memref<!tpu.dma_semaphore, #tpu.memory_space<semaphore_mem>>)
      %slice3A_501 = vector.extract_strided_slice %get3A_408 {offsets = [3], sizes = [1], strides = [1]} : vector<16xi32> to vector<1xi32>
      %squeeze3A_502 = vector.extract %slice3A_501[0] : i32 from vector<1xi32>
      %slice3A_503 = vector.extract_strided_slice %min3A_427 {offsets = [6], sizes = [1], strides = [1]} : vector<16xi32> to vector<1xi32>
      %squeeze3A_504 = vector.extract %slice3A_503[0] : i32 from vector<1xi32>
      %add3A_505 = arith.addi %squeeze3A_502, %squeeze3A_504 : i32
      %slice3A_506 = vector.extract_strided_slice %min3A_427 {offsets = [7], sizes = [1], strides = [1]} : vector<16xi32> to vector<1xi32>
      %squeeze3A_507 = vector.extract %slice3A_506[0] : i32 from vector<1xi32>
      %and3A_508 = arith.constant -16 : i32
      %and3A_509 = arith.andi %squeeze3A_507, %and3A_508 : i32
      %multiple_of3A_510 = tpu.assume_multiple %and3A_509, 16 : i32
      %dma_start3A_511 = arith.constant 19 : i32
      %dma_start3A_512 = arith.constant 0 : i32
      %dma_start3A_513 = tpu.memref_slice %arg8[%dma_start3A_511, %dma_start3A_512] : memref<48x16xf32, #tpu.memory_space<vmem>> -> memref<1x16xf32, #tpu.memory_space<vmem>>
      %dma_start3A_514 = tpu.memref_squeeze %dma_start3A_513 : memref<1x16xf32, #tpu.memory_space<vmem>> -> memref<16xf32, #tpu.memory_space<vmem>>
      %dma_start3A_515 = tpu.memref_slice %arg4[%add3A_505, %multiple_of3A_510] : memref<16384x1024xf32, #tpu.memory_space<hbm>> -> memref<1x16xf32, #tpu.memory_space<hbm>>
      %dma_start3A_516 = tpu.memref_squeeze %dma_start3A_515 : memref<1x16xf32, #tpu.memory_space<hbm>> -> memref<16xf32, #tpu.memory_space<hbm>>
      %dma_start3A_517 = arith.constant 0 : i32
      %dma_start3A_518 = tpu.memref_slice %arg8[%dma_start3A_511, %dma_start3A_517] : memref<48x16xf32, #tpu.memory_space<vmem>> -> memref<1x16xf32, #tpu.memory_space<vmem>>
      %dma_start3A_519 = tpu.memref_squeeze %dma_start3A_518 : memref<1x16xf32, #tpu.memory_space<vmem>> -> memref<16xf32, #tpu.memory_space<vmem>>
      %dma_start3A_520 = tpu.memref_slice %arg4[%add3A_505, %multiple_of3A_510] : memref<16384x1024xf32, #tpu.memory_space<hbm>> -> memref<1x16xf32, #tpu.memory_space<hbm>>
      %dma_start3A_521 = tpu.memref_squeeze %dma_start3A_520 : memref<1x16xf32, #tpu.memory_space<hbm>> -> memref<16xf32, #tpu.memory_space<hbm>>
      tpu.enqueue_dma source(%dma_start3A_521 : memref<16xf32, #tpu.memory_space<hbm>>) target(%dma_start3A_519 : memref<16xf32, #tpu.memory_space<vmem>>) target_semaphore(%arg12 : memref<!tpu.dma_semaphore, #tpu.memory_space<semaphore_mem>>)
      %slice3A_522 = vector.extract_strided_slice %get3A_408 {offsets = [4], sizes = [1], strides = [1]} : vector<16xi32> to vector<1xi32>
      %squeeze3A_523 = vector.extract %slice3A_522[0] : i32 from vector<1xi32>
      %slice3A_524 = vector.extract_strided_slice %min3A_427 {offsets = [8], sizes = [1], strides = [1]} : vector<16xi32> to vector<1xi32>
      %squeeze3A_525 = vector.extract %slice3A_524[0] : i32 from vector<1xi32>
      %add3A_526 = arith.addi %squeeze3A_523, %squeeze3A_525 : i32
      %slice3A_527 = vector.extract_strided_slice %min3A_427 {offsets = [9], sizes = [1], strides = [1]} : vector<16xi32> to vector<1xi32>
      %squeeze3A_528 = vector.extract %slice3A_527[0] : i32 from vector<1xi32>
      %and3A_529 = arith.constant -16 : i32
      %and3A_530 = arith.andi %squeeze3A_528, %and3A_529 : i32
      %multiple_of3A_531 = tpu.assume_multiple %and3A_530, 16 : i32
      %dma_start3A_532 = arith.constant 20 : i32
      %dma_start3A_533 = arith.constant 0 : i32
      %dma_start3A_534 = tpu.memref_slice %arg8[%dma_start3A_532, %dma_start3A_533] : memref<48x16xf32, #tpu.memory_space<vmem>> -> memref<1x16xf32, #tpu.memory_space<vmem>>
      %dma_start3A_535 = tpu.memref_squeeze %dma_start3A_534 : memref<1x16xf32, #tpu.memory_space<vmem>> -> memref<16xf32, #tpu.memory_space<vmem>>
      %dma_start3A_536 = tpu.memref_slice %arg4[%add3A_526, %multiple_of3A_531] : memref<16384x1024xf32, #tpu.memory_space<hbm>> -> memref<1x16xf32, #tpu.memory_space<hbm>>
      %dma_start3A_537 = tpu.memref_squeeze %dma_start3A_536 : memref<1x16xf32, #tpu.memory_space<hbm>> -> memref<16xf32, #tpu.memory_space<hbm>>
      %dma_start3A_538 = arith.constant 0 : i32
      %dma_start3A_539 = tpu.memref_slice %arg8[%dma_start3A_532, %dma_start3A_538] : memref<48x16xf32, #tpu.memory_space<vmem>> -> memref<1x16xf32, #tpu.memory_space<vmem>>
      %dma_start3A_540 = tpu.memref_squeeze %dma_start3A_539 : memref<1x16xf32, #tpu.memory_space<vmem>> -> memref<16xf32, #tpu.memory_space<vmem>>
      %dma_start3A_541 = tpu.memref_slice %arg4[%add3A_526, %multiple_of3A_531] : memref<16384x1024xf32, #tpu.memory_space<hbm>> -> memref<1x16xf32, #tpu.memory_space<hbm>>
      %dma_start3A_542 = tpu.memref_squeeze %dma_start3A_541 : memref<1x16xf32, #tpu.memory_space<hbm>> -> memref<16xf32, #tpu.memory_space<hbm>>
      tpu.enqueue_dma source(%dma_start3A_542 : memref<16xf32, #tpu.memory_space<hbm>>) target(%dma_start3A_540 : memref<16xf32, #tpu.memory_space<vmem>>) target_semaphore(%arg12 : memref<!tpu.dma_semaphore, #tpu.memory_space<semaphore_mem>>)
      %slice3A_543 = vector.extract_strided_slice %get3A_408 {offsets = [5], sizes = [1], strides = [1]} : vector<16xi32> to vector<1xi32>
      %squeeze3A_544 = vector.extract %slice3A_543[0] : i32 from vector<1xi32>
      %slice3A_545 = vector.extract_strided_slice %min3A_427 {offsets = [10], sizes = [1], strides = [1]} : vector<16xi32> to vector<1xi32>
      %squeeze3A_546 = vector.extract %slice3A_545[0] : i32 from vector<1xi32>
      %add3A_547 = arith.addi %squeeze3A_544, %squeeze3A_546 : i32
      %slice3A_548 = vector.extract_strided_slice %min3A_427 {offsets = [11], sizes = [1], strides = [1]} : vector<16xi32> to vector<1xi32>
      %squeeze3A_549 = vector.extract %slice3A_548[0] : i32 from vector<1xi32>
      %and3A_550 = arith.constant -16 : i32
      %and3A_551 = arith.andi %squeeze3A_549, %and3A_550 : i32
      %multiple_of3A_552 = tpu.assume_multiple %and3A_551, 16 : i32
      %dma_start3A_553 = arith.constant 21 : i32
      %dma_start3A_554 = arith.constant 0 : i32
      %dma_start3A_555 = tpu.memref_slice %arg8[%dma_start3A_553, %dma_start3A_554] : memref<48x16xf32, #tpu.memory_space<vmem>> -> memref<1x16xf32, #tpu.memory_space<vmem>>
      %dma_start3A_556 = tpu.memref_squeeze %dma_start3A_555 : memref<1x16xf32, #tpu.memory_space<vmem>> -> memref<16xf32, #tpu.memory_space<vmem>>
      %dma_start3A_557 = tpu.memref_slice %arg4[%add3A_547, %multiple_of3A_552] : memref<16384x1024xf32, #tpu.memory_space<hbm>> -> memref<1x16xf32, #tpu.memory_space<hbm>>
      %dma_start3A_558 = tpu.memref_squeeze %dma_start3A_557 : memref<1x16xf32, #tpu.memory_space<hbm>> -> memref<16xf32, #tpu.memory_space<hbm>>
      %dma_start3A_559 = arith.constant 0 : i32
      %dma_start3A_560 = tpu.memref_slice %arg8[%dma_start3A_553, %dma_start3A_559] : memref<48x16xf32, #tpu.memory_space<vmem>> -> memref<1x16xf32, #tpu.memory_space<vmem>>
      %dma_start3A_561 = tpu.memref_squeeze %dma_start3A_560 : memref<1x16xf32, #tpu.memory_space<vmem>> -> memref<16xf32, #tpu.memory_space<vmem>>
      %dma_start3A_562 = tpu.memref_slice %arg4[%add3A_547, %multiple_of3A_552] : memref<16384x1024xf32, #tpu.memory_space<hbm>> -> memref<1x16xf32, #tpu.memory_space<hbm>>
      %dma_start3A_563 = tpu.memref_squeeze %dma_start3A_562 : memref<1x16xf32, #tpu.memory_space<hbm>> -> memref<16xf32, #tpu.memory_space<hbm>>
      tpu.enqueue_dma source(%dma_start3A_563 : memref<16xf32, #tpu.memory_space<hbm>>) target(%dma_start3A_561 : memref<16xf32, #tpu.memory_space<vmem>>) target_semaphore(%arg12 : memref<!tpu.dma_semaphore, #tpu.memory_space<semaphore_mem>>)
      %slice3A_564 = vector.extract_strided_slice %get3A_408 {offsets = [6], sizes = [1], strides = [1]} : vector<16xi32> to vector<1xi32>
      %squeeze3A_565 = vector.extract %slice3A_564[0] : i32 from vector<1xi32>
      %slice3A_566 = vector.extract_strided_slice %min3A_427 {offsets = [12], sizes = [1], strides = [1]} : vector<16xi32> to vector<1xi32>
      %squeeze3A_567 = vector.extract %slice3A_566[0] : i32 from vector<1xi32>
      %add3A_568 = arith.addi %squeeze3A_565, %squeeze3A_567 : i32
      %slice3A_569 = vector.extract_strided_slice %min3A_427 {offsets = [13], sizes = [1], strides = [1]} : vector<16xi32> to vector<1xi32>
      %squeeze3A_570 = vector.extract %slice3A_569[0] : i32 from vector<1xi32>
      %and3A_571 = arith.constant -16 : i32
      %and3A_572 = arith.andi %squeeze3A_570, %and3A_571 : i32
      %multiple_of3A_573 = tpu.assume_multiple %and3A_572, 16 : i32
      %dma_start3A_574 = arith.constant 22 : i32
      %dma_start3A_575 = arith.constant 0 : i32
      %dma_start3A_576 = tpu.memref_slice %arg8[%dma_start3A_574, %dma_start3A_575] : memref<48x16xf32, #tpu.memory_space<vmem>> -> memref<1x16xf32, #tpu.memory_space<vmem>>
      %dma_start3A_577 = tpu.memref_squeeze %dma_start3A_576 : memref<1x16xf32, #tpu.memory_space<vmem>> -> memref<16xf32, #tpu.memory_space<vmem>>
      %dma_start3A_578 = tpu.memref_slice %arg4[%add3A_568, %multiple_of3A_573] : memref<16384x1024xf32, #tpu.memory_space<hbm>> -> memref<1x16xf32, #tpu.memory_space<hbm>>
      %dma_start3A_579 = tpu.memref_squeeze %dma_start3A_578 : memref<1x16xf32, #tpu.memory_space<hbm>> -> memref<16xf32, #tpu.memory_space<hbm>>
      %dma_start3A_580 = arith.constant 0 : i32
      %dma_start3A_581 = tpu.memref_slice %arg8[%dma_start3A_574, %dma_start3A_580] : memref<48x16xf32, #tpu.memory_space<vmem>> -> memref<1x16xf32, #tpu.memory_space<vmem>>
      %dma_start3A_582 = tpu.memref_squeeze %dma_start3A_581 : memref<1x16xf32, #tpu.memory_space<vmem>> -> memref<16xf32, #tpu.memory_space<vmem>>
      %dma_start3A_583 = tpu.memref_slice %arg4[%add3A_568, %multiple_of3A_573] : memref<16384x1024xf32, #tpu.memory_space<hbm>> -> memref<1x16xf32, #tpu.memory_space<hbm>>
      %dma_start3A_584 = tpu.memref_squeeze %dma_start3A_583 : memref<1x16xf32, #tpu.memory_space<hbm>> -> memref<16xf32, #tpu.memory_space<hbm>>
      tpu.enqueue_dma source(%dma_start3A_584 : memref<16xf32, #tpu.memory_space<hbm>>) target(%dma_start3A_582 : memref<16xf32, #tpu.memory_space<vmem>>) target_semaphore(%arg12 : memref<!tpu.dma_semaphore, #tpu.memory_space<semaphore_mem>>)
      %slice3A_585 = vector.extract_strided_slice %get3A_408 {offsets = [7], sizes = [1], strides = [1]} : vector<16xi32> to vector<1xi32>
      %squeeze3A_586 = vector.extract %slice3A_585[0] : i32 from vector<1xi32>
      %slice3A_587 = vector.extract_strided_slice %min3A_427 {offsets = [14], sizes = [1], strides = [1]} : vector<16xi32> to vector<1xi32>
      %squeeze3A_588 = vector.extract %slice3A_587[0] : i32 from vector<1xi32>
      %add3A_589 = arith.addi %squeeze3A_586, %squeeze3A_588 : i32
      %slice3A_590 = vector.extract_strided_slice %min3A_427 {offsets = [15], sizes = [1], strides = [1]} : vector<16xi32> to vector<1xi32>
      %squeeze3A_591 = vector.extract %slice3A_590[0] : i32 from vector<1xi32>
      %and3A_592 = arith.constant -16 : i32
      %and3A_593 = arith.andi %squeeze3A_591, %and3A_592 : i32
      %multiple_of3A_594 = tpu.assume_multiple %and3A_593, 16 : i32
      %dma_start3A_595 = arith.constant 23 : i32
      %dma_start3A_596 = arith.constant 0 : i32
      %dma_start3A_597 = tpu.memref_slice %arg8[%dma_start3A_595, %dma_start3A_596] : memref<48x16xf32, #tpu.memory_space<vmem>> -> memref<1x16xf32, #tpu.memory_space<vmem>>
      %dma_start3A_598 = tpu.memref_squeeze %dma_start3A_597 : memref<1x16xf32, #tpu.memory_space<vmem>> -> memref<16xf32, #tpu.memory_space<vmem>>
      %dma_start3A_599 = tpu.memref_slice %arg4[%add3A_589, %multiple_of3A_594] : memref<16384x1024xf32, #tpu.memory_space<hbm>> -> memref<1x16xf32, #tpu.memory_space<hbm>>
      %dma_start3A_600 = tpu.memref_squeeze %dma_start3A_599 : memref<1x16xf32, #tpu.memory_space<hbm>> -> memref<16xf32, #tpu.memory_space<hbm>>
      %dma_start3A_601 = arith.constant 0 : i32
      %dma_start3A_602 = tpu.memref_slice %arg8[%dma_start3A_595, %dma_start3A_601] : memref<48x16xf32, #tpu.memory_space<vmem>> -> memref<1x16xf32, #tpu.memory_space<vmem>>
      %dma_start3A_603 = tpu.memref_squeeze %dma_start3A_602 : memref<1x16xf32, #tpu.memory_space<vmem>> -> memref<16xf32, #tpu.memory_space<vmem>>
      %dma_start3A_604 = tpu.memref_slice %arg4[%add3A_589, %multiple_of3A_594] : memref<16384x1024xf32, #tpu.memory_space<hbm>> -> memref<1x16xf32, #tpu.memory_space<hbm>>
      %dma_start3A_605 = tpu.memref_squeeze %dma_start3A_604 : memref<1x16xf32, #tpu.memory_space<hbm>> -> memref<16xf32, #tpu.memory_space<hbm>>
      tpu.enqueue_dma source(%dma_start3A_605 : memref<16xf32, #tpu.memory_space<hbm>>) target(%dma_start3A_603 : memref<16xf32, #tpu.memory_space<vmem>>) target_semaphore(%arg12 : memref<!tpu.dma_semaphore, #tpu.memory_space<semaphore_mem>>)
      %mul3A_606 = arith.constant 2 : i32
      %mul3A_607 = arith.muli %add3A_403, %mul3A_606 : i32
      %mul3A_608 = arith.constant 16 : i32
      %mul3A_609 = arith.muli %mul3A_607, %mul3A_608 : i32
      %add3A_610 = arith.constant 16 : i32
      %add3A_611 = arith.addi %mul3A_609, %add3A_610 : i32
      %get3A_612 = arith.index_cast %add3A_611 : i32 to index
      %get3A_613 = tpu.vector_load %arg6[%get3A_612] {strides = array<i32>} : memref<1344xf32, #tpu.memory_space<vmem>>, vector<16xf32>,
      %get3A_614 = vector.shape_cast %get3A_613 : vector<16xf32> to vector<16xf32>
      %add3A_615 = arith.constant 1.000000e+00 : f32
      %add3A_616 = vector.broadcast %add3A_615 : f32 to vector<16xf32>
      %add3A_617 = arith.addf %get3A_614, %add3A_616 : vector<16xf32>
      %mul3A_618 = arith.constant 5.120000e+02 : f32
      %mul3A_619 = vector.broadcast %mul3A_618 : f32 to vector<16xf32>
      %mul3A_620 = arith.mulf %add3A_617, %mul3A_619 : vector<16xf32>
      %convert_element_type3A_621 = arith.fptosi %mul3A_620 : vector<16xf32> to vector<16xi32>
      %min3A_622 = arith.constant 1023 : i32
      %min3A_623 = vector.broadcast %min3A_622 : i32 to vector<16xi32>
      %min3A_624 = arith.minsi %convert_element_type3A_621, %min3A_623 : vector<16xi32>
      %div3A_625 = arith.divf %get3A_614, %get3A_614 : vector<16xf32>
      %ge3A_626 = arith.constant 1.000000e+00 : f32
      %ge3A_627 = vector.broadcast %ge3A_626 : f32 to vector<16xf32>
      %ge3A_628 = arith.cmpf oge, %div3A_625, %ge3A_627 : vector<16xf32>
      %mul3A_629 = arith.constant 0.000000e+00 : f32
      %mul3A_630 = vector.broadcast %mul3A_629 : f32 to vector<16xf32>
      %mul3A_631 = arith.mulf %mul3A_630, %div3A_625 : vector<16xf32>
      %jit3A_632 = arith.constant 1.000000e+00 : f32
      %broadcast_in_dim3A_633 = vector.broadcast %jit3A_632 : f32 to vector<16xf32>
      %select_n3A_634 = arith.select %ge3A_628, %broadcast_in_dim3A_633, %mul3A_631 : vector<16xi1>, vector<16xf32>
      %slice3A_635 = vector.extract_strided_slice %get3A_408 {offsets = [8], sizes = [1], strides = [1]} : vector<16xi32> to vector<1xi32>
      %squeeze3A_636 = vector.extract %slice3A_635[0] : i32 from vector<1xi32>
      %slice3A_637 = vector.extract_strided_slice %min3A_624 {offsets = [0], sizes = [1], strides = [1]} : vector<16xi32> to vector<1xi32>
      %squeeze3A_638 = vector.extract %slice3A_637[0] : i32 from vector<1xi32>
      %add3A_639 = arith.addi %squeeze3A_636, %squeeze3A_638 : i32
      %slice3A_640 = vector.extract_strided_slice %min3A_624 {offsets = [1], sizes = [1], strides = [1]} : vector<16xi32> to vector<1xi32>
      %squeeze3A_641 = vector.extract %slice3A_640[0] : i32 from vector<1xi32>
      %and3A_642 = arith.constant -16 : i32
      %and3A_643 = arith.andi %squeeze3A_641, %and3A_642 : i32
      %multiple_of3A_644 = tpu.assume_multiple %and3A_643, 16 : i32
      %dma_start3A_645 = arith.constant 24 : i32
      %dma_start3A_646 = arith.constant 0 : i32
      %dma_start3A_647 = tpu.memref_slice %arg8[%dma_start3A_645, %dma_start3A_646] : memref<48x16xf32, #tpu.memory_space<vmem>> -> memref<1x16xf32, #tpu.memory_space<vmem>>
      %dma_start3A_648 = tpu.memref_squeeze %dma_start3A_647 : memref<1x16xf32, #tpu.memory_space<vmem>> -> memref<16xf32, #tpu.memory_space<vmem>>
      %dma_start3A_649 = tpu.memref_slice %arg4[%add3A_639, %multiple_of3A_644] : memref<16384x1024xf32, #tpu.memory_space<hbm>> -> memref<1x16xf32, #tpu.memory_space<hbm>>
      %dma_start3A_650 = tpu.memref_squeeze %dma_start3A_649 : memref<1x16xf32, #tpu.memory_space<hbm>> -> memref<16xf32, #tpu.memory_space<hbm>>
      %dma_start3A_651 = arith.constant 0 : i32
      %dma_start3A_652 = tpu.memref_slice %arg8[%dma_start3A_645, %dma_start3A_651] : memref<48x16xf32, #tpu.memory_space<vmem>> -> memref<1x16xf32, #tpu.memory_space<vmem>>
      %dma_start3A_653 = tpu.memref_squeeze %dma_start3A_652 : memref<1x16xf32, #tpu.memory_space<vmem>> -> memref<16xf32, #tpu.memory_space<vmem>>
      %dma_start3A_654 = tpu.memref_slice %arg4[%add3A_639, %multiple_of3A_644] : memref<16384x1024xf32, #tpu.memory_space<hbm>> -> memref<1x16xf32, #tpu.memory_space<hbm>>
      %dma_start3A_655 = tpu.memref_squeeze %dma_start3A_654 : memref<1x16xf32, #tpu.memory_space<hbm>> -> memref<16xf32, #tpu.memory_space<hbm>>
      tpu.enqueue_dma source(%dma_start3A_655 : memref<16xf32, #tpu.memory_space<hbm>>) target(%dma_start3A_653 : memref<16xf32, #tpu.memory_space<vmem>>) target_semaphore(%arg12 : memref<!tpu.dma_semaphore, #tpu.memory_space<semaphore_mem>>)
      %slice3A_656 = vector.extract_strided_slice %get3A_408 {offsets = [9], sizes = [1], strides = [1]} : vector<16xi32> to vector<1xi32>
      %squeeze3A_657 = vector.extract %slice3A_656[0] : i32 from vector<1xi32>
      %slice3A_658 = vector.extract_strided_slice %min3A_624 {offsets = [2], sizes = [1], strides = [1]} : vector<16xi32> to vector<1xi32>
      %squeeze3A_659 = vector.extract %slice3A_658[0] : i32 from vector<1xi32>
      %add3A_660 = arith.addi %squeeze3A_657, %squeeze3A_659 : i32
      %slice3A_661 = vector.extract_strided_slice %min3A_624 {offsets = [3], sizes = [1], strides = [1]} : vector<16xi32> to vector<1xi32>
      %squeeze3A_662 = vector.extract %slice3A_661[0] : i32 from vector<1xi32>
      %and3A_663 = arith.constant -16 : i32
      %and3A_664 = arith.andi %squeeze3A_662, %and3A_663 : i32
      %multiple_of3A_665 = tpu.assume_multiple %and3A_664, 16 : i32
      %dma_start3A_666 = arith.constant 25 : i32
      %dma_start3A_667 = arith.constant 0 : i32
      %dma_start3A_668 = tpu.memref_slice %arg8[%dma_start3A_666, %dma_start3A_667] : memref<48x16xf32, #tpu.memory_space<vmem>> -> memref<1x16xf32, #tpu.memory_space<vmem>>
      %dma_start3A_669 = tpu.memref_squeeze %dma_start3A_668 : memref<1x16xf32, #tpu.memory_space<vmem>> -> memref<16xf32, #tpu.memory_space<vmem>>
      %dma_start3A_670 = tpu.memref_slice %arg4[%add3A_660, %multiple_of3A_665] : memref<16384x1024xf32, #tpu.memory_space<hbm>> -> memref<1x16xf32, #tpu.memory_space<hbm>>
      %dma_start3A_671 = tpu.memref_squeeze %dma_start3A_670 : memref<1x16xf32, #tpu.memory_space<hbm>> -> memref<16xf32, #tpu.memory_space<hbm>>
      %dma_start3A_672 = arith.constant 0 : i32
      %dma_start3A_673 = tpu.memref_slice %arg8[%dma_start3A_666, %dma_start3A_672] : memref<48x16xf32, #tpu.memory_space<vmem>> -> memref<1x16xf32, #tpu.memory_space<vmem>>
      %dma_start3A_674 = tpu.memref_squeeze %dma_start3A_673 : memref<1x16xf32, #tpu.memory_space<vmem>> -> memref<16xf32, #tpu.memory_space<vmem>>
      %dma_start3A_675 = tpu.memref_slice %arg4[%add3A_660, %multiple_of3A_665] : memref<16384x1024xf32, #tpu.memory_space<hbm>> -> memref<1x16xf32, #tpu.memory_space<hbm>>
      %dma_start3A_676 = tpu.memref_squeeze %dma_start3A_675 : memref<1x16xf32, #tpu.memory_space<hbm>> -> memref<16xf32, #tpu.memory_space<hbm>>
      tpu.enqueue_dma source(%dma_start3A_676 : memref<16xf32, #tpu.memory_space<hbm>>) target(%dma_start3A_674 : memref<16xf32, #tpu.memory_space<vmem>>) target_semaphore(%arg12 : memref<!tpu.dma_semaphore, #tpu.memory_space<semaphore_mem>>)
      %slice3A_677 = vector.extract_strided_slice %get3A_408 {offsets = [10], sizes = [1], strides = [1]} : vector<16xi32> to vector<1xi32>
      %squeeze3A_678 = vector.extract %slice3A_677[0] : i32 from vector<1xi32>
      %slice3A_679 = vector.extract_strided_slice %min3A_624 {offsets = [4], sizes = [1], strides = [1]} : vector<16xi32> to vector<1xi32>
      %squeeze3A_680 = vector.extract %slice3A_679[0] : i32 from vector<1xi32>
      %add3A_681 = arith.addi %squeeze3A_678, %squeeze3A_680 : i32
      %slice3A_682 = vector.extract_strided_slice %min3A_624 {offsets = [5], sizes = [1], strides = [1]} : vector<16xi32> to vector<1xi32>
      %squeeze3A_683 = vector.extract %slice3A_682[0] : i32 from vector<1xi32>
      %and3A_684 = arith.constant -16 : i32
      %and3A_685 = arith.andi %squeeze3A_683, %and3A_684 : i32
      %multiple_of3A_686 = tpu.assume_multiple %and3A_685, 16 : i32
      %dma_start3A_687 = arith.constant 26 : i32
      %dma_start3A_688 = arith.constant 0 : i32
      %dma_start3A_689 = tpu.memref_slice %arg8[%dma_start3A_687, %dma_start3A_688] : memref<48x16xf32, #tpu.memory_space<vmem>> -> memref<1x16xf32, #tpu.memory_space<vmem>>
      %dma_start3A_690 = tpu.memref_squeeze %dma_start3A_689 : memref<1x16xf32, #tpu.memory_space<vmem>> -> memref<16xf32, #tpu.memory_space<vmem>>
      %dma_start3A_691 = tpu.memref_slice %arg4[%add3A_681, %multiple_of3A_686] : memref<16384x1024xf32, #tpu.memory_space<hbm>> -> memref<1x16xf32, #tpu.memory_space<hbm>>
      %dma_start3A_692 = tpu.memref_squeeze %dma_start3A_691 : memref<1x16xf32, #tpu.memory_space<hbm>> -> memref<16xf32, #tpu.memory_space<hbm>>
      %dma_start3A_693 = arith.constant 0 : i32
      %dma_start3A_694 = tpu.memref_slice %arg8[%dma_start3A_687, %dma_start3A_693] : memref<48x16xf32, #tpu.memory_space<vmem>> -> memref<1x16xf32, #tpu.memory_space<vmem>>
      %dma_start3A_695 = tpu.memref_squeeze %dma_start3A_694 : memref<1x16xf32, #tpu.memory_space<vmem>> -> memref<16xf32, #tpu.memory_space<vmem>>
      %dma_start3A_696 = tpu.memref_slice %arg4[%add3A_681, %multiple_of3A_686] : memref<16384x1024xf32, #tpu.memory_space<hbm>> -> memref<1x16xf32, #tpu.memory_space<hbm>>
      %dma_start3A_697 = tpu.memref_squeeze %dma_start3A_696 : memref<1x16xf32, #tpu.memory_space<hbm>> -> memref<16xf32, #tpu.memory_space<hbm>>
      tpu.enqueue_dma source(%dma_start3A_697 : memref<16xf32, #tpu.memory_space<hbm>>) target(%dma_start3A_695 : memref<16xf32, #tpu.memory_space<vmem>>) target_semaphore(%arg12 : memref<!tpu.dma_semaphore, #tpu.memory_space<semaphore_mem>>)
      %slice3A_698 = vector.extract_strided_slice %get3A_408 {offsets = [11], sizes = [1], strides = [1]} : vector<16xi32> to vector<1xi32>
      %squeeze3A_699 = vector.extract %slice3A_698[0] : i32 from vector<1xi32>
      %slice3A_700 = vector.extract_strided_slice %min3A_624 {offsets = [6], sizes = [1], strides = [1]} : vector<16xi32> to vector<1xi32>
      %squeeze3A_701 = vector.extract %slice3A_700[0] : i32 from vector<1xi32>
      %add3A_702 = arith.addi %squeeze3A_699, %squeeze3A_701 : i32
      %slice3A_703 = vector.extract_strided_slice %min3A_624 {offsets = [7], sizes = [1], strides = [1]} : vector<16xi32> to vector<1xi32>
      %squeeze3A_704 = vector.extract %slice3A_703[0] : i32 from vector<1xi32>
      %and3A_705 = arith.constant -16 : i32
      %and3A_706 = arith.andi %squeeze3A_704, %and3A_705 : i32
      %multiple_of3A_707 = tpu.assume_multiple %and3A_706, 16 : i32
      %dma_start3A_708 = arith.constant 27 : i32
      %dma_start3A_709 = arith.constant 0 : i32
      %dma_start3A_710 = tpu.memref_slice %arg8[%dma_start3A_708, %dma_start3A_709] : memref<48x16xf32, #tpu.memory_space<vmem>> -> memref<1x16xf32, #tpu.memory_space<vmem>>
      %dma_start3A_711 = tpu.memref_squeeze %dma_start3A_710 : memref<1x16xf32, #tpu.memory_space<vmem>> -> memref<16xf32, #tpu.memory_space<vmem>>
      %dma_start3A_712 = tpu.memref_slice %arg4[%add3A_702, %multiple_of3A_707] : memref<16384x1024xf32, #tpu.memory_space<hbm>> -> memref<1x16xf32, #tpu.memory_space<hbm>>
      %dma_start3A_713 = tpu.memref_squeeze %dma_start3A_712 : memref<1x16xf32, #tpu.memory_space<hbm>> -> memref<16xf32, #tpu.memory_space<hbm>>
      %dma_start3A_714 = arith.constant 0 : i32
      %dma_start3A_715 = tpu.memref_slice %arg8[%dma_start3A_708, %dma_start3A_714] : memref<48x16xf32, #tpu.memory_space<vmem>> -> memref<1x16xf32, #tpu.memory_space<vmem>>
      %dma_start3A_716 = tpu.memref_squeeze %dma_start3A_715 : memref<1x16xf32, #tpu.memory_space<vmem>> -> memref<16xf32, #tpu.memory_space<vmem>>
      %dma_start3A_717 = tpu.memref_slice %arg4[%add3A_702, %multiple_of3A_707] : memref<16384x1024xf32, #tpu.memory_space<hbm>> -> memref<1x16xf32, #tpu.memory_space<hbm>>
      %dma_start3A_718 = tpu.memref_squeeze %dma_start3A_717 : memref<1x16xf32, #tpu.memory_space<hbm>> -> memref<16xf32, #tpu.memory_space<hbm>>
      tpu.enqueue_dma source(%dma_start3A_718 : memref<16xf32, #tpu.memory_space<hbm>>) target(%dma_start3A_716 : memref<16xf32, #tpu.memory_space<vmem>>) target_semaphore(%arg12 : memref<!tpu.dma_semaphore, #tpu.memory_space<semaphore_mem>>)
      %slice3A_719 = vector.extract_strided_slice %get3A_408 {offsets = [12], sizes = [1], strides = [1]} : vector<16xi32> to vector<1xi32>
      %squeeze3A_720 = vector.extract %slice3A_719[0] : i32 from vector<1xi32>
      %slice3A_721 = vector.extract_strided_slice %min3A_624 {offsets = [8], sizes = [1], strides = [1]} : vector<16xi32> to vector<1xi32>
      %squeeze3A_722 = vector.extract %slice3A_721[0] : i32 from vector<1xi32>
      %add3A_723 = arith.addi %squeeze3A_720, %squeeze3A_722 : i32
      %slice3A_724 = vector.extract_strided_slice %min3A_624 {offsets = [9], sizes = [1], strides = [1]} : vector<16xi32> to vector<1xi32>
      %squeeze3A_725 = vector.extract %slice3A_724[0] : i32 from vector<1xi32>
      %and3A_726 = arith.constant -16 : i32
      %and3A_727 = arith.andi %squeeze3A_725, %and3A_726 : i32
      %multiple_of3A_728 = tpu.assume_multiple %and3A_727, 16 : i32
      %dma_start3A_729 = arith.constant 28 : i32
      %dma_start3A_730 = arith.constant 0 : i32
      %dma_start3A_731 = tpu.memref_slice %arg8[%dma_start3A_729, %dma_start3A_730] : memref<48x16xf32, #tpu.memory_space<vmem>> -> memref<1x16xf32, #tpu.memory_space<vmem>>
      %dma_start3A_732 = tpu.memref_squeeze %dma_start3A_731 : memref<1x16xf32, #tpu.memory_space<vmem>> -> memref<16xf32, #tpu.memory_space<vmem>>
      %dma_start3A_733 = tpu.memref_slice %arg4[%add3A_723, %multiple_of3A_728] : memref<16384x1024xf32, #tpu.memory_space<hbm>> -> memref<1x16xf32, #tpu.memory_space<hbm>>
      %dma_start3A_734 = tpu.memref_squeeze %dma_start3A_733 : memref<1x16xf32, #tpu.memory_space<hbm>> -> memref<16xf32, #tpu.memory_space<hbm>>
      %dma_start3A_735 = arith.constant 0 : i32
      %dma_start3A_736 = tpu.memref_slice %arg8[%dma_start3A_729, %dma_start3A_735] : memref<48x16xf32, #tpu.memory_space<vmem>> -> memref<1x16xf32, #tpu.memory_space<vmem>>
      %dma_start3A_737 = tpu.memref_squeeze %dma_start3A_736 : memref<1x16xf32, #tpu.memory_space<vmem>> -> memref<16xf32, #tpu.memory_space<vmem>>
      %dma_start3A_738 = tpu.memref_slice %arg4[%add3A_723, %multiple_of3A_728] : memref<16384x1024xf32, #tpu.memory_space<hbm>> -> memref<1x16xf32, #tpu.memory_space<hbm>>
      %dma_start3A_739 = tpu.memref_squeeze %dma_start3A_738 : memref<1x16xf32, #tpu.memory_space<hbm>> -> memref<16xf32, #tpu.memory_space<hbm>>
      tpu.enqueue_dma source(%dma_start3A_739 : memref<16xf32, #tpu.memory_space<hbm>>) target(%dma_start3A_737 : memref<16xf32, #tpu.memory_space<vmem>>) target_semaphore(%arg12 : memref<!tpu.dma_semaphore, #tpu.memory_space<semaphore_mem>>)
      %slice3A_740 = vector.extract_strided_slice %get3A_408 {offsets = [13], sizes = [1], strides = [1]} : vector<16xi32> to vector<1xi32>
      %squeeze3A_741 = vector.extract %slice3A_740[0] : i32 from vector<1xi32>
      %slice3A_742 = vector.extract_strided_slice %min3A_624 {offsets = [10], sizes = [1], strides = [1]} : vector<16xi32> to vector<1xi32>
      %squeeze3A_743 = vector.extract %slice3A_742[0] : i32 from vector<1xi32>
      %add3A_744 = arith.addi %squeeze3A_741, %squeeze3A_743 : i32
      %slice3A_745 = vector.extract_strided_slice %min3A_624 {offsets = [11], sizes = [1], strides = [1]} : vector<16xi32> to vector<1xi32>
      %squeeze3A_746 = vector.extract %slice3A_745[0] : i32 from vector<1xi32>
      %and3A_747 = arith.constant -16 : i32
      %and3A_748 = arith.andi %squeeze3A_746, %and3A_747 : i32
      %multiple_of3A_749 = tpu.assume_multiple %and3A_748, 16 : i32
      %dma_start3A_750 = arith.constant 29 : i32
      %dma_start3A_751 = arith.constant 0 : i32
      %dma_start3A_752 = tpu.memref_slice %arg8[%dma_start3A_750, %dma_start3A_751] : memref<48x16xf32, #tpu.memory_space<vmem>> -> memref<1x16xf32, #tpu.memory_space<vmem>>
      %dma_start3A_753 = tpu.memref_squeeze %dma_start3A_752 : memref<1x16xf32, #tpu.memory_space<vmem>> -> memref<16xf32, #tpu.memory_space<vmem>>
      %dma_start3A_754 = tpu.memref_slice %arg4[%add3A_744, %multiple_of3A_749] : memref<16384x1024xf32, #tpu.memory_space<hbm>> -> memref<1x16xf32, #tpu.memory_space<hbm>>
      %dma_start3A_755 = tpu.memref_squeeze %dma_start3A_754 : memref<1x16xf32, #tpu.memory_space<hbm>> -> memref<16xf32, #tpu.memory_space<hbm>>
      %dma_start3A_756 = arith.constant 0 : i32
      %dma_start3A_757 = tpu.memref_slice %arg8[%dma_start3A_750, %dma_start3A_756] : memref<48x16xf32, #tpu.memory_space<vmem>> -> memref<1x16xf32, #tpu.memory_space<vmem>>
      %dma_start3A_758 = tpu.memref_squeeze %dma_start3A_757 : memref<1x16xf32, #tpu.memory_space<vmem>> -> memref<16xf32, #tpu.memory_space<vmem>>
      %dma_start3A_759 = tpu.memref_slice %arg4[%add3A_744, %multiple_of3A_749] : memref<16384x1024xf32, #tpu.memory_space<hbm>> -> memref<1x16xf32, #tpu.memory_space<hbm>>
      %dma_start3A_760 = tpu.memref_squeeze %dma_start3A_759 : memref<1x16xf32, #tpu.memory_space<hbm>> -> memref<16xf32, #tpu.memory_space<hbm>>
      tpu.enqueue_dma source(%dma_start3A_760 : memref<16xf32, #tpu.memory_space<hbm>>) target(%dma_start3A_758 : memref<16xf32, #tpu.memory_space<vmem>>) target_semaphore(%arg12 : memref<!tpu.dma_semaphore, #tpu.memory_space<semaphore_mem>>)
      %slice3A_761 = vector.extract_strided_slice %get3A_408 {offsets = [14], sizes = [1], strides = [1]} : vector<16xi32> to vector<1xi32>
      %squeeze3A_762 = vector.extract %slice3A_761[0] : i32 from vector<1xi32>
      %slice3A_763 = vector.extract_strided_slice %min3A_624 {offsets = [12], sizes = [1], strides = [1]} : vector<16xi32> to vector<1xi32>
      %squeeze3A_764 = vector.extract %slice3A_763[0] : i32 from vector<1xi32>
      %add3A_765 = arith.addi %squeeze3A_762, %squeeze3A_764 : i32
      %slice3A_766 = vector.extract_strided_slice %min3A_624 {offsets = [13], sizes = [1], strides = [1]} : vector<16xi32> to vector<1xi32>
      %squeeze3A_767 = vector.extract %slice3A_766[0] : i32 from vector<1xi32>
      %and3A_768 = arith.constant -16 : i32
      %and3A_769 = arith.andi %squeeze3A_767, %and3A_768 : i32
      %multiple_of3A_770 = tpu.assume_multiple %and3A_769, 16 : i32
      %dma_start3A_771 = arith.constant 30 : i32
      %dma_start3A_772 = arith.constant 0 : i32
      %dma_start3A_773 = tpu.memref_slice %arg8[%dma_start3A_771, %dma_start3A_772] : memref<48x16xf32, #tpu.memory_space<vmem>> -> memref<1x16xf32, #tpu.memory_space<vmem>>
      %dma_start3A_774 = tpu.memref_squeeze %dma_start3A_773 : memref<1x16xf32, #tpu.memory_space<vmem>> -> memref<16xf32, #tpu.memory_space<vmem>>
      %dma_start3A_775 = tpu.memref_slice %arg4[%add3A_765, %multiple_of3A_770] : memref<16384x1024xf32, #tpu.memory_space<hbm>> -> memref<1x16xf32, #tpu.memory_space<hbm>>
      %dma_start3A_776 = tpu.memref_squeeze %dma_start3A_775 : memref<1x16xf32, #tpu.memory_space<hbm>> -> memref<16xf32, #tpu.memory_space<hbm>>
      %dma_start3A_777 = arith.constant 0 : i32
      %dma_start3A_778 = tpu.memref_slice %arg8[%dma_start3A_771, %dma_start3A_777] : memref<48x16xf32, #tpu.memory_space<vmem>> -> memref<1x16xf32, #tpu.memory_space<vmem>>
      %dma_start3A_779 = tpu.memref_squeeze %dma_start3A_778 : memref<1x16xf32, #tpu.memory_space<vmem>> -> memref<16xf32, #tpu.memory_space<vmem>>
      %dma_start3A_780 = tpu.memref_slice %arg4[%add3A_765, %multiple_of3A_770] : memref<16384x1024xf32, #tpu.memory_space<hbm>> -> memref<1x16xf32, #tpu.memory_space<hbm>>
      %dma_start3A_781 = tpu.memref_squeeze %dma_start3A_780 : memref<1x16xf32, #tpu.memory_space<hbm>> -> memref<16xf32, #tpu.memory_space<hbm>>
      tpu.enqueue_dma source(%dma_start3A_781 : memref<16xf32, #tpu.memory_space<hbm>>) target(%dma_start3A_779 : memref<16xf32, #tpu.memory_space<vmem>>) target_semaphore(%arg12 : memref<!tpu.dma_semaphore, #tpu.memory_space<semaphore_mem>>)
      %slice3A_782 = vector.extract_strided_slice %get3A_408 {offsets = [15], sizes = [1], strides = [1]} : vector<16xi32> to vector<1xi32>
      %squeeze3A_783 = vector.extract %slice3A_782[0] : i32 from vector<1xi32>
      %slice3A_784 = vector.extract_strided_slice %min3A_624 {offsets = [14], sizes = [1], strides = [1]} : vector<16xi32> to vector<1xi32>
      %squeeze3A_785 = vector.extract %slice3A_784[0] : i32 from vector<1xi32>
      %add3A_786 = arith.addi %squeeze3A_783, %squeeze3A_785 : i32
      %slice3A_787 = vector.extract_strided_slice %min3A_624 {offsets = [15], sizes = [1], strides = [1]} : vector<16xi32> to vector<1xi32>
      %squeeze3A_788 = vector.extract %slice3A_787[0] : i32 from vector<1xi32>
      %and3A_789 = arith.constant -16 : i32
      %and3A_790 = arith.andi %squeeze3A_788, %and3A_789 : i32
      %multiple_of3A_791 = tpu.assume_multiple %and3A_790, 16 : i32
      %dma_start3A_792 = arith.constant 31 : i32
      %dma_start3A_793 = arith.constant 0 : i32
      %dma_start3A_794 = tpu.memref_slice %arg8[%dma_start3A_792, %dma_start3A_793] : memref<48x16xf32, #tpu.memory_space<vmem>> -> memref<1x16xf32, #tpu.memory_space<vmem>>
      %dma_start3A_795 = tpu.memref_squeeze %dma_start3A_794 : memref<1x16xf32, #tpu.memory_space<vmem>> -> memref<16xf32, #tpu.memory_space<vmem>>
      %dma_start3A_796 = tpu.memref_slice %arg4[%add3A_786, %multiple_of3A_791] : memref<16384x1024xf32, #tpu.memory_space<hbm>> -> memref<1x16xf32, #tpu.memory_space<hbm>>
      %dma_start3A_797 = tpu.memref_squeeze %dma_start3A_796 : memref<1x16xf32, #tpu.memory_space<hbm>> -> memref<16xf32, #tpu.memory_space<hbm>>
      %dma_start3A_798 = arith.constant 0 : i32
      %dma_start3A_799 = tpu.memref_slice %arg8[%dma_start3A_792, %dma_start3A_798] : memref<48x16xf32, #tpu.memory_space<vmem>> -> memref<1x16xf32, #tpu.memory_space<vmem>>
      %dma_start3A_800 = tpu.memref_squeeze %dma_start3A_799 : memref<1x16xf32, #tpu.memory_space<vmem>> -> memref<16xf32, #tpu.memory_space<vmem>>
      %dma_start3A_801 = tpu.memref_slice %arg4[%add3A_786, %multiple_of3A_791] : memref<16384x1024xf32, #tpu.memory_space<hbm>> -> memref<1x16xf32, #tpu.memory_space<hbm>>
      %dma_start3A_802 = tpu.memref_squeeze %dma_start3A_801 : memref<1x16xf32, #tpu.memory_space<hbm>> -> memref<16xf32, #tpu.memory_space<hbm>>
      tpu.enqueue_dma source(%dma_start3A_802 : memref<16xf32, #tpu.memory_space<hbm>>) target(%dma_start3A_800 : memref<16xf32, #tpu.memory_space<vmem>>) target_semaphore(%arg12 : memref<!tpu.dma_semaphore, #tpu.memory_space<semaphore_mem>>)
      %mul3A_803 = arith.constant 3 : i32
      %mul3A_804 = arith.muli %arg1, %mul3A_803 : i32
      %add3A_805 = arith.constant 2 : i32
      %add3A_806 = arith.addi %mul3A_804, %add3A_805 : i32
      %mul3A_807 = arith.constant 16 : i32
      %mul3A_808 = arith.muli %add3A_806, %mul3A_807 : i32
      %get3A_809 = arith.index_cast %mul3A_808 : i32 to index
      %get3A_810 = tpu.vector_load %arg7[%get3A_809] {strides = array<i32>} : memref<672xi32, #tpu.memory_space<vmem>>, vector<16xi32>,
      %get3A_811 = vector.shape_cast %get3A_810 : vector<16xi32> to vector<16xi32>
      %mul3A_812 = arith.constant 2 : i32
      %mul3A_813 = arith.muli %add3A_806, %mul3A_812 : i32
      %mul3A_814 = arith.constant 16 : i32
      %mul3A_815 = arith.muli %mul3A_813, %mul3A_814 : i32
      %add3A_816 = arith.constant 0 : i32
      %add3A_817 = arith.addi %mul3A_815, %add3A_816 : i32
      %get3A_818 = arith.index_cast %add3A_817 : i32 to index
      %get3A_819 = tpu.vector_load %arg6[%get3A_818] {strides = array<i32>} : memref<1344xf32, #tpu.memory_space<vmem>>, vector<16xf32>,
      %get3A_820 = vector.shape_cast %get3A_819 : vector<16xf32> to vector<16xf32>
      %add3A_821 = arith.constant 1.000000e+00 : f32
      %add3A_822 = vector.broadcast %add3A_821 : f32 to vector<16xf32>
      %add3A_823 = arith.addf %get3A_820, %add3A_822 : vector<16xf32>
      %mul3A_824 = arith.constant 5.120000e+02 : f32
      %mul3A_825 = vector.broadcast %mul3A_824 : f32 to vector<16xf32>
      %mul3A_826 = arith.mulf %add3A_823, %mul3A_825 : vector<16xf32>
      %convert_element_type3A_827 = arith.fptosi %mul3A_826 : vector<16xf32> to vector<16xi32>
      %min3A_828 = arith.constant 1023 : i32
      %min3A_829 = vector.broadcast %min3A_828 : i32 to vector<16xi32>
      %min3A_830 = arith.minsi %convert_element_type3A_827, %min3A_829 : vector<16xi32>
      %div3A_831 = arith.divf %get3A_820, %get3A_820 : vector<16xf32>
      %ge3A_832 = arith.constant 1.000000e+00 : f32
      %ge3A_833 = vector.broadcast %ge3A_832 : f32 to vector<16xf32>
      %ge3A_834 = arith.cmpf oge, %div3A_831, %ge3A_833 : vector<16xf32>
      %mul3A_835 = arith.constant 0.000000e+00 : f32
      %mul3A_836 = vector.broadcast %mul3A_835 : f32 to vector<16xf32>
      %mul3A_837 = arith.mulf %mul3A_836, %div3A_831 : vector<16xf32>
      %jit3A_838 = arith.constant 1.000000e+00 : f32
      %broadcast_in_dim3A_839 = vector.broadcast %jit3A_838 : f32 to vector<16xf32>
      %select_n3A_840 = arith.select %ge3A_834, %broadcast_in_dim3A_839, %mul3A_837 : vector<16xi1>, vector<16xf32>
      %slice3A_841 = vector.extract_strided_slice %get3A_811 {offsets = [0], sizes = [1], strides = [1]} : vector<16xi32> to vector<1xi32>
      %squeeze3A_842 = vector.extract %slice3A_841[0] : i32 from vector<1xi32>
      %slice3A_843 = vector.extract_strided_slice %min3A_830 {offsets = [0], sizes = [1], strides = [1]} : vector<16xi32> to vector<1xi32>
      %squeeze3A_844 = vector.extract %slice3A_843[0] : i32 from vector<1xi32>
      %add3A_845 = arith.addi %squeeze3A_842, %squeeze3A_844 : i32
      %slice3A_846 = vector.extract_strided_slice %min3A_830 {offsets = [1], sizes = [1], strides = [1]} : vector<16xi32> to vector<1xi32>
      %squeeze3A_847 = vector.extract %slice3A_846[0] : i32 from vector<1xi32>
      %and3A_848 = arith.constant -16 : i32
      %and3A_849 = arith.andi %squeeze3A_847, %and3A_848 : i32
      %multiple_of3A_850 = tpu.assume_multiple %and3A_849, 16 : i32
      %dma_start3A_851 = arith.constant 32 : i32
      %dma_start3A_852 = arith.constant 0 : i32
      %dma_start3A_853 = tpu.memref_slice %arg8[%dma_start3A_851, %dma_start3A_852] : memref<48x16xf32, #tpu.memory_space<vmem>> -> memref<1x16xf32, #tpu.memory_space<vmem>>
      %dma_start3A_854 = tpu.memref_squeeze %dma_start3A_853 : memref<1x16xf32, #tpu.memory_space<vmem>> -> memref<16xf32, #tpu.memory_space<vmem>>
      %dma_start3A_855 = tpu.memref_slice %arg4[%add3A_845, %multiple_of3A_850] : memref<16384x1024xf32, #tpu.memory_space<hbm>> -> memref<1x16xf32, #tpu.memory_space<hbm>>
      %dma_start3A_856 = tpu.memref_squeeze %dma_start3A_855 : memref<1x16xf32, #tpu.memory_space<hbm>> -> memref<16xf32, #tpu.memory_space<hbm>>
      %dma_start3A_857 = arith.constant 0 : i32
      %dma_start3A_858 = tpu.memref_slice %arg8[%dma_start3A_851, %dma_start3A_857] : memref<48x16xf32, #tpu.memory_space<vmem>> -> memref<1x16xf32, #tpu.memory_space<vmem>>
      %dma_start3A_859 = tpu.memref_squeeze %dma_start3A_858 : memref<1x16xf32, #tpu.memory_space<vmem>> -> memref<16xf32, #tpu.memory_space<vmem>>
      %dma_start3A_860 = tpu.memref_slice %arg4[%add3A_845, %multiple_of3A_850] : memref<16384x1024xf32, #tpu.memory_space<hbm>> -> memref<1x16xf32, #tpu.memory_space<hbm>>
      %dma_start3A_861 = tpu.memref_squeeze %dma_start3A_860 : memref<1x16xf32, #tpu.memory_space<hbm>> -> memref<16xf32, #tpu.memory_space<hbm>>
      tpu.enqueue_dma source(%dma_start3A_861 : memref<16xf32, #tpu.memory_space<hbm>>) target(%dma_start3A_859 : memref<16xf32, #tpu.memory_space<vmem>>) target_semaphore(%arg12 : memref<!tpu.dma_semaphore, #tpu.memory_space<semaphore_mem>>)
      %slice3A_862 = vector.extract_strided_slice %get3A_811 {offsets = [1], sizes = [1], strides = [1]} : vector<16xi32> to vector<1xi32>
      %squeeze3A_863 = vector.extract %slice3A_862[0] : i32 from vector<1xi32>
      %slice3A_864 = vector.extract_strided_slice %min3A_830 {offsets = [2], sizes = [1], strides = [1]} : vector<16xi32> to vector<1xi32>
      %squeeze3A_865 = vector.extract %slice3A_864[0] : i32 from vector<1xi32>
      %add3A_866 = arith.addi %squeeze3A_863, %squeeze3A_865 : i32
      %slice3A_867 = vector.extract_strided_slice %min3A_830 {offsets = [3], sizes = [1], strides = [1]} : vector<16xi32> to vector<1xi32>
      %squeeze3A_868 = vector.extract %slice3A_867[0] : i32 from vector<1xi32>
      %and3A_869 = arith.constant -16 : i32
      %and3A_870 = arith.andi %squeeze3A_868, %and3A_869 : i32
      %multiple_of3A_871 = tpu.assume_multiple %and3A_870, 16 : i32
      %dma_start3A_872 = arith.constant 33 : i32
      %dma_start3A_873 = arith.constant 0 : i32
      %dma_start3A_874 = tpu.memref_slice %arg8[%dma_start3A_872, %dma_start3A_873] : memref<48x16xf32, #tpu.memory_space<vmem>> -> memref<1x16xf32, #tpu.memory_space<vmem>>
      %dma_start3A_875 = tpu.memref_squeeze %dma_start3A_874 : memref<1x16xf32, #tpu.memory_space<vmem>> -> memref<16xf32, #tpu.memory_space<vmem>>
      %dma_start3A_876 = tpu.memref_slice %arg4[%add3A_866, %multiple_of3A_871] : memref<16384x1024xf32, #tpu.memory_space<hbm>> -> memref<1x16xf32, #tpu.memory_space<hbm>>
      %dma_start3A_877 = tpu.memref_squeeze %dma_start3A_876 : memref<1x16xf32, #tpu.memory_space<hbm>> -> memref<16xf32, #tpu.memory_space<hbm>>
      %dma_start3A_878 = arith.constant 0 : i32
      %dma_start3A_879 = tpu.memref_slice %arg8[%dma_start3A_872, %dma_start3A_878] : memref<48x16xf32, #tpu.memory_space<vmem>> -> memref<1x16xf32, #tpu.memory_space<vmem>>
      %dma_start3A_880 = tpu.memref_squeeze %dma_start3A_879 : memref<1x16xf32, #tpu.memory_space<vmem>> -> memref<16xf32, #tpu.memory_space<vmem>>
      %dma_start3A_881 = tpu.memref_slice %arg4[%add3A_866, %multiple_of3A_871] : memref<16384x1024xf32, #tpu.memory_space<hbm>> -> memref<1x16xf32, #tpu.memory_space<hbm>>
      %dma_start3A_882 = tpu.memref_squeeze %dma_start3A_881 : memref<1x16xf32, #tpu.memory_space<hbm>> -> memref<16xf32, #tpu.memory_space<hbm>>
      tpu.enqueue_dma source(%dma_start3A_882 : memref<16xf32, #tpu.memory_space<hbm>>) target(%dma_start3A_880 : memref<16xf32, #tpu.memory_space<vmem>>) target_semaphore(%arg12 : memref<!tpu.dma_semaphore, #tpu.memory_space<semaphore_mem>>)
      %slice3A_883 = vector.extract_strided_slice %get3A_811 {offsets = [2], sizes = [1], strides = [1]} : vector<16xi32> to vector<1xi32>
      %squeeze3A_884 = vector.extract %slice3A_883[0] : i32 from vector<1xi32>
      %slice3A_885 = vector.extract_strided_slice %min3A_830 {offsets = [4], sizes = [1], strides = [1]} : vector<16xi32> to vector<1xi32>
      %squeeze3A_886 = vector.extract %slice3A_885[0] : i32 from vector<1xi32>
      %add3A_887 = arith.addi %squeeze3A_884, %squeeze3A_886 : i32
      %slice3A_888 = vector.extract_strided_slice %min3A_830 {offsets = [5], sizes = [1], strides = [1]} : vector<16xi32> to vector<1xi32>
      %squeeze3A_889 = vector.extract %slice3A_888[0] : i32 from vector<1xi32>
      %and3A_890 = arith.constant -16 : i32
      %and3A_891 = arith.andi %squeeze3A_889, %and3A_890 : i32
      %multiple_of3A_892 = tpu.assume_multiple %and3A_891, 16 : i32
      %dma_start3A_893 = arith.constant 34 : i32
      %dma_start3A_894 = arith.constant 0 : i32
      %dma_start3A_895 = tpu.memref_slice %arg8[%dma_start3A_893, %dma_start3A_894] : memref<48x16xf32, #tpu.memory_space<vmem>> -> memref<1x16xf32, #tpu.memory_space<vmem>>
      %dma_start3A_896 = tpu.memref_squeeze %dma_start3A_895 : memref<1x16xf32, #tpu.memory_space<vmem>> -> memref<16xf32, #tpu.memory_space<vmem>>
      %dma_start3A_897 = tpu.memref_slice %arg4[%add3A_887, %multiple_of3A_892] : memref<16384x1024xf32, #tpu.memory_space<hbm>> -> memref<1x16xf32, #tpu.memory_space<hbm>>
      %dma_start3A_898 = tpu.memref_squeeze %dma_start3A_897 : memref<1x16xf32, #tpu.memory_space<hbm>> -> memref<16xf32, #tpu.memory_space<hbm>>
      %dma_start3A_899 = arith.constant 0 : i32
      %dma_start3A_900 = tpu.memref_slice %arg8[%dma_start3A_893, %dma_start3A_899] : memref<48x16xf32, #tpu.memory_space<vmem>> -> memref<1x16xf32, #tpu.memory_space<vmem>>
      %dma_start3A_901 = tpu.memref_squeeze %dma_start3A_900 : memref<1x16xf32, #tpu.memory_space<vmem>> -> memref<16xf32, #tpu.memory_space<vmem>>
      %dma_start3A_902 = tpu.memref_slice %arg4[%add3A_887, %multiple_of3A_892] : memref<16384x1024xf32, #tpu.memory_space<hbm>> -> memref<1x16xf32, #tpu.memory_space<hbm>>
      %dma_start3A_903 = tpu.memref_squeeze %dma_start3A_902 : memref<1x16xf32, #tpu.memory_space<hbm>> -> memref<16xf32, #tpu.memory_space<hbm>>
      tpu.enqueue_dma source(%dma_start3A_903 : memref<16xf32, #tpu.memory_space<hbm>>) target(%dma_start3A_901 : memref<16xf32, #tpu.memory_space<vmem>>) target_semaphore(%arg12 : memref<!tpu.dma_semaphore, #tpu.memory_space<semaphore_mem>>)
      %slice3A_904 = vector.extract_strided_slice %get3A_811 {offsets = [3], sizes = [1], strides = [1]} : vector<16xi32> to vector<1xi32>
      %squeeze3A_905 = vector.extract %slice3A_904[0] : i32 from vector<1xi32>
      %slice3A_906 = vector.extract_strided_slice %min3A_830 {offsets = [6], sizes = [1], strides = [1]} : vector<16xi32> to vector<1xi32>
      %squeeze3A_907 = vector.extract %slice3A_906[0] : i32 from vector<1xi32>
      %add3A_908 = arith.addi %squeeze3A_905, %squeeze3A_907 : i32
      %slice3A_909 = vector.extract_strided_slice %min3A_830 {offsets = [7], sizes = [1], strides = [1]} : vector<16xi32> to vector<1xi32>
      %squeeze3A_910 = vector.extract %slice3A_909[0] : i32 from vector<1xi32>
      %and3A_911 = arith.constant -16 : i32
      %and3A_912 = arith.andi %squeeze3A_910, %and3A_911 : i32
      %multiple_of3A_913 = tpu.assume_multiple %and3A_912, 16 : i32
      %dma_start3A_914 = arith.constant 35 : i32
      %dma_start3A_915 = arith.constant 0 : i32
      %dma_start3A_916 = tpu.memref_slice %arg8[%dma_start3A_914, %dma_start3A_915] : memref<48x16xf32, #tpu.memory_space<vmem>> -> memref<1x16xf32, #tpu.memory_space<vmem>>
      %dma_start3A_917 = tpu.memref_squeeze %dma_start3A_916 : memref<1x16xf32, #tpu.memory_space<vmem>> -> memref<16xf32, #tpu.memory_space<vmem>>
      %dma_start3A_918 = tpu.memref_slice %arg4[%add3A_908, %multiple_of3A_913] : memref<16384x1024xf32, #tpu.memory_space<hbm>> -> memref<1x16xf32, #tpu.memory_space<hbm>>
      %dma_start3A_919 = tpu.memref_squeeze %dma_start3A_918 : memref<1x16xf32, #tpu.memory_space<hbm>> -> memref<16xf32, #tpu.memory_space<hbm>>
      %dma_start3A_920 = arith.constant 0 : i32
      %dma_start3A_921 = tpu.memref_slice %arg8[%dma_start3A_914, %dma_start3A_920] : memref<48x16xf32, #tpu.memory_space<vmem>> -> memref<1x16xf32, #tpu.memory_space<vmem>>
      %dma_start3A_922 = tpu.memref_squeeze %dma_start3A_921 : memref<1x16xf32, #tpu.memory_space<vmem>> -> memref<16xf32, #tpu.memory_space<vmem>>
      %dma_start3A_923 = tpu.memref_slice %arg4[%add3A_908, %multiple_of3A_913] : memref<16384x1024xf32, #tpu.memory_space<hbm>> -> memref<1x16xf32, #tpu.memory_space<hbm>>
      %dma_start3A_924 = tpu.memref_squeeze %dma_start3A_923 : memref<1x16xf32, #tpu.memory_space<hbm>> -> memref<16xf32, #tpu.memory_space<hbm>>
      tpu.enqueue_dma source(%dma_start3A_924 : memref<16xf32, #tpu.memory_space<hbm>>) target(%dma_start3A_922 : memref<16xf32, #tpu.memory_space<vmem>>) target_semaphore(%arg12 : memref<!tpu.dma_semaphore, #tpu.memory_space<semaphore_mem>>)
      %slice3A_925 = vector.extract_strided_slice %get3A_811 {offsets = [4], sizes = [1], strides = [1]} : vector<16xi32> to vector<1xi32>
      %squeeze3A_926 = vector.extract %slice3A_925[0] : i32 from vector<1xi32>
      %slice3A_927 = vector.extract_strided_slice %min3A_830 {offsets = [8], sizes = [1], strides = [1]} : vector<16xi32> to vector<1xi32>
      %squeeze3A_928 = vector.extract %slice3A_927[0] : i32 from vector<1xi32>
      %add3A_929 = arith.addi %squeeze3A_926, %squeeze3A_928 : i32
      %slice3A_930 = vector.extract_strided_slice %min3A_830 {offsets = [9], sizes = [1], strides = [1]} : vector<16xi32> to vector<1xi32>
      %squeeze3A_931 = vector.extract %slice3A_930[0] : i32 from vector<1xi32>
      %and3A_932 = arith.constant -16 : i32
      %and3A_933 = arith.andi %squeeze3A_931, %and3A_932 : i32
      %multiple_of3A_934 = tpu.assume_multiple %and3A_933, 16 : i32
      %dma_start3A_935 = arith.constant 36 : i32
      %dma_start3A_936 = arith.constant 0 : i32
      %dma_start3A_937 = tpu.memref_slice %arg8[%dma_start3A_935, %dma_start3A_936] : memref<48x16xf32, #tpu.memory_space<vmem>> -> memref<1x16xf32, #tpu.memory_space<vmem>>
      %dma_start3A_938 = tpu.memref_squeeze %dma_start3A_937 : memref<1x16xf32, #tpu.memory_space<vmem>> -> memref<16xf32, #tpu.memory_space<vmem>>
      %dma_start3A_939 = tpu.memref_slice %arg4[%add3A_929, %multiple_of3A_934] : memref<16384x1024xf32, #tpu.memory_space<hbm>> -> memref<1x16xf32, #tpu.memory_space<hbm>>
      %dma_start3A_940 = tpu.memref_squeeze %dma_start3A_939 : memref<1x16xf32, #tpu.memory_space<hbm>> -> memref<16xf32, #tpu.memory_space<hbm>>
      %dma_start3A_941 = arith.constant 0 : i32
      %dma_start3A_942 = tpu.memref_slice %arg8[%dma_start3A_935, %dma_start3A_941] : memref<48x16xf32, #tpu.memory_space<vmem>> -> memref<1x16xf32, #tpu.memory_space<vmem>>
      %dma_start3A_943 = tpu.memref_squeeze %dma_start3A_942 : memref<1x16xf32, #tpu.memory_space<vmem>> -> memref<16xf32, #tpu.memory_space<vmem>>
      %dma_start3A_944 = tpu.memref_slice %arg4[%add3A_929, %multiple_of3A_934] : memref<16384x1024xf32, #tpu.memory_space<hbm>> -> memref<1x16xf32, #tpu.memory_space<hbm>>
      %dma_start3A_945 = tpu.memref_squeeze %dma_start3A_944 : memref<1x16xf32, #tpu.memory_space<hbm>> -> memref<16xf32, #tpu.memory_space<hbm>>
      tpu.enqueue_dma source(%dma_start3A_945 : memref<16xf32, #tpu.memory_space<hbm>>) target(%dma_start3A_943 : memref<16xf32, #tpu.memory_space<vmem>>) target_semaphore(%arg12 : memref<!tpu.dma_semaphore, #tpu.memory_space<semaphore_mem>>)
      %slice3A_946 = vector.extract_strided_slice %get3A_811 {offsets = [5], sizes = [1], strides = [1]} : vector<16xi32> to vector<1xi32>
      %squeeze3A_947 = vector.extract %slice3A_946[0] : i32 from vector<1xi32>
      %slice3A_948 = vector.extract_strided_slice %min3A_830 {offsets = [10], sizes = [1], strides = [1]} : vector<16xi32> to vector<1xi32>
      %squeeze3A_949 = vector.extract %slice3A_948[0] : i32 from vector<1xi32>
      %add3A_950 = arith.addi %squeeze3A_947, %squeeze3A_949 : i32
      %slice3A_951 = vector.extract_strided_slice %min3A_830 {offsets = [11], sizes = [1], strides = [1]} : vector<16xi32> to vector<1xi32>
      %squeeze3A_952 = vector.extract %slice3A_951[0] : i32 from vector<1xi32>
      %and3A_953 = arith.constant -16 : i32
      %and3A_954 = arith.andi %squeeze3A_952, %and3A_953 : i32
      %multiple_of3A_955 = tpu.assume_multiple %and3A_954, 16 : i32
      %dma_start3A_956 = arith.constant 37 : i32
      %dma_start3A_957 = arith.constant 0 : i32
      %dma_start3A_958 = tpu.memref_slice %arg8[%dma_start3A_956, %dma_start3A_957] : memref<48x16xf32, #tpu.memory_space<vmem>> -> memref<1x16xf32, #tpu.memory_space<vmem>>
      %dma_start3A_959 = tpu.memref_squeeze %dma_start3A_958 : memref<1x16xf32, #tpu.memory_space<vmem>> -> memref<16xf32, #tpu.memory_space<vmem>>
      %dma_start3A_960 = tpu.memref_slice %arg4[%add3A_950, %multiple_of3A_955] : memref<16384x1024xf32, #tpu.memory_space<hbm>> -> memref<1x16xf32, #tpu.memory_space<hbm>>
      %dma_start3A_961 = tpu.memref_squeeze %dma_start3A_960 : memref<1x16xf32, #tpu.memory_space<hbm>> -> memref<16xf32, #tpu.memory_space<hbm>>
      %dma_start3A_962 = arith.constant 0 : i32
      %dma_start3A_963 = tpu.memref_slice %arg8[%dma_start3A_956, %dma_start3A_962] : memref<48x16xf32, #tpu.memory_space<vmem>> -> memref<1x16xf32, #tpu.memory_space<vmem>>
      %dma_start3A_964 = tpu.memref_squeeze %dma_start3A_963 : memref<1x16xf32, #tpu.memory_space<vmem>> -> memref<16xf32, #tpu.memory_space<vmem>>
      %dma_start3A_965 = tpu.memref_slice %arg4[%add3A_950, %multiple_of3A_955] : memref<16384x1024xf32, #tpu.memory_space<hbm>> -> memref<1x16xf32, #tpu.memory_space<hbm>>
      %dma_start3A_966 = tpu.memref_squeeze %dma_start3A_965 : memref<1x16xf32, #tpu.memory_space<hbm>> -> memref<16xf32, #tpu.memory_space<hbm>>
      tpu.enqueue_dma source(%dma_start3A_966 : memref<16xf32, #tpu.memory_space<hbm>>) target(%dma_start3A_964 : memref<16xf32, #tpu.memory_space<vmem>>) target_semaphore(%arg12 : memref<!tpu.dma_semaphore, #tpu.memory_space<semaphore_mem>>)
      %slice3A_967 = vector.extract_strided_slice %get3A_811 {offsets = [6], sizes = [1], strides = [1]} : vector<16xi32> to vector<1xi32>
      %squeeze3A_968 = vector.extract %slice3A_967[0] : i32 from vector<1xi32>
      %slice3A_969 = vector.extract_strided_slice %min3A_830 {offsets = [12], sizes = [1], strides = [1]} : vector<16xi32> to vector<1xi32>
      %squeeze3A_970 = vector.extract %slice3A_969[0] : i32 from vector<1xi32>
      %add3A_971 = arith.addi %squeeze3A_968, %squeeze3A_970 : i32
      %slice3A_972 = vector.extract_strided_slice %min3A_830 {offsets = [13], sizes = [1], strides = [1]} : vector<16xi32> to vector<1xi32>
      %squeeze3A_973 = vector.extract %slice3A_972[0] : i32 from vector<1xi32>
      %and3A_974 = arith.constant -16 : i32
      %and3A_975 = arith.andi %squeeze3A_973, %and3A_974 : i32
      %multiple_of3A_976 = tpu.assume_multiple %and3A_975, 16 : i32
      %dma_start3A_977 = arith.constant 38 : i32
      %dma_start3A_978 = arith.constant 0 : i32
      %dma_start3A_979 = tpu.memref_slice %arg8[%dma_start3A_977, %dma_start3A_978] : memref<48x16xf32, #tpu.memory_space<vmem>> -> memref<1x16xf32, #tpu.memory_space<vmem>>
      %dma_start3A_980 = tpu.memref_squeeze %dma_start3A_979 : memref<1x16xf32, #tpu.memory_space<vmem>> -> memref<16xf32, #tpu.memory_space<vmem>>
      %dma_start3A_981 = tpu.memref_slice %arg4[%add3A_971, %multiple_of3A_976] : memref<16384x1024xf32, #tpu.memory_space<hbm>> -> memref<1x16xf32, #tpu.memory_space<hbm>>
      %dma_start3A_982 = tpu.memref_squeeze %dma_start3A_981 : memref<1x16xf32, #tpu.memory_space<hbm>> -> memref<16xf32, #tpu.memory_space<hbm>>
      %dma_start3A_983 = arith.constant 0 : i32
      %dma_start3A_984 = tpu.memref_slice %arg8[%dma_start3A_977, %dma_start3A_983] : memref<48x16xf32, #tpu.memory_space<vmem>> -> memref<1x16xf32, #tpu.memory_space<vmem>>
      %dma_start3A_985 = tpu.memref_squeeze %dma_start3A_984 : memref<1x16xf32, #tpu.memory_space<vmem>> -> memref<16xf32, #tpu.memory_space<vmem>>
      %dma_start3A_986 = tpu.memref_slice %arg4[%add3A_971, %multiple_of3A_976] : memref<16384x1024xf32, #tpu.memory_space<hbm>> -> memref<1x16xf32, #tpu.memory_space<hbm>>
      %dma_start3A_987 = tpu.memref_squeeze %dma_start3A_986 : memref<1x16xf32, #tpu.memory_space<hbm>> -> memref<16xf32, #tpu.memory_space<hbm>>
      tpu.enqueue_dma source(%dma_start3A_987 : memref<16xf32, #tpu.memory_space<hbm>>) target(%dma_start3A_985 : memref<16xf32, #tpu.memory_space<vmem>>) target_semaphore(%arg12 : memref<!tpu.dma_semaphore, #tpu.memory_space<semaphore_mem>>)
      %slice3A_988 = vector.extract_strided_slice %get3A_811 {offsets = [7], sizes = [1], strides = [1]} : vector<16xi32> to vector<1xi32>
      %squeeze3A_989 = vector.extract %slice3A_988[0] : i32 from vector<1xi32>
      %slice3A_990 = vector.extract_strided_slice %min3A_830 {offsets = [14], sizes = [1], strides = [1]} : vector<16xi32> to vector<1xi32>
      %squeeze3A_991 = vector.extract %slice3A_990[0] : i32 from vector<1xi32>
      %add3A_992 = arith.addi %squeeze3A_989, %squeeze3A_991 : i32
      %slice3A_993 = vector.extract_strided_slice %min3A_830 {offsets = [15], sizes = [1], strides = [1]} : vector<16xi32> to vector<1xi32>
      %squeeze3A_994 = vector.extract %slice3A_993[0] : i32 from vector<1xi32>
      %and3A_995 = arith.constant -16 : i32
      %and3A_996 = arith.andi %squeeze3A_994, %and3A_995 : i32
      %multiple_of3A_997 = tpu.assume_multiple %and3A_996, 16 : i32
      %dma_start3A_998 = arith.constant 39 : i32
      %dma_start3A_999 = arith.constant 0 : i32
      %dma_start3A_1000 = tpu.memref_slice %arg8[%dma_start3A_998, %dma_start3A_999] : memref<48x16xf32, #tpu.memory_space<vmem>> -> memref<1x16xf32, #tpu.memory_space<vmem>>
      %dma_start3A_1001 = tpu.memref_squeeze %dma_start3A_1000 : memref<1x16xf32, #tpu.memory_space<vmem>> -> memref<16xf32, #tpu.memory_space<vmem>>
      %dma_start3A_1002 = tpu.memref_slice %arg4[%add3A_992, %multiple_of3A_997] : memref<16384x1024xf32, #tpu.memory_space<hbm>> -> memref<1x16xf32, #tpu.memory_space<hbm>>
      %dma_start3A_1003 = tpu.memref_squeeze %dma_start3A_1002 : memref<1x16xf32, #tpu.memory_space<hbm>> -> memref<16xf32, #tpu.memory_space<hbm>>
      %dma_start3A_1004 = arith.constant 0 : i32
      %dma_start3A_1005 = tpu.memref_slice %arg8[%dma_start3A_998, %dma_start3A_1004] : memref<48x16xf32, #tpu.memory_space<vmem>> -> memref<1x16xf32, #tpu.memory_space<vmem>>
      %dma_start3A_1006 = tpu.memref_squeeze %dma_start3A_1005 : memref<1x16xf32, #tpu.memory_space<vmem>> -> memref<16xf32, #tpu.memory_space<vmem>>
      %dma_start3A_1007 = tpu.memref_slice %arg4[%add3A_992, %multiple_of3A_997] : memref<16384x1024xf32, #tpu.memory_space<hbm>> -> memref<1x16xf32, #tpu.memory_space<hbm>>
      %dma_start3A_1008 = tpu.memref_squeeze %dma_start3A_1007 : memref<1x16xf32, #tpu.memory_space<hbm>> -> memref<16xf32, #tpu.memory_space<hbm>>
      tpu.enqueue_dma source(%dma_start3A_1008 : memref<16xf32, #tpu.memory_space<hbm>>) target(%dma_start3A_1006 : memref<16xf32, #tpu.memory_space<vmem>>) target_semaphore(%arg12 : memref<!tpu.dma_semaphore, #tpu.memory_space<semaphore_mem>>)
      %mul3A_1009 = arith.constant 2 : i32
      %mul3A_1010 = arith.muli %add3A_806, %mul3A_1009 : i32
      %mul3A_1011 = arith.constant 16 : i32
      %mul3A_1012 = arith.muli %mul3A_1010, %mul3A_1011 : i32
      %add3A_1013 = arith.constant 16 : i32
      %add3A_1014 = arith.addi %mul3A_1012, %add3A_1013 : i32
      %get3A_1015 = arith.index_cast %add3A_1014 : i32 to index
      %get3A_1016 = tpu.vector_load %arg6[%get3A_1015] {strides = array<i32>} : memref<1344xf32, #tpu.memory_space<vmem>>, vector<16xf32>,
      %get3A_1017 = vector.shape_cast %get3A_1016 : vector<16xf32> to vector<16xf32>
      %add3A_1018 = arith.constant 1.000000e+00 : f32
      %add3A_1019 = vector.broadcast %add3A_1018 : f32 to vector<16xf32>
      %add3A_1020 = arith.addf %get3A_1017, %add3A_1019 : vector<16xf32>
      %mul3A_1021 = arith.constant 5.120000e+02 : f32
      %mul3A_1022 = vector.broadcast %mul3A_1021 : f32 to vector<16xf32>
      %mul3A_1023 = arith.mulf %add3A_1020, %mul3A_1022 : vector<16xf32>
      %convert_element_type3A_1024 = arith.fptosi %mul3A_1023 : vector<16xf32> to vector<16xi32>
      %min3A_1025 = arith.constant 1023 : i32
      %min3A_1026 = vector.broadcast %min3A_1025 : i32 to vector<16xi32>
      %min3A_1027 = arith.minsi %convert_element_type3A_1024, %min3A_1026 : vector<16xi32>
      %div3A_1028 = arith.divf %get3A_1017, %get3A_1017 : vector<16xf32>
      %ge3A_1029 = arith.constant 1.000000e+00 : f32
      %ge3A_1030 = vector.broadcast %ge3A_1029 : f32 to vector<16xf32>
      %ge3A_1031 = arith.cmpf oge, %div3A_1028, %ge3A_1030 : vector<16xf32>
      %mul3A_1032 = arith.constant 0.000000e+00 : f32
      %mul3A_1033 = vector.broadcast %mul3A_1032 : f32 to vector<16xf32>
      %mul3A_1034 = arith.mulf %mul3A_1033, %div3A_1028 : vector<16xf32>
      %jit3A_1035 = arith.constant 1.000000e+00 : f32
      %broadcast_in_dim3A_1036 = vector.broadcast %jit3A_1035 : f32 to vector<16xf32>
      %select_n3A_1037 = arith.select %ge3A_1031, %broadcast_in_dim3A_1036, %mul3A_1034 : vector<16xi1>, vector<16xf32>
      %slice3A_1038 = vector.extract_strided_slice %get3A_811 {offsets = [8], sizes = [1], strides = [1]} : vector<16xi32> to vector<1xi32>
      %squeeze3A_1039 = vector.extract %slice3A_1038[0] : i32 from vector<1xi32>
      %slice3A_1040 = vector.extract_strided_slice %min3A_1027 {offsets = [0], sizes = [1], strides = [1]} : vector<16xi32> to vector<1xi32>
      %squeeze3A_1041 = vector.extract %slice3A_1040[0] : i32 from vector<1xi32>
      %add3A_1042 = arith.addi %squeeze3A_1039, %squeeze3A_1041 : i32
      %slice3A_1043 = vector.extract_strided_slice %min3A_1027 {offsets = [1], sizes = [1], strides = [1]} : vector<16xi32> to vector<1xi32>
      %squeeze3A_1044 = vector.extract %slice3A_1043[0] : i32 from vector<1xi32>
      %and3A_1045 = arith.constant -16 : i32
      %and3A_1046 = arith.andi %squeeze3A_1044, %and3A_1045 : i32
      %multiple_of3A_1047 = tpu.assume_multiple %and3A_1046, 16 : i32
      %dma_start3A_1048 = arith.constant 40 : i32
      %dma_start3A_1049 = arith.constant 0 : i32
      %dma_start3A_1050 = tpu.memref_slice %arg8[%dma_start3A_1048, %dma_start3A_1049] : memref<48x16xf32, #tpu.memory_space<vmem>> -> memref<1x16xf32, #tpu.memory_space<vmem>>
      %dma_start3A_1051 = tpu.memref_squeeze %dma_start3A_1050 : memref<1x16xf32, #tpu.memory_space<vmem>> -> memref<16xf32, #tpu.memory_space<vmem>>
      %dma_start3A_1052 = tpu.memref_slice %arg4[%add3A_1042, %multiple_of3A_1047] : memref<16384x1024xf32, #tpu.memory_space<hbm>> -> memref<1x16xf32, #tpu.memory_space<hbm>>
      %dma_start3A_1053 = tpu.memref_squeeze %dma_start3A_1052 : memref<1x16xf32, #tpu.memory_space<hbm>> -> memref<16xf32, #tpu.memory_space<hbm>>
      %dma_start3A_1054 = arith.constant 0 : i32
      %dma_start3A_1055 = tpu.memref_slice %arg8[%dma_start3A_1048, %dma_start3A_1054] : memref<48x16xf32, #tpu.memory_space<vmem>> -> memref<1x16xf32, #tpu.memory_space<vmem>>
      %dma_start3A_1056 = tpu.memref_squeeze %dma_start3A_1055 : memref<1x16xf32, #tpu.memory_space<vmem>> -> memref<16xf32, #tpu.memory_space<vmem>>
      %dma_start3A_1057 = tpu.memref_slice %arg4[%add3A_1042, %multiple_of3A_1047] : memref<16384x1024xf32, #tpu.memory_space<hbm>> -> memref<1x16xf32, #tpu.memory_space<hbm>>
      %dma_start3A_1058 = tpu.memref_squeeze %dma_start3A_1057 : memref<1x16xf32, #tpu.memory_space<hbm>> -> memref<16xf32, #tpu.memory_space<hbm>>
      tpu.enqueue_dma source(%dma_start3A_1058 : memref<16xf32, #tpu.memory_space<hbm>>) target(%dma_start3A_1056 : memref<16xf32, #tpu.memory_space<vmem>>) target_semaphore(%arg12 : memref<!tpu.dma_semaphore, #tpu.memory_space<semaphore_mem>>)
      %slice3A_1059 = vector.extract_strided_slice %get3A_811 {offsets = [9], sizes = [1], strides = [1]} : vector<16xi32> to vector<1xi32>
      %squeeze3A_1060 = vector.extract %slice3A_1059[0] : i32 from vector<1xi32>
      %slice3A_1061 = vector.extract_strided_slice %min3A_1027 {offsets = [2], sizes = [1], strides = [1]} : vector<16xi32> to vector<1xi32>
      %squeeze3A_1062 = vector.extract %slice3A_1061[0] : i32 from vector<1xi32>
      %add3A_1063 = arith.addi %squeeze3A_1060, %squeeze3A_1062 : i32
      %slice3A_1064 = vector.extract_strided_slice %min3A_1027 {offsets = [3], sizes = [1], strides = [1]} : vector<16xi32> to vector<1xi32>
      %squeeze3A_1065 = vector.extract %slice3A_1064[0] : i32 from vector<1xi32>
      %and3A_1066 = arith.constant -16 : i32
      %and3A_1067 = arith.andi %squeeze3A_1065, %and3A_1066 : i32
      %multiple_of3A_1068 = tpu.assume_multiple %and3A_1067, 16 : i32
      %dma_start3A_1069 = arith.constant 41 : i32
      %dma_start3A_1070 = arith.constant 0 : i32
      %dma_start3A_1071 = tpu.memref_slice %arg8[%dma_start3A_1069, %dma_start3A_1070] : memref<48x16xf32, #tpu.memory_space<vmem>> -> memref<1x16xf32, #tpu.memory_space<vmem>>
      %dma_start3A_1072 = tpu.memref_squeeze %dma_start3A_1071 : memref<1x16xf32, #tpu.memory_space<vmem>> -> memref<16xf32, #tpu.memory_space<vmem>>
      %dma_start3A_1073 = tpu.memref_slice %arg4[%add3A_1063, %multiple_of3A_1068] : memref<16384x1024xf32, #tpu.memory_space<hbm>> -> memref<1x16xf32, #tpu.memory_space<hbm>>
      %dma_start3A_1074 = tpu.memref_squeeze %dma_start3A_1073 : memref<1x16xf32, #tpu.memory_space<hbm>> -> memref<16xf32, #tpu.memory_space<hbm>>
      %dma_start3A_1075 = arith.constant 0 : i32
      %dma_start3A_1076 = tpu.memref_slice %arg8[%dma_start3A_1069, %dma_start3A_1075] : memref<48x16xf32, #tpu.memory_space<vmem>> -> memref<1x16xf32, #tpu.memory_space<vmem>>
      %dma_start3A_1077 = tpu.memref_squeeze %dma_start3A_1076 : memref<1x16xf32, #tpu.memory_space<vmem>> -> memref<16xf32, #tpu.memory_space<vmem>>
      %dma_start3A_1078 = tpu.memref_slice %arg4[%add3A_1063, %multiple_of3A_1068] : memref<16384x1024xf32, #tpu.memory_space<hbm>> -> memref<1x16xf32, #tpu.memory_space<hbm>>
      %dma_start3A_1079 = tpu.memref_squeeze %dma_start3A_1078 : memref<1x16xf32, #tpu.memory_space<hbm>> -> memref<16xf32, #tpu.memory_space<hbm>>
      tpu.enqueue_dma source(%dma_start3A_1079 : memref<16xf32, #tpu.memory_space<hbm>>) target(%dma_start3A_1077 : memref<16xf32, #tpu.memory_space<vmem>>) target_semaphore(%arg12 : memref<!tpu.dma_semaphore, #tpu.memory_space<semaphore_mem>>)
      %slice3A_1080 = vector.extract_strided_slice %get3A_811 {offsets = [10], sizes = [1], strides = [1]} : vector<16xi32> to vector<1xi32>
      %squeeze3A_1081 = vector.extract %slice3A_1080[0] : i32 from vector<1xi32>
      %slice3A_1082 = vector.extract_strided_slice %min3A_1027 {offsets = [4], sizes = [1], strides = [1]} : vector<16xi32> to vector<1xi32>
      %squeeze3A_1083 = vector.extract %slice3A_1082[0] : i32 from vector<1xi32>
      %add3A_1084 = arith.addi %squeeze3A_1081, %squeeze3A_1083 : i32
      %slice3A_1085 = vector.extract_strided_slice %min3A_1027 {offsets = [5], sizes = [1], strides = [1]} : vector<16xi32> to vector<1xi32>
      %squeeze3A_1086 = vector.extract %slice3A_1085[0] : i32 from vector<1xi32>
      %and3A_1087 = arith.constant -16 : i32
      %and3A_1088 = arith.andi %squeeze3A_1086, %and3A_1087 : i32
      %multiple_of3A_1089 = tpu.assume_multiple %and3A_1088, 16 : i32
      %dma_start3A_1090 = arith.constant 42 : i32
      %dma_start3A_1091 = arith.constant 0 : i32
      %dma_start3A_1092 = tpu.memref_slice %arg8[%dma_start3A_1090, %dma_start3A_1091] : memref<48x16xf32, #tpu.memory_space<vmem>> -> memref<1x16xf32, #tpu.memory_space<vmem>>
      %dma_start3A_1093 = tpu.memref_squeeze %dma_start3A_1092 : memref<1x16xf32, #tpu.memory_space<vmem>> -> memref<16xf32, #tpu.memory_space<vmem>>
      %dma_start3A_1094 = tpu.memref_slice %arg4[%add3A_1084, %multiple_of3A_1089] : memref<16384x1024xf32, #tpu.memory_space<hbm>> -> memref<1x16xf32, #tpu.memory_space<hbm>>
      %dma_start3A_1095 = tpu.memref_squeeze %dma_start3A_1094 : memref<1x16xf32, #tpu.memory_space<hbm>> -> memref<16xf32, #tpu.memory_space<hbm>>
      %dma_start3A_1096 = arith.constant 0 : i32
      %dma_start3A_1097 = tpu.memref_slice %arg8[%dma_start3A_1090, %dma_start3A_1096] : memref<48x16xf32, #tpu.memory_space<vmem>> -> memref<1x16xf32, #tpu.memory_space<vmem>>
      %dma_start3A_1098 = tpu.memref_squeeze %dma_start3A_1097 : memref<1x16xf32, #tpu.memory_space<vmem>> -> memref<16xf32, #tpu.memory_space<vmem>>
      %dma_start3A_1099 = tpu.memref_slice %arg4[%add3A_1084, %multiple_of3A_1089] : memref<16384x1024xf32, #tpu.memory_space<hbm>> -> memref<1x16xf32, #tpu.memory_space<hbm>>
      %dma_start3A_1100 = tpu.memref_squeeze %dma_start3A_1099 : memref<1x16xf32, #tpu.memory_space<hbm>> -> memref<16xf32, #tpu.memory_space<hbm>>
      tpu.enqueue_dma source(%dma_start3A_1100 : memref<16xf32, #tpu.memory_space<hbm>>) target(%dma_start3A_1098 : memref<16xf32, #tpu.memory_space<vmem>>) target_semaphore(%arg12 : memref<!tpu.dma_semaphore, #tpu.memory_space<semaphore_mem>>)
      %slice3A_1101 = vector.extract_strided_slice %get3A_811 {offsets = [11], sizes = [1], strides = [1]} : vector<16xi32> to vector<1xi32>
      %squeeze3A_1102 = vector.extract %slice3A_1101[0] : i32 from vector<1xi32>
      %slice3A_1103 = vector.extract_strided_slice %min3A_1027 {offsets = [6], sizes = [1], strides = [1]} : vector<16xi32> to vector<1xi32>
      %squeeze3A_1104 = vector.extract %slice3A_1103[0] : i32 from vector<1xi32>
      %add3A_1105 = arith.addi %squeeze3A_1102, %squeeze3A_1104 : i32
      %slice3A_1106 = vector.extract_strided_slice %min3A_1027 {offsets = [7], sizes = [1], strides = [1]} : vector<16xi32> to vector<1xi32>
      %squeeze3A_1107 = vector.extract %slice3A_1106[0] : i32 from vector<1xi32>
      %and3A_1108 = arith.constant -16 : i32
      %and3A_1109 = arith.andi %squeeze3A_1107, %and3A_1108 : i32
      %multiple_of3A_1110 = tpu.assume_multiple %and3A_1109, 16 : i32
      %dma_start3A_1111 = arith.constant 43 : i32
      %dma_start3A_1112 = arith.constant 0 : i32
      %dma_start3A_1113 = tpu.memref_slice %arg8[%dma_start3A_1111, %dma_start3A_1112] : memref<48x16xf32, #tpu.memory_space<vmem>> -> memref<1x16xf32, #tpu.memory_space<vmem>>
      %dma_start3A_1114 = tpu.memref_squeeze %dma_start3A_1113 : memref<1x16xf32, #tpu.memory_space<vmem>> -> memref<16xf32, #tpu.memory_space<vmem>>
      %dma_start3A_1115 = tpu.memref_slice %arg4[%add3A_1105, %multiple_of3A_1110] : memref<16384x1024xf32, #tpu.memory_space<hbm>> -> memref<1x16xf32, #tpu.memory_space<hbm>>
      %dma_start3A_1116 = tpu.memref_squeeze %dma_start3A_1115 : memref<1x16xf32, #tpu.memory_space<hbm>> -> memref<16xf32, #tpu.memory_space<hbm>>
      %dma_start3A_1117 = arith.constant 0 : i32
      %dma_start3A_1118 = tpu.memref_slice %arg8[%dma_start3A_1111, %dma_start3A_1117] : memref<48x16xf32, #tpu.memory_space<vmem>> -> memref<1x16xf32, #tpu.memory_space<vmem>>
      %dma_start3A_1119 = tpu.memref_squeeze %dma_start3A_1118 : memref<1x16xf32, #tpu.memory_space<vmem>> -> memref<16xf32, #tpu.memory_space<vmem>>
      %dma_start3A_1120 = tpu.memref_slice %arg4[%add3A_1105, %multiple_of3A_1110] : memref<16384x1024xf32, #tpu.memory_space<hbm>> -> memref<1x16xf32, #tpu.memory_space<hbm>>
      %dma_start3A_1121 = tpu.memref_squeeze %dma_start3A_1120 : memref<1x16xf32, #tpu.memory_space<hbm>> -> memref<16xf32, #tpu.memory_space<hbm>>
      tpu.enqueue_dma source(%dma_start3A_1121 : memref<16xf32, #tpu.memory_space<hbm>>) target(%dma_start3A_1119 : memref<16xf32, #tpu.memory_space<vmem>>) target_semaphore(%arg12 : memref<!tpu.dma_semaphore, #tpu.memory_space<semaphore_mem>>)
      %slice3A_1122 = vector.extract_strided_slice %get3A_811 {offsets = [12], sizes = [1], strides = [1]} : vector<16xi32> to vector<1xi32>
      %squeeze3A_1123 = vector.extract %slice3A_1122[0] : i32 from vector<1xi32>
      %slice3A_1124 = vector.extract_strided_slice %min3A_1027 {offsets = [8], sizes = [1], strides = [1]} : vector<16xi32> to vector<1xi32>
      %squeeze3A_1125 = vector.extract %slice3A_1124[0] : i32 from vector<1xi32>
      %add3A_1126 = arith.addi %squeeze3A_1123, %squeeze3A_1125 : i32
      %slice3A_1127 = vector.extract_strided_slice %min3A_1027 {offsets = [9], sizes = [1], strides = [1]} : vector<16xi32> to vector<1xi32>
      %squeeze3A_1128 = vector.extract %slice3A_1127[0] : i32 from vector<1xi32>
      %and3A_1129 = arith.constant -16 : i32
      %and3A_1130 = arith.andi %squeeze3A_1128, %and3A_1129 : i32
      %multiple_of3A_1131 = tpu.assume_multiple %and3A_1130, 16 : i32
      %dma_start3A_1132 = arith.constant 44 : i32
      %dma_start3A_1133 = arith.constant 0 : i32
      %dma_start3A_1134 = tpu.memref_slice %arg8[%dma_start3A_1132, %dma_start3A_1133] : memref<48x16xf32, #tpu.memory_space<vmem>> -> memref<1x16xf32, #tpu.memory_space<vmem>>
      %dma_start3A_1135 = tpu.memref_squeeze %dma_start3A_1134 : memref<1x16xf32, #tpu.memory_space<vmem>> -> memref<16xf32, #tpu.memory_space<vmem>>
      %dma_start3A_1136 = tpu.memref_slice %arg4[%add3A_1126, %multiple_of3A_1131] : memref<16384x1024xf32, #tpu.memory_space<hbm>> -> memref<1x16xf32, #tpu.memory_space<hbm>>
      %dma_start3A_1137 = tpu.memref_squeeze %dma_start3A_1136 : memref<1x16xf32, #tpu.memory_space<hbm>> -> memref<16xf32, #tpu.memory_space<hbm>>
      %dma_start3A_1138 = arith.constant 0 : i32
      %dma_start3A_1139 = tpu.memref_slice %arg8[%dma_start3A_1132, %dma_start3A_1138] : memref<48x16xf32, #tpu.memory_space<vmem>> -> memref<1x16xf32, #tpu.memory_space<vmem>>
      %dma_start3A_1140 = tpu.memref_squeeze %dma_start3A_1139 : memref<1x16xf32, #tpu.memory_space<vmem>> -> memref<16xf32, #tpu.memory_space<vmem>>
      %dma_start3A_1141 = tpu.memref_slice %arg4[%add3A_1126, %multiple_of3A_1131] : memref<16384x1024xf32, #tpu.memory_space<hbm>> -> memref<1x16xf32, #tpu.memory_space<hbm>>
      %dma_start3A_1142 = tpu.memref_squeeze %dma_start3A_1141 : memref<1x16xf32, #tpu.memory_space<hbm>> -> memref<16xf32, #tpu.memory_space<hbm>>
      tpu.enqueue_dma source(%dma_start3A_1142 : memref<16xf32, #tpu.memory_space<hbm>>) target(%dma_start3A_1140 : memref<16xf32, #tpu.memory_space<vmem>>) target_semaphore(%arg12 : memref<!tpu.dma_semaphore, #tpu.memory_space<semaphore_mem>>)
      %slice3A_1143 = vector.extract_strided_slice %get3A_811 {offsets = [13], sizes = [1], strides = [1]} : vector<16xi32> to vector<1xi32>
      %squeeze3A_1144 = vector.extract %slice3A_1143[0] : i32 from vector<1xi32>
      %slice3A_1145 = vector.extract_strided_slice %min3A_1027 {offsets = [10], sizes = [1], strides = [1]} : vector<16xi32> to vector<1xi32>
      %squeeze3A_1146 = vector.extract %slice3A_1145[0] : i32 from vector<1xi32>
      %add3A_1147 = arith.addi %squeeze3A_1144, %squeeze3A_1146 : i32
      %slice3A_1148 = vector.extract_strided_slice %min3A_1027 {offsets = [11], sizes = [1], strides = [1]} : vector<16xi32> to vector<1xi32>
      %squeeze3A_1149 = vector.extract %slice3A_1148[0] : i32 from vector<1xi32>
      %and3A_1150 = arith.constant -16 : i32
      %and3A_1151 = arith.andi %squeeze3A_1149, %and3A_1150 : i32
      %multiple_of3A_1152 = tpu.assume_multiple %and3A_1151, 16 : i32
      %dma_start3A_1153 = arith.constant 45 : i32
      %dma_start3A_1154 = arith.constant 0 : i32
      %dma_start3A_1155 = tpu.memref_slice %arg8[%dma_start3A_1153, %dma_start3A_1154] : memref<48x16xf32, #tpu.memory_space<vmem>> -> memref<1x16xf32, #tpu.memory_space<vmem>>
      %dma_start3A_1156 = tpu.memref_squeeze %dma_start3A_1155 : memref<1x16xf32, #tpu.memory_space<vmem>> -> memref<16xf32, #tpu.memory_space<vmem>>
      %dma_start3A_1157 = tpu.memref_slice %arg4[%add3A_1147, %multiple_of3A_1152] : memref<16384x1024xf32, #tpu.memory_space<hbm>> -> memref<1x16xf32, #tpu.memory_space<hbm>>
      %dma_start3A_1158 = tpu.memref_squeeze %dma_start3A_1157 : memref<1x16xf32, #tpu.memory_space<hbm>> -> memref<16xf32, #tpu.memory_space<hbm>>
      %dma_start3A_1159 = arith.constant 0 : i32
      %dma_start3A_1160 = tpu.memref_slice %arg8[%dma_start3A_1153, %dma_start3A_1159] : memref<48x16xf32, #tpu.memory_space<vmem>> -> memref<1x16xf32, #tpu.memory_space<vmem>>
      %dma_start3A_1161 = tpu.memref_squeeze %dma_start3A_1160 : memref<1x16xf32, #tpu.memory_space<vmem>> -> memref<16xf32, #tpu.memory_space<vmem>>
      %dma_start3A_1162 = tpu.memref_slice %arg4[%add3A_1147, %multiple_of3A_1152] : memref<16384x1024xf32, #tpu.memory_space<hbm>> -> memref<1x16xf32, #tpu.memory_space<hbm>>
      %dma_start3A_1163 = tpu.memref_squeeze %dma_start3A_1162 : memref<1x16xf32, #tpu.memory_space<hbm>> -> memref<16xf32, #tpu.memory_space<hbm>>
      tpu.enqueue_dma source(%dma_start3A_1163 : memref<16xf32, #tpu.memory_space<hbm>>) target(%dma_start3A_1161 : memref<16xf32, #tpu.memory_space<vmem>>) target_semaphore(%arg12 : memref<!tpu.dma_semaphore, #tpu.memory_space<semaphore_mem>>)
      %slice3A_1164 = vector.extract_strided_slice %get3A_811 {offsets = [14], sizes = [1], strides = [1]} : vector<16xi32> to vector<1xi32>
      %squeeze3A_1165 = vector.extract %slice3A_1164[0] : i32 from vector<1xi32>
      %slice3A_1166 = vector.extract_strided_slice %min3A_1027 {offsets = [12], sizes = [1], strides = [1]} : vector<16xi32> to vector<1xi32>
      %squeeze3A_1167 = vector.extract %slice3A_1166[0] : i32 from vector<1xi32>
      %add3A_1168 = arith.addi %squeeze3A_1165, %squeeze3A_1167 : i32
      %slice3A_1169 = vector.extract_strided_slice %min3A_1027 {offsets = [13], sizes = [1], strides = [1]} : vector<16xi32> to vector<1xi32>
      %squeeze3A_1170 = vector.extract %slice3A_1169[0] : i32 from vector<1xi32>
      %and3A_1171 = arith.constant -16 : i32
      %and3A_1172 = arith.andi %squeeze3A_1170, %and3A_1171 : i32
      %multiple_of3A_1173 = tpu.assume_multiple %and3A_1172, 16 : i32
      %dma_start3A_1174 = arith.constant 46 : i32
      %dma_start3A_1175 = arith.constant 0 : i32
      %dma_start3A_1176 = tpu.memref_slice %arg8[%dma_start3A_1174, %dma_start3A_1175] : memref<48x16xf32, #tpu.memory_space<vmem>> -> memref<1x16xf32, #tpu.memory_space<vmem>>
      %dma_start3A_1177 = tpu.memref_squeeze %dma_start3A_1176 : memref<1x16xf32, #tpu.memory_space<vmem>> -> memref<16xf32, #tpu.memory_space<vmem>>
      %dma_start3A_1178 = tpu.memref_slice %arg4[%add3A_1168, %multiple_of3A_1173] : memref<16384x1024xf32, #tpu.memory_space<hbm>> -> memref<1x16xf32, #tpu.memory_space<hbm>>
      %dma_start3A_1179 = tpu.memref_squeeze %dma_start3A_1178 : memref<1x16xf32, #tpu.memory_space<hbm>> -> memref<16xf32, #tpu.memory_space<hbm>>
      %dma_start3A_1180 = arith.constant 0 : i32
      %dma_start3A_1181 = tpu.memref_slice %arg8[%dma_start3A_1174, %dma_start3A_1180] : memref<48x16xf32, #tpu.memory_space<vmem>> -> memref<1x16xf32, #tpu.memory_space<vmem>>
      %dma_start3A_1182 = tpu.memref_squeeze %dma_start3A_1181 : memref<1x16xf32, #tpu.memory_space<vmem>> -> memref<16xf32, #tpu.memory_space<vmem>>
      %dma_start3A_1183 = tpu.memref_slice %arg4[%add3A_1168, %multiple_of3A_1173] : memref<16384x1024xf32, #tpu.memory_space<hbm>> -> memref<1x16xf32, #tpu.memory_space<hbm>>
      %dma_start3A_1184 = tpu.memref_squeeze %dma_start3A_1183 : memref<1x16xf32, #tpu.memory_space<hbm>> -> memref<16xf32, #tpu.memory_space<hbm>>
      tpu.enqueue_dma source(%dma_start3A_1184 : memref<16xf32, #tpu.memory_space<hbm>>) target(%dma_start3A_1182 : memref<16xf32, #tpu.memory_space<vmem>>) target_semaphore(%arg12 : memref<!tpu.dma_semaphore, #tpu.memory_space<semaphore_mem>>)
      %slice3A_1185 = vector.extract_strided_slice %get3A_811 {offsets = [15], sizes = [1], strides = [1]} : vector<16xi32> to vector<1xi32>
      %squeeze3A_1186 = vector.extract %slice3A_1185[0] : i32 from vector<1xi32>
      %slice3A_1187 = vector.extract_strided_slice %min3A_1027 {offsets = [14], sizes = [1], strides = [1]} : vector<16xi32> to vector<1xi32>
      %squeeze3A_1188 = vector.extract %slice3A_1187[0] : i32 from vector<1xi32>
      %add3A_1189 = arith.addi %squeeze3A_1186, %squeeze3A_1188 : i32
      %slice3A_1190 = vector.extract_strided_slice %min3A_1027 {offsets = [15], sizes = [1], strides = [1]} : vector<16xi32> to vector<1xi32>
      %squeeze3A_1191 = vector.extract %slice3A_1190[0] : i32 from vector<1xi32>
      %and3A_1192 = arith.constant -16 : i32
      %and3A_1193 = arith.andi %squeeze3A_1191, %and3A_1192 : i32
      %multiple_of3A_1194 = tpu.assume_multiple %and3A_1193, 16 : i32
      %dma_start3A_1195 = arith.constant 47 : i32
      %dma_start3A_1196 = arith.constant 0 : i32
      %dma_start3A_1197 = tpu.memref_slice %arg8[%dma_start3A_1195, %dma_start3A_1196] : memref<48x16xf32, #tpu.memory_space<vmem>> -> memref<1x16xf32, #tpu.memory_space<vmem>>
      %dma_start3A_1198 = tpu.memref_squeeze %dma_start3A_1197 : memref<1x16xf32, #tpu.memory_space<vmem>> -> memref<16xf32, #tpu.memory_space<vmem>>
      %dma_start3A_1199 = tpu.memref_slice %arg4[%add3A_1189, %multiple_of3A_1194] : memref<16384x1024xf32, #tpu.memory_space<hbm>> -> memref<1x16xf32, #tpu.memory_space<hbm>>
      %dma_start3A_1200 = tpu.memref_squeeze %dma_start3A_1199 : memref<1x16xf32, #tpu.memory_space<hbm>> -> memref<16xf32, #tpu.memory_space<hbm>>
      %dma_start3A_1201 = arith.constant 0 : i32
      %dma_start3A_1202 = tpu.memref_slice %arg8[%dma_start3A_1195, %dma_start3A_1201] : memref<48x16xf32, #tpu.memory_space<vmem>> -> memref<1x16xf32, #tpu.memory_space<vmem>>
      %dma_start3A_1203 = tpu.memref_squeeze %dma_start3A_1202 : memref<1x16xf32, #tpu.memory_space<vmem>> -> memref<16xf32, #tpu.memory_space<vmem>>
      %dma_start3A_1204 = tpu.memref_slice %arg4[%add3A_1189, %multiple_of3A_1194] : memref<16384x1024xf32, #tpu.memory_space<hbm>> -> memref<1x16xf32, #tpu.memory_space<hbm>>
      %dma_start3A_1205 = tpu.memref_squeeze %dma_start3A_1204 : memref<1x16xf32, #tpu.memory_space<hbm>> -> memref<16xf32, #tpu.memory_space<hbm>>
      tpu.enqueue_dma source(%dma_start3A_1205 : memref<16xf32, #tpu.memory_space<hbm>>) target(%dma_start3A_1203 : memref<16xf32, #tpu.memory_space<vmem>>) target_semaphore(%arg12 : memref<!tpu.dma_semaphore, #tpu.memory_space<semaphore_mem>>)
      %dma_wait3A = arith.constant 0 : i32
      %dma_wait3A_1206 = arith.constant 0 : i32
      %dma_wait3A_1207 = tpu.memref_slice %arg8[%dma_wait3A, %dma_wait3A_1206] : memref<48x16xf32, #tpu.memory_space<vmem>> -> memref<1x16xf32, #tpu.memory_space<vmem>>
      %dma_wait3A_1208 = tpu.memref_squeeze %dma_wait3A_1207 : memref<1x16xf32, #tpu.memory_space<vmem>> -> memref<16xf32, #tpu.memory_space<vmem>>
      %dma_wait3A_1209 = tpu.memref_slice %arg4[%add3A_41, %multiple_of3A] : memref<16384x1024xf32, #tpu.memory_space<hbm>> -> memref<1x16xf32, #tpu.memory_space<hbm>>
      %dma_wait3A_1210 = tpu.memref_squeeze %dma_wait3A_1209 : memref<1x16xf32, #tpu.memory_space<hbm>> -> memref<16xf32, #tpu.memory_space<hbm>>
      %dma_wait3A_1211 = arith.constant 0 : i32
      %dma_wait3A_1212 = tpu.memref_slice %arg8[%dma_wait3A, %dma_wait3A_1211] : memref<48x16xf32, #tpu.memory_space<vmem>> -> memref<1x16xf32, #tpu.memory_space<vmem>>
      %dma_wait3A_1213 = tpu.memref_squeeze %dma_wait3A_1212 : memref<1x16xf32, #tpu.memory_space<vmem>> -> memref<16xf32, #tpu.memory_space<vmem>>
      %dma_wait3A_1214 = tpu.memref_slice %arg4[%add3A_41, %multiple_of3A] : memref<16384x1024xf32, #tpu.memory_space<hbm>> -> memref<1x16xf32, #tpu.memory_space<hbm>>
      %dma_wait3A_1215 = tpu.memref_squeeze %dma_wait3A_1214 : memref<1x16xf32, #tpu.memory_space<hbm>> -> memref<16xf32, #tpu.memory_space<hbm>>
      tpu.wait_dma2 semaphore(%arg12 : memref<!tpu.dma_semaphore, #tpu.memory_space<semaphore_mem>>) src(%dma_wait3A_1215 : memref<16xf32, #tpu.memory_space<hbm>>) dst(%dma_wait3A_1213 : memref<16xf32, #tpu.memory_space<vmem>>)
      %dma_wait3A_1216 = arith.constant 1 : i32
      %dma_wait3A_1217 = arith.constant 0 : i32
      %dma_wait3A_1218 = tpu.memref_slice %arg8[%dma_wait3A_1216, %dma_wait3A_1217] : memref<48x16xf32, #tpu.memory_space<vmem>> -> memref<1x16xf32, #tpu.memory_space<vmem>>
      %dma_wait3A_1219 = tpu.memref_squeeze %dma_wait3A_1218 : memref<1x16xf32, #tpu.memory_space<vmem>> -> memref<16xf32, #tpu.memory_space<vmem>>
      %dma_wait3A_1220 = tpu.memref_slice %arg4[%add3A_60, %multiple_of3A_65] : memref<16384x1024xf32, #tpu.memory_space<hbm>> -> memref<1x16xf32, #tpu.memory_space<hbm>>
      %dma_wait3A_1221 = tpu.memref_squeeze %dma_wait3A_1220 : memref<1x16xf32, #tpu.memory_space<hbm>> -> memref<16xf32, #tpu.memory_space<hbm>>
      %dma_wait3A_1222 = arith.constant 0 : i32
      %dma_wait3A_1223 = tpu.memref_slice %arg8[%dma_wait3A_1216, %dma_wait3A_1222] : memref<48x16xf32, #tpu.memory_space<vmem>> -> memref<1x16xf32, #tpu.memory_space<vmem>>
      %dma_wait3A_1224 = tpu.memref_squeeze %dma_wait3A_1223 : memref<1x16xf32, #tpu.memory_space<vmem>> -> memref<16xf32, #tpu.memory_space<vmem>>
      %dma_wait3A_1225 = tpu.memref_slice %arg4[%add3A_60, %multiple_of3A_65] : memref<16384x1024xf32, #tpu.memory_space<hbm>> -> memref<1x16xf32, #tpu.memory_space<hbm>>
      %dma_wait3A_1226 = tpu.memref_squeeze %dma_wait3A_1225 : memref<1x16xf32, #tpu.memory_space<hbm>> -> memref<16xf32, #tpu.memory_space<hbm>>
      tpu.wait_dma2 semaphore(%arg12 : memref<!tpu.dma_semaphore, #tpu.memory_space<semaphore_mem>>) src(%dma_wait3A_1226 : memref<16xf32, #tpu.memory_space<hbm>>) dst(%dma_wait3A_1224 : memref<16xf32, #tpu.memory_space<vmem>>)
      %dma_wait3A_1227 = arith.constant 2 : i32
      %dma_wait3A_1228 = arith.constant 0 : i32
      %dma_wait3A_1229 = tpu.memref_slice %arg8[%dma_wait3A_1227, %dma_wait3A_1228] : memref<48x16xf32, #tpu.memory_space<vmem>> -> memref<1x16xf32, #tpu.memory_space<vmem>>
      %dma_wait3A_1230 = tpu.memref_squeeze %dma_wait3A_1229 : memref<1x16xf32, #tpu.memory_space<vmem>> -> memref<16xf32, #tpu.memory_space<vmem>>
      %dma_wait3A_1231 = tpu.memref_slice %arg4[%add3A_81, %multiple_of3A_86] : memref<16384x1024xf32, #tpu.memory_space<hbm>> -> memref<1x16xf32, #tpu.memory_space<hbm>>
      %dma_wait3A_1232 = tpu.memref_squeeze %dma_wait3A_1231 : memref<1x16xf32, #tpu.memory_space<hbm>> -> memref<16xf32, #tpu.memory_space<hbm>>
      %dma_wait3A_1233 = arith.constant 0 : i32
      %dma_wait3A_1234 = tpu.memref_slice %arg8[%dma_wait3A_1227, %dma_wait3A_1233] : memref<48x16xf32, #tpu.memory_space<vmem>> -> memref<1x16xf32, #tpu.memory_space<vmem>>
      %dma_wait3A_1235 = tpu.memref_squeeze %dma_wait3A_1234 : memref<1x16xf32, #tpu.memory_space<vmem>> -> memref<16xf32, #tpu.memory_space<vmem>>
      %dma_wait3A_1236 = tpu.memref_slice %arg4[%add3A_81, %multiple_of3A_86] : memref<16384x1024xf32, #tpu.memory_space<hbm>> -> memref<1x16xf32, #tpu.memory_space<hbm>>
      %dma_wait3A_1237 = tpu.memref_squeeze %dma_wait3A_1236 : memref<1x16xf32, #tpu.memory_space<hbm>> -> memref<16xf32, #tpu.memory_space<hbm>>
      tpu.wait_dma2 semaphore(%arg12 : memref<!tpu.dma_semaphore, #tpu.memory_space<semaphore_mem>>) src(%dma_wait3A_1237 : memref<16xf32, #tpu.memory_space<hbm>>) dst(%dma_wait3A_1235 : memref<16xf32, #tpu.memory_space<vmem>>)
      %dma_wait3A_1238 = arith.constant 3 : i32
      %dma_wait3A_1239 = arith.constant 0 : i32
      %dma_wait3A_1240 = tpu.memref_slice %arg8[%dma_wait3A_1238, %dma_wait3A_1239] : memref<48x16xf32, #tpu.memory_space<vmem>> -> memref<1x16xf32, #tpu.memory_space<vmem>>
      %dma_wait3A_1241 = tpu.memref_squeeze %dma_wait3A_1240 : memref<1x16xf32, #tpu.memory_space<vmem>> -> memref<16xf32, #tpu.memory_space<vmem>>
      %dma_wait3A_1242 = tpu.memref_slice %arg4[%add3A_102, %multiple_of3A_107] : memref<16384x1024xf32, #tpu.memory_space<hbm>> -> memref<1x16xf32, #tpu.memory_space<hbm>>
      %dma_wait3A_1243 = tpu.memref_squeeze %dma_wait3A_1242 : memref<1x16xf32, #tpu.memory_space<hbm>> -> memref<16xf32, #tpu.memory_space<hbm>>
      %dma_wait3A_1244 = arith.constant 0 : i32
      %dma_wait3A_1245 = tpu.memref_slice %arg8[%dma_wait3A_1238, %dma_wait3A_1244] : memref<48x16xf32, #tpu.memory_space<vmem>> -> memref<1x16xf32, #tpu.memory_space<vmem>>
      %dma_wait3A_1246 = tpu.memref_squeeze %dma_wait3A_1245 : memref<1x16xf32, #tpu.memory_space<vmem>> -> memref<16xf32, #tpu.memory_space<vmem>>
      %dma_wait3A_1247 = tpu.memref_slice %arg4[%add3A_102, %multiple_of3A_107] : memref<16384x1024xf32, #tpu.memory_space<hbm>> -> memref<1x16xf32, #tpu.memory_space<hbm>>
      %dma_wait3A_1248 = tpu.memref_squeeze %dma_wait3A_1247 : memref<1x16xf32, #tpu.memory_space<hbm>> -> memref<16xf32, #tpu.memory_space<hbm>>
      tpu.wait_dma2 semaphore(%arg12 : memref<!tpu.dma_semaphore, #tpu.memory_space<semaphore_mem>>) src(%dma_wait3A_1248 : memref<16xf32, #tpu.memory_space<hbm>>) dst(%dma_wait3A_1246 : memref<16xf32, #tpu.memory_space<vmem>>)
      %dma_wait3A_1249 = arith.constant 4 : i32
      %dma_wait3A_1250 = arith.constant 0 : i32
      %dma_wait3A_1251 = tpu.memref_slice %arg8[%dma_wait3A_1249, %dma_wait3A_1250] : memref<48x16xf32, #tpu.memory_space<vmem>> -> memref<1x16xf32, #tpu.memory_space<vmem>>
      %dma_wait3A_1252 = tpu.memref_squeeze %dma_wait3A_1251 : memref<1x16xf32, #tpu.memory_space<vmem>> -> memref<16xf32, #tpu.memory_space<vmem>>
      %dma_wait3A_1253 = tpu.memref_slice %arg4[%add3A_123, %multiple_of3A_128] : memref<16384x1024xf32, #tpu.memory_space<hbm>> -> memref<1x16xf32, #tpu.memory_space<hbm>>
      %dma_wait3A_1254 = tpu.memref_squeeze %dma_wait3A_1253 : memref<1x16xf32, #tpu.memory_space<hbm>> -> memref<16xf32, #tpu.memory_space<hbm>>
      %dma_wait3A_1255 = arith.constant 0 : i32
      %dma_wait3A_1256 = tpu.memref_slice %arg8[%dma_wait3A_1249, %dma_wait3A_1255] : memref<48x16xf32, #tpu.memory_space<vmem>> -> memref<1x16xf32, #tpu.memory_space<vmem>>
      %dma_wait3A_1257 = tpu.memref_squeeze %dma_wait3A_1256 : memref<1x16xf32, #tpu.memory_space<vmem>> -> memref<16xf32, #tpu.memory_space<vmem>>
      %dma_wait3A_1258 = tpu.memref_slice %arg4[%add3A_123, %multiple_of3A_128] : memref<16384x1024xf32, #tpu.memory_space<hbm>> -> memref<1x16xf32, #tpu.memory_space<hbm>>
      %dma_wait3A_1259 = tpu.memref_squeeze %dma_wait3A_1258 : memref<1x16xf32, #tpu.memory_space<hbm>> -> memref<16xf32, #tpu.memory_space<hbm>>
      tpu.wait_dma2 semaphore(%arg12 : memref<!tpu.dma_semaphore, #tpu.memory_space<semaphore_mem>>) src(%dma_wait3A_1259 : memref<16xf32, #tpu.memory_space<hbm>>) dst(%dma_wait3A_1257 : memref<16xf32, #tpu.memory_space<vmem>>)
      %dma_wait3A_1260 = arith.constant 5 : i32
      %dma_wait3A_1261 = arith.constant 0 : i32
      %dma_wait3A_1262 = tpu.memref_slice %arg8[%dma_wait3A_1260, %dma_wait3A_1261] : memref<48x16xf32, #tpu.memory_space<vmem>> -> memref<1x16xf32, #tpu.memory_space<vmem>>
      %dma_wait3A_1263 = tpu.memref_squeeze %dma_wait3A_1262 : memref<1x16xf32, #tpu.memory_space<vmem>> -> memref<16xf32, #tpu.memory_space<vmem>>
      %dma_wait3A_1264 = tpu.memref_slice %arg4[%add3A_144, %multiple_of3A_149] : memref<16384x1024xf32, #tpu.memory_space<hbm>> -> memref<1x16xf32, #tpu.memory_space<hbm>>
      %dma_wait3A_1265 = tpu.memref_squeeze %dma_wait3A_1264 : memref<1x16xf32, #tpu.memory_space<hbm>> -> memref<16xf32, #tpu.memory_space<hbm>>
      %dma_wait3A_1266 = arith.constant 0 : i32
      %dma_wait3A_1267 = tpu.memref_slice %arg8[%dma_wait3A_1260, %dma_wait3A_1266] : memref<48x16xf32, #tpu.memory_space<vmem>> -> memref<1x16xf32, #tpu.memory_space<vmem>>
      %dma_wait3A_1268 = tpu.memref_squeeze %dma_wait3A_1267 : memref<1x16xf32, #tpu.memory_space<vmem>> -> memref<16xf32, #tpu.memory_space<vmem>>
      %dma_wait3A_1269 = tpu.memref_slice %arg4[%add3A_144, %multiple_of3A_149] : memref<16384x1024xf32, #tpu.memory_space<hbm>> -> memref<1x16xf32, #tpu.memory_space<hbm>>
      %dma_wait3A_1270 = tpu.memref_squeeze %dma_wait3A_1269 : memref<1x16xf32, #tpu.memory_space<hbm>> -> memref<16xf32, #tpu.memory_space<hbm>>
      tpu.wait_dma2 semaphore(%arg12 : memref<!tpu.dma_semaphore, #tpu.memory_space<semaphore_mem>>) src(%dma_wait3A_1270 : memref<16xf32, #tpu.memory_space<hbm>>) dst(%dma_wait3A_1268 : memref<16xf32, #tpu.memory_space<vmem>>)
      %dma_wait3A_1271 = arith.constant 6 : i32
      %dma_wait3A_1272 = arith.constant 0 : i32
      %dma_wait3A_1273 = tpu.memref_slice %arg8[%dma_wait3A_1271, %dma_wait3A_1272] : memref<48x16xf32, #tpu.memory_space<vmem>> -> memref<1x16xf32, #tpu.memory_space<vmem>>
      %dma_wait3A_1274 = tpu.memref_squeeze %dma_wait3A_1273 : memref<1x16xf32, #tpu.memory_space<vmem>> -> memref<16xf32, #tpu.memory_space<vmem>>
      %dma_wait3A_1275 = tpu.memref_slice %arg4[%add3A_165, %multiple_of3A_170] : memref<16384x1024xf32, #tpu.memory_space<hbm>> -> memref<1x16xf32, #tpu.memory_space<hbm>>
      %dma_wait3A_1276 = tpu.memref_squeeze %dma_wait3A_1275 : memref<1x16xf32, #tpu.memory_space<hbm>> -> memref<16xf32, #tpu.memory_space<hbm>>
      %dma_wait3A_1277 = arith.constant 0 : i32
      %dma_wait3A_1278 = tpu.memref_slice %arg8[%dma_wait3A_1271, %dma_wait3A_1277] : memref<48x16xf32, #tpu.memory_space<vmem>> -> memref<1x16xf32, #tpu.memory_space<vmem>>
      %dma_wait3A_1279 = tpu.memref_squeeze %dma_wait3A_1278 : memref<1x16xf32, #tpu.memory_space<vmem>> -> memref<16xf32, #tpu.memory_space<vmem>>
      %dma_wait3A_1280 = tpu.memref_slice %arg4[%add3A_165, %multiple_of3A_170] : memref<16384x1024xf32, #tpu.memory_space<hbm>> -> memref<1x16xf32, #tpu.memory_space<hbm>>
      %dma_wait3A_1281 = tpu.memref_squeeze %dma_wait3A_1280 : memref<1x16xf32, #tpu.memory_space<hbm>> -> memref<16xf32, #tpu.memory_space<hbm>>
      tpu.wait_dma2 semaphore(%arg12 : memref<!tpu.dma_semaphore, #tpu.memory_space<semaphore_mem>>) src(%dma_wait3A_1281 : memref<16xf32, #tpu.memory_space<hbm>>) dst(%dma_wait3A_1279 : memref<16xf32, #tpu.memory_space<vmem>>)
      %dma_wait3A_1282 = arith.constant 7 : i32
      %dma_wait3A_1283 = arith.constant 0 : i32
      %dma_wait3A_1284 = tpu.memref_slice %arg8[%dma_wait3A_1282, %dma_wait3A_1283] : memref<48x16xf32, #tpu.memory_space<vmem>> -> memref<1x16xf32, #tpu.memory_space<vmem>>
      %dma_wait3A_1285 = tpu.memref_squeeze %dma_wait3A_1284 : memref<1x16xf32, #tpu.memory_space<vmem>> -> memref<16xf32, #tpu.memory_space<vmem>>
      %dma_wait3A_1286 = tpu.memref_slice %arg4[%add3A_186, %multiple_of3A_191] : memref<16384x1024xf32, #tpu.memory_space<hbm>> -> memref<1x16xf32, #tpu.memory_space<hbm>>
      %dma_wait3A_1287 = tpu.memref_squeeze %dma_wait3A_1286 : memref<1x16xf32, #tpu.memory_space<hbm>> -> memref<16xf32, #tpu.memory_space<hbm>>
      %dma_wait3A_1288 = arith.constant 0 : i32
      %dma_wait3A_1289 = tpu.memref_slice %arg8[%dma_wait3A_1282, %dma_wait3A_1288] : memref<48x16xf32, #tpu.memory_space<vmem>> -> memref<1x16xf32, #tpu.memory_space<vmem>>
      %dma_wait3A_1290 = tpu.memref_squeeze %dma_wait3A_1289 : memref<1x16xf32, #tpu.memory_space<vmem>> -> memref<16xf32, #tpu.memory_space<vmem>>
      %dma_wait3A_1291 = tpu.memref_slice %arg4[%add3A_186, %multiple_of3A_191] : memref<16384x1024xf32, #tpu.memory_space<hbm>> -> memref<1x16xf32, #tpu.memory_space<hbm>>
      %dma_wait3A_1292 = tpu.memref_squeeze %dma_wait3A_1291 : memref<1x16xf32, #tpu.memory_space<hbm>> -> memref<16xf32, #tpu.memory_space<hbm>>
      tpu.wait_dma2 semaphore(%arg12 : memref<!tpu.dma_semaphore, #tpu.memory_space<semaphore_mem>>) src(%dma_wait3A_1292 : memref<16xf32, #tpu.memory_space<hbm>>) dst(%dma_wait3A_1290 : memref<16xf32, #tpu.memory_space<vmem>>)
      %dma_wait3A_1293 = arith.constant 8 : i32
      %dma_wait3A_1294 = arith.constant 0 : i32
      %dma_wait3A_1295 = tpu.memref_slice %arg8[%dma_wait3A_1293, %dma_wait3A_1294] : memref<48x16xf32, #tpu.memory_space<vmem>> -> memref<1x16xf32, #tpu.memory_space<vmem>>
      %dma_wait3A_1296 = tpu.memref_squeeze %dma_wait3A_1295 : memref<1x16xf32, #tpu.memory_space<vmem>> -> memref<16xf32, #tpu.memory_space<vmem>>
      %dma_wait3A_1297 = tpu.memref_slice %arg4[%add3A_236, %multiple_of3A_241] : memref<16384x1024xf32, #tpu.memory_space<hbm>> -> memref<1x16xf32, #tpu.memory_space<hbm>>
      %dma_wait3A_1298 = tpu.memref_squeeze %dma_wait3A_1297 : memref<1x16xf32, #tpu.memory_space<hbm>> -> memref<16xf32, #tpu.memory_space<hbm>>
      %dma_wait3A_1299 = arith.constant 0 : i32
      %dma_wait3A_1300 = tpu.memref_slice %arg8[%dma_wait3A_1293, %dma_wait3A_1299] : memref<48x16xf32, #tpu.memory_space<vmem>> -> memref<1x16xf32, #tpu.memory_space<vmem>>
      %dma_wait3A_1301 = tpu.memref_squeeze %dma_wait3A_1300 : memref<1x16xf32, #tpu.memory_space<vmem>> -> memref<16xf32, #tpu.memory_space<vmem>>
      %dma_wait3A_1302 = tpu.memref_slice %arg4[%add3A_236, %multiple_of3A_241] : memref<16384x1024xf32, #tpu.memory_space<hbm>> -> memref<1x16xf32, #tpu.memory_space<hbm>>
      %dma_wait3A_1303 = tpu.memref_squeeze %dma_wait3A_1302 : memref<1x16xf32, #tpu.memory_space<hbm>> -> memref<16xf32, #tpu.memory_space<hbm>>
      tpu.wait_dma2 semaphore(%arg12 : memref<!tpu.dma_semaphore, #tpu.memory_space<semaphore_mem>>) src(%dma_wait3A_1303 : memref<16xf32, #tpu.memory_space<hbm>>) dst(%dma_wait3A_1301 : memref<16xf32, #tpu.memory_space<vmem>>)
      %dma_wait3A_1304 = arith.constant 9 : i32
      %dma_wait3A_1305 = arith.constant 0 : i32
      %dma_wait3A_1306 = tpu.memref_slice %arg8[%dma_wait3A_1304, %dma_wait3A_1305] : memref<48x16xf32, #tpu.memory_space<vmem>> -> memref<1x16xf32, #tpu.memory_space<vmem>>
      %dma_wait3A_1307 = tpu.memref_squeeze %dma_wait3A_1306 : memref<1x16xf32, #tpu.memory_space<vmem>> -> memref<16xf32, #tpu.memory_space<vmem>>
      %dma_wait3A_1308 = tpu.memref_slice %arg4[%add3A_257, %multiple_of3A_262] : memref<16384x1024xf32, #tpu.memory_space<hbm>> -> memref<1x16xf32, #tpu.memory_space<hbm>>
      %dma_wait3A_1309 = tpu.memref_squeeze %dma_wait3A_1308 : memref<1x16xf32, #tpu.memory_space<hbm>> -> memref<16xf32, #tpu.memory_space<hbm>>
      %dma_wait3A_1310 = arith.constant 0 : i32
      %dma_wait3A_1311 = tpu.memref_slice %arg8[%dma_wait3A_1304, %dma_wait3A_1310] : memref<48x16xf32, #tpu.memory_space<vmem>> -> memref<1x16xf32, #tpu.memory_space<vmem>>
      %dma_wait3A_1312 = tpu.memref_squeeze %dma_wait3A_1311 : memref<1x16xf32, #tpu.memory_space<vmem>> -> memref<16xf32, #tpu.memory_space<vmem>>
      %dma_wait3A_1313 = tpu.memref_slice %arg4[%add3A_257, %multiple_of3A_262] : memref<16384x1024xf32, #tpu.memory_space<hbm>> -> memref<1x16xf32, #tpu.memory_space<hbm>>
      %dma_wait3A_1314 = tpu.memref_squeeze %dma_wait3A_1313 : memref<1x16xf32, #tpu.memory_space<hbm>> -> memref<16xf32, #tpu.memory_space<hbm>>
      tpu.wait_dma2 semaphore(%arg12 : memref<!tpu.dma_semaphore, #tpu.memory_space<semaphore_mem>>) src(%dma_wait3A_1314 : memref<16xf32, #tpu.memory_space<hbm>>) dst(%dma_wait3A_1312 : memref<16xf32, #tpu.memory_space<vmem>>)
      %dma_wait3A_1315 = arith.constant 10 : i32
      %dma_wait3A_1316 = arith.constant 0 : i32
      %dma_wait3A_1317 = tpu.memref_slice %arg8[%dma_wait3A_1315, %dma_wait3A_1316] : memref<48x16xf32, #tpu.memory_space<vmem>> -> memref<1x16xf32, #tpu.memory_space<vmem>>
      %dma_wait3A_1318 = tpu.memref_squeeze %dma_wait3A_1317 : memref<1x16xf32, #tpu.memory_space<vmem>> -> memref<16xf32, #tpu.memory_space<vmem>>
      %dma_wait3A_1319 = tpu.memref_slice %arg4[%add3A_278, %multiple_of3A_283] : memref<16384x1024xf32, #tpu.memory_space<hbm>> -> memref<1x16xf32, #tpu.memory_space<hbm>>
      %dma_wait3A_1320 = tpu.memref_squeeze %dma_wait3A_1319 : memref<1x16xf32, #tpu.memory_space<hbm>> -> memref<16xf32, #tpu.memory_space<hbm>>
      %dma_wait3A_1321 = arith.constant 0 : i32
      %dma_wait3A_1322 = tpu.memref_slice %arg8[%dma_wait3A_1315, %dma_wait3A_1321] : memref<48x16xf32, #tpu.memory_space<vmem>> -> memref<1x16xf32, #tpu.memory_space<vmem>>
      %dma_wait3A_1323 = tpu.memref_squeeze %dma_wait3A_1322 : memref<1x16xf32, #tpu.memory_space<vmem>> -> memref<16xf32, #tpu.memory_space<vmem>>
      %dma_wait3A_1324 = tpu.memref_slice %arg4[%add3A_278, %multiple_of3A_283] : memref<16384x1024xf32, #tpu.memory_space<hbm>> -> memref<1x16xf32, #tpu.memory_space<hbm>>
      %dma_wait3A_1325 = tpu.memref_squeeze %dma_wait3A_1324 : memref<1x16xf32, #tpu.memory_space<hbm>> -> memref<16xf32, #tpu.memory_space<hbm>>
      tpu.wait_dma2 semaphore(%arg12 : memref<!tpu.dma_semaphore, #tpu.memory_space<semaphore_mem>>) src(%dma_wait3A_1325 : memref<16xf32, #tpu.memory_space<hbm>>) dst(%dma_wait3A_1323 : memref<16xf32, #tpu.memory_space<vmem>>)
      %dma_wait3A_1326 = arith.constant 11 : i32
      %dma_wait3A_1327 = arith.constant 0 : i32
      %dma_wait3A_1328 = tpu.memref_slice %arg8[%dma_wait3A_1326, %dma_wait3A_1327] : memref<48x16xf32, #tpu.memory_space<vmem>> -> memref<1x16xf32, #tpu.memory_space<vmem>>
      %dma_wait3A_1329 = tpu.memref_squeeze %dma_wait3A_1328 : memref<1x16xf32, #tpu.memory_space<vmem>> -> memref<16xf32, #tpu.memory_space<vmem>>
      %dma_wait3A_1330 = tpu.memref_slice %arg4[%add3A_299, %multiple_of3A_304] : memref<16384x1024xf32, #tpu.memory_space<hbm>> -> memref<1x16xf32, #tpu.memory_space<hbm>>
      %dma_wait3A_1331 = tpu.memref_squeeze %dma_wait3A_1330 : memref<1x16xf32, #tpu.memory_space<hbm>> -> memref<16xf32, #tpu.memory_space<hbm>>
      %dma_wait3A_1332 = arith.constant 0 : i32
      %dma_wait3A_1333 = tpu.memref_slice %arg8[%dma_wait3A_1326, %dma_wait3A_1332] : memref<48x16xf32, #tpu.memory_space<vmem>> -> memref<1x16xf32, #tpu.memory_space<vmem>>
      %dma_wait3A_1334 = tpu.memref_squeeze %dma_wait3A_1333 : memref<1x16xf32, #tpu.memory_space<vmem>> -> memref<16xf32, #tpu.memory_space<vmem>>
      %dma_wait3A_1335 = tpu.memref_slice %arg4[%add3A_299, %multiple_of3A_304] : memref<16384x1024xf32, #tpu.memory_space<hbm>> -> memref<1x16xf32, #tpu.memory_space<hbm>>
      %dma_wait3A_1336 = tpu.memref_squeeze %dma_wait3A_1335 : memref<1x16xf32, #tpu.memory_space<hbm>> -> memref<16xf32, #tpu.memory_space<hbm>>
      tpu.wait_dma2 semaphore(%arg12 : memref<!tpu.dma_semaphore, #tpu.memory_space<semaphore_mem>>) src(%dma_wait3A_1336 : memref<16xf32, #tpu.memory_space<hbm>>) dst(%dma_wait3A_1334 : memref<16xf32, #tpu.memory_space<vmem>>)
      %dma_wait3A_1337 = arith.constant 12 : i32
      %dma_wait3A_1338 = arith.constant 0 : i32
      %dma_wait3A_1339 = tpu.memref_slice %arg8[%dma_wait3A_1337, %dma_wait3A_1338] : memref<48x16xf32, #tpu.memory_space<vmem>> -> memref<1x16xf32, #tpu.memory_space<vmem>>
      %dma_wait3A_1340 = tpu.memref_squeeze %dma_wait3A_1339 : memref<1x16xf32, #tpu.memory_space<vmem>> -> memref<16xf32, #tpu.memory_space<vmem>>
      %dma_wait3A_1341 = tpu.memref_slice %arg4[%add3A_320, %multiple_of3A_325] : memref<16384x1024xf32, #tpu.memory_space<hbm>> -> memref<1x16xf32, #tpu.memory_space<hbm>>
      %dma_wait3A_1342 = tpu.memref_squeeze %dma_wait3A_1341 : memref<1x16xf32, #tpu.memory_space<hbm>> -> memref<16xf32, #tpu.memory_space<hbm>>
      %dma_wait3A_1343 = arith.constant 0 : i32
      %dma_wait3A_1344 = tpu.memref_slice %arg8[%dma_wait3A_1337, %dma_wait3A_1343] : memref<48x16xf32, #tpu.memory_space<vmem>> -> memref<1x16xf32, #tpu.memory_space<vmem>>
      %dma_wait3A_1345 = tpu.memref_squeeze %dma_wait3A_1344 : memref<1x16xf32, #tpu.memory_space<vmem>> -> memref<16xf32, #tpu.memory_space<vmem>>
      %dma_wait3A_1346 = tpu.memref_slice %arg4[%add3A_320, %multiple_of3A_325] : memref<16384x1024xf32, #tpu.memory_space<hbm>> -> memref<1x16xf32, #tpu.memory_space<hbm>>
      %dma_wait3A_1347 = tpu.memref_squeeze %dma_wait3A_1346 : memref<1x16xf32, #tpu.memory_space<hbm>> -> memref<16xf32, #tpu.memory_space<hbm>>
      tpu.wait_dma2 semaphore(%arg12 : memref<!tpu.dma_semaphore, #tpu.memory_space<semaphore_mem>>) src(%dma_wait3A_1347 : memref<16xf32, #tpu.memory_space<hbm>>) dst(%dma_wait3A_1345 : memref<16xf32, #tpu.memory_space<vmem>>)
      %dma_wait3A_1348 = arith.constant 13 : i32
      %dma_wait3A_1349 = arith.constant 0 : i32
      %dma_wait3A_1350 = tpu.memref_slice %arg8[%dma_wait3A_1348, %dma_wait3A_1349] : memref<48x16xf32, #tpu.memory_space<vmem>> -> memref<1x16xf32, #tpu.memory_space<vmem>>
      %dma_wait3A_1351 = tpu.memref_squeeze %dma_wait3A_1350 : memref<1x16xf32, #tpu.memory_space<vmem>> -> memref<16xf32, #tpu.memory_space<vmem>>
      %dma_wait3A_1352 = tpu.memref_slice %arg4[%add3A_341, %multiple_of3A_346] : memref<16384x1024xf32, #tpu.memory_space<hbm>> -> memref<1x16xf32, #tpu.memory_space<hbm>>
      %dma_wait3A_1353 = tpu.memref_squeeze %dma_wait3A_1352 : memref<1x16xf32, #tpu.memory_space<hbm>> -> memref<16xf32, #tpu.memory_space<hbm>>
      %dma_wait3A_1354 = arith.constant 0 : i32
      %dma_wait3A_1355 = tpu.memref_slice %arg8[%dma_wait3A_1348, %dma_wait3A_1354] : memref<48x16xf32, #tpu.memory_space<vmem>> -> memref<1x16xf32, #tpu.memory_space<vmem>>
      %dma_wait3A_1356 = tpu.memref_squeeze %dma_wait3A_1355 : memref<1x16xf32, #tpu.memory_space<vmem>> -> memref<16xf32, #tpu.memory_space<vmem>>
      %dma_wait3A_1357 = tpu.memref_slice %arg4[%add3A_341, %multiple_of3A_346] : memref<16384x1024xf32, #tpu.memory_space<hbm>> -> memref<1x16xf32, #tpu.memory_space<hbm>>
      %dma_wait3A_1358 = tpu.memref_squeeze %dma_wait3A_1357 : memref<1x16xf32, #tpu.memory_space<hbm>> -> memref<16xf32, #tpu.memory_space<hbm>>
      tpu.wait_dma2 semaphore(%arg12 : memref<!tpu.dma_semaphore, #tpu.memory_space<semaphore_mem>>) src(%dma_wait3A_1358 : memref<16xf32, #tpu.memory_space<hbm>>) dst(%dma_wait3A_1356 : memref<16xf32, #tpu.memory_space<vmem>>)
      %dma_wait3A_1359 = arith.constant 14 : i32
      %dma_wait3A_1360 = arith.constant 0 : i32
      %dma_wait3A_1361 = tpu.memref_slice %arg8[%dma_wait3A_1359, %dma_wait3A_1360] : memref<48x16xf32, #tpu.memory_space<vmem>> -> memref<1x16xf32, #tpu.memory_space<vmem>>
      %dma_wait3A_1362 = tpu.memref_squeeze %dma_wait3A_1361 : memref<1x16xf32, #tpu.memory_space<vmem>> -> memref<16xf32, #tpu.memory_space<vmem>>
      %dma_wait3A_1363 = tpu.memref_slice %arg4[%add3A_362, %multiple_of3A_367] : memref<16384x1024xf32, #tpu.memory_space<hbm>> -> memref<1x16xf32, #tpu.memory_space<hbm>>
      %dma_wait3A_1364 = tpu.memref_squeeze %dma_wait3A_1363 : memref<1x16xf32, #tpu.memory_space<hbm>> -> memref<16xf32, #tpu.memory_space<hbm>>
      %dma_wait3A_1365 = arith.constant 0 : i32
      %dma_wait3A_1366 = tpu.memref_slice %arg8[%dma_wait3A_1359, %dma_wait3A_1365] : memref<48x16xf32, #tpu.memory_space<vmem>> -> memref<1x16xf32, #tpu.memory_space<vmem>>
      %dma_wait3A_1367 = tpu.memref_squeeze %dma_wait3A_1366 : memref<1x16xf32, #tpu.memory_space<vmem>> -> memref<16xf32, #tpu.memory_space<vmem>>
      %dma_wait3A_1368 = tpu.memref_slice %arg4[%add3A_362, %multiple_of3A_367] : memref<16384x1024xf32, #tpu.memory_space<hbm>> -> memref<1x16xf32, #tpu.memory_space<hbm>>
      %dma_wait3A_1369 = tpu.memref_squeeze %dma_wait3A_1368 : memref<1x16xf32, #tpu.memory_space<hbm>> -> memref<16xf32, #tpu.memory_space<hbm>>
      tpu.wait_dma2 semaphore(%arg12 : memref<!tpu.dma_semaphore, #tpu.memory_space<semaphore_mem>>) src(%dma_wait3A_1369 : memref<16xf32, #tpu.memory_space<hbm>>) dst(%dma_wait3A_1367 : memref<16xf32, #tpu.memory_space<vmem>>)
      %dma_wait3A_1370 = arith.constant 15 : i32
      %dma_wait3A_1371 = arith.constant 0 : i32
      %dma_wait3A_1372 = tpu.memref_slice %arg8[%dma_wait3A_1370, %dma_wait3A_1371] : memref<48x16xf32, #tpu.memory_space<vmem>> -> memref<1x16xf32, #tpu.memory_space<vmem>>
      %dma_wait3A_1373 = tpu.memref_squeeze %dma_wait3A_1372 : memref<1x16xf32, #tpu.memory_space<vmem>> -> memref<16xf32, #tpu.memory_space<vmem>>
      %dma_wait3A_1374 = tpu.memref_slice %arg4[%add3A_383, %multiple_of3A_388] : memref<16384x1024xf32, #tpu.memory_space<hbm>> -> memref<1x16xf32, #tpu.memory_space<hbm>>
      %dma_wait3A_1375 = tpu.memref_squeeze %dma_wait3A_1374 : memref<1x16xf32, #tpu.memory_space<hbm>> -> memref<16xf32, #tpu.memory_space<hbm>>
      %dma_wait3A_1376 = arith.constant 0 : i32
      %dma_wait3A_1377 = tpu.memref_slice %arg8[%dma_wait3A_1370, %dma_wait3A_1376] : memref<48x16xf32, #tpu.memory_space<vmem>> -> memref<1x16xf32, #tpu.memory_space<vmem>>
      %dma_wait3A_1378 = tpu.memref_squeeze %dma_wait3A_1377 : memref<1x16xf32, #tpu.memory_space<vmem>> -> memref<16xf32, #tpu.memory_space<vmem>>
      %dma_wait3A_1379 = tpu.memref_slice %arg4[%add3A_383, %multiple_of3A_388] : memref<16384x1024xf32, #tpu.memory_space<hbm>> -> memref<1x16xf32, #tpu.memory_space<hbm>>
      %dma_wait3A_1380 = tpu.memref_squeeze %dma_wait3A_1379 : memref<1x16xf32, #tpu.memory_space<hbm>> -> memref<16xf32, #tpu.memory_space<hbm>>
      tpu.wait_dma2 semaphore(%arg12 : memref<!tpu.dma_semaphore, #tpu.memory_space<semaphore_mem>>) src(%dma_wait3A_1380 : memref<16xf32, #tpu.memory_space<hbm>>) dst(%dma_wait3A_1378 : memref<16xf32, #tpu.memory_space<vmem>>)
      %dma_wait3A_1381 = arith.constant 16 : i32
      %dma_wait3A_1382 = arith.constant 0 : i32
      %dma_wait3A_1383 = tpu.memref_slice %arg8[%dma_wait3A_1381, %dma_wait3A_1382] : memref<48x16xf32, #tpu.memory_space<vmem>> -> memref<1x16xf32, #tpu.memory_space<vmem>>
      %dma_wait3A_1384 = tpu.memref_squeeze %dma_wait3A_1383 : memref<1x16xf32, #tpu.memory_space<vmem>> -> memref<16xf32, #tpu.memory_space<vmem>>
      %dma_wait3A_1385 = tpu.memref_slice %arg4[%add3A_442, %multiple_of3A_447] : memref<16384x1024xf32, #tpu.memory_space<hbm>> -> memref<1x16xf32, #tpu.memory_space<hbm>>
      %dma_wait3A_1386 = tpu.memref_squeeze %dma_wait3A_1385 : memref<1x16xf32, #tpu.memory_space<hbm>> -> memref<16xf32, #tpu.memory_space<hbm>>
      %dma_wait3A_1387 = arith.constant 0 : i32
      %dma_wait3A_1388 = tpu.memref_slice %arg8[%dma_wait3A_1381, %dma_wait3A_1387] : memref<48x16xf32, #tpu.memory_space<vmem>> -> memref<1x16xf32, #tpu.memory_space<vmem>>
      %dma_wait3A_1389 = tpu.memref_squeeze %dma_wait3A_1388 : memref<1x16xf32, #tpu.memory_space<vmem>> -> memref<16xf32, #tpu.memory_space<vmem>>
      %dma_wait3A_1390 = tpu.memref_slice %arg4[%add3A_442, %multiple_of3A_447] : memref<16384x1024xf32, #tpu.memory_space<hbm>> -> memref<1x16xf32, #tpu.memory_space<hbm>>
      %dma_wait3A_1391 = tpu.memref_squeeze %dma_wait3A_1390 : memref<1x16xf32, #tpu.memory_space<hbm>> -> memref<16xf32, #tpu.memory_space<hbm>>
      tpu.wait_dma2 semaphore(%arg12 : memref<!tpu.dma_semaphore, #tpu.memory_space<semaphore_mem>>) src(%dma_wait3A_1391 : memref<16xf32, #tpu.memory_space<hbm>>) dst(%dma_wait3A_1389 : memref<16xf32, #tpu.memory_space<vmem>>)
      %dma_wait3A_1392 = arith.constant 17 : i32
      %dma_wait3A_1393 = arith.constant 0 : i32
      %dma_wait3A_1394 = tpu.memref_slice %arg8[%dma_wait3A_1392, %dma_wait3A_1393] : memref<48x16xf32, #tpu.memory_space<vmem>> -> memref<1x16xf32, #tpu.memory_space<vmem>>
      %dma_wait3A_1395 = tpu.memref_squeeze %dma_wait3A_1394 : memref<1x16xf32, #tpu.memory_space<vmem>> -> memref<16xf32, #tpu.memory_space<vmem>>
      %dma_wait3A_1396 = tpu.memref_slice %arg4[%add3A_463, %multiple_of3A_468] : memref<16384x1024xf32, #tpu.memory_space<hbm>> -> memref<1x16xf32, #tpu.memory_space<hbm>>
      %dma_wait3A_1397 = tpu.memref_squeeze %dma_wait3A_1396 : memref<1x16xf32, #tpu.memory_space<hbm>> -> memref<16xf32, #tpu.memory_space<hbm>>
      %dma_wait3A_1398 = arith.constant 0 : i32
      %dma_wait3A_1399 = tpu.memref_slice %arg8[%dma_wait3A_1392, %dma_wait3A_1398] : memref<48x16xf32, #tpu.memory_space<vmem>> -> memref<1x16xf32, #tpu.memory_space<vmem>>
      %dma_wait3A_1400 = tpu.memref_squeeze %dma_wait3A_1399 : memref<1x16xf32, #tpu.memory_space<vmem>> -> memref<16xf32, #tpu.memory_space<vmem>>
      %dma_wait3A_1401 = tpu.memref_slice %arg4[%add3A_463, %multiple_of3A_468] : memref<16384x1024xf32, #tpu.memory_space<hbm>> -> memref<1x16xf32, #tpu.memory_space<hbm>>
      %dma_wait3A_1402 = tpu.memref_squeeze %dma_wait3A_1401 : memref<1x16xf32, #tpu.memory_space<hbm>> -> memref<16xf32, #tpu.memory_space<hbm>>
      tpu.wait_dma2 semaphore(%arg12 : memref<!tpu.dma_semaphore, #tpu.memory_space<semaphore_mem>>) src(%dma_wait3A_1402 : memref<16xf32, #tpu.memory_space<hbm>>) dst(%dma_wait3A_1400 : memref<16xf32, #tpu.memory_space<vmem>>)
      %dma_wait3A_1403 = arith.constant 18 : i32
      %dma_wait3A_1404 = arith.constant 0 : i32
      %dma_wait3A_1405 = tpu.memref_slice %arg8[%dma_wait3A_1403, %dma_wait3A_1404] : memref<48x16xf32, #tpu.memory_space<vmem>> -> memref<1x16xf32, #tpu.memory_space<vmem>>
      %dma_wait3A_1406 = tpu.memref_squeeze %dma_wait3A_1405 : memref<1x16xf32, #tpu.memory_space<vmem>> -> memref<16xf32, #tpu.memory_space<vmem>>
      %dma_wait3A_1407 = tpu.memref_slice %arg4[%add3A_484, %multiple_of3A_489] : memref<16384x1024xf32, #tpu.memory_space<hbm>> -> memref<1x16xf32, #tpu.memory_space<hbm>>
      %dma_wait3A_1408 = tpu.memref_squeeze %dma_wait3A_1407 : memref<1x16xf32, #tpu.memory_space<hbm>> -> memref<16xf32, #tpu.memory_space<hbm>>
      %dma_wait3A_1409 = arith.constant 0 : i32
      %dma_wait3A_1410 = tpu.memref_slice %arg8[%dma_wait3A_1403, %dma_wait3A_1409] : memref<48x16xf32, #tpu.memory_space<vmem>> -> memref<1x16xf32, #tpu.memory_space<vmem>>
      %dma_wait3A_1411 = tpu.memref_squeeze %dma_wait3A_1410 : memref<1x16xf32, #tpu.memory_space<vmem>> -> memref<16xf32, #tpu.memory_space<vmem>>
      %dma_wait3A_1412 = tpu.memref_slice %arg4[%add3A_484, %multiple_of3A_489] : memref<16384x1024xf32, #tpu.memory_space<hbm>> -> memref<1x16xf32, #tpu.memory_space<hbm>>
      %dma_wait3A_1413 = tpu.memref_squeeze %dma_wait3A_1412 : memref<1x16xf32, #tpu.memory_space<hbm>> -> memref<16xf32, #tpu.memory_space<hbm>>
      tpu.wait_dma2 semaphore(%arg12 : memref<!tpu.dma_semaphore, #tpu.memory_space<semaphore_mem>>) src(%dma_wait3A_1413 : memref<16xf32, #tpu.memory_space<hbm>>) dst(%dma_wait3A_1411 : memref<16xf32, #tpu.memory_space<vmem>>)
      %dma_wait3A_1414 = arith.constant 19 : i32
      %dma_wait3A_1415 = arith.constant 0 : i32
      %dma_wait3A_1416 = tpu.memref_slice %arg8[%dma_wait3A_1414, %dma_wait3A_1415] : memref<48x16xf32, #tpu.memory_space<vmem>> -> memref<1x16xf32, #tpu.memory_space<vmem>>
      %dma_wait3A_1417 = tpu.memref_squeeze %dma_wait3A_1416 : memref<1x16xf32, #tpu.memory_space<vmem>> -> memref<16xf32, #tpu.memory_space<vmem>>
      %dma_wait3A_1418 = tpu.memref_slice %arg4[%add3A_505, %multiple_of3A_510] : memref<16384x1024xf32, #tpu.memory_space<hbm>> -> memref<1x16xf32, #tpu.memory_space<hbm>>
      %dma_wait3A_1419 = tpu.memref_squeeze %dma_wait3A_1418 : memref<1x16xf32, #tpu.memory_space<hbm>> -> memref<16xf32, #tpu.memory_space<hbm>>
      %dma_wait3A_1420 = arith.constant 0 : i32
      %dma_wait3A_1421 = tpu.memref_slice %arg8[%dma_wait3A_1414, %dma_wait3A_1420] : memref<48x16xf32, #tpu.memory_space<vmem>> -> memref<1x16xf32, #tpu.memory_space<vmem>>
      %dma_wait3A_1422 = tpu.memref_squeeze %dma_wait3A_1421 : memref<1x16xf32, #tpu.memory_space<vmem>> -> memref<16xf32, #tpu.memory_space<vmem>>
      %dma_wait3A_1423 = tpu.memref_slice %arg4[%add3A_505, %multiple_of3A_510] : memref<16384x1024xf32, #tpu.memory_space<hbm>> -> memref<1x16xf32, #tpu.memory_space<hbm>>
      %dma_wait3A_1424 = tpu.memref_squeeze %dma_wait3A_1423 : memref<1x16xf32, #tpu.memory_space<hbm>> -> memref<16xf32, #tpu.memory_space<hbm>>
      tpu.wait_dma2 semaphore(%arg12 : memref<!tpu.dma_semaphore, #tpu.memory_space<semaphore_mem>>) src(%dma_wait3A_1424 : memref<16xf32, #tpu.memory_space<hbm>>) dst(%dma_wait3A_1422 : memref<16xf32, #tpu.memory_space<vmem>>)
      %dma_wait3A_1425 = arith.constant 20 : i32
      %dma_wait3A_1426 = arith.constant 0 : i32
      %dma_wait3A_1427 = tpu.memref_slice %arg8[%dma_wait3A_1425, %dma_wait3A_1426] : memref<48x16xf32, #tpu.memory_space<vmem>> -> memref<1x16xf32, #tpu.memory_space<vmem>>
      %dma_wait3A_1428 = tpu.memref_squeeze %dma_wait3A_1427 : memref<1x16xf32, #tpu.memory_space<vmem>> -> memref<16xf32, #tpu.memory_space<vmem>>
      %dma_wait3A_1429 = tpu.memref_slice %arg4[%add3A_526, %multiple_of3A_531] : memref<16384x1024xf32, #tpu.memory_space<hbm>> -> memref<1x16xf32, #tpu.memory_space<hbm>>
      %dma_wait3A_1430 = tpu.memref_squeeze %dma_wait3A_1429 : memref<1x16xf32, #tpu.memory_space<hbm>> -> memref<16xf32, #tpu.memory_space<hbm>>
      %dma_wait3A_1431 = arith.constant 0 : i32
      %dma_wait3A_1432 = tpu.memref_slice %arg8[%dma_wait3A_1425, %dma_wait3A_1431] : memref<48x16xf32, #tpu.memory_space<vmem>> -> memref<1x16xf32, #tpu.memory_space<vmem>>
      %dma_wait3A_1433 = tpu.memref_squeeze %dma_wait3A_1432 : memref<1x16xf32, #tpu.memory_space<vmem>> -> memref<16xf32, #tpu.memory_space<vmem>>
      %dma_wait3A_1434 = tpu.memref_slice %arg4[%add3A_526, %multiple_of3A_531] : memref<16384x1024xf32, #tpu.memory_space<hbm>> -> memref<1x16xf32, #tpu.memory_space<hbm>>
      %dma_wait3A_1435 = tpu.memref_squeeze %dma_wait3A_1434 : memref<1x16xf32, #tpu.memory_space<hbm>> -> memref<16xf32, #tpu.memory_space<hbm>>
      tpu.wait_dma2 semaphore(%arg12 : memref<!tpu.dma_semaphore, #tpu.memory_space<semaphore_mem>>) src(%dma_wait3A_1435 : memref<16xf32, #tpu.memory_space<hbm>>) dst(%dma_wait3A_1433 : memref<16xf32, #tpu.memory_space<vmem>>)
      %dma_wait3A_1436 = arith.constant 21 : i32
      %dma_wait3A_1437 = arith.constant 0 : i32
      %dma_wait3A_1438 = tpu.memref_slice %arg8[%dma_wait3A_1436, %dma_wait3A_1437] : memref<48x16xf32, #tpu.memory_space<vmem>> -> memref<1x16xf32, #tpu.memory_space<vmem>>
      %dma_wait3A_1439 = tpu.memref_squeeze %dma_wait3A_1438 : memref<1x16xf32, #tpu.memory_space<vmem>> -> memref<16xf32, #tpu.memory_space<vmem>>
      %dma_wait3A_1440 = tpu.memref_slice %arg4[%add3A_547, %multiple_of3A_552] : memref<16384x1024xf32, #tpu.memory_space<hbm>> -> memref<1x16xf32, #tpu.memory_space<hbm>>
      %dma_wait3A_1441 = tpu.memref_squeeze %dma_wait3A_1440 : memref<1x16xf32, #tpu.memory_space<hbm>> -> memref<16xf32, #tpu.memory_space<hbm>>
      %dma_wait3A_1442 = arith.constant 0 : i32
      %dma_wait3A_1443 = tpu.memref_slice %arg8[%dma_wait3A_1436, %dma_wait3A_1442] : memref<48x16xf32, #tpu.memory_space<vmem>> -> memref<1x16xf32, #tpu.memory_space<vmem>>
      %dma_wait3A_1444 = tpu.memref_squeeze %dma_wait3A_1443 : memref<1x16xf32, #tpu.memory_space<vmem>> -> memref<16xf32, #tpu.memory_space<vmem>>
      %dma_wait3A_1445 = tpu.memref_slice %arg4[%add3A_547, %multiple_of3A_552] : memref<16384x1024xf32, #tpu.memory_space<hbm>> -> memref<1x16xf32, #tpu.memory_space<hbm>>
      %dma_wait3A_1446 = tpu.memref_squeeze %dma_wait3A_1445 : memref<1x16xf32, #tpu.memory_space<hbm>> -> memref<16xf32, #tpu.memory_space<hbm>>
      tpu.wait_dma2 semaphore(%arg12 : memref<!tpu.dma_semaphore, #tpu.memory_space<semaphore_mem>>) src(%dma_wait3A_1446 : memref<16xf32, #tpu.memory_space<hbm>>) dst(%dma_wait3A_1444 : memref<16xf32, #tpu.memory_space<vmem>>)
      %dma_wait3A_1447 = arith.constant 22 : i32
      %dma_wait3A_1448 = arith.constant 0 : i32
      %dma_wait3A_1449 = tpu.memref_slice %arg8[%dma_wait3A_1447, %dma_wait3A_1448] : memref<48x16xf32, #tpu.memory_space<vmem>> -> memref<1x16xf32, #tpu.memory_space<vmem>>
      %dma_wait3A_1450 = tpu.memref_squeeze %dma_wait3A_1449 : memref<1x16xf32, #tpu.memory_space<vmem>> -> memref<16xf32, #tpu.memory_space<vmem>>
      %dma_wait3A_1451 = tpu.memref_slice %arg4[%add3A_568, %multiple_of3A_573] : memref<16384x1024xf32, #tpu.memory_space<hbm>> -> memref<1x16xf32, #tpu.memory_space<hbm>>
      %dma_wait3A_1452 = tpu.memref_squeeze %dma_wait3A_1451 : memref<1x16xf32, #tpu.memory_space<hbm>> -> memref<16xf32, #tpu.memory_space<hbm>>
      %dma_wait3A_1453 = arith.constant 0 : i32
      %dma_wait3A_1454 = tpu.memref_slice %arg8[%dma_wait3A_1447, %dma_wait3A_1453] : memref<48x16xf32, #tpu.memory_space<vmem>> -> memref<1x16xf32, #tpu.memory_space<vmem>>
      %dma_wait3A_1455 = tpu.memref_squeeze %dma_wait3A_1454 : memref<1x16xf32, #tpu.memory_space<vmem>> -> memref<16xf32, #tpu.memory_space<vmem>>
      %dma_wait3A_1456 = tpu.memref_slice %arg4[%add3A_568, %multiple_of3A_573] : memref<16384x1024xf32, #tpu.memory_space<hbm>> -> memref<1x16xf32, #tpu.memory_space<hbm>>
      %dma_wait3A_1457 = tpu.memref_squeeze %dma_wait3A_1456 : memref<1x16xf32, #tpu.memory_space<hbm>> -> memref<16xf32, #tpu.memory_space<hbm>>
      tpu.wait_dma2 semaphore(%arg12 : memref<!tpu.dma_semaphore, #tpu.memory_space<semaphore_mem>>) src(%dma_wait3A_1457 : memref<16xf32, #tpu.memory_space<hbm>>) dst(%dma_wait3A_1455 : memref<16xf32, #tpu.memory_space<vmem>>)
      %dma_wait3A_1458 = arith.constant 23 : i32
      %dma_wait3A_1459 = arith.constant 0 : i32
      %dma_wait3A_1460 = tpu.memref_slice %arg8[%dma_wait3A_1458, %dma_wait3A_1459] : memref<48x16xf32, #tpu.memory_space<vmem>> -> memref<1x16xf32, #tpu.memory_space<vmem>>
      %dma_wait3A_1461 = tpu.memref_squeeze %dma_wait3A_1460 : memref<1x16xf32, #tpu.memory_space<vmem>> -> memref<16xf32, #tpu.memory_space<vmem>>
      %dma_wait3A_1462 = tpu.memref_slice %arg4[%add3A_589, %multiple_of3A_594] : memref<16384x1024xf32, #tpu.memory_space<hbm>> -> memref<1x16xf32, #tpu.memory_space<hbm>>
      %dma_wait3A_1463 = tpu.memref_squeeze %dma_wait3A_1462 : memref<1x16xf32, #tpu.memory_space<hbm>> -> memref<16xf32, #tpu.memory_space<hbm>>
      %dma_wait3A_1464 = arith.constant 0 : i32
      %dma_wait3A_1465 = tpu.memref_slice %arg8[%dma_wait3A_1458, %dma_wait3A_1464] : memref<48x16xf32, #tpu.memory_space<vmem>> -> memref<1x16xf32, #tpu.memory_space<vmem>>
      %dma_wait3A_1466 = tpu.memref_squeeze %dma_wait3A_1465 : memref<1x16xf32, #tpu.memory_space<vmem>> -> memref<16xf32, #tpu.memory_space<vmem>>
      %dma_wait3A_1467 = tpu.memref_slice %arg4[%add3A_589, %multiple_of3A_594] : memref<16384x1024xf32, #tpu.memory_space<hbm>> -> memref<1x16xf32, #tpu.memory_space<hbm>>
      %dma_wait3A_1468 = tpu.memref_squeeze %dma_wait3A_1467 : memref<1x16xf32, #tpu.memory_space<hbm>> -> memref<16xf32, #tpu.memory_space<hbm>>
      tpu.wait_dma2 semaphore(%arg12 : memref<!tpu.dma_semaphore, #tpu.memory_space<semaphore_mem>>) src(%dma_wait3A_1468 : memref<16xf32, #tpu.memory_space<hbm>>) dst(%dma_wait3A_1466 : memref<16xf32, #tpu.memory_space<vmem>>)
      %dma_wait3A_1469 = arith.constant 24 : i32
      %dma_wait3A_1470 = arith.constant 0 : i32
      %dma_wait3A_1471 = tpu.memref_slice %arg8[%dma_wait3A_1469, %dma_wait3A_1470] : memref<48x16xf32, #tpu.memory_space<vmem>> -> memref<1x16xf32, #tpu.memory_space<vmem>>
      %dma_wait3A_1472 = tpu.memref_squeeze %dma_wait3A_1471 : memref<1x16xf32, #tpu.memory_space<vmem>> -> memref<16xf32, #tpu.memory_space<vmem>>
      %dma_wait3A_1473 = tpu.memref_slice %arg4[%add3A_639, %multiple_of3A_644] : memref<16384x1024xf32, #tpu.memory_space<hbm>> -> memref<1x16xf32, #tpu.memory_space<hbm>>
      %dma_wait3A_1474 = tpu.memref_squeeze %dma_wait3A_1473 : memref<1x16xf32, #tpu.memory_space<hbm>> -> memref<16xf32, #tpu.memory_space<hbm>>
      %dma_wait3A_1475 = arith.constant 0 : i32
      %dma_wait3A_1476 = tpu.memref_slice %arg8[%dma_wait3A_1469, %dma_wait3A_1475] : memref<48x16xf32, #tpu.memory_space<vmem>> -> memref<1x16xf32, #tpu.memory_space<vmem>>
      %dma_wait3A_1477 = tpu.memref_squeeze %dma_wait3A_1476 : memref<1x16xf32, #tpu.memory_space<vmem>> -> memref<16xf32, #tpu.memory_space<vmem>>
      %dma_wait3A_1478 = tpu.memref_slice %arg4[%add3A_639, %multiple_of3A_644] : memref<16384x1024xf32, #tpu.memory_space<hbm>> -> memref<1x16xf32, #tpu.memory_space<hbm>>
      %dma_wait3A_1479 = tpu.memref_squeeze %dma_wait3A_1478 : memref<1x16xf32, #tpu.memory_space<hbm>> -> memref<16xf32, #tpu.memory_space<hbm>>
      tpu.wait_dma2 semaphore(%arg12 : memref<!tpu.dma_semaphore, #tpu.memory_space<semaphore_mem>>) src(%dma_wait3A_1479 : memref<16xf32, #tpu.memory_space<hbm>>) dst(%dma_wait3A_1477 : memref<16xf32, #tpu.memory_space<vmem>>)
      %dma_wait3A_1480 = arith.constant 25 : i32
      %dma_wait3A_1481 = arith.constant 0 : i32
      %dma_wait3A_1482 = tpu.memref_slice %arg8[%dma_wait3A_1480, %dma_wait3A_1481] : memref<48x16xf32, #tpu.memory_space<vmem>> -> memref<1x16xf32, #tpu.memory_space<vmem>>
      %dma_wait3A_1483 = tpu.memref_squeeze %dma_wait3A_1482 : memref<1x16xf32, #tpu.memory_space<vmem>> -> memref<16xf32, #tpu.memory_space<vmem>>
      %dma_wait3A_1484 = tpu.memref_slice %arg4[%add3A_660, %multiple_of3A_665] : memref<16384x1024xf32, #tpu.memory_space<hbm>> -> memref<1x16xf32, #tpu.memory_space<hbm>>
      %dma_wait3A_1485 = tpu.memref_squeeze %dma_wait3A_1484 : memref<1x16xf32, #tpu.memory_space<hbm>> -> memref<16xf32, #tpu.memory_space<hbm>>
      %dma_wait3A_1486 = arith.constant 0 : i32
      %dma_wait3A_1487 = tpu.memref_slice %arg8[%dma_wait3A_1480, %dma_wait3A_1486] : memref<48x16xf32, #tpu.memory_space<vmem>> -> memref<1x16xf32, #tpu.memory_space<vmem>>
      %dma_wait3A_1488 = tpu.memref_squeeze %dma_wait3A_1487 : memref<1x16xf32, #tpu.memory_space<vmem>> -> memref<16xf32, #tpu.memory_space<vmem>>
      %dma_wait3A_1489 = tpu.memref_slice %arg4[%add3A_660, %multiple_of3A_665] : memref<16384x1024xf32, #tpu.memory_space<hbm>> -> memref<1x16xf32, #tpu.memory_space<hbm>>
      %dma_wait3A_1490 = tpu.memref_squeeze %dma_wait3A_1489 : memref<1x16xf32, #tpu.memory_space<hbm>> -> memref<16xf32, #tpu.memory_space<hbm>>
      tpu.wait_dma2 semaphore(%arg12 : memref<!tpu.dma_semaphore, #tpu.memory_space<semaphore_mem>>) src(%dma_wait3A_1490 : memref<16xf32, #tpu.memory_space<hbm>>) dst(%dma_wait3A_1488 : memref<16xf32, #tpu.memory_space<vmem>>)
      %dma_wait3A_1491 = arith.constant 26 : i32
      %dma_wait3A_1492 = arith.constant 0 : i32
      %dma_wait3A_1493 = tpu.memref_slice %arg8[%dma_wait3A_1491, %dma_wait3A_1492] : memref<48x16xf32, #tpu.memory_space<vmem>> -> memref<1x16xf32, #tpu.memory_space<vmem>>
      %dma_wait3A_1494 = tpu.memref_squeeze %dma_wait3A_1493 : memref<1x16xf32, #tpu.memory_space<vmem>> -> memref<16xf32, #tpu.memory_space<vmem>>
      %dma_wait3A_1495 = tpu.memref_slice %arg4[%add3A_681, %multiple_of3A_686] : memref<16384x1024xf32, #tpu.memory_space<hbm>> -> memref<1x16xf32, #tpu.memory_space<hbm>>
      %dma_wait3A_1496 = tpu.memref_squeeze %dma_wait3A_1495 : memref<1x16xf32, #tpu.memory_space<hbm>> -> memref<16xf32, #tpu.memory_space<hbm>>
      %dma_wait3A_1497 = arith.constant 0 : i32
      %dma_wait3A_1498 = tpu.memref_slice %arg8[%dma_wait3A_1491, %dma_wait3A_1497] : memref<48x16xf32, #tpu.memory_space<vmem>> -> memref<1x16xf32, #tpu.memory_space<vmem>>
      %dma_wait3A_1499 = tpu.memref_squeeze %dma_wait3A_1498 : memref<1x16xf32, #tpu.memory_space<vmem>> -> memref<16xf32, #tpu.memory_space<vmem>>
      %dma_wait3A_1500 = tpu.memref_slice %arg4[%add3A_681, %multiple_of3A_686] : memref<16384x1024xf32, #tpu.memory_space<hbm>> -> memref<1x16xf32, #tpu.memory_space<hbm>>
      %dma_wait3A_1501 = tpu.memref_squeeze %dma_wait3A_1500 : memref<1x16xf32, #tpu.memory_space<hbm>> -> memref<16xf32, #tpu.memory_space<hbm>>
      tpu.wait_dma2 semaphore(%arg12 : memref<!tpu.dma_semaphore, #tpu.memory_space<semaphore_mem>>) src(%dma_wait3A_1501 : memref<16xf32, #tpu.memory_space<hbm>>) dst(%dma_wait3A_1499 : memref<16xf32, #tpu.memory_space<vmem>>)
      %dma_wait3A_1502 = arith.constant 27 : i32
      %dma_wait3A_1503 = arith.constant 0 : i32
      %dma_wait3A_1504 = tpu.memref_slice %arg8[%dma_wait3A_1502, %dma_wait3A_1503] : memref<48x16xf32, #tpu.memory_space<vmem>> -> memref<1x16xf32, #tpu.memory_space<vmem>>
      %dma_wait3A_1505 = tpu.memref_squeeze %dma_wait3A_1504 : memref<1x16xf32, #tpu.memory_space<vmem>> -> memref<16xf32, #tpu.memory_space<vmem>>
      %dma_wait3A_1506 = tpu.memref_slice %arg4[%add3A_702, %multiple_of3A_707] : memref<16384x1024xf32, #tpu.memory_space<hbm>> -> memref<1x16xf32, #tpu.memory_space<hbm>>
      %dma_wait3A_1507 = tpu.memref_squeeze %dma_wait3A_1506 : memref<1x16xf32, #tpu.memory_space<hbm>> -> memref<16xf32, #tpu.memory_space<hbm>>
      %dma_wait3A_1508 = arith.constant 0 : i32
      %dma_wait3A_1509 = tpu.memref_slice %arg8[%dma_wait3A_1502, %dma_wait3A_1508] : memref<48x16xf32, #tpu.memory_space<vmem>> -> memref<1x16xf32, #tpu.memory_space<vmem>>
      %dma_wait3A_1510 = tpu.memref_squeeze %dma_wait3A_1509 : memref<1x16xf32, #tpu.memory_space<vmem>> -> memref<16xf32, #tpu.memory_space<vmem>>
      %dma_wait3A_1511 = tpu.memref_slice %arg4[%add3A_702, %multiple_of3A_707] : memref<16384x1024xf32, #tpu.memory_space<hbm>> -> memref<1x16xf32, #tpu.memory_space<hbm>>
      %dma_wait3A_1512 = tpu.memref_squeeze %dma_wait3A_1511 : memref<1x16xf32, #tpu.memory_space<hbm>> -> memref<16xf32, #tpu.memory_space<hbm>>
      tpu.wait_dma2 semaphore(%arg12 : memref<!tpu.dma_semaphore, #tpu.memory_space<semaphore_mem>>) src(%dma_wait3A_1512 : memref<16xf32, #tpu.memory_space<hbm>>) dst(%dma_wait3A_1510 : memref<16xf32, #tpu.memory_space<vmem>>)
      %dma_wait3A_1513 = arith.constant 28 : i32
      %dma_wait3A_1514 = arith.constant 0 : i32
      %dma_wait3A_1515 = tpu.memref_slice %arg8[%dma_wait3A_1513, %dma_wait3A_1514] : memref<48x16xf32, #tpu.memory_space<vmem>> -> memref<1x16xf32, #tpu.memory_space<vmem>>
      %dma_wait3A_1516 = tpu.memref_squeeze %dma_wait3A_1515 : memref<1x16xf32, #tpu.memory_space<vmem>> -> memref<16xf32, #tpu.memory_space<vmem>>
      %dma_wait3A_1517 = tpu.memref_slice %arg4[%add3A_723, %multiple_of3A_728] : memref<16384x1024xf32, #tpu.memory_space<hbm>> -> memref<1x16xf32, #tpu.memory_space<hbm>>
      %dma_wait3A_1518 = tpu.memref_squeeze %dma_wait3A_1517 : memref<1x16xf32, #tpu.memory_space<hbm>> -> memref<16xf32, #tpu.memory_space<hbm>>
      %dma_wait3A_1519 = arith.constant 0 : i32
      %dma_wait3A_1520 = tpu.memref_slice %arg8[%dma_wait3A_1513, %dma_wait3A_1519] : memref<48x16xf32, #tpu.memory_space<vmem>> -> memref<1x16xf32, #tpu.memory_space<vmem>>
      %dma_wait3A_1521 = tpu.memref_squeeze %dma_wait3A_1520 : memref<1x16xf32, #tpu.memory_space<vmem>> -> memref<16xf32, #tpu.memory_space<vmem>>
      %dma_wait3A_1522 = tpu.memref_slice %arg4[%add3A_723, %multiple_of3A_728] : memref<16384x1024xf32, #tpu.memory_space<hbm>> -> memref<1x16xf32, #tpu.memory_space<hbm>>
      %dma_wait3A_1523 = tpu.memref_squeeze %dma_wait3A_1522 : memref<1x16xf32, #tpu.memory_space<hbm>> -> memref<16xf32, #tpu.memory_space<hbm>>
      tpu.wait_dma2 semaphore(%arg12 : memref<!tpu.dma_semaphore, #tpu.memory_space<semaphore_mem>>) src(%dma_wait3A_1523 : memref<16xf32, #tpu.memory_space<hbm>>) dst(%dma_wait3A_1521 : memref<16xf32, #tpu.memory_space<vmem>>)
      %dma_wait3A_1524 = arith.constant 29 : i32
      %dma_wait3A_1525 = arith.constant 0 : i32
      %dma_wait3A_1526 = tpu.memref_slice %arg8[%dma_wait3A_1524, %dma_wait3A_1525] : memref<48x16xf32, #tpu.memory_space<vmem>> -> memref<1x16xf32, #tpu.memory_space<vmem>>
      %dma_wait3A_1527 = tpu.memref_squeeze %dma_wait3A_1526 : memref<1x16xf32, #tpu.memory_space<vmem>> -> memref<16xf32, #tpu.memory_space<vmem>>
      %dma_wait3A_1528 = tpu.memref_slice %arg4[%add3A_744, %multiple_of3A_749] : memref<16384x1024xf32, #tpu.memory_space<hbm>> -> memref<1x16xf32, #tpu.memory_space<hbm>>
      %dma_wait3A_1529 = tpu.memref_squeeze %dma_wait3A_1528 : memref<1x16xf32, #tpu.memory_space<hbm>> -> memref<16xf32, #tpu.memory_space<hbm>>
      %dma_wait3A_1530 = arith.constant 0 : i32
      %dma_wait3A_1531 = tpu.memref_slice %arg8[%dma_wait3A_1524, %dma_wait3A_1530] : memref<48x16xf32, #tpu.memory_space<vmem>> -> memref<1x16xf32, #tpu.memory_space<vmem>>
      %dma_wait3A_1532 = tpu.memref_squeeze %dma_wait3A_1531 : memref<1x16xf32, #tpu.memory_space<vmem>> -> memref<16xf32, #tpu.memory_space<vmem>>
      %dma_wait3A_1533 = tpu.memref_slice %arg4[%add3A_744, %multiple_of3A_749] : memref<16384x1024xf32, #tpu.memory_space<hbm>> -> memref<1x16xf32, #tpu.memory_space<hbm>>
      %dma_wait3A_1534 = tpu.memref_squeeze %dma_wait3A_1533 : memref<1x16xf32, #tpu.memory_space<hbm>> -> memref<16xf32, #tpu.memory_space<hbm>>
      tpu.wait_dma2 semaphore(%arg12 : memref<!tpu.dma_semaphore, #tpu.memory_space<semaphore_mem>>) src(%dma_wait3A_1534 : memref<16xf32, #tpu.memory_space<hbm>>) dst(%dma_wait3A_1532 : memref<16xf32, #tpu.memory_space<vmem>>)
      %dma_wait3A_1535 = arith.constant 30 : i32
      %dma_wait3A_1536 = arith.constant 0 : i32
      %dma_wait3A_1537 = tpu.memref_slice %arg8[%dma_wait3A_1535, %dma_wait3A_1536] : memref<48x16xf32, #tpu.memory_space<vmem>> -> memref<1x16xf32, #tpu.memory_space<vmem>>
      %dma_wait3A_1538 = tpu.memref_squeeze %dma_wait3A_1537 : memref<1x16xf32, #tpu.memory_space<vmem>> -> memref<16xf32, #tpu.memory_space<vmem>>
      %dma_wait3A_1539 = tpu.memref_slice %arg4[%add3A_765, %multiple_of3A_770] : memref<16384x1024xf32, #tpu.memory_space<hbm>> -> memref<1x16xf32, #tpu.memory_space<hbm>>
      %dma_wait3A_1540 = tpu.memref_squeeze %dma_wait3A_1539 : memref<1x16xf32, #tpu.memory_space<hbm>> -> memref<16xf32, #tpu.memory_space<hbm>>
      %dma_wait3A_1541 = arith.constant 0 : i32
      %dma_wait3A_1542 = tpu.memref_slice %arg8[%dma_wait3A_1535, %dma_wait3A_1541] : memref<48x16xf32, #tpu.memory_space<vmem>> -> memref<1x16xf32, #tpu.memory_space<vmem>>
      %dma_wait3A_1543 = tpu.memref_squeeze %dma_wait3A_1542 : memref<1x16xf32, #tpu.memory_space<vmem>> -> memref<16xf32, #tpu.memory_space<vmem>>
      %dma_wait3A_1544 = tpu.memref_slice %arg4[%add3A_765, %multiple_of3A_770] : memref<16384x1024xf32, #tpu.memory_space<hbm>> -> memref<1x16xf32, #tpu.memory_space<hbm>>
      %dma_wait3A_1545 = tpu.memref_squeeze %dma_wait3A_1544 : memref<1x16xf32, #tpu.memory_space<hbm>> -> memref<16xf32, #tpu.memory_space<hbm>>
      tpu.wait_dma2 semaphore(%arg12 : memref<!tpu.dma_semaphore, #tpu.memory_space<semaphore_mem>>) src(%dma_wait3A_1545 : memref<16xf32, #tpu.memory_space<hbm>>) dst(%dma_wait3A_1543 : memref<16xf32, #tpu.memory_space<vmem>>)
      %dma_wait3A_1546 = arith.constant 31 : i32
      %dma_wait3A_1547 = arith.constant 0 : i32
      %dma_wait3A_1548 = tpu.memref_slice %arg8[%dma_wait3A_1546, %dma_wait3A_1547] : memref<48x16xf32, #tpu.memory_space<vmem>> -> memref<1x16xf32, #tpu.memory_space<vmem>>
      %dma_wait3A_1549 = tpu.memref_squeeze %dma_wait3A_1548 : memref<1x16xf32, #tpu.memory_space<vmem>> -> memref<16xf32, #tpu.memory_space<vmem>>
      %dma_wait3A_1550 = tpu.memref_slice %arg4[%add3A_786, %multiple_of3A_791] : memref<16384x1024xf32, #tpu.memory_space<hbm>> -> memref<1x16xf32, #tpu.memory_space<hbm>>
      %dma_wait3A_1551 = tpu.memref_squeeze %dma_wait3A_1550 : memref<1x16xf32, #tpu.memory_space<hbm>> -> memref<16xf32, #tpu.memory_space<hbm>>
      %dma_wait3A_1552 = arith.constant 0 : i32
      %dma_wait3A_1553 = tpu.memref_slice %arg8[%dma_wait3A_1546, %dma_wait3A_1552] : memref<48x16xf32, #tpu.memory_space<vmem>> -> memref<1x16xf32, #tpu.memory_space<vmem>>
      %dma_wait3A_1554 = tpu.memref_squeeze %dma_wait3A_1553 : memref<1x16xf32, #tpu.memory_space<vmem>> -> memref<16xf32, #tpu.memory_space<vmem>>
      %dma_wait3A_1555 = tpu.memref_slice %arg4[%add3A_786, %multiple_of3A_791] : memref<16384x1024xf32, #tpu.memory_space<hbm>> -> memref<1x16xf32, #tpu.memory_space<hbm>>
      %dma_wait3A_1556 = tpu.memref_squeeze %dma_wait3A_1555 : memref<1x16xf32, #tpu.memory_space<hbm>> -> memref<16xf32, #tpu.memory_space<hbm>>
      tpu.wait_dma2 semaphore(%arg12 : memref<!tpu.dma_semaphore, #tpu.memory_space<semaphore_mem>>) src(%dma_wait3A_1556 : memref<16xf32, #tpu.memory_space<hbm>>) dst(%dma_wait3A_1554 : memref<16xf32, #tpu.memory_space<vmem>>)
      %dma_wait3A_1557 = arith.constant 32 : i32
      %dma_wait3A_1558 = arith.constant 0 : i32
      %dma_wait3A_1559 = tpu.memref_slice %arg8[%dma_wait3A_1557, %dma_wait3A_1558] : memref<48x16xf32, #tpu.memory_space<vmem>> -> memref<1x16xf32, #tpu.memory_space<vmem>>
      %dma_wait3A_1560 = tpu.memref_squeeze %dma_wait3A_1559 : memref<1x16xf32, #tpu.memory_space<vmem>> -> memref<16xf32, #tpu.memory_space<vmem>>
      %dma_wait3A_1561 = tpu.memref_slice %arg4[%add3A_845, %multiple_of3A_850] : memref<16384x1024xf32, #tpu.memory_space<hbm>> -> memref<1x16xf32, #tpu.memory_space<hbm>>
      %dma_wait3A_1562 = tpu.memref_squeeze %dma_wait3A_1561 : memref<1x16xf32, #tpu.memory_space<hbm>> -> memref<16xf32, #tpu.memory_space<hbm>>
      %dma_wait3A_1563 = arith.constant 0 : i32
      %dma_wait3A_1564 = tpu.memref_slice %arg8[%dma_wait3A_1557, %dma_wait3A_1563] : memref<48x16xf32, #tpu.memory_space<vmem>> -> memref<1x16xf32, #tpu.memory_space<vmem>>
      %dma_wait3A_1565 = tpu.memref_squeeze %dma_wait3A_1564 : memref<1x16xf32, #tpu.memory_space<vmem>> -> memref<16xf32, #tpu.memory_space<vmem>>
      %dma_wait3A_1566 = tpu.memref_slice %arg4[%add3A_845, %multiple_of3A_850] : memref<16384x1024xf32, #tpu.memory_space<hbm>> -> memref<1x16xf32, #tpu.memory_space<hbm>>
      %dma_wait3A_1567 = tpu.memref_squeeze %dma_wait3A_1566 : memref<1x16xf32, #tpu.memory_space<hbm>> -> memref<16xf32, #tpu.memory_space<hbm>>
      tpu.wait_dma2 semaphore(%arg12 : memref<!tpu.dma_semaphore, #tpu.memory_space<semaphore_mem>>) src(%dma_wait3A_1567 : memref<16xf32, #tpu.memory_space<hbm>>) dst(%dma_wait3A_1565 : memref<16xf32, #tpu.memory_space<vmem>>)
      %dma_wait3A_1568 = arith.constant 33 : i32
      %dma_wait3A_1569 = arith.constant 0 : i32
      %dma_wait3A_1570 = tpu.memref_slice %arg8[%dma_wait3A_1568, %dma_wait3A_1569] : memref<48x16xf32, #tpu.memory_space<vmem>> -> memref<1x16xf32, #tpu.memory_space<vmem>>
      %dma_wait3A_1571 = tpu.memref_squeeze %dma_wait3A_1570 : memref<1x16xf32, #tpu.memory_space<vmem>> -> memref<16xf32, #tpu.memory_space<vmem>>
      %dma_wait3A_1572 = tpu.memref_slice %arg4[%add3A_866, %multiple_of3A_871] : memref<16384x1024xf32, #tpu.memory_space<hbm>> -> memref<1x16xf32, #tpu.memory_space<hbm>>
      %dma_wait3A_1573 = tpu.memref_squeeze %dma_wait3A_1572 : memref<1x16xf32, #tpu.memory_space<hbm>> -> memref<16xf32, #tpu.memory_space<hbm>>
      %dma_wait3A_1574 = arith.constant 0 : i32
      %dma_wait3A_1575 = tpu.memref_slice %arg8[%dma_wait3A_1568, %dma_wait3A_1574] : memref<48x16xf32, #tpu.memory_space<vmem>> -> memref<1x16xf32, #tpu.memory_space<vmem>>
      %dma_wait3A_1576 = tpu.memref_squeeze %dma_wait3A_1575 : memref<1x16xf32, #tpu.memory_space<vmem>> -> memref<16xf32, #tpu.memory_space<vmem>>
      %dma_wait3A_1577 = tpu.memref_slice %arg4[%add3A_866, %multiple_of3A_871] : memref<16384x1024xf32, #tpu.memory_space<hbm>> -> memref<1x16xf32, #tpu.memory_space<hbm>>
      %dma_wait3A_1578 = tpu.memref_squeeze %dma_wait3A_1577 : memref<1x16xf32, #tpu.memory_space<hbm>> -> memref<16xf32, #tpu.memory_space<hbm>>
      tpu.wait_dma2 semaphore(%arg12 : memref<!tpu.dma_semaphore, #tpu.memory_space<semaphore_mem>>) src(%dma_wait3A_1578 : memref<16xf32, #tpu.memory_space<hbm>>) dst(%dma_wait3A_1576 : memref<16xf32, #tpu.memory_space<vmem>>)
      %dma_wait3A_1579 = arith.constant 34 : i32
      %dma_wait3A_1580 = arith.constant 0 : i32
      %dma_wait3A_1581 = tpu.memref_slice %arg8[%dma_wait3A_1579, %dma_wait3A_1580] : memref<48x16xf32, #tpu.memory_space<vmem>> -> memref<1x16xf32, #tpu.memory_space<vmem>>
      %dma_wait3A_1582 = tpu.memref_squeeze %dma_wait3A_1581 : memref<1x16xf32, #tpu.memory_space<vmem>> -> memref<16xf32, #tpu.memory_space<vmem>>
      %dma_wait3A_1583 = tpu.memref_slice %arg4[%add3A_887, %multiple_of3A_892] : memref<16384x1024xf32, #tpu.memory_space<hbm>> -> memref<1x16xf32, #tpu.memory_space<hbm>>
      %dma_wait3A_1584 = tpu.memref_squeeze %dma_wait3A_1583 : memref<1x16xf32, #tpu.memory_space<hbm>> -> memref<16xf32, #tpu.memory_space<hbm>>
      %dma_wait3A_1585 = arith.constant 0 : i32
      %dma_wait3A_1586 = tpu.memref_slice %arg8[%dma_wait3A_1579, %dma_wait3A_1585] : memref<48x16xf32, #tpu.memory_space<vmem>> -> memref<1x16xf32, #tpu.memory_space<vmem>>
      %dma_wait3A_1587 = tpu.memref_squeeze %dma_wait3A_1586 : memref<1x16xf32, #tpu.memory_space<vmem>> -> memref<16xf32, #tpu.memory_space<vmem>>
      %dma_wait3A_1588 = tpu.memref_slice %arg4[%add3A_887, %multiple_of3A_892] : memref<16384x1024xf32, #tpu.memory_space<hbm>> -> memref<1x16xf32, #tpu.memory_space<hbm>>
      %dma_wait3A_1589 = tpu.memref_squeeze %dma_wait3A_1588 : memref<1x16xf32, #tpu.memory_space<hbm>> -> memref<16xf32, #tpu.memory_space<hbm>>
      tpu.wait_dma2 semaphore(%arg12 : memref<!tpu.dma_semaphore, #tpu.memory_space<semaphore_mem>>) src(%dma_wait3A_1589 : memref<16xf32, #tpu.memory_space<hbm>>) dst(%dma_wait3A_1587 : memref<16xf32, #tpu.memory_space<vmem>>)
      %dma_wait3A_1590 = arith.constant 35 : i32
      %dma_wait3A_1591 = arith.constant 0 : i32
      %dma_wait3A_1592 = tpu.memref_slice %arg8[%dma_wait3A_1590, %dma_wait3A_1591] : memref<48x16xf32, #tpu.memory_space<vmem>> -> memref<1x16xf32, #tpu.memory_space<vmem>>
      %dma_wait3A_1593 = tpu.memref_squeeze %dma_wait3A_1592 : memref<1x16xf32, #tpu.memory_space<vmem>> -> memref<16xf32, #tpu.memory_space<vmem>>
      %dma_wait3A_1594 = tpu.memref_slice %arg4[%add3A_908, %multiple_of3A_913] : memref<16384x1024xf32, #tpu.memory_space<hbm>> -> memref<1x16xf32, #tpu.memory_space<hbm>>
      %dma_wait3A_1595 = tpu.memref_squeeze %dma_wait3A_1594 : memref<1x16xf32, #tpu.memory_space<hbm>> -> memref<16xf32, #tpu.memory_space<hbm>>
      %dma_wait3A_1596 = arith.constant 0 : i32
      %dma_wait3A_1597 = tpu.memref_slice %arg8[%dma_wait3A_1590, %dma_wait3A_1596] : memref<48x16xf32, #tpu.memory_space<vmem>> -> memref<1x16xf32, #tpu.memory_space<vmem>>
      %dma_wait3A_1598 = tpu.memref_squeeze %dma_wait3A_1597 : memref<1x16xf32, #tpu.memory_space<vmem>> -> memref<16xf32, #tpu.memory_space<vmem>>
      %dma_wait3A_1599 = tpu.memref_slice %arg4[%add3A_908, %multiple_of3A_913] : memref<16384x1024xf32, #tpu.memory_space<hbm>> -> memref<1x16xf32, #tpu.memory_space<hbm>>
      %dma_wait3A_1600 = tpu.memref_squeeze %dma_wait3A_1599 : memref<1x16xf32, #tpu.memory_space<hbm>> -> memref<16xf32, #tpu.memory_space<hbm>>
      tpu.wait_dma2 semaphore(%arg12 : memref<!tpu.dma_semaphore, #tpu.memory_space<semaphore_mem>>) src(%dma_wait3A_1600 : memref<16xf32, #tpu.memory_space<hbm>>) dst(%dma_wait3A_1598 : memref<16xf32, #tpu.memory_space<vmem>>)
      %dma_wait3A_1601 = arith.constant 36 : i32
      %dma_wait3A_1602 = arith.constant 0 : i32
      %dma_wait3A_1603 = tpu.memref_slice %arg8[%dma_wait3A_1601, %dma_wait3A_1602] : memref<48x16xf32, #tpu.memory_space<vmem>> -> memref<1x16xf32, #tpu.memory_space<vmem>>
      %dma_wait3A_1604 = tpu.memref_squeeze %dma_wait3A_1603 : memref<1x16xf32, #tpu.memory_space<vmem>> -> memref<16xf32, #tpu.memory_space<vmem>>
      %dma_wait3A_1605 = tpu.memref_slice %arg4[%add3A_929, %multiple_of3A_934] : memref<16384x1024xf32, #tpu.memory_space<hbm>> -> memref<1x16xf32, #tpu.memory_space<hbm>>
      %dma_wait3A_1606 = tpu.memref_squeeze %dma_wait3A_1605 : memref<1x16xf32, #tpu.memory_space<hbm>> -> memref<16xf32, #tpu.memory_space<hbm>>
      %dma_wait3A_1607 = arith.constant 0 : i32
      %dma_wait3A_1608 = tpu.memref_slice %arg8[%dma_wait3A_1601, %dma_wait3A_1607] : memref<48x16xf32, #tpu.memory_space<vmem>> -> memref<1x16xf32, #tpu.memory_space<vmem>>
      %dma_wait3A_1609 = tpu.memref_squeeze %dma_wait3A_1608 : memref<1x16xf32, #tpu.memory_space<vmem>> -> memref<16xf32, #tpu.memory_space<vmem>>
      %dma_wait3A_1610 = tpu.memref_slice %arg4[%add3A_929, %multiple_of3A_934] : memref<16384x1024xf32, #tpu.memory_space<hbm>> -> memref<1x16xf32, #tpu.memory_space<hbm>>
      %dma_wait3A_1611 = tpu.memref_squeeze %dma_wait3A_1610 : memref<1x16xf32, #tpu.memory_space<hbm>> -> memref<16xf32, #tpu.memory_space<hbm>>
      tpu.wait_dma2 semaphore(%arg12 : memref<!tpu.dma_semaphore, #tpu.memory_space<semaphore_mem>>) src(%dma_wait3A_1611 : memref<16xf32, #tpu.memory_space<hbm>>) dst(%dma_wait3A_1609 : memref<16xf32, #tpu.memory_space<vmem>>)
      %dma_wait3A_1612 = arith.constant 37 : i32
      %dma_wait3A_1613 = arith.constant 0 : i32
      %dma_wait3A_1614 = tpu.memref_slice %arg8[%dma_wait3A_1612, %dma_wait3A_1613] : memref<48x16xf32, #tpu.memory_space<vmem>> -> memref<1x16xf32, #tpu.memory_space<vmem>>
      %dma_wait3A_1615 = tpu.memref_squeeze %dma_wait3A_1614 : memref<1x16xf32, #tpu.memory_space<vmem>> -> memref<16xf32, #tpu.memory_space<vmem>>
      %dma_wait3A_1616 = tpu.memref_slice %arg4[%add3A_950, %multiple_of3A_955] : memref<16384x1024xf32, #tpu.memory_space<hbm>> -> memref<1x16xf32, #tpu.memory_space<hbm>>
      %dma_wait3A_1617 = tpu.memref_squeeze %dma_wait3A_1616 : memref<1x16xf32, #tpu.memory_space<hbm>> -> memref<16xf32, #tpu.memory_space<hbm>>
      %dma_wait3A_1618 = arith.constant 0 : i32
      %dma_wait3A_1619 = tpu.memref_slice %arg8[%dma_wait3A_1612, %dma_wait3A_1618] : memref<48x16xf32, #tpu.memory_space<vmem>> -> memref<1x16xf32, #tpu.memory_space<vmem>>
      %dma_wait3A_1620 = tpu.memref_squeeze %dma_wait3A_1619 : memref<1x16xf32, #tpu.memory_space<vmem>> -> memref<16xf32, #tpu.memory_space<vmem>>
      %dma_wait3A_1621 = tpu.memref_slice %arg4[%add3A_950, %multiple_of3A_955] : memref<16384x1024xf32, #tpu.memory_space<hbm>> -> memref<1x16xf32, #tpu.memory_space<hbm>>
      %dma_wait3A_1622 = tpu.memref_squeeze %dma_wait3A_1621 : memref<1x16xf32, #tpu.memory_space<hbm>> -> memref<16xf32, #tpu.memory_space<hbm>>
      tpu.wait_dma2 semaphore(%arg12 : memref<!tpu.dma_semaphore, #tpu.memory_space<semaphore_mem>>) src(%dma_wait3A_1622 : memref<16xf32, #tpu.memory_space<hbm>>) dst(%dma_wait3A_1620 : memref<16xf32, #tpu.memory_space<vmem>>)
      %dma_wait3A_1623 = arith.constant 38 : i32
      %dma_wait3A_1624 = arith.constant 0 : i32
      %dma_wait3A_1625 = tpu.memref_slice %arg8[%dma_wait3A_1623, %dma_wait3A_1624] : memref<48x16xf32, #tpu.memory_space<vmem>> -> memref<1x16xf32, #tpu.memory_space<vmem>>
      %dma_wait3A_1626 = tpu.memref_squeeze %dma_wait3A_1625 : memref<1x16xf32, #tpu.memory_space<vmem>> -> memref<16xf32, #tpu.memory_space<vmem>>
      %dma_wait3A_1627 = tpu.memref_slice %arg4[%add3A_971, %multiple_of3A_976] : memref<16384x1024xf32, #tpu.memory_space<hbm>> -> memref<1x16xf32, #tpu.memory_space<hbm>>
      %dma_wait3A_1628 = tpu.memref_squeeze %dma_wait3A_1627 : memref<1x16xf32, #tpu.memory_space<hbm>> -> memref<16xf32, #tpu.memory_space<hbm>>
      %dma_wait3A_1629 = arith.constant 0 : i32
      %dma_wait3A_1630 = tpu.memref_slice %arg8[%dma_wait3A_1623, %dma_wait3A_1629] : memref<48x16xf32, #tpu.memory_space<vmem>> -> memref<1x16xf32, #tpu.memory_space<vmem>>
      %dma_wait3A_1631 = tpu.memref_squeeze %dma_wait3A_1630 : memref<1x16xf32, #tpu.memory_space<vmem>> -> memref<16xf32, #tpu.memory_space<vmem>>
      %dma_wait3A_1632 = tpu.memref_slice %arg4[%add3A_971, %multiple_of3A_976] : memref<16384x1024xf32, #tpu.memory_space<hbm>> -> memref<1x16xf32, #tpu.memory_space<hbm>>
      %dma_wait3A_1633 = tpu.memref_squeeze %dma_wait3A_1632 : memref<1x16xf32, #tpu.memory_space<hbm>> -> memref<16xf32, #tpu.memory_space<hbm>>
      tpu.wait_dma2 semaphore(%arg12 : memref<!tpu.dma_semaphore, #tpu.memory_space<semaphore_mem>>) src(%dma_wait3A_1633 : memref<16xf32, #tpu.memory_space<hbm>>) dst(%dma_wait3A_1631 : memref<16xf32, #tpu.memory_space<vmem>>)
      %dma_wait3A_1634 = arith.constant 39 : i32
      %dma_wait3A_1635 = arith.constant 0 : i32
      %dma_wait3A_1636 = tpu.memref_slice %arg8[%dma_wait3A_1634, %dma_wait3A_1635] : memref<48x16xf32, #tpu.memory_space<vmem>> -> memref<1x16xf32, #tpu.memory_space<vmem>>
      %dma_wait3A_1637 = tpu.memref_squeeze %dma_wait3A_1636 : memref<1x16xf32, #tpu.memory_space<vmem>> -> memref<16xf32, #tpu.memory_space<vmem>>
      %dma_wait3A_1638 = tpu.memref_slice %arg4[%add3A_992, %multiple_of3A_997] : memref<16384x1024xf32, #tpu.memory_space<hbm>> -> memref<1x16xf32, #tpu.memory_space<hbm>>
      %dma_wait3A_1639 = tpu.memref_squeeze %dma_wait3A_1638 : memref<1x16xf32, #tpu.memory_space<hbm>> -> memref<16xf32, #tpu.memory_space<hbm>>
      %dma_wait3A_1640 = arith.constant 0 : i32
      %dma_wait3A_1641 = tpu.memref_slice %arg8[%dma_wait3A_1634, %dma_wait3A_1640] : memref<48x16xf32, #tpu.memory_space<vmem>> -> memref<1x16xf32, #tpu.memory_space<vmem>>
      %dma_wait3A_1642 = tpu.memref_squeeze %dma_wait3A_1641 : memref<1x16xf32, #tpu.memory_space<vmem>> -> memref<16xf32, #tpu.memory_space<vmem>>
      %dma_wait3A_1643 = tpu.memref_slice %arg4[%add3A_992, %multiple_of3A_997] : memref<16384x1024xf32, #tpu.memory_space<hbm>> -> memref<1x16xf32, #tpu.memory_space<hbm>>
      %dma_wait3A_1644 = tpu.memref_squeeze %dma_wait3A_1643 : memref<1x16xf32, #tpu.memory_space<hbm>> -> memref<16xf32, #tpu.memory_space<hbm>>
      tpu.wait_dma2 semaphore(%arg12 : memref<!tpu.dma_semaphore, #tpu.memory_space<semaphore_mem>>) src(%dma_wait3A_1644 : memref<16xf32, #tpu.memory_space<hbm>>) dst(%dma_wait3A_1642 : memref<16xf32, #tpu.memory_space<vmem>>)
      %dma_wait3A_1645 = arith.constant 40 : i32
      %dma_wait3A_1646 = arith.constant 0 : i32
      %dma_wait3A_1647 = tpu.memref_slice %arg8[%dma_wait3A_1645, %dma_wait3A_1646] : memref<48x16xf32, #tpu.memory_space<vmem>> -> memref<1x16xf32, #tpu.memory_space<vmem>>
      %dma_wait3A_1648 = tpu.memref_squeeze %dma_wait3A_1647 : memref<1x16xf32, #tpu.memory_space<vmem>> -> memref<16xf32, #tpu.memory_space<vmem>>
      %dma_wait3A_1649 = tpu.memref_slice %arg4[%add3A_1042, %multiple_of3A_1047] : memref<16384x1024xf32, #tpu.memory_space<hbm>> -> memref<1x16xf32, #tpu.memory_space<hbm>>
      %dma_wait3A_1650 = tpu.memref_squeeze %dma_wait3A_1649 : memref<1x16xf32, #tpu.memory_space<hbm>> -> memref<16xf32, #tpu.memory_space<hbm>>
      %dma_wait3A_1651 = arith.constant 0 : i32
      %dma_wait3A_1652 = tpu.memref_slice %arg8[%dma_wait3A_1645, %dma_wait3A_1651] : memref<48x16xf32, #tpu.memory_space<vmem>> -> memref<1x16xf32, #tpu.memory_space<vmem>>
      %dma_wait3A_1653 = tpu.memref_squeeze %dma_wait3A_1652 : memref<1x16xf32, #tpu.memory_space<vmem>> -> memref<16xf32, #tpu.memory_space<vmem>>
      %dma_wait3A_1654 = tpu.memref_slice %arg4[%add3A_1042, %multiple_of3A_1047] : memref<16384x1024xf32, #tpu.memory_space<hbm>> -> memref<1x16xf32, #tpu.memory_space<hbm>>
      %dma_wait3A_1655 = tpu.memref_squeeze %dma_wait3A_1654 : memref<1x16xf32, #tpu.memory_space<hbm>> -> memref<16xf32, #tpu.memory_space<hbm>>
      tpu.wait_dma2 semaphore(%arg12 : memref<!tpu.dma_semaphore, #tpu.memory_space<semaphore_mem>>) src(%dma_wait3A_1655 : memref<16xf32, #tpu.memory_space<hbm>>) dst(%dma_wait3A_1653 : memref<16xf32, #tpu.memory_space<vmem>>)
      %dma_wait3A_1656 = arith.constant 41 : i32
      %dma_wait3A_1657 = arith.constant 0 : i32
      %dma_wait3A_1658 = tpu.memref_slice %arg8[%dma_wait3A_1656, %dma_wait3A_1657] : memref<48x16xf32, #tpu.memory_space<vmem>> -> memref<1x16xf32, #tpu.memory_space<vmem>>
      %dma_wait3A_1659 = tpu.memref_squeeze %dma_wait3A_1658 : memref<1x16xf32, #tpu.memory_space<vmem>> -> memref<16xf32, #tpu.memory_space<vmem>>
      %dma_wait3A_1660 = tpu.memref_slice %arg4[%add3A_1063, %multiple_of3A_1068] : memref<16384x1024xf32, #tpu.memory_space<hbm>> -> memref<1x16xf32, #tpu.memory_space<hbm>>
      %dma_wait3A_1661 = tpu.memref_squeeze %dma_wait3A_1660 : memref<1x16xf32, #tpu.memory_space<hbm>> -> memref<16xf32, #tpu.memory_space<hbm>>
      %dma_wait3A_1662 = arith.constant 0 : i32
      %dma_wait3A_1663 = tpu.memref_slice %arg8[%dma_wait3A_1656, %dma_wait3A_1662] : memref<48x16xf32, #tpu.memory_space<vmem>> -> memref<1x16xf32, #tpu.memory_space<vmem>>
      %dma_wait3A_1664 = tpu.memref_squeeze %dma_wait3A_1663 : memref<1x16xf32, #tpu.memory_space<vmem>> -> memref<16xf32, #tpu.memory_space<vmem>>
      %dma_wait3A_1665 = tpu.memref_slice %arg4[%add3A_1063, %multiple_of3A_1068] : memref<16384x1024xf32, #tpu.memory_space<hbm>> -> memref<1x16xf32, #tpu.memory_space<hbm>>
      %dma_wait3A_1666 = tpu.memref_squeeze %dma_wait3A_1665 : memref<1x16xf32, #tpu.memory_space<hbm>> -> memref<16xf32, #tpu.memory_space<hbm>>
      tpu.wait_dma2 semaphore(%arg12 : memref<!tpu.dma_semaphore, #tpu.memory_space<semaphore_mem>>) src(%dma_wait3A_1666 : memref<16xf32, #tpu.memory_space<hbm>>) dst(%dma_wait3A_1664 : memref<16xf32, #tpu.memory_space<vmem>>)
      %dma_wait3A_1667 = arith.constant 42 : i32
      %dma_wait3A_1668 = arith.constant 0 : i32
      %dma_wait3A_1669 = tpu.memref_slice %arg8[%dma_wait3A_1667, %dma_wait3A_1668] : memref<48x16xf32, #tpu.memory_space<vmem>> -> memref<1x16xf32, #tpu.memory_space<vmem>>
      %dma_wait3A_1670 = tpu.memref_squeeze %dma_wait3A_1669 : memref<1x16xf32, #tpu.memory_space<vmem>> -> memref<16xf32, #tpu.memory_space<vmem>>
      %dma_wait3A_1671 = tpu.memref_slice %arg4[%add3A_1084, %multiple_of3A_1089] : memref<16384x1024xf32, #tpu.memory_space<hbm>> -> memref<1x16xf32, #tpu.memory_space<hbm>>
      %dma_wait3A_1672 = tpu.memref_squeeze %dma_wait3A_1671 : memref<1x16xf32, #tpu.memory_space<hbm>> -> memref<16xf32, #tpu.memory_space<hbm>>
      %dma_wait3A_1673 = arith.constant 0 : i32
      %dma_wait3A_1674 = tpu.memref_slice %arg8[%dma_wait3A_1667, %dma_wait3A_1673] : memref<48x16xf32, #tpu.memory_space<vmem>> -> memref<1x16xf32, #tpu.memory_space<vmem>>
      %dma_wait3A_1675 = tpu.memref_squeeze %dma_wait3A_1674 : memref<1x16xf32, #tpu.memory_space<vmem>> -> memref<16xf32, #tpu.memory_space<vmem>>
      %dma_wait3A_1676 = tpu.memref_slice %arg4[%add3A_1084, %multiple_of3A_1089] : memref<16384x1024xf32, #tpu.memory_space<hbm>> -> memref<1x16xf32, #tpu.memory_space<hbm>>
      %dma_wait3A_1677 = tpu.memref_squeeze %dma_wait3A_1676 : memref<1x16xf32, #tpu.memory_space<hbm>> -> memref<16xf32, #tpu.memory_space<hbm>>
      tpu.wait_dma2 semaphore(%arg12 : memref<!tpu.dma_semaphore, #tpu.memory_space<semaphore_mem>>) src(%dma_wait3A_1677 : memref<16xf32, #tpu.memory_space<hbm>>) dst(%dma_wait3A_1675 : memref<16xf32, #tpu.memory_space<vmem>>)
      %dma_wait3A_1678 = arith.constant 43 : i32
      %dma_wait3A_1679 = arith.constant 0 : i32
      %dma_wait3A_1680 = tpu.memref_slice %arg8[%dma_wait3A_1678, %dma_wait3A_1679] : memref<48x16xf32, #tpu.memory_space<vmem>> -> memref<1x16xf32, #tpu.memory_space<vmem>>
      %dma_wait3A_1681 = tpu.memref_squeeze %dma_wait3A_1680 : memref<1x16xf32, #tpu.memory_space<vmem>> -> memref<16xf32, #tpu.memory_space<vmem>>
      %dma_wait3A_1682 = tpu.memref_slice %arg4[%add3A_1105, %multiple_of3A_1110] : memref<16384x1024xf32, #tpu.memory_space<hbm>> -> memref<1x16xf32, #tpu.memory_space<hbm>>
      %dma_wait3A_1683 = tpu.memref_squeeze %dma_wait3A_1682 : memref<1x16xf32, #tpu.memory_space<hbm>> -> memref<16xf32, #tpu.memory_space<hbm>>
      %dma_wait3A_1684 = arith.constant 0 : i32
      %dma_wait3A_1685 = tpu.memref_slice %arg8[%dma_wait3A_1678, %dma_wait3A_1684] : memref<48x16xf32, #tpu.memory_space<vmem>> -> memref<1x16xf32, #tpu.memory_space<vmem>>
      %dma_wait3A_1686 = tpu.memref_squeeze %dma_wait3A_1685 : memref<1x16xf32, #tpu.memory_space<vmem>> -> memref<16xf32, #tpu.memory_space<vmem>>
      %dma_wait3A_1687 = tpu.memref_slice %arg4[%add3A_1105, %multiple_of3A_1110] : memref<16384x1024xf32, #tpu.memory_space<hbm>> -> memref<1x16xf32, #tpu.memory_space<hbm>>
      %dma_wait3A_1688 = tpu.memref_squeeze %dma_wait3A_1687 : memref<1x16xf32, #tpu.memory_space<hbm>> -> memref<16xf32, #tpu.memory_space<hbm>>
      tpu.wait_dma2 semaphore(%arg12 : memref<!tpu.dma_semaphore, #tpu.memory_space<semaphore_mem>>) src(%dma_wait3A_1688 : memref<16xf32, #tpu.memory_space<hbm>>) dst(%dma_wait3A_1686 : memref<16xf32, #tpu.memory_space<vmem>>)
      %dma_wait3A_1689 = arith.constant 44 : i32
      %dma_wait3A_1690 = arith.constant 0 : i32
      %dma_wait3A_1691 = tpu.memref_slice %arg8[%dma_wait3A_1689, %dma_wait3A_1690] : memref<48x16xf32, #tpu.memory_space<vmem>> -> memref<1x16xf32, #tpu.memory_space<vmem>>
      %dma_wait3A_1692 = tpu.memref_squeeze %dma_wait3A_1691 : memref<1x16xf32, #tpu.memory_space<vmem>> -> memref<16xf32, #tpu.memory_space<vmem>>
      %dma_wait3A_1693 = tpu.memref_slice %arg4[%add3A_1126, %multiple_of3A_1131] : memref<16384x1024xf32, #tpu.memory_space<hbm>> -> memref<1x16xf32, #tpu.memory_space<hbm>>
      %dma_wait3A_1694 = tpu.memref_squeeze %dma_wait3A_1693 : memref<1x16xf32, #tpu.memory_space<hbm>> -> memref<16xf32, #tpu.memory_space<hbm>>
      %dma_wait3A_1695 = arith.constant 0 : i32
      %dma_wait3A_1696 = tpu.memref_slice %arg8[%dma_wait3A_1689, %dma_wait3A_1695] : memref<48x16xf32, #tpu.memory_space<vmem>> -> memref<1x16xf32, #tpu.memory_space<vmem>>
      %dma_wait3A_1697 = tpu.memref_squeeze %dma_wait3A_1696 : memref<1x16xf32, #tpu.memory_space<vmem>> -> memref<16xf32, #tpu.memory_space<vmem>>
      %dma_wait3A_1698 = tpu.memref_slice %arg4[%add3A_1126, %multiple_of3A_1131] : memref<16384x1024xf32, #tpu.memory_space<hbm>> -> memref<1x16xf32, #tpu.memory_space<hbm>>
      %dma_wait3A_1699 = tpu.memref_squeeze %dma_wait3A_1698 : memref<1x16xf32, #tpu.memory_space<hbm>> -> memref<16xf32, #tpu.memory_space<hbm>>
      tpu.wait_dma2 semaphore(%arg12 : memref<!tpu.dma_semaphore, #tpu.memory_space<semaphore_mem>>) src(%dma_wait3A_1699 : memref<16xf32, #tpu.memory_space<hbm>>) dst(%dma_wait3A_1697 : memref<16xf32, #tpu.memory_space<vmem>>)
      %dma_wait3A_1700 = arith.constant 45 : i32
      %dma_wait3A_1701 = arith.constant 0 : i32
      %dma_wait3A_1702 = tpu.memref_slice %arg8[%dma_wait3A_1700, %dma_wait3A_1701] : memref<48x16xf32, #tpu.memory_space<vmem>> -> memref<1x16xf32, #tpu.memory_space<vmem>>
      %dma_wait3A_1703 = tpu.memref_squeeze %dma_wait3A_1702 : memref<1x16xf32, #tpu.memory_space<vmem>> -> memref<16xf32, #tpu.memory_space<vmem>>
      %dma_wait3A_1704 = tpu.memref_slice %arg4[%add3A_1147, %multiple_of3A_1152] : memref<16384x1024xf32, #tpu.memory_space<hbm>> -> memref<1x16xf32, #tpu.memory_space<hbm>>
      %dma_wait3A_1705 = tpu.memref_squeeze %dma_wait3A_1704 : memref<1x16xf32, #tpu.memory_space<hbm>> -> memref<16xf32, #tpu.memory_space<hbm>>
      %dma_wait3A_1706 = arith.constant 0 : i32
      %dma_wait3A_1707 = tpu.memref_slice %arg8[%dma_wait3A_1700, %dma_wait3A_1706] : memref<48x16xf32, #tpu.memory_space<vmem>> -> memref<1x16xf32, #tpu.memory_space<vmem>>
      %dma_wait3A_1708 = tpu.memref_squeeze %dma_wait3A_1707 : memref<1x16xf32, #tpu.memory_space<vmem>> -> memref<16xf32, #tpu.memory_space<vmem>>
      %dma_wait3A_1709 = tpu.memref_slice %arg4[%add3A_1147, %multiple_of3A_1152] : memref<16384x1024xf32, #tpu.memory_space<hbm>> -> memref<1x16xf32, #tpu.memory_space<hbm>>
      %dma_wait3A_1710 = tpu.memref_squeeze %dma_wait3A_1709 : memref<1x16xf32, #tpu.memory_space<hbm>> -> memref<16xf32, #tpu.memory_space<hbm>>
      tpu.wait_dma2 semaphore(%arg12 : memref<!tpu.dma_semaphore, #tpu.memory_space<semaphore_mem>>) src(%dma_wait3A_1710 : memref<16xf32, #tpu.memory_space<hbm>>) dst(%dma_wait3A_1708 : memref<16xf32, #tpu.memory_space<vmem>>)
      %dma_wait3A_1711 = arith.constant 46 : i32
      %dma_wait3A_1712 = arith.constant 0 : i32
      %dma_wait3A_1713 = tpu.memref_slice %arg8[%dma_wait3A_1711, %dma_wait3A_1712] : memref<48x16xf32, #tpu.memory_space<vmem>> -> memref<1x16xf32, #tpu.memory_space<vmem>>
      %dma_wait3A_1714 = tpu.memref_squeeze %dma_wait3A_1713 : memref<1x16xf32, #tpu.memory_space<vmem>> -> memref<16xf32, #tpu.memory_space<vmem>>
      %dma_wait3A_1715 = tpu.memref_slice %arg4[%add3A_1168, %multiple_of3A_1173] : memref<16384x1024xf32, #tpu.memory_space<hbm>> -> memref<1x16xf32, #tpu.memory_space<hbm>>
      %dma_wait3A_1716 = tpu.memref_squeeze %dma_wait3A_1715 : memref<1x16xf32, #tpu.memory_space<hbm>> -> memref<16xf32, #tpu.memory_space<hbm>>
      %dma_wait3A_1717 = arith.constant 0 : i32
      %dma_wait3A_1718 = tpu.memref_slice %arg8[%dma_wait3A_1711, %dma_wait3A_1717] : memref<48x16xf32, #tpu.memory_space<vmem>> -> memref<1x16xf32, #tpu.memory_space<vmem>>
      %dma_wait3A_1719 = tpu.memref_squeeze %dma_wait3A_1718 : memref<1x16xf32, #tpu.memory_space<vmem>> -> memref<16xf32, #tpu.memory_space<vmem>>
      %dma_wait3A_1720 = tpu.memref_slice %arg4[%add3A_1168, %multiple_of3A_1173] : memref<16384x1024xf32, #tpu.memory_space<hbm>> -> memref<1x16xf32, #tpu.memory_space<hbm>>
      %dma_wait3A_1721 = tpu.memref_squeeze %dma_wait3A_1720 : memref<1x16xf32, #tpu.memory_space<hbm>> -> memref<16xf32, #tpu.memory_space<hbm>>
      tpu.wait_dma2 semaphore(%arg12 : memref<!tpu.dma_semaphore, #tpu.memory_space<semaphore_mem>>) src(%dma_wait3A_1721 : memref<16xf32, #tpu.memory_space<hbm>>) dst(%dma_wait3A_1719 : memref<16xf32, #tpu.memory_space<vmem>>)
      %dma_wait3A_1722 = arith.constant 47 : i32
      %dma_wait3A_1723 = arith.constant 0 : i32
      %dma_wait3A_1724 = tpu.memref_slice %arg8[%dma_wait3A_1722, %dma_wait3A_1723] : memref<48x16xf32, #tpu.memory_space<vmem>> -> memref<1x16xf32, #tpu.memory_space<vmem>>
      %dma_wait3A_1725 = tpu.memref_squeeze %dma_wait3A_1724 : memref<1x16xf32, #tpu.memory_space<vmem>> -> memref<16xf32, #tpu.memory_space<vmem>>
      %dma_wait3A_1726 = tpu.memref_slice %arg4[%add3A_1189, %multiple_of3A_1194] : memref<16384x1024xf32, #tpu.memory_space<hbm>> -> memref<1x16xf32, #tpu.memory_space<hbm>>
      %dma_wait3A_1727 = tpu.memref_squeeze %dma_wait3A_1726 : memref<1x16xf32, #tpu.memory_space<hbm>> -> memref<16xf32, #tpu.memory_space<hbm>>
      %dma_wait3A_1728 = arith.constant 0 : i32
      %dma_wait3A_1729 = tpu.memref_slice %arg8[%dma_wait3A_1722, %dma_wait3A_1728] : memref<48x16xf32, #tpu.memory_space<vmem>> -> memref<1x16xf32, #tpu.memory_space<vmem>>
      %dma_wait3A_1730 = tpu.memref_squeeze %dma_wait3A_1729 : memref<1x16xf32, #tpu.memory_space<vmem>> -> memref<16xf32, #tpu.memory_space<vmem>>
      %dma_wait3A_1731 = tpu.memref_slice %arg4[%add3A_1189, %multiple_of3A_1194] : memref<16384x1024xf32, #tpu.memory_space<hbm>> -> memref<1x16xf32, #tpu.memory_space<hbm>>
      %dma_wait3A_1732 = tpu.memref_squeeze %dma_wait3A_1731 : memref<1x16xf32, #tpu.memory_space<hbm>> -> memref<16xf32, #tpu.memory_space<hbm>>
      tpu.wait_dma2 semaphore(%arg12 : memref<!tpu.dma_semaphore, #tpu.memory_space<semaphore_mem>>) src(%dma_wait3A_1732 : memref<16xf32, #tpu.memory_space<hbm>>) dst(%dma_wait3A_1730 : memref<16xf32, #tpu.memory_space<vmem>>)
      %slice3A_1733 = vector.extract_strided_slice %select_n3A {offsets = [0], sizes = [1], strides = [1]} : vector<16xf32> to vector<1xf32>
      %squeeze3A_1734 = vector.extract %slice3A_1733[0] : f32 from vector<1xf32>
      %slice3A_1735 = vector.extract_strided_slice %select_n3A {offsets = [1], sizes = [1], strides = [1]} : vector<16xf32> to vector<1xf32>
      %squeeze3A_1736 = vector.extract %slice3A_1735[0] : f32 from vector<1xf32>
      %mul3A_1737 = arith.mulf %squeeze3A_1734, %squeeze3A_1736 : f32
      %slice3A_1738 = vector.extract_strided_slice %min3A_32 {offsets = [1], sizes = [1], strides = [1]} : vector<16xi32> to vector<1xi32>
      %squeeze3A_1739 = vector.extract %slice3A_1738[0] : i32 from vector<1xi32>
      %and3A_1740 = arith.constant 15 : i32
      %and3A_1741 = arith.andi %squeeze3A_1739, %and3A_1740 : i32
      %get3A_1742 = arith.constant 0 : i32
      %get3A_1743 = arith.index_cast %get3A_1742 : i32 to index
      %get3A_1744 = arith.constant 0 : index
      %get3A_1745 = tpu.vector_load %arg8[%get3A_1743, %get3A_1744] {strides = array<i32>} : memref<48x16xf32, #tpu.memory_space<vmem>>, vector<1x16xf32>,
      %get3A_1746 = vector.shape_cast %get3A_1745 : vector<1x16xf32> to vector<16xf32>
      %broadcast_in_dim3A_1747 = vector.broadcast %and3A_1741 : i32 to vector<16xi32>
      %eq3A_1748 = arith.cmpi eq, %iota3A, %broadcast_in_dim3A_1747 : vector<16xi32>
      %broadcast_in_dim3A_1749 = vector.broadcast %mul3A_1737 : f32 to vector<16xf32>
      %mul3A_1750 = arith.mulf %get3A_1746, %broadcast_in_dim3A_1749 : vector<16xf32>
      %select_n3A_1751 = arith.select %eq3A_1748, %mul3A_1750, %broadcast_in_dim3A_8 : vector<16xi1>, vector<16xf32>
      %add3A_1752 = arith.addf %broadcast_in_dim3A_8, %select_n3A_1751 : vector<16xf32>
      %slice3A_1753 = vector.extract_strided_slice %select_n3A {offsets = [2], sizes = [1], strides = [1]} : vector<16xf32> to vector<1xf32>
      %squeeze3A_1754 = vector.extract %slice3A_1753[0] : f32 from vector<1xf32>
      %slice3A_1755 = vector.extract_strided_slice %select_n3A {offsets = [3], sizes = [1], strides = [1]} : vector<16xf32> to vector<1xf32>
      %squeeze3A_1756 = vector.extract %slice3A_1755[0] : f32 from vector<1xf32>
      %mul3A_1757 = arith.mulf %squeeze3A_1754, %squeeze3A_1756 : f32
      %slice3A_1758 = vector.extract_strided_slice %min3A_32 {offsets = [3], sizes = [1], strides = [1]} : vector<16xi32> to vector<1xi32>
      %squeeze3A_1759 = vector.extract %slice3A_1758[0] : i32 from vector<1xi32>
      %and3A_1760 = arith.constant 15 : i32
      %and3A_1761 = arith.andi %squeeze3A_1759, %and3A_1760 : i32
      %get3A_1762 = arith.constant 1 : i32
      %get3A_1763 = arith.index_cast %get3A_1762 : i32 to index
      %get3A_1764 = arith.constant 0 : index
      %get3A_1765 = tpu.vector_load %arg8[%get3A_1763, %get3A_1764] {strides = array<i32>} : memref<48x16xf32, #tpu.memory_space<vmem>>, vector<1x16xf32>,
      %get3A_1766 = vector.shape_cast %get3A_1765 : vector<1x16xf32> to vector<16xf32>
      %broadcast_in_dim3A_1767 = vector.broadcast %and3A_1761 : i32 to vector<16xi32>
      %eq3A_1768 = arith.cmpi eq, %iota3A, %broadcast_in_dim3A_1767 : vector<16xi32>
      %broadcast_in_dim3A_1769 = vector.broadcast %mul3A_1757 : f32 to vector<16xf32>
      %mul3A_1770 = arith.mulf %get3A_1766, %broadcast_in_dim3A_1769 : vector<16xf32>
      %select_n3A_1771 = arith.select %eq3A_1768, %mul3A_1770, %broadcast_in_dim3A_8 : vector<16xi1>, vector<16xf32>
      %add3A_1772 = arith.addf %add3A_1752, %select_n3A_1771 : vector<16xf32>
      %slice3A_1773 = vector.extract_strided_slice %select_n3A {offsets = [4], sizes = [1], strides = [1]} : vector<16xf32> to vector<1xf32>
      %squeeze3A_1774 = vector.extract %slice3A_1773[0] : f32 from vector<1xf32>
      %slice3A_1775 = vector.extract_strided_slice %select_n3A {offsets = [5], sizes = [1], strides = [1]} : vector<16xf32> to vector<1xf32>
      %squeeze3A_1776 = vector.extract %slice3A_1775[0] : f32 from vector<1xf32>
      %mul3A_1777 = arith.mulf %squeeze3A_1774, %squeeze3A_1776 : f32
      %slice3A_1778 = vector.extract_strided_slice %min3A_32 {offsets = [5], sizes = [1], strides = [1]} : vector<16xi32> to vector<1xi32>
      %squeeze3A_1779 = vector.extract %slice3A_1778[0] : i32 from vector<1xi32>
      %and3A_1780 = arith.constant 15 : i32
      %and3A_1781 = arith.andi %squeeze3A_1779, %and3A_1780 : i32
      %get3A_1782 = arith.constant 2 : i32
      %get3A_1783 = arith.index_cast %get3A_1782 : i32 to index
      %get3A_1784 = arith.constant 0 : index
      %get3A_1785 = tpu.vector_load %arg8[%get3A_1783, %get3A_1784] {strides = array<i32>} : memref<48x16xf32, #tpu.memory_space<vmem>>, vector<1x16xf32>,
      %get3A_1786 = vector.shape_cast %get3A_1785 : vector<1x16xf32> to vector<16xf32>
      %broadcast_in_dim3A_1787 = vector.broadcast %and3A_1781 : i32 to vector<16xi32>
      %eq3A_1788 = arith.cmpi eq, %iota3A, %broadcast_in_dim3A_1787 : vector<16xi32>
      %broadcast_in_dim3A_1789 = vector.broadcast %mul3A_1777 : f32 to vector<16xf32>
      %mul3A_1790 = arith.mulf %get3A_1786, %broadcast_in_dim3A_1789 : vector<16xf32>
      %select_n3A_1791 = arith.select %eq3A_1788, %mul3A_1790, %broadcast_in_dim3A_8 : vector<16xi1>, vector<16xf32>
      %add3A_1792 = arith.addf %add3A_1772, %select_n3A_1791 : vector<16xf32>
      %slice3A_1793 = vector.extract_strided_slice %select_n3A {offsets = [6], sizes = [1], strides = [1]} : vector<16xf32> to vector<1xf32>
      %squeeze3A_1794 = vector.extract %slice3A_1793[0] : f32 from vector<1xf32>
      %slice3A_1795 = vector.extract_strided_slice %select_n3A {offsets = [7], sizes = [1], strides = [1]} : vector<16xf32> to vector<1xf32>
      %squeeze3A_1796 = vector.extract %slice3A_1795[0] : f32 from vector<1xf32>
      %mul3A_1797 = arith.mulf %squeeze3A_1794, %squeeze3A_1796 : f32
      %slice3A_1798 = vector.extract_strided_slice %min3A_32 {offsets = [7], sizes = [1], strides = [1]} : vector<16xi32> to vector<1xi32>
      %squeeze3A_1799 = vector.extract %slice3A_1798[0] : i32 from vector<1xi32>
      %and3A_1800 = arith.constant 15 : i32
      %and3A_1801 = arith.andi %squeeze3A_1799, %and3A_1800 : i32
      %get3A_1802 = arith.constant 3 : i32
      %get3A_1803 = arith.index_cast %get3A_1802 : i32 to index
      %get3A_1804 = arith.constant 0 : index
      %get3A_1805 = tpu.vector_load %arg8[%get3A_1803, %get3A_1804] {strides = array<i32>} : memref<48x16xf32, #tpu.memory_space<vmem>>, vector<1x16xf32>,
      %get3A_1806 = vector.shape_cast %get3A_1805 : vector<1x16xf32> to vector<16xf32>
      %broadcast_in_dim3A_1807 = vector.broadcast %and3A_1801 : i32 to vector<16xi32>
      %eq3A_1808 = arith.cmpi eq, %iota3A, %broadcast_in_dim3A_1807 : vector<16xi32>
      %broadcast_in_dim3A_1809 = vector.broadcast %mul3A_1797 : f32 to vector<16xf32>
      %mul3A_1810 = arith.mulf %get3A_1806, %broadcast_in_dim3A_1809 : vector<16xf32>
      %select_n3A_1811 = arith.select %eq3A_1808, %mul3A_1810, %broadcast_in_dim3A_8 : vector<16xi1>, vector<16xf32>
      %add3A_1812 = arith.addf %add3A_1792, %select_n3A_1811 : vector<16xf32>
      %slice3A_1813 = vector.extract_strided_slice %select_n3A {offsets = [8], sizes = [1], strides = [1]} : vector<16xf32> to vector<1xf32>
      %squeeze3A_1814 = vector.extract %slice3A_1813[0] : f32 from vector<1xf32>
      %slice3A_1815 = vector.extract_strided_slice %select_n3A {offsets = [9], sizes = [1], strides = [1]} : vector<16xf32> to vector<1xf32>
      %squeeze3A_1816 = vector.extract %slice3A_1815[0] : f32 from vector<1xf32>
      %mul3A_1817 = arith.mulf %squeeze3A_1814, %squeeze3A_1816 : f32
      %slice3A_1818 = vector.extract_strided_slice %min3A_32 {offsets = [9], sizes = [1], strides = [1]} : vector<16xi32> to vector<1xi32>
      %squeeze3A_1819 = vector.extract %slice3A_1818[0] : i32 from vector<1xi32>
      %and3A_1820 = arith.constant 15 : i32
      %and3A_1821 = arith.andi %squeeze3A_1819, %and3A_1820 : i32
      %get3A_1822 = arith.constant 4 : i32
      %get3A_1823 = arith.index_cast %get3A_1822 : i32 to index
      %get3A_1824 = arith.constant 0 : index
      %get3A_1825 = tpu.vector_load %arg8[%get3A_1823, %get3A_1824] {strides = array<i32>} : memref<48x16xf32, #tpu.memory_space<vmem>>, vector<1x16xf32>,
      %get3A_1826 = vector.shape_cast %get3A_1825 : vector<1x16xf32> to vector<16xf32>
      %broadcast_in_dim3A_1827 = vector.broadcast %and3A_1821 : i32 to vector<16xi32>
      %eq3A_1828 = arith.cmpi eq, %iota3A, %broadcast_in_dim3A_1827 : vector<16xi32>
      %broadcast_in_dim3A_1829 = vector.broadcast %mul3A_1817 : f32 to vector<16xf32>
      %mul3A_1830 = arith.mulf %get3A_1826, %broadcast_in_dim3A_1829 : vector<16xf32>
      %select_n3A_1831 = arith.select %eq3A_1828, %mul3A_1830, %broadcast_in_dim3A_8 : vector<16xi1>, vector<16xf32>
      %add3A_1832 = arith.addf %add3A_1812, %select_n3A_1831 : vector<16xf32>
      %slice3A_1833 = vector.extract_strided_slice %select_n3A {offsets = [10], sizes = [1], strides = [1]} : vector<16xf32> to vector<1xf32>
      %squeeze3A_1834 = vector.extract %slice3A_1833[0] : f32 from vector<1xf32>
      %slice3A_1835 = vector.extract_strided_slice %select_n3A {offsets = [11], sizes = [1], strides = [1]} : vector<16xf32> to vector<1xf32>
      %squeeze3A_1836 = vector.extract %slice3A_1835[0] : f32 from vector<1xf32>
      %mul3A_1837 = arith.mulf %squeeze3A_1834, %squeeze3A_1836 : f32
      %slice3A_1838 = vector.extract_strided_slice %min3A_32 {offsets = [11], sizes = [1], strides = [1]} : vector<16xi32> to vector<1xi32>
      %squeeze3A_1839 = vector.extract %slice3A_1838[0] : i32 from vector<1xi32>
      %and3A_1840 = arith.constant 15 : i32
      %and3A_1841 = arith.andi %squeeze3A_1839, %and3A_1840 : i32
      %get3A_1842 = arith.constant 5 : i32
      %get3A_1843 = arith.index_cast %get3A_1842 : i32 to index
      %get3A_1844 = arith.constant 0 : index
      %get3A_1845 = tpu.vector_load %arg8[%get3A_1843, %get3A_1844] {strides = array<i32>} : memref<48x16xf32, #tpu.memory_space<vmem>>, vector<1x16xf32>,
      %get3A_1846 = vector.shape_cast %get3A_1845 : vector<1x16xf32> to vector<16xf32>
      %broadcast_in_dim3A_1847 = vector.broadcast %and3A_1841 : i32 to vector<16xi32>
      %eq3A_1848 = arith.cmpi eq, %iota3A, %broadcast_in_dim3A_1847 : vector<16xi32>
      %broadcast_in_dim3A_1849 = vector.broadcast %mul3A_1837 : f32 to vector<16xf32>
      %mul3A_1850 = arith.mulf %get3A_1846, %broadcast_in_dim3A_1849 : vector<16xf32>
      %select_n3A_1851 = arith.select %eq3A_1848, %mul3A_1850, %broadcast_in_dim3A_8 : vector<16xi1>, vector<16xf32>
      %add3A_1852 = arith.addf %add3A_1832, %select_n3A_1851 : vector<16xf32>
      %slice3A_1853 = vector.extract_strided_slice %select_n3A {offsets = [12], sizes = [1], strides = [1]} : vector<16xf32> to vector<1xf32>
      %squeeze3A_1854 = vector.extract %slice3A_1853[0] : f32 from vector<1xf32>
      %slice3A_1855 = vector.extract_strided_slice %select_n3A {offsets = [13], sizes = [1], strides = [1]} : vector<16xf32> to vector<1xf32>
      %squeeze3A_1856 = vector.extract %slice3A_1855[0] : f32 from vector<1xf32>
      %mul3A_1857 = arith.mulf %squeeze3A_1854, %squeeze3A_1856 : f32
      %slice3A_1858 = vector.extract_strided_slice %min3A_32 {offsets = [13], sizes = [1], strides = [1]} : vector<16xi32> to vector<1xi32>
      %squeeze3A_1859 = vector.extract %slice3A_1858[0] : i32 from vector<1xi32>
      %and3A_1860 = arith.constant 15 : i32
      %and3A_1861 = arith.andi %squeeze3A_1859, %and3A_1860 : i32
      %get3A_1862 = arith.constant 6 : i32
      %get3A_1863 = arith.index_cast %get3A_1862 : i32 to index
      %get3A_1864 = arith.constant 0 : index
      %get3A_1865 = tpu.vector_load %arg8[%get3A_1863, %get3A_1864] {strides = array<i32>} : memref<48x16xf32, #tpu.memory_space<vmem>>, vector<1x16xf32>,
      %get3A_1866 = vector.shape_cast %get3A_1865 : vector<1x16xf32> to vector<16xf32>
      %broadcast_in_dim3A_1867 = vector.broadcast %and3A_1861 : i32 to vector<16xi32>
      %eq3A_1868 = arith.cmpi eq, %iota3A, %broadcast_in_dim3A_1867 : vector<16xi32>
      %broadcast_in_dim3A_1869 = vector.broadcast %mul3A_1857 : f32 to vector<16xf32>
      %mul3A_1870 = arith.mulf %get3A_1866, %broadcast_in_dim3A_1869 : vector<16xf32>
      %select_n3A_1871 = arith.select %eq3A_1868, %mul3A_1870, %broadcast_in_dim3A_8 : vector<16xi1>, vector<16xf32>
      %add3A_1872 = arith.addf %add3A_1852, %select_n3A_1871 : vector<16xf32>
      %slice3A_1873 = vector.extract_strided_slice %select_n3A {offsets = [14], sizes = [1], strides = [1]} : vector<16xf32> to vector<1xf32>
      %squeeze3A_1874 = vector.extract %slice3A_1873[0] : f32 from vector<1xf32>
      %slice3A_1875 = vector.extract_strided_slice %select_n3A {offsets = [15], sizes = [1], strides = [1]} : vector<16xf32> to vector<1xf32>
      %squeeze3A_1876 = vector.extract %slice3A_1875[0] : f32 from vector<1xf32>
      %mul3A_1877 = arith.mulf %squeeze3A_1874, %squeeze3A_1876 : f32
      %slice3A_1878 = vector.extract_strided_slice %min3A_32 {offsets = [15], sizes = [1], strides = [1]} : vector<16xi32> to vector<1xi32>
      %squeeze3A_1879 = vector.extract %slice3A_1878[0] : i32 from vector<1xi32>
      %and3A_1880 = arith.constant 15 : i32
      %and3A_1881 = arith.andi %squeeze3A_1879, %and3A_1880 : i32
      %get3A_1882 = arith.constant 7 : i32
      %get3A_1883 = arith.index_cast %get3A_1882 : i32 to index
      %get3A_1884 = arith.constant 0 : index
      %get3A_1885 = tpu.vector_load %arg8[%get3A_1883, %get3A_1884] {strides = array<i32>} : memref<48x16xf32, #tpu.memory_space<vmem>>, vector<1x16xf32>,
      %get3A_1886 = vector.shape_cast %get3A_1885 : vector<1x16xf32> to vector<16xf32>
      %broadcast_in_dim3A_1887 = vector.broadcast %and3A_1881 : i32 to vector<16xi32>
      %eq3A_1888 = arith.cmpi eq, %iota3A, %broadcast_in_dim3A_1887 : vector<16xi32>
      %broadcast_in_dim3A_1889 = vector.broadcast %mul3A_1877 : f32 to vector<16xf32>
      %mul3A_1890 = arith.mulf %get3A_1886, %broadcast_in_dim3A_1889 : vector<16xf32>
      %select_n3A_1891 = arith.select %eq3A_1888, %mul3A_1890, %broadcast_in_dim3A_8 : vector<16xi1>, vector<16xf32>
      %add3A_1892 = arith.addf %add3A_1872, %select_n3A_1891 : vector<16xf32>
      %slice3A_1893 = vector.extract_strided_slice %select_n3A_231 {offsets = [0], sizes = [1], strides = [1]} : vector<16xf32> to vector<1xf32>
      %squeeze3A_1894 = vector.extract %slice3A_1893[0] : f32 from vector<1xf32>
      %slice3A_1895 = vector.extract_strided_slice %select_n3A_231 {offsets = [1], sizes = [1], strides = [1]} : vector<16xf32> to vector<1xf32>
      %squeeze3A_1896 = vector.extract %slice3A_1895[0] : f32 from vector<1xf32>
      %mul3A_1897 = arith.mulf %squeeze3A_1894, %squeeze3A_1896 : f32
      %slice3A_1898 = vector.extract_strided_slice %min3A_221 {offsets = [1], sizes = [1], strides = [1]} : vector<16xi32> to vector<1xi32>
      %squeeze3A_1899 = vector.extract %slice3A_1898[0] : i32 from vector<1xi32>
      %and3A_1900 = arith.constant 15 : i32
      %and3A_1901 = arith.andi %squeeze3A_1899, %and3A_1900 : i32
      %get3A_1902 = arith.constant 8 : i32
      %get3A_1903 = arith.index_cast %get3A_1902 : i32 to index
      %get3A_1904 = arith.constant 0 : index
      %get3A_1905 = tpu.vector_load %arg8[%get3A_1903, %get3A_1904] {strides = array<i32>} : memref<48x16xf32, #tpu.memory_space<vmem>>, vector<1x16xf32>,
      %get3A_1906 = vector.shape_cast %get3A_1905 : vector<1x16xf32> to vector<16xf32>
      %broadcast_in_dim3A_1907 = vector.broadcast %and3A_1901 : i32 to vector<16xi32>
      %eq3A_1908 = arith.cmpi eq, %iota3A, %broadcast_in_dim3A_1907 : vector<16xi32>
      %broadcast_in_dim3A_1909 = vector.broadcast %mul3A_1897 : f32 to vector<16xf32>
      %mul3A_1910 = arith.mulf %get3A_1906, %broadcast_in_dim3A_1909 : vector<16xf32>
      %select_n3A_1911 = arith.select %eq3A_1908, %mul3A_1910, %broadcast_in_dim3A_8 : vector<16xi1>, vector<16xf32>
      %add3A_1912 = arith.addf %add3A_1892, %select_n3A_1911 : vector<16xf32>
      %slice3A_1913 = vector.extract_strided_slice %select_n3A_231 {offsets = [2], sizes = [1], strides = [1]} : vector<16xf32> to vector<1xf32>
      %squeeze3A_1914 = vector.extract %slice3A_1913[0] : f32 from vector<1xf32>
      %slice3A_1915 = vector.extract_strided_slice %select_n3A_231 {offsets = [3], sizes = [1], strides = [1]} : vector<16xf32> to vector<1xf32>
      %squeeze3A_1916 = vector.extract %slice3A_1915[0] : f32 from vector<1xf32>
      %mul3A_1917 = arith.mulf %squeeze3A_1914, %squeeze3A_1916 : f32
      %slice3A_1918 = vector.extract_strided_slice %min3A_221 {offsets = [3], sizes = [1], strides = [1]} : vector<16xi32> to vector<1xi32>
      %squeeze3A_1919 = vector.extract %slice3A_1918[0] : i32 from vector<1xi32>
      %and3A_1920 = arith.constant 15 : i32
      %and3A_1921 = arith.andi %squeeze3A_1919, %and3A_1920 : i32
      %get3A_1922 = arith.constant 9 : i32
      %get3A_1923 = arith.index_cast %get3A_1922 : i32 to index
      %get3A_1924 = arith.constant 0 : index
      %get3A_1925 = tpu.vector_load %arg8[%get3A_1923, %get3A_1924] {strides = array<i32>} : memref<48x16xf32, #tpu.memory_space<vmem>>, vector<1x16xf32>,
      %get3A_1926 = vector.shape_cast %get3A_1925 : vector<1x16xf32> to vector<16xf32>
      %broadcast_in_dim3A_1927 = vector.broadcast %and3A_1921 : i32 to vector<16xi32>
      %eq3A_1928 = arith.cmpi eq, %iota3A, %broadcast_in_dim3A_1927 : vector<16xi32>
      %broadcast_in_dim3A_1929 = vector.broadcast %mul3A_1917 : f32 to vector<16xf32>
      %mul3A_1930 = arith.mulf %get3A_1926, %broadcast_in_dim3A_1929 : vector<16xf32>
      %select_n3A_1931 = arith.select %eq3A_1928, %mul3A_1930, %broadcast_in_dim3A_8 : vector<16xi1>, vector<16xf32>
      %add3A_1932 = arith.addf %add3A_1912, %select_n3A_1931 : vector<16xf32>
      %slice3A_1933 = vector.extract_strided_slice %select_n3A_231 {offsets = [4], sizes = [1], strides = [1]} : vector<16xf32> to vector<1xf32>
      %squeeze3A_1934 = vector.extract %slice3A_1933[0] : f32 from vector<1xf32>
      %slice3A_1935 = vector.extract_strided_slice %select_n3A_231 {offsets = [5], sizes = [1], strides = [1]} : vector<16xf32> to vector<1xf32>
      %squeeze3A_1936 = vector.extract %slice3A_1935[0] : f32 from vector<1xf32>
      %mul3A_1937 = arith.mulf %squeeze3A_1934, %squeeze3A_1936 : f32
      %slice3A_1938 = vector.extract_strided_slice %min3A_221 {offsets = [5], sizes = [1], strides = [1]} : vector<16xi32> to vector<1xi32>
      %squeeze3A_1939 = vector.extract %slice3A_1938[0] : i32 from vector<1xi32>
      %and3A_1940 = arith.constant 15 : i32
      %and3A_1941 = arith.andi %squeeze3A_1939, %and3A_1940 : i32
      %get3A_1942 = arith.constant 10 : i32
      %get3A_1943 = arith.index_cast %get3A_1942 : i32 to index
      %get3A_1944 = arith.constant 0 : index
      %get3A_1945 = tpu.vector_load %arg8[%get3A_1943, %get3A_1944] {strides = array<i32>} : memref<48x16xf32, #tpu.memory_space<vmem>>, vector<1x16xf32>,
      %get3A_1946 = vector.shape_cast %get3A_1945 : vector<1x16xf32> to vector<16xf32>
      %broadcast_in_dim3A_1947 = vector.broadcast %and3A_1941 : i32 to vector<16xi32>
      %eq3A_1948 = arith.cmpi eq, %iota3A, %broadcast_in_dim3A_1947 : vector<16xi32>
      %broadcast_in_dim3A_1949 = vector.broadcast %mul3A_1937 : f32 to vector<16xf32>
      %mul3A_1950 = arith.mulf %get3A_1946, %broadcast_in_dim3A_1949 : vector<16xf32>
      %select_n3A_1951 = arith.select %eq3A_1948, %mul3A_1950, %broadcast_in_dim3A_8 : vector<16xi1>, vector<16xf32>
      %add3A_1952 = arith.addf %add3A_1932, %select_n3A_1951 : vector<16xf32>
      %slice3A_1953 = vector.extract_strided_slice %select_n3A_231 {offsets = [6], sizes = [1], strides = [1]} : vector<16xf32> to vector<1xf32>
      %squeeze3A_1954 = vector.extract %slice3A_1953[0] : f32 from vector<1xf32>
      %slice3A_1955 = vector.extract_strided_slice %select_n3A_231 {offsets = [7], sizes = [1], strides = [1]} : vector<16xf32> to vector<1xf32>
      %squeeze3A_1956 = vector.extract %slice3A_1955[0] : f32 from vector<1xf32>
      %mul3A_1957 = arith.mulf %squeeze3A_1954, %squeeze3A_1956 : f32
      %slice3A_1958 = vector.extract_strided_slice %min3A_221 {offsets = [7], sizes = [1], strides = [1]} : vector<16xi32> to vector<1xi32>
      %squeeze3A_1959 = vector.extract %slice3A_1958[0] : i32 from vector<1xi32>
      %and3A_1960 = arith.constant 15 : i32
      %and3A_1961 = arith.andi %squeeze3A_1959, %and3A_1960 : i32
      %get3A_1962 = arith.constant 11 : i32
      %get3A_1963 = arith.index_cast %get3A_1962 : i32 to index
      %get3A_1964 = arith.constant 0 : index
      %get3A_1965 = tpu.vector_load %arg8[%get3A_1963, %get3A_1964] {strides = array<i32>} : memref<48x16xf32, #tpu.memory_space<vmem>>, vector<1x16xf32>,
      %get3A_1966 = vector.shape_cast %get3A_1965 : vector<1x16xf32> to vector<16xf32>
      %broadcast_in_dim3A_1967 = vector.broadcast %and3A_1961 : i32 to vector<16xi32>
      %eq3A_1968 = arith.cmpi eq, %iota3A, %broadcast_in_dim3A_1967 : vector<16xi32>
      %broadcast_in_dim3A_1969 = vector.broadcast %mul3A_1957 : f32 to vector<16xf32>
      %mul3A_1970 = arith.mulf %get3A_1966, %broadcast_in_dim3A_1969 : vector<16xf32>
      %select_n3A_1971 = arith.select %eq3A_1968, %mul3A_1970, %broadcast_in_dim3A_8 : vector<16xi1>, vector<16xf32>
      %add3A_1972 = arith.addf %add3A_1952, %select_n3A_1971 : vector<16xf32>
      %slice3A_1973 = vector.extract_strided_slice %select_n3A_231 {offsets = [8], sizes = [1], strides = [1]} : vector<16xf32> to vector<1xf32>
      %squeeze3A_1974 = vector.extract %slice3A_1973[0] : f32 from vector<1xf32>
      %slice3A_1975 = vector.extract_strided_slice %select_n3A_231 {offsets = [9], sizes = [1], strides = [1]} : vector<16xf32> to vector<1xf32>
      %squeeze3A_1976 = vector.extract %slice3A_1975[0] : f32 from vector<1xf32>
      %mul3A_1977 = arith.mulf %squeeze3A_1974, %squeeze3A_1976 : f32
      %slice3A_1978 = vector.extract_strided_slice %min3A_221 {offsets = [9], sizes = [1], strides = [1]} : vector<16xi32> to vector<1xi32>
      %squeeze3A_1979 = vector.extract %slice3A_1978[0] : i32 from vector<1xi32>
      %and3A_1980 = arith.constant 15 : i32
      %and3A_1981 = arith.andi %squeeze3A_1979, %and3A_1980 : i32
      %get3A_1982 = arith.constant 12 : i32
      %get3A_1983 = arith.index_cast %get3A_1982 : i32 to index
      %get3A_1984 = arith.constant 0 : index
      %get3A_1985 = tpu.vector_load %arg8[%get3A_1983, %get3A_1984] {strides = array<i32>} : memref<48x16xf32, #tpu.memory_space<vmem>>, vector<1x16xf32>,
      %get3A_1986 = vector.shape_cast %get3A_1985 : vector<1x16xf32> to vector<16xf32>
      %broadcast_in_dim3A_1987 = vector.broadcast %and3A_1981 : i32 to vector<16xi32>
      %eq3A_1988 = arith.cmpi eq, %iota3A, %broadcast_in_dim3A_1987 : vector<16xi32>
      %broadcast_in_dim3A_1989 = vector.broadcast %mul3A_1977 : f32 to vector<16xf32>
      %mul3A_1990 = arith.mulf %get3A_1986, %broadcast_in_dim3A_1989 : vector<16xf32>
      %select_n3A_1991 = arith.select %eq3A_1988, %mul3A_1990, %broadcast_in_dim3A_8 : vector<16xi1>, vector<16xf32>
      %add3A_1992 = arith.addf %add3A_1972, %select_n3A_1991 : vector<16xf32>
      %slice3A_1993 = vector.extract_strided_slice %select_n3A_231 {offsets = [10], sizes = [1], strides = [1]} : vector<16xf32> to vector<1xf32>
      %squeeze3A_1994 = vector.extract %slice3A_1993[0] : f32 from vector<1xf32>
      %slice3A_1995 = vector.extract_strided_slice %select_n3A_231 {offsets = [11], sizes = [1], strides = [1]} : vector<16xf32> to vector<1xf32>
      %squeeze3A_1996 = vector.extract %slice3A_1995[0] : f32 from vector<1xf32>
      %mul3A_1997 = arith.mulf %squeeze3A_1994, %squeeze3A_1996 : f32
      %slice3A_1998 = vector.extract_strided_slice %min3A_221 {offsets = [11], sizes = [1], strides = [1]} : vector<16xi32> to vector<1xi32>
      %squeeze3A_1999 = vector.extract %slice3A_1998[0] : i32 from vector<1xi32>
      %and3A_2000 = arith.constant 15 : i32
      %and3A_2001 = arith.andi %squeeze3A_1999, %and3A_2000 : i32
      %get3A_2002 = arith.constant 13 : i32
      %get3A_2003 = arith.index_cast %get3A_2002 : i32 to index
      %get3A_2004 = arith.constant 0 : index
      %get3A_2005 = tpu.vector_load %arg8[%get3A_2003, %get3A_2004] {strides = array<i32>} : memref<48x16xf32, #tpu.memory_space<vmem>>, vector<1x16xf32>,
      %get3A_2006 = vector.shape_cast %get3A_2005 : vector<1x16xf32> to vector<16xf32>
      %broadcast_in_dim3A_2007 = vector.broadcast %and3A_2001 : i32 to vector<16xi32>
      %eq3A_2008 = arith.cmpi eq, %iota3A, %broadcast_in_dim3A_2007 : vector<16xi32>
      %broadcast_in_dim3A_2009 = vector.broadcast %mul3A_1997 : f32 to vector<16xf32>
      %mul3A_2010 = arith.mulf %get3A_2006, %broadcast_in_dim3A_2009 : vector<16xf32>
      %select_n3A_2011 = arith.select %eq3A_2008, %mul3A_2010, %broadcast_in_dim3A_8 : vector<16xi1>, vector<16xf32>
      %add3A_2012 = arith.addf %add3A_1992, %select_n3A_2011 : vector<16xf32>
      %slice3A_2013 = vector.extract_strided_slice %select_n3A_231 {offsets = [12], sizes = [1], strides = [1]} : vector<16xf32> to vector<1xf32>
      %squeeze3A_2014 = vector.extract %slice3A_2013[0] : f32 from vector<1xf32>
      %slice3A_2015 = vector.extract_strided_slice %select_n3A_231 {offsets = [13], sizes = [1], strides = [1]} : vector<16xf32> to vector<1xf32>
      %squeeze3A_2016 = vector.extract %slice3A_2015[0] : f32 from vector<1xf32>
      %mul3A_2017 = arith.mulf %squeeze3A_2014, %squeeze3A_2016 : f32
      %slice3A_2018 = vector.extract_strided_slice %min3A_221 {offsets = [13], sizes = [1], strides = [1]} : vector<16xi32> to vector<1xi32>
      %squeeze3A_2019 = vector.extract %slice3A_2018[0] : i32 from vector<1xi32>
      %and3A_2020 = arith.constant 15 : i32
      %and3A_2021 = arith.andi %squeeze3A_2019, %and3A_2020 : i32
      %get3A_2022 = arith.constant 14 : i32
      %get3A_2023 = arith.index_cast %get3A_2022 : i32 to index
      %get3A_2024 = arith.constant 0 : index
      %get3A_2025 = tpu.vector_load %arg8[%get3A_2023, %get3A_2024] {strides = array<i32>} : memref<48x16xf32, #tpu.memory_space<vmem>>, vector<1x16xf32>,
      %get3A_2026 = vector.shape_cast %get3A_2025 : vector<1x16xf32> to vector<16xf32>
      %broadcast_in_dim3A_2027 = vector.broadcast %and3A_2021 : i32 to vector<16xi32>
      %eq3A_2028 = arith.cmpi eq, %iota3A, %broadcast_in_dim3A_2027 : vector<16xi32>
      %broadcast_in_dim3A_2029 = vector.broadcast %mul3A_2017 : f32 to vector<16xf32>
      %mul3A_2030 = arith.mulf %get3A_2026, %broadcast_in_dim3A_2029 : vector<16xf32>
      %select_n3A_2031 = arith.select %eq3A_2028, %mul3A_2030, %broadcast_in_dim3A_8 : vector<16xi1>, vector<16xf32>
      %add3A_2032 = arith.addf %add3A_2012, %select_n3A_2031 : vector<16xf32>
      %slice3A_2033 = vector.extract_strided_slice %select_n3A_231 {offsets = [14], sizes = [1], strides = [1]} : vector<16xf32> to vector<1xf32>
      %squeeze3A_2034 = vector.extract %slice3A_2033[0] : f32 from vector<1xf32>
      %slice3A_2035 = vector.extract_strided_slice %select_n3A_231 {offsets = [15], sizes = [1], strides = [1]} : vector<16xf32> to vector<1xf32>
      %squeeze3A_2036 = vector.extract %slice3A_2035[0] : f32 from vector<1xf32>
      %mul3A_2037 = arith.mulf %squeeze3A_2034, %squeeze3A_2036 : f32
      %slice3A_2038 = vector.extract_strided_slice %min3A_221 {offsets = [15], sizes = [1], strides = [1]} : vector<16xi32> to vector<1xi32>
      %squeeze3A_2039 = vector.extract %slice3A_2038[0] : i32 from vector<1xi32>
      %and3A_2040 = arith.constant 15 : i32
      %and3A_2041 = arith.andi %squeeze3A_2039, %and3A_2040 : i32
      %get3A_2042 = arith.constant 15 : i32
      %get3A_2043 = arith.index_cast %get3A_2042 : i32 to index
      %get3A_2044 = arith.constant 0 : index
      %get3A_2045 = tpu.vector_load %arg8[%get3A_2043, %get3A_2044] {strides = array<i32>} : memref<48x16xf32, #tpu.memory_space<vmem>>, vector<1x16xf32>,
      %get3A_2046 = vector.shape_cast %get3A_2045 : vector<1x16xf32> to vector<16xf32>
      %broadcast_in_dim3A_2047 = vector.broadcast %and3A_2041 : i32 to vector<16xi32>
      %eq3A_2048 = arith.cmpi eq, %iota3A, %broadcast_in_dim3A_2047 : vector<16xi32>
      %broadcast_in_dim3A_2049 = vector.broadcast %mul3A_2037 : f32 to vector<16xf32>
      %mul3A_2050 = arith.mulf %get3A_2046, %broadcast_in_dim3A_2049 : vector<16xf32>
      %select_n3A_2051 = arith.select %eq3A_2048, %mul3A_2050, %broadcast_in_dim3A_8 : vector<16xi1>, vector<16xf32>
      %add3A_2052 = arith.addf %add3A_2032, %select_n3A_2051 : vector<16xf32>
      %slice3A_2053 = vector.extract_strided_slice %select_n3A_437 {offsets = [0], sizes = [1], strides = [1]} : vector<16xf32> to vector<1xf32>
      %squeeze3A_2054 = vector.extract %slice3A_2053[0] : f32 from vector<1xf32>
      %slice3A_2055 = vector.extract_strided_slice %select_n3A_437 {offsets = [1], sizes = [1], strides = [1]} : vector<16xf32> to vector<1xf32>
      %squeeze3A_2056 = vector.extract %slice3A_2055[0] : f32 from vector<1xf32>
      %mul3A_2057 = arith.mulf %squeeze3A_2054, %squeeze3A_2056 : f32
      %slice3A_2058 = vector.extract_strided_slice %min3A_427 {offsets = [1], sizes = [1], strides = [1]} : vector<16xi32> to vector<1xi32>
      %squeeze3A_2059 = vector.extract %slice3A_2058[0] : i32 from vector<1xi32>
      %and3A_2060 = arith.constant 15 : i32
      %and3A_2061 = arith.andi %squeeze3A_2059, %and3A_2060 : i32
      %get3A_2062 = arith.constant 16 : i32
      %get3A_2063 = arith.index_cast %get3A_2062 : i32 to index
      %get3A_2064 = arith.constant 0 : index
      %get3A_2065 = tpu.vector_load %arg8[%get3A_2063, %get3A_2064] {strides = array<i32>} : memref<48x16xf32, #tpu.memory_space<vmem>>, vector<1x16xf32>,
      %get3A_2066 = vector.shape_cast %get3A_2065 : vector<1x16xf32> to vector<16xf32>
      %broadcast_in_dim3A_2067 = vector.broadcast %and3A_2061 : i32 to vector<16xi32>
      %eq3A_2068 = arith.cmpi eq, %iota3A, %broadcast_in_dim3A_2067 : vector<16xi32>
      %broadcast_in_dim3A_2069 = vector.broadcast %mul3A_2057 : f32 to vector<16xf32>
      %mul3A_2070 = arith.mulf %get3A_2066, %broadcast_in_dim3A_2069 : vector<16xf32>
      %select_n3A_2071 = arith.select %eq3A_2068, %mul3A_2070, %broadcast_in_dim3A_8 : vector<16xi1>, vector<16xf32>
      %add3A_2072 = arith.addf %add3A_2052, %select_n3A_2071 : vector<16xf32>
      %slice3A_2073 = vector.extract_strided_slice %select_n3A_437 {offsets = [2], sizes = [1], strides = [1]} : vector<16xf32> to vector<1xf32>
      %squeeze3A_2074 = vector.extract %slice3A_2073[0] : f32 from vector<1xf32>
      %slice3A_2075 = vector.extract_strided_slice %select_n3A_437 {offsets = [3], sizes = [1], strides = [1]} : vector<16xf32> to vector<1xf32>
      %squeeze3A_2076 = vector.extract %slice3A_2075[0] : f32 from vector<1xf32>
      %mul3A_2077 = arith.mulf %squeeze3A_2074, %squeeze3A_2076 : f32
      %slice3A_2078 = vector.extract_strided_slice %min3A_427 {offsets = [3], sizes = [1], strides = [1]} : vector<16xi32> to vector<1xi32>
      %squeeze3A_2079 = vector.extract %slice3A_2078[0] : i32 from vector<1xi32>
      %and3A_2080 = arith.constant 15 : i32
      %and3A_2081 = arith.andi %squeeze3A_2079, %and3A_2080 : i32
      %get3A_2082 = arith.constant 17 : i32
      %get3A_2083 = arith.index_cast %get3A_2082 : i32 to index
      %get3A_2084 = arith.constant 0 : index
      %get3A_2085 = tpu.vector_load %arg8[%get3A_2083, %get3A_2084] {strides = array<i32>} : memref<48x16xf32, #tpu.memory_space<vmem>>, vector<1x16xf32>,
      %get3A_2086 = vector.shape_cast %get3A_2085 : vector<1x16xf32> to vector<16xf32>
      %broadcast_in_dim3A_2087 = vector.broadcast %and3A_2081 : i32 to vector<16xi32>
      %eq3A_2088 = arith.cmpi eq, %iota3A, %broadcast_in_dim3A_2087 : vector<16xi32>
      %broadcast_in_dim3A_2089 = vector.broadcast %mul3A_2077 : f32 to vector<16xf32>
      %mul3A_2090 = arith.mulf %get3A_2086, %broadcast_in_dim3A_2089 : vector<16xf32>
      %select_n3A_2091 = arith.select %eq3A_2088, %mul3A_2090, %broadcast_in_dim3A_8 : vector<16xi1>, vector<16xf32>
      %add3A_2092 = arith.addf %add3A_2072, %select_n3A_2091 : vector<16xf32>
      %slice3A_2093 = vector.extract_strided_slice %select_n3A_437 {offsets = [4], sizes = [1], strides = [1]} : vector<16xf32> to vector<1xf32>
      %squeeze3A_2094 = vector.extract %slice3A_2093[0] : f32 from vector<1xf32>
      %slice3A_2095 = vector.extract_strided_slice %select_n3A_437 {offsets = [5], sizes = [1], strides = [1]} : vector<16xf32> to vector<1xf32>
      %squeeze3A_2096 = vector.extract %slice3A_2095[0] : f32 from vector<1xf32>
      %mul3A_2097 = arith.mulf %squeeze3A_2094, %squeeze3A_2096 : f32
      %slice3A_2098 = vector.extract_strided_slice %min3A_427 {offsets = [5], sizes = [1], strides = [1]} : vector<16xi32> to vector<1xi32>
      %squeeze3A_2099 = vector.extract %slice3A_2098[0] : i32 from vector<1xi32>
      %and3A_2100 = arith.constant 15 : i32
      %and3A_2101 = arith.andi %squeeze3A_2099, %and3A_2100 : i32
      %get3A_2102 = arith.constant 18 : i32
      %get3A_2103 = arith.index_cast %get3A_2102 : i32 to index
      %get3A_2104 = arith.constant 0 : index
      %get3A_2105 = tpu.vector_load %arg8[%get3A_2103, %get3A_2104] {strides = array<i32>} : memref<48x16xf32, #tpu.memory_space<vmem>>, vector<1x16xf32>,
      %get3A_2106 = vector.shape_cast %get3A_2105 : vector<1x16xf32> to vector<16xf32>
      %broadcast_in_dim3A_2107 = vector.broadcast %and3A_2101 : i32 to vector<16xi32>
      %eq3A_2108 = arith.cmpi eq, %iota3A, %broadcast_in_dim3A_2107 : vector<16xi32>
      %broadcast_in_dim3A_2109 = vector.broadcast %mul3A_2097 : f32 to vector<16xf32>
      %mul3A_2110 = arith.mulf %get3A_2106, %broadcast_in_dim3A_2109 : vector<16xf32>
      %select_n3A_2111 = arith.select %eq3A_2108, %mul3A_2110, %broadcast_in_dim3A_8 : vector<16xi1>, vector<16xf32>
      %add3A_2112 = arith.addf %add3A_2092, %select_n3A_2111 : vector<16xf32>
      %slice3A_2113 = vector.extract_strided_slice %select_n3A_437 {offsets = [6], sizes = [1], strides = [1]} : vector<16xf32> to vector<1xf32>
      %squeeze3A_2114 = vector.extract %slice3A_2113[0] : f32 from vector<1xf32>
      %slice3A_2115 = vector.extract_strided_slice %select_n3A_437 {offsets = [7], sizes = [1], strides = [1]} : vector<16xf32> to vector<1xf32>
      %squeeze3A_2116 = vector.extract %slice3A_2115[0] : f32 from vector<1xf32>
      %mul3A_2117 = arith.mulf %squeeze3A_2114, %squeeze3A_2116 : f32
      %slice3A_2118 = vector.extract_strided_slice %min3A_427 {offsets = [7], sizes = [1], strides = [1]} : vector<16xi32> to vector<1xi32>
      %squeeze3A_2119 = vector.extract %slice3A_2118[0] : i32 from vector<1xi32>
      %and3A_2120 = arith.constant 15 : i32
      %and3A_2121 = arith.andi %squeeze3A_2119, %and3A_2120 : i32
      %get3A_2122 = arith.constant 19 : i32
      %get3A_2123 = arith.index_cast %get3A_2122 : i32 to index
      %get3A_2124 = arith.constant 0 : index
      %get3A_2125 = tpu.vector_load %arg8[%get3A_2123, %get3A_2124] {strides = array<i32>} : memref<48x16xf32, #tpu.memory_space<vmem>>, vector<1x16xf32>,
      %get3A_2126 = vector.shape_cast %get3A_2125 : vector<1x16xf32> to vector<16xf32>
      %broadcast_in_dim3A_2127 = vector.broadcast %and3A_2121 : i32 to vector<16xi32>
      %eq3A_2128 = arith.cmpi eq, %iota3A, %broadcast_in_dim3A_2127 : vector<16xi32>
      %broadcast_in_dim3A_2129 = vector.broadcast %mul3A_2117 : f32 to vector<16xf32>
      %mul3A_2130 = arith.mulf %get3A_2126, %broadcast_in_dim3A_2129 : vector<16xf32>
      %select_n3A_2131 = arith.select %eq3A_2128, %mul3A_2130, %broadcast_in_dim3A_8 : vector<16xi1>, vector<16xf32>
      %add3A_2132 = arith.addf %add3A_2112, %select_n3A_2131 : vector<16xf32>
      %slice3A_2133 = vector.extract_strided_slice %select_n3A_437 {offsets = [8], sizes = [1], strides = [1]} : vector<16xf32> to vector<1xf32>
      %squeeze3A_2134 = vector.extract %slice3A_2133[0] : f32 from vector<1xf32>
      %slice3A_2135 = vector.extract_strided_slice %select_n3A_437 {offsets = [9], sizes = [1], strides = [1]} : vector<16xf32> to vector<1xf32>
      %squeeze3A_2136 = vector.extract %slice3A_2135[0] : f32 from vector<1xf32>
      %mul3A_2137 = arith.mulf %squeeze3A_2134, %squeeze3A_2136 : f32
      %slice3A_2138 = vector.extract_strided_slice %min3A_427 {offsets = [9], sizes = [1], strides = [1]} : vector<16xi32> to vector<1xi32>
      %squeeze3A_2139 = vector.extract %slice3A_2138[0] : i32 from vector<1xi32>
      %and3A_2140 = arith.constant 15 : i32
      %and3A_2141 = arith.andi %squeeze3A_2139, %and3A_2140 : i32
      %get3A_2142 = arith.constant 20 : i32
      %get3A_2143 = arith.index_cast %get3A_2142 : i32 to index
      %get3A_2144 = arith.constant 0 : index
      %get3A_2145 = tpu.vector_load %arg8[%get3A_2143, %get3A_2144] {strides = array<i32>} : memref<48x16xf32, #tpu.memory_space<vmem>>, vector<1x16xf32>,
      %get3A_2146 = vector.shape_cast %get3A_2145 : vector<1x16xf32> to vector<16xf32>
      %broadcast_in_dim3A_2147 = vector.broadcast %and3A_2141 : i32 to vector<16xi32>
      %eq3A_2148 = arith.cmpi eq, %iota3A, %broadcast_in_dim3A_2147 : vector<16xi32>
      %broadcast_in_dim3A_2149 = vector.broadcast %mul3A_2137 : f32 to vector<16xf32>
      %mul3A_2150 = arith.mulf %get3A_2146, %broadcast_in_dim3A_2149 : vector<16xf32>
      %select_n3A_2151 = arith.select %eq3A_2148, %mul3A_2150, %broadcast_in_dim3A_8 : vector<16xi1>, vector<16xf32>
      %add3A_2152 = arith.addf %add3A_2132, %select_n3A_2151 : vector<16xf32>
      %slice3A_2153 = vector.extract_strided_slice %select_n3A_437 {offsets = [10], sizes = [1], strides = [1]} : vector<16xf32> to vector<1xf32>
      %squeeze3A_2154 = vector.extract %slice3A_2153[0] : f32 from vector<1xf32>
      %slice3A_2155 = vector.extract_strided_slice %select_n3A_437 {offsets = [11], sizes = [1], strides = [1]} : vector<16xf32> to vector<1xf32>
      %squeeze3A_2156 = vector.extract %slice3A_2155[0] : f32 from vector<1xf32>
      %mul3A_2157 = arith.mulf %squeeze3A_2154, %squeeze3A_2156 : f32
      %slice3A_2158 = vector.extract_strided_slice %min3A_427 {offsets = [11], sizes = [1], strides = [1]} : vector<16xi32> to vector<1xi32>
      %squeeze3A_2159 = vector.extract %slice3A_2158[0] : i32 from vector<1xi32>
      %and3A_2160 = arith.constant 15 : i32
      %and3A_2161 = arith.andi %squeeze3A_2159, %and3A_2160 : i32
      %get3A_2162 = arith.constant 21 : i32
      %get3A_2163 = arith.index_cast %get3A_2162 : i32 to index
      %get3A_2164 = arith.constant 0 : index
      %get3A_2165 = tpu.vector_load %arg8[%get3A_2163, %get3A_2164] {strides = array<i32>} : memref<48x16xf32, #tpu.memory_space<vmem>>, vector<1x16xf32>,
      %get3A_2166 = vector.shape_cast %get3A_2165 : vector<1x16xf32> to vector<16xf32>
      %broadcast_in_dim3A_2167 = vector.broadcast %and3A_2161 : i32 to vector<16xi32>
      %eq3A_2168 = arith.cmpi eq, %iota3A, %broadcast_in_dim3A_2167 : vector<16xi32>
      %broadcast_in_dim3A_2169 = vector.broadcast %mul3A_2157 : f32 to vector<16xf32>
      %mul3A_2170 = arith.mulf %get3A_2166, %broadcast_in_dim3A_2169 : vector<16xf32>
      %select_n3A_2171 = arith.select %eq3A_2168, %mul3A_2170, %broadcast_in_dim3A_8 : vector<16xi1>, vector<16xf32>
      %add3A_2172 = arith.addf %add3A_2152, %select_n3A_2171 : vector<16xf32>
      %slice3A_2173 = vector.extract_strided_slice %select_n3A_437 {offsets = [12], sizes = [1], strides = [1]} : vector<16xf32> to vector<1xf32>
      %squeeze3A_2174 = vector.extract %slice3A_2173[0] : f32 from vector<1xf32>
      %slice3A_2175 = vector.extract_strided_slice %select_n3A_437 {offsets = [13], sizes = [1], strides = [1]} : vector<16xf32> to vector<1xf32>
      %squeeze3A_2176 = vector.extract %slice3A_2175[0] : f32 from vector<1xf32>
      %mul3A_2177 = arith.mulf %squeeze3A_2174, %squeeze3A_2176 : f32
      %slice3A_2178 = vector.extract_strided_slice %min3A_427 {offsets = [13], sizes = [1], strides = [1]} : vector<16xi32> to vector<1xi32>
      %squeeze3A_2179 = vector.extract %slice3A_2178[0] : i32 from vector<1xi32>
      %and3A_2180 = arith.constant 15 : i32
      %and3A_2181 = arith.andi %squeeze3A_2179, %and3A_2180 : i32
      %get3A_2182 = arith.constant 22 : i32
      %get3A_2183 = arith.index_cast %get3A_2182 : i32 to index
      %get3A_2184 = arith.constant 0 : index
      %get3A_2185 = tpu.vector_load %arg8[%get3A_2183, %get3A_2184] {strides = array<i32>} : memref<48x16xf32, #tpu.memory_space<vmem>>, vector<1x16xf32>,
      %get3A_2186 = vector.shape_cast %get3A_2185 : vector<1x16xf32> to vector<16xf32>
      %broadcast_in_dim3A_2187 = vector.broadcast %and3A_2181 : i32 to vector<16xi32>
      %eq3A_2188 = arith.cmpi eq, %iota3A, %broadcast_in_dim3A_2187 : vector<16xi32>
      %broadcast_in_dim3A_2189 = vector.broadcast %mul3A_2177 : f32 to vector<16xf32>
      %mul3A_2190 = arith.mulf %get3A_2186, %broadcast_in_dim3A_2189 : vector<16xf32>
      %select_n3A_2191 = arith.select %eq3A_2188, %mul3A_2190, %broadcast_in_dim3A_8 : vector<16xi1>, vector<16xf32>
      %add3A_2192 = arith.addf %add3A_2172, %select_n3A_2191 : vector<16xf32>
      %slice3A_2193 = vector.extract_strided_slice %select_n3A_437 {offsets = [14], sizes = [1], strides = [1]} : vector<16xf32> to vector<1xf32>
      %squeeze3A_2194 = vector.extract %slice3A_2193[0] : f32 from vector<1xf32>
      %slice3A_2195 = vector.extract_strided_slice %select_n3A_437 {offsets = [15], sizes = [1], strides = [1]} : vector<16xf32> to vector<1xf32>
      %squeeze3A_2196 = vector.extract %slice3A_2195[0] : f32 from vector<1xf32>
      %mul3A_2197 = arith.mulf %squeeze3A_2194, %squeeze3A_2196 : f32
      %slice3A_2198 = vector.extract_strided_slice %min3A_427 {offsets = [15], sizes = [1], strides = [1]} : vector<16xi32> to vector<1xi32>
      %squeeze3A_2199 = vector.extract %slice3A_2198[0] : i32 from vector<1xi32>
      %and3A_2200 = arith.constant 15 : i32
      %and3A_2201 = arith.andi %squeeze3A_2199, %and3A_2200 : i32
      %get3A_2202 = arith.constant 23 : i32
      %get3A_2203 = arith.index_cast %get3A_2202 : i32 to index
      %get3A_2204 = arith.constant 0 : index
      %get3A_2205 = tpu.vector_load %arg8[%get3A_2203, %get3A_2204] {strides = array<i32>} : memref<48x16xf32, #tpu.memory_space<vmem>>, vector<1x16xf32>,
      %get3A_2206 = vector.shape_cast %get3A_2205 : vector<1x16xf32> to vector<16xf32>
      %broadcast_in_dim3A_2207 = vector.broadcast %and3A_2201 : i32 to vector<16xi32>
      %eq3A_2208 = arith.cmpi eq, %iota3A, %broadcast_in_dim3A_2207 : vector<16xi32>
      %broadcast_in_dim3A_2209 = vector.broadcast %mul3A_2197 : f32 to vector<16xf32>
      %mul3A_2210 = arith.mulf %get3A_2206, %broadcast_in_dim3A_2209 : vector<16xf32>
      %select_n3A_2211 = arith.select %eq3A_2208, %mul3A_2210, %broadcast_in_dim3A_8 : vector<16xi1>, vector<16xf32>
      %add3A_2212 = arith.addf %add3A_2192, %select_n3A_2211 : vector<16xf32>
      %slice3A_2213 = vector.extract_strided_slice %select_n3A_634 {offsets = [0], sizes = [1], strides = [1]} : vector<16xf32> to vector<1xf32>
      %squeeze3A_2214 = vector.extract %slice3A_2213[0] : f32 from vector<1xf32>
      %slice3A_2215 = vector.extract_strided_slice %select_n3A_634 {offsets = [1], sizes = [1], strides = [1]} : vector<16xf32> to vector<1xf32>
      %squeeze3A_2216 = vector.extract %slice3A_2215[0] : f32 from vector<1xf32>
      %mul3A_2217 = arith.mulf %squeeze3A_2214, %squeeze3A_2216 : f32
      %slice3A_2218 = vector.extract_strided_slice %min3A_624 {offsets = [1], sizes = [1], strides = [1]} : vector<16xi32> to vector<1xi32>
      %squeeze3A_2219 = vector.extract %slice3A_2218[0] : i32 from vector<1xi32>
      %and3A_2220 = arith.constant 15 : i32
      %and3A_2221 = arith.andi %squeeze3A_2219, %and3A_2220 : i32
      %get3A_2222 = arith.constant 24 : i32
      %get3A_2223 = arith.index_cast %get3A_2222 : i32 to index
      %get3A_2224 = arith.constant 0 : index
      %get3A_2225 = tpu.vector_load %arg8[%get3A_2223, %get3A_2224] {strides = array<i32>} : memref<48x16xf32, #tpu.memory_space<vmem>>, vector<1x16xf32>,
      %get3A_2226 = vector.shape_cast %get3A_2225 : vector<1x16xf32> to vector<16xf32>
      %broadcast_in_dim3A_2227 = vector.broadcast %and3A_2221 : i32 to vector<16xi32>
      %eq3A_2228 = arith.cmpi eq, %iota3A, %broadcast_in_dim3A_2227 : vector<16xi32>
      %broadcast_in_dim3A_2229 = vector.broadcast %mul3A_2217 : f32 to vector<16xf32>
      %mul3A_2230 = arith.mulf %get3A_2226, %broadcast_in_dim3A_2229 : vector<16xf32>
      %select_n3A_2231 = arith.select %eq3A_2228, %mul3A_2230, %broadcast_in_dim3A_8 : vector<16xi1>, vector<16xf32>
      %add3A_2232 = arith.addf %add3A_2212, %select_n3A_2231 : vector<16xf32>
      %slice3A_2233 = vector.extract_strided_slice %select_n3A_634 {offsets = [2], sizes = [1], strides = [1]} : vector<16xf32> to vector<1xf32>
      %squeeze3A_2234 = vector.extract %slice3A_2233[0] : f32 from vector<1xf32>
      %slice3A_2235 = vector.extract_strided_slice %select_n3A_634 {offsets = [3], sizes = [1], strides = [1]} : vector<16xf32> to vector<1xf32>
      %squeeze3A_2236 = vector.extract %slice3A_2235[0] : f32 from vector<1xf32>
      %mul3A_2237 = arith.mulf %squeeze3A_2234, %squeeze3A_2236 : f32
      %slice3A_2238 = vector.extract_strided_slice %min3A_624 {offsets = [3], sizes = [1], strides = [1]} : vector<16xi32> to vector<1xi32>
      %squeeze3A_2239 = vector.extract %slice3A_2238[0] : i32 from vector<1xi32>
      %and3A_2240 = arith.constant 15 : i32
      %and3A_2241 = arith.andi %squeeze3A_2239, %and3A_2240 : i32
      %get3A_2242 = arith.constant 25 : i32
      %get3A_2243 = arith.index_cast %get3A_2242 : i32 to index
      %get3A_2244 = arith.constant 0 : index
      %get3A_2245 = tpu.vector_load %arg8[%get3A_2243, %get3A_2244] {strides = array<i32>} : memref<48x16xf32, #tpu.memory_space<vmem>>, vector<1x16xf32>,
      %get3A_2246 = vector.shape_cast %get3A_2245 : vector<1x16xf32> to vector<16xf32>
      %broadcast_in_dim3A_2247 = vector.broadcast %and3A_2241 : i32 to vector<16xi32>
      %eq3A_2248 = arith.cmpi eq, %iota3A, %broadcast_in_dim3A_2247 : vector<16xi32>
      %broadcast_in_dim3A_2249 = vector.broadcast %mul3A_2237 : f32 to vector<16xf32>
      %mul3A_2250 = arith.mulf %get3A_2246, %broadcast_in_dim3A_2249 : vector<16xf32>
      %select_n3A_2251 = arith.select %eq3A_2248, %mul3A_2250, %broadcast_in_dim3A_8 : vector<16xi1>, vector<16xf32>
      %add3A_2252 = arith.addf %add3A_2232, %select_n3A_2251 : vector<16xf32>
      %slice3A_2253 = vector.extract_strided_slice %select_n3A_634 {offsets = [4], sizes = [1], strides = [1]} : vector<16xf32> to vector<1xf32>
      %squeeze3A_2254 = vector.extract %slice3A_2253[0] : f32 from vector<1xf32>
      %slice3A_2255 = vector.extract_strided_slice %select_n3A_634 {offsets = [5], sizes = [1], strides = [1]} : vector<16xf32> to vector<1xf32>
      %squeeze3A_2256 = vector.extract %slice3A_2255[0] : f32 from vector<1xf32>
      %mul3A_2257 = arith.mulf %squeeze3A_2254, %squeeze3A_2256 : f32
      %slice3A_2258 = vector.extract_strided_slice %min3A_624 {offsets = [5], sizes = [1], strides = [1]} : vector<16xi32> to vector<1xi32>
      %squeeze3A_2259 = vector.extract %slice3A_2258[0] : i32 from vector<1xi32>
      %and3A_2260 = arith.constant 15 : i32
      %and3A_2261 = arith.andi %squeeze3A_2259, %and3A_2260 : i32
      %get3A_2262 = arith.constant 26 : i32
      %get3A_2263 = arith.index_cast %get3A_2262 : i32 to index
      %get3A_2264 = arith.constant 0 : index
      %get3A_2265 = tpu.vector_load %arg8[%get3A_2263, %get3A_2264] {strides = array<i32>} : memref<48x16xf32, #tpu.memory_space<vmem>>, vector<1x16xf32>,
      %get3A_2266 = vector.shape_cast %get3A_2265 : vector<1x16xf32> to vector<16xf32>
      %broadcast_in_dim3A_2267 = vector.broadcast %and3A_2261 : i32 to vector<16xi32>
      %eq3A_2268 = arith.cmpi eq, %iota3A, %broadcast_in_dim3A_2267 : vector<16xi32>
      %broadcast_in_dim3A_2269 = vector.broadcast %mul3A_2257 : f32 to vector<16xf32>
      %mul3A_2270 = arith.mulf %get3A_2266, %broadcast_in_dim3A_2269 : vector<16xf32>
      %select_n3A_2271 = arith.select %eq3A_2268, %mul3A_2270, %broadcast_in_dim3A_8 : vector<16xi1>, vector<16xf32>
      %add3A_2272 = arith.addf %add3A_2252, %select_n3A_2271 : vector<16xf32>
      %slice3A_2273 = vector.extract_strided_slice %select_n3A_634 {offsets = [6], sizes = [1], strides = [1]} : vector<16xf32> to vector<1xf32>
      %squeeze3A_2274 = vector.extract %slice3A_2273[0] : f32 from vector<1xf32>
      %slice3A_2275 = vector.extract_strided_slice %select_n3A_634 {offsets = [7], sizes = [1], strides = [1]} : vector<16xf32> to vector<1xf32>
      %squeeze3A_2276 = vector.extract %slice3A_2275[0] : f32 from vector<1xf32>
      %mul3A_2277 = arith.mulf %squeeze3A_2274, %squeeze3A_2276 : f32
      %slice3A_2278 = vector.extract_strided_slice %min3A_624 {offsets = [7], sizes = [1], strides = [1]} : vector<16xi32> to vector<1xi32>
      %squeeze3A_2279 = vector.extract %slice3A_2278[0] : i32 from vector<1xi32>
      %and3A_2280 = arith.constant 15 : i32
      %and3A_2281 = arith.andi %squeeze3A_2279, %and3A_2280 : i32
      %get3A_2282 = arith.constant 27 : i32
      %get3A_2283 = arith.index_cast %get3A_2282 : i32 to index
      %get3A_2284 = arith.constant 0 : index
      %get3A_2285 = tpu.vector_load %arg8[%get3A_2283, %get3A_2284] {strides = array<i32>} : memref<48x16xf32, #tpu.memory_space<vmem>>, vector<1x16xf32>,
      %get3A_2286 = vector.shape_cast %get3A_2285 : vector<1x16xf32> to vector<16xf32>
      %broadcast_in_dim3A_2287 = vector.broadcast %and3A_2281 : i32 to vector<16xi32>
      %eq3A_2288 = arith.cmpi eq, %iota3A, %broadcast_in_dim3A_2287 : vector<16xi32>
      %broadcast_in_dim3A_2289 = vector.broadcast %mul3A_2277 : f32 to vector<16xf32>
      %mul3A_2290 = arith.mulf %get3A_2286, %broadcast_in_dim3A_2289 : vector<16xf32>
      %select_n3A_2291 = arith.select %eq3A_2288, %mul3A_2290, %broadcast_in_dim3A_8 : vector<16xi1>, vector<16xf32>
      %add3A_2292 = arith.addf %add3A_2272, %select_n3A_2291 : vector<16xf32>
      %slice3A_2293 = vector.extract_strided_slice %select_n3A_634 {offsets = [8], sizes = [1], strides = [1]} : vector<16xf32> to vector<1xf32>
      %squeeze3A_2294 = vector.extract %slice3A_2293[0] : f32 from vector<1xf32>
      %slice3A_2295 = vector.extract_strided_slice %select_n3A_634 {offsets = [9], sizes = [1], strides = [1]} : vector<16xf32> to vector<1xf32>
      %squeeze3A_2296 = vector.extract %slice3A_2295[0] : f32 from vector<1xf32>
      %mul3A_2297 = arith.mulf %squeeze3A_2294, %squeeze3A_2296 : f32
      %slice3A_2298 = vector.extract_strided_slice %min3A_624 {offsets = [9], sizes = [1], strides = [1]} : vector<16xi32> to vector<1xi32>
      %squeeze3A_2299 = vector.extract %slice3A_2298[0] : i32 from vector<1xi32>
      %and3A_2300 = arith.constant 15 : i32
      %and3A_2301 = arith.andi %squeeze3A_2299, %and3A_2300 : i32
      %get3A_2302 = arith.constant 28 : i32
      %get3A_2303 = arith.index_cast %get3A_2302 : i32 to index
      %get3A_2304 = arith.constant 0 : index
      %get3A_2305 = tpu.vector_load %arg8[%get3A_2303, %get3A_2304] {strides = array<i32>} : memref<48x16xf32, #tpu.memory_space<vmem>>, vector<1x16xf32>,
      %get3A_2306 = vector.shape_cast %get3A_2305 : vector<1x16xf32> to vector<16xf32>
      %broadcast_in_dim3A_2307 = vector.broadcast %and3A_2301 : i32 to vector<16xi32>
      %eq3A_2308 = arith.cmpi eq, %iota3A, %broadcast_in_dim3A_2307 : vector<16xi32>
      %broadcast_in_dim3A_2309 = vector.broadcast %mul3A_2297 : f32 to vector<16xf32>
      %mul3A_2310 = arith.mulf %get3A_2306, %broadcast_in_dim3A_2309 : vector<16xf32>
      %select_n3A_2311 = arith.select %eq3A_2308, %mul3A_2310, %broadcast_in_dim3A_8 : vector<16xi1>, vector<16xf32>
      %add3A_2312 = arith.addf %add3A_2292, %select_n3A_2311 : vector<16xf32>
      %slice3A_2313 = vector.extract_strided_slice %select_n3A_634 {offsets = [10], sizes = [1], strides = [1]} : vector<16xf32> to vector<1xf32>
      %squeeze3A_2314 = vector.extract %slice3A_2313[0] : f32 from vector<1xf32>
      %slice3A_2315 = vector.extract_strided_slice %select_n3A_634 {offsets = [11], sizes = [1], strides = [1]} : vector<16xf32> to vector<1xf32>
      %squeeze3A_2316 = vector.extract %slice3A_2315[0] : f32 from vector<1xf32>
      %mul3A_2317 = arith.mulf %squeeze3A_2314, %squeeze3A_2316 : f32
      %slice3A_2318 = vector.extract_strided_slice %min3A_624 {offsets = [11], sizes = [1], strides = [1]} : vector<16xi32> to vector<1xi32>
      %squeeze3A_2319 = vector.extract %slice3A_2318[0] : i32 from vector<1xi32>
      %and3A_2320 = arith.constant 15 : i32
      %and3A_2321 = arith.andi %squeeze3A_2319, %and3A_2320 : i32
      %get3A_2322 = arith.constant 29 : i32
      %get3A_2323 = arith.index_cast %get3A_2322 : i32 to index
      %get3A_2324 = arith.constant 0 : index
      %get3A_2325 = tpu.vector_load %arg8[%get3A_2323, %get3A_2324] {strides = array<i32>} : memref<48x16xf32, #tpu.memory_space<vmem>>, vector<1x16xf32>,
      %get3A_2326 = vector.shape_cast %get3A_2325 : vector<1x16xf32> to vector<16xf32>
      %broadcast_in_dim3A_2327 = vector.broadcast %and3A_2321 : i32 to vector<16xi32>
      %eq3A_2328 = arith.cmpi eq, %iota3A, %broadcast_in_dim3A_2327 : vector<16xi32>
      %broadcast_in_dim3A_2329 = vector.broadcast %mul3A_2317 : f32 to vector<16xf32>
      %mul3A_2330 = arith.mulf %get3A_2326, %broadcast_in_dim3A_2329 : vector<16xf32>
      %select_n3A_2331 = arith.select %eq3A_2328, %mul3A_2330, %broadcast_in_dim3A_8 : vector<16xi1>, vector<16xf32>
      %add3A_2332 = arith.addf %add3A_2312, %select_n3A_2331 : vector<16xf32>
      %slice3A_2333 = vector.extract_strided_slice %select_n3A_634 {offsets = [12], sizes = [1], strides = [1]} : vector<16xf32> to vector<1xf32>
      %squeeze3A_2334 = vector.extract %slice3A_2333[0] : f32 from vector<1xf32>
      %slice3A_2335 = vector.extract_strided_slice %select_n3A_634 {offsets = [13], sizes = [1], strides = [1]} : vector<16xf32> to vector<1xf32>
      %squeeze3A_2336 = vector.extract %slice3A_2335[0] : f32 from vector<1xf32>
      %mul3A_2337 = arith.mulf %squeeze3A_2334, %squeeze3A_2336 : f32
      %slice3A_2338 = vector.extract_strided_slice %min3A_624 {offsets = [13], sizes = [1], strides = [1]} : vector<16xi32> to vector<1xi32>
      %squeeze3A_2339 = vector.extract %slice3A_2338[0] : i32 from vector<1xi32>
      %and3A_2340 = arith.constant 15 : i32
      %and3A_2341 = arith.andi %squeeze3A_2339, %and3A_2340 : i32
      %get3A_2342 = arith.constant 30 : i32
      %get3A_2343 = arith.index_cast %get3A_2342 : i32 to index
      %get3A_2344 = arith.constant 0 : index
      %get3A_2345 = tpu.vector_load %arg8[%get3A_2343, %get3A_2344] {strides = array<i32>} : memref<48x16xf32, #tpu.memory_space<vmem>>, vector<1x16xf32>,
      %get3A_2346 = vector.shape_cast %get3A_2345 : vector<1x16xf32> to vector<16xf32>
      %broadcast_in_dim3A_2347 = vector.broadcast %and3A_2341 : i32 to vector<16xi32>
      %eq3A_2348 = arith.cmpi eq, %iota3A, %broadcast_in_dim3A_2347 : vector<16xi32>
      %broadcast_in_dim3A_2349 = vector.broadcast %mul3A_2337 : f32 to vector<16xf32>
      %mul3A_2350 = arith.mulf %get3A_2346, %broadcast_in_dim3A_2349 : vector<16xf32>
      %select_n3A_2351 = arith.select %eq3A_2348, %mul3A_2350, %broadcast_in_dim3A_8 : vector<16xi1>, vector<16xf32>
      %add3A_2352 = arith.addf %add3A_2332, %select_n3A_2351 : vector<16xf32>
      %slice3A_2353 = vector.extract_strided_slice %select_n3A_634 {offsets = [14], sizes = [1], strides = [1]} : vector<16xf32> to vector<1xf32>
      %squeeze3A_2354 = vector.extract %slice3A_2353[0] : f32 from vector<1xf32>
      %slice3A_2355 = vector.extract_strided_slice %select_n3A_634 {offsets = [15], sizes = [1], strides = [1]} : vector<16xf32> to vector<1xf32>
      %squeeze3A_2356 = vector.extract %slice3A_2355[0] : f32 from vector<1xf32>
      %mul3A_2357 = arith.mulf %squeeze3A_2354, %squeeze3A_2356 : f32
      %slice3A_2358 = vector.extract_strided_slice %min3A_624 {offsets = [15], sizes = [1], strides = [1]} : vector<16xi32> to vector<1xi32>
      %squeeze3A_2359 = vector.extract %slice3A_2358[0] : i32 from vector<1xi32>
      %and3A_2360 = arith.constant 15 : i32
      %and3A_2361 = arith.andi %squeeze3A_2359, %and3A_2360 : i32
      %get3A_2362 = arith.constant 31 : i32
      %get3A_2363 = arith.index_cast %get3A_2362 : i32 to index
      %get3A_2364 = arith.constant 0 : index
      %get3A_2365 = tpu.vector_load %arg8[%get3A_2363, %get3A_2364] {strides = array<i32>} : memref<48x16xf32, #tpu.memory_space<vmem>>, vector<1x16xf32>,
      %get3A_2366 = vector.shape_cast %get3A_2365 : vector<1x16xf32> to vector<16xf32>
      %broadcast_in_dim3A_2367 = vector.broadcast %and3A_2361 : i32 to vector<16xi32>
      %eq3A_2368 = arith.cmpi eq, %iota3A, %broadcast_in_dim3A_2367 : vector<16xi32>
      %broadcast_in_dim3A_2369 = vector.broadcast %mul3A_2357 : f32 to vector<16xf32>
      %mul3A_2370 = arith.mulf %get3A_2366, %broadcast_in_dim3A_2369 : vector<16xf32>
      %select_n3A_2371 = arith.select %eq3A_2368, %mul3A_2370, %broadcast_in_dim3A_8 : vector<16xi1>, vector<16xf32>
      %add3A_2372 = arith.addf %add3A_2352, %select_n3A_2371 : vector<16xf32>
      %slice3A_2373 = vector.extract_strided_slice %select_n3A_840 {offsets = [0], sizes = [1], strides = [1]} : vector<16xf32> to vector<1xf32>
      %squeeze3A_2374 = vector.extract %slice3A_2373[0] : f32 from vector<1xf32>
      %slice3A_2375 = vector.extract_strided_slice %select_n3A_840 {offsets = [1], sizes = [1], strides = [1]} : vector<16xf32> to vector<1xf32>
      %squeeze3A_2376 = vector.extract %slice3A_2375[0] : f32 from vector<1xf32>
      %mul3A_2377 = arith.mulf %squeeze3A_2374, %squeeze3A_2376 : f32
      %slice3A_2378 = vector.extract_strided_slice %min3A_830 {offsets = [1], sizes = [1], strides = [1]} : vector<16xi32> to vector<1xi32>
      %squeeze3A_2379 = vector.extract %slice3A_2378[0] : i32 from vector<1xi32>
      %and3A_2380 = arith.constant 15 : i32
      %and3A_2381 = arith.andi %squeeze3A_2379, %and3A_2380 : i32
      %get3A_2382 = arith.constant 32 : i32
      %get3A_2383 = arith.index_cast %get3A_2382 : i32 to index
      %get3A_2384 = arith.constant 0 : index
      %get3A_2385 = tpu.vector_load %arg8[%get3A_2383, %get3A_2384] {strides = array<i32>} : memref<48x16xf32, #tpu.memory_space<vmem>>, vector<1x16xf32>,
      %get3A_2386 = vector.shape_cast %get3A_2385 : vector<1x16xf32> to vector<16xf32>
      %broadcast_in_dim3A_2387 = vector.broadcast %and3A_2381 : i32 to vector<16xi32>
      %eq3A_2388 = arith.cmpi eq, %iota3A, %broadcast_in_dim3A_2387 : vector<16xi32>
      %broadcast_in_dim3A_2389 = vector.broadcast %mul3A_2377 : f32 to vector<16xf32>
      %mul3A_2390 = arith.mulf %get3A_2386, %broadcast_in_dim3A_2389 : vector<16xf32>
      %select_n3A_2391 = arith.select %eq3A_2388, %mul3A_2390, %broadcast_in_dim3A_8 : vector<16xi1>, vector<16xf32>
      %add3A_2392 = arith.addf %add3A_2372, %select_n3A_2391 : vector<16xf32>
      %slice3A_2393 = vector.extract_strided_slice %select_n3A_840 {offsets = [2], sizes = [1], strides = [1]} : vector<16xf32> to vector<1xf32>
      %squeeze3A_2394 = vector.extract %slice3A_2393[0] : f32 from vector<1xf32>
      %slice3A_2395 = vector.extract_strided_slice %select_n3A_840 {offsets = [3], sizes = [1], strides = [1]} : vector<16xf32> to vector<1xf32>
      %squeeze3A_2396 = vector.extract %slice3A_2395[0] : f32 from vector<1xf32>
      %mul3A_2397 = arith.mulf %squeeze3A_2394, %squeeze3A_2396 : f32
      %slice3A_2398 = vector.extract_strided_slice %min3A_830 {offsets = [3], sizes = [1], strides = [1]} : vector<16xi32> to vector<1xi32>
      %squeeze3A_2399 = vector.extract %slice3A_2398[0] : i32 from vector<1xi32>
      %and3A_2400 = arith.constant 15 : i32
      %and3A_2401 = arith.andi %squeeze3A_2399, %and3A_2400 : i32
      %get3A_2402 = arith.constant 33 : i32
      %get3A_2403 = arith.index_cast %get3A_2402 : i32 to index
      %get3A_2404 = arith.constant 0 : index
      %get3A_2405 = tpu.vector_load %arg8[%get3A_2403, %get3A_2404] {strides = array<i32>} : memref<48x16xf32, #tpu.memory_space<vmem>>, vector<1x16xf32>,
      %get3A_2406 = vector.shape_cast %get3A_2405 : vector<1x16xf32> to vector<16xf32>
      %broadcast_in_dim3A_2407 = vector.broadcast %and3A_2401 : i32 to vector<16xi32>
      %eq3A_2408 = arith.cmpi eq, %iota3A, %broadcast_in_dim3A_2407 : vector<16xi32>
      %broadcast_in_dim3A_2409 = vector.broadcast %mul3A_2397 : f32 to vector<16xf32>
      %mul3A_2410 = arith.mulf %get3A_2406, %broadcast_in_dim3A_2409 : vector<16xf32>
      %select_n3A_2411 = arith.select %eq3A_2408, %mul3A_2410, %broadcast_in_dim3A_8 : vector<16xi1>, vector<16xf32>
      %add3A_2412 = arith.addf %add3A_2392, %select_n3A_2411 : vector<16xf32>
      %slice3A_2413 = vector.extract_strided_slice %select_n3A_840 {offsets = [4], sizes = [1], strides = [1]} : vector<16xf32> to vector<1xf32>
      %squeeze3A_2414 = vector.extract %slice3A_2413[0] : f32 from vector<1xf32>
      %slice3A_2415 = vector.extract_strided_slice %select_n3A_840 {offsets = [5], sizes = [1], strides = [1]} : vector<16xf32> to vector<1xf32>
      %squeeze3A_2416 = vector.extract %slice3A_2415[0] : f32 from vector<1xf32>
      %mul3A_2417 = arith.mulf %squeeze3A_2414, %squeeze3A_2416 : f32
      %slice3A_2418 = vector.extract_strided_slice %min3A_830 {offsets = [5], sizes = [1], strides = [1]} : vector<16xi32> to vector<1xi32>
      %squeeze3A_2419 = vector.extract %slice3A_2418[0] : i32 from vector<1xi32>
      %and3A_2420 = arith.constant 15 : i32
      %and3A_2421 = arith.andi %squeeze3A_2419, %and3A_2420 : i32
      %get3A_2422 = arith.constant 34 : i32
      %get3A_2423 = arith.index_cast %get3A_2422 : i32 to index
      %get3A_2424 = arith.constant 0 : index
      %get3A_2425 = tpu.vector_load %arg8[%get3A_2423, %get3A_2424] {strides = array<i32>} : memref<48x16xf32, #tpu.memory_space<vmem>>, vector<1x16xf32>,
      %get3A_2426 = vector.shape_cast %get3A_2425 : vector<1x16xf32> to vector<16xf32>
      %broadcast_in_dim3A_2427 = vector.broadcast %and3A_2421 : i32 to vector<16xi32>
      %eq3A_2428 = arith.cmpi eq, %iota3A, %broadcast_in_dim3A_2427 : vector<16xi32>
      %broadcast_in_dim3A_2429 = vector.broadcast %mul3A_2417 : f32 to vector<16xf32>
      %mul3A_2430 = arith.mulf %get3A_2426, %broadcast_in_dim3A_2429 : vector<16xf32>
      %select_n3A_2431 = arith.select %eq3A_2428, %mul3A_2430, %broadcast_in_dim3A_8 : vector<16xi1>, vector<16xf32>
      %add3A_2432 = arith.addf %add3A_2412, %select_n3A_2431 : vector<16xf32>
      %slice3A_2433 = vector.extract_strided_slice %select_n3A_840 {offsets = [6], sizes = [1], strides = [1]} : vector<16xf32> to vector<1xf32>
      %squeeze3A_2434 = vector.extract %slice3A_2433[0] : f32 from vector<1xf32>
      %slice3A_2435 = vector.extract_strided_slice %select_n3A_840 {offsets = [7], sizes = [1], strides = [1]} : vector<16xf32> to vector<1xf32>
      %squeeze3A_2436 = vector.extract %slice3A_2435[0] : f32 from vector<1xf32>
      %mul3A_2437 = arith.mulf %squeeze3A_2434, %squeeze3A_2436 : f32
      %slice3A_2438 = vector.extract_strided_slice %min3A_830 {offsets = [7], sizes = [1], strides = [1]} : vector<16xi32> to vector<1xi32>
      %squeeze3A_2439 = vector.extract %slice3A_2438[0] : i32 from vector<1xi32>
      %and3A_2440 = arith.constant 15 : i32
      %and3A_2441 = arith.andi %squeeze3A_2439, %and3A_2440 : i32
      %get3A_2442 = arith.constant 35 : i32
      %get3A_2443 = arith.index_cast %get3A_2442 : i32 to index
      %get3A_2444 = arith.constant 0 : index
      %get3A_2445 = tpu.vector_load %arg8[%get3A_2443, %get3A_2444] {strides = array<i32>} : memref<48x16xf32, #tpu.memory_space<vmem>>, vector<1x16xf32>,
      %get3A_2446 = vector.shape_cast %get3A_2445 : vector<1x16xf32> to vector<16xf32>
      %broadcast_in_dim3A_2447 = vector.broadcast %and3A_2441 : i32 to vector<16xi32>
      %eq3A_2448 = arith.cmpi eq, %iota3A, %broadcast_in_dim3A_2447 : vector<16xi32>
      %broadcast_in_dim3A_2449 = vector.broadcast %mul3A_2437 : f32 to vector<16xf32>
      %mul3A_2450 = arith.mulf %get3A_2446, %broadcast_in_dim3A_2449 : vector<16xf32>
      %select_n3A_2451 = arith.select %eq3A_2448, %mul3A_2450, %broadcast_in_dim3A_8 : vector<16xi1>, vector<16xf32>
      %add3A_2452 = arith.addf %add3A_2432, %select_n3A_2451 : vector<16xf32>
      %slice3A_2453 = vector.extract_strided_slice %select_n3A_840 {offsets = [8], sizes = [1], strides = [1]} : vector<16xf32> to vector<1xf32>
      %squeeze3A_2454 = vector.extract %slice3A_2453[0] : f32 from vector<1xf32>
      %slice3A_2455 = vector.extract_strided_slice %select_n3A_840 {offsets = [9], sizes = [1], strides = [1]} : vector<16xf32> to vector<1xf32>
      %squeeze3A_2456 = vector.extract %slice3A_2455[0] : f32 from vector<1xf32>
      %mul3A_2457 = arith.mulf %squeeze3A_2454, %squeeze3A_2456 : f32
      %slice3A_2458 = vector.extract_strided_slice %min3A_830 {offsets = [9], sizes = [1], strides = [1]} : vector<16xi32> to vector<1xi32>
      %squeeze3A_2459 = vector.extract %slice3A_2458[0] : i32 from vector<1xi32>
      %and3A_2460 = arith.constant 15 : i32
      %and3A_2461 = arith.andi %squeeze3A_2459, %and3A_2460 : i32
      %get3A_2462 = arith.constant 36 : i32
      %get3A_2463 = arith.index_cast %get3A_2462 : i32 to index
      %get3A_2464 = arith.constant 0 : index
      %get3A_2465 = tpu.vector_load %arg8[%get3A_2463, %get3A_2464] {strides = array<i32>} : memref<48x16xf32, #tpu.memory_space<vmem>>, vector<1x16xf32>,
      %get3A_2466 = vector.shape_cast %get3A_2465 : vector<1x16xf32> to vector<16xf32>
      %broadcast_in_dim3A_2467 = vector.broadcast %and3A_2461 : i32 to vector<16xi32>
      %eq3A_2468 = arith.cmpi eq, %iota3A, %broadcast_in_dim3A_2467 : vector<16xi32>
      %broadcast_in_dim3A_2469 = vector.broadcast %mul3A_2457 : f32 to vector<16xf32>
      %mul3A_2470 = arith.mulf %get3A_2466, %broadcast_in_dim3A_2469 : vector<16xf32>
      %select_n3A_2471 = arith.select %eq3A_2468, %mul3A_2470, %broadcast_in_dim3A_8 : vector<16xi1>, vector<16xf32>
      %add3A_2472 = arith.addf %add3A_2452, %select_n3A_2471 : vector<16xf32>
      %slice3A_2473 = vector.extract_strided_slice %select_n3A_840 {offsets = [10], sizes = [1], strides = [1]} : vector<16xf32> to vector<1xf32>
      %squeeze3A_2474 = vector.extract %slice3A_2473[0] : f32 from vector<1xf32>
      %slice3A_2475 = vector.extract_strided_slice %select_n3A_840 {offsets = [11], sizes = [1], strides = [1]} : vector<16xf32> to vector<1xf32>
      %squeeze3A_2476 = vector.extract %slice3A_2475[0] : f32 from vector<1xf32>
      %mul3A_2477 = arith.mulf %squeeze3A_2474, %squeeze3A_2476 : f32
      %slice3A_2478 = vector.extract_strided_slice %min3A_830 {offsets = [11], sizes = [1], strides = [1]} : vector<16xi32> to vector<1xi32>
      %squeeze3A_2479 = vector.extract %slice3A_2478[0] : i32 from vector<1xi32>
      %and3A_2480 = arith.constant 15 : i32
      %and3A_2481 = arith.andi %squeeze3A_2479, %and3A_2480 : i32
      %get3A_2482 = arith.constant 37 : i32
      %get3A_2483 = arith.index_cast %get3A_2482 : i32 to index
      %get3A_2484 = arith.constant 0 : index
      %get3A_2485 = tpu.vector_load %arg8[%get3A_2483, %get3A_2484] {strides = array<i32>} : memref<48x16xf32, #tpu.memory_space<vmem>>, vector<1x16xf32>,
      %get3A_2486 = vector.shape_cast %get3A_2485 : vector<1x16xf32> to vector<16xf32>
      %broadcast_in_dim3A_2487 = vector.broadcast %and3A_2481 : i32 to vector<16xi32>
      %eq3A_2488 = arith.cmpi eq, %iota3A, %broadcast_in_dim3A_2487 : vector<16xi32>
      %broadcast_in_dim3A_2489 = vector.broadcast %mul3A_2477 : f32 to vector<16xf32>
      %mul3A_2490 = arith.mulf %get3A_2486, %broadcast_in_dim3A_2489 : vector<16xf32>
      %select_n3A_2491 = arith.select %eq3A_2488, %mul3A_2490, %broadcast_in_dim3A_8 : vector<16xi1>, vector<16xf32>
      %add3A_2492 = arith.addf %add3A_2472, %select_n3A_2491 : vector<16xf32>
      %slice3A_2493 = vector.extract_strided_slice %select_n3A_840 {offsets = [12], sizes = [1], strides = [1]} : vector<16xf32> to vector<1xf32>
      %squeeze3A_2494 = vector.extract %slice3A_2493[0] : f32 from vector<1xf32>
      %slice3A_2495 = vector.extract_strided_slice %select_n3A_840 {offsets = [13], sizes = [1], strides = [1]} : vector<16xf32> to vector<1xf32>
      %squeeze3A_2496 = vector.extract %slice3A_2495[0] : f32 from vector<1xf32>
      %mul3A_2497 = arith.mulf %squeeze3A_2494, %squeeze3A_2496 : f32
      %slice3A_2498 = vector.extract_strided_slice %min3A_830 {offsets = [13], sizes = [1], strides = [1]} : vector<16xi32> to vector<1xi32>
      %squeeze3A_2499 = vector.extract %slice3A_2498[0] : i32 from vector<1xi32>
      %and3A_2500 = arith.constant 15 : i32
      %and3A_2501 = arith.andi %squeeze3A_2499, %and3A_2500 : i32
      %get3A_2502 = arith.constant 38 : i32
      %get3A_2503 = arith.index_cast %get3A_2502 : i32 to index
      %get3A_2504 = arith.constant 0 : index
      %get3A_2505 = tpu.vector_load %arg8[%get3A_2503, %get3A_2504] {strides = array<i32>} : memref<48x16xf32, #tpu.memory_space<vmem>>, vector<1x16xf32>,
      %get3A_2506 = vector.shape_cast %get3A_2505 : vector<1x16xf32> to vector<16xf32>
      %broadcast_in_dim3A_2507 = vector.broadcast %and3A_2501 : i32 to vector<16xi32>
      %eq3A_2508 = arith.cmpi eq, %iota3A, %broadcast_in_dim3A_2507 : vector<16xi32>
      %broadcast_in_dim3A_2509 = vector.broadcast %mul3A_2497 : f32 to vector<16xf32>
      %mul3A_2510 = arith.mulf %get3A_2506, %broadcast_in_dim3A_2509 : vector<16xf32>
      %select_n3A_2511 = arith.select %eq3A_2508, %mul3A_2510, %broadcast_in_dim3A_8 : vector<16xi1>, vector<16xf32>
      %add3A_2512 = arith.addf %add3A_2492, %select_n3A_2511 : vector<16xf32>
      %slice3A_2513 = vector.extract_strided_slice %select_n3A_840 {offsets = [14], sizes = [1], strides = [1]} : vector<16xf32> to vector<1xf32>
      %squeeze3A_2514 = vector.extract %slice3A_2513[0] : f32 from vector<1xf32>
      %slice3A_2515 = vector.extract_strided_slice %select_n3A_840 {offsets = [15], sizes = [1], strides = [1]} : vector<16xf32> to vector<1xf32>
      %squeeze3A_2516 = vector.extract %slice3A_2515[0] : f32 from vector<1xf32>
      %mul3A_2517 = arith.mulf %squeeze3A_2514, %squeeze3A_2516 : f32
      %slice3A_2518 = vector.extract_strided_slice %min3A_830 {offsets = [15], sizes = [1], strides = [1]} : vector<16xi32> to vector<1xi32>
      %squeeze3A_2519 = vector.extract %slice3A_2518[0] : i32 from vector<1xi32>
      %and3A_2520 = arith.constant 15 : i32
      %and3A_2521 = arith.andi %squeeze3A_2519, %and3A_2520 : i32
      %get3A_2522 = arith.constant 39 : i32
      %get3A_2523 = arith.index_cast %get3A_2522 : i32 to index
      %get3A_2524 = arith.constant 0 : index
      %get3A_2525 = tpu.vector_load %arg8[%get3A_2523, %get3A_2524] {strides = array<i32>} : memref<48x16xf32, #tpu.memory_space<vmem>>, vector<1x16xf32>,
      %get3A_2526 = vector.shape_cast %get3A_2525 : vector<1x16xf32> to vector<16xf32>
      %broadcast_in_dim3A_2527 = vector.broadcast %and3A_2521 : i32 to vector<16xi32>
      %eq3A_2528 = arith.cmpi eq, %iota3A, %broadcast_in_dim3A_2527 : vector<16xi32>
      %broadcast_in_dim3A_2529 = vector.broadcast %mul3A_2517 : f32 to vector<16xf32>
      %mul3A_2530 = arith.mulf %get3A_2526, %broadcast_in_dim3A_2529 : vector<16xf32>
      %select_n3A_2531 = arith.select %eq3A_2528, %mul3A_2530, %broadcast_in_dim3A_8 : vector<16xi1>, vector<16xf32>
      %add3A_2532 = arith.addf %add3A_2512, %select_n3A_2531 : vector<16xf32>
      %slice3A_2533 = vector.extract_strided_slice %select_n3A_1037 {offsets = [0], sizes = [1], strides = [1]} : vector<16xf32> to vector<1xf32>
      %squeeze3A_2534 = vector.extract %slice3A_2533[0] : f32 from vector<1xf32>
      %slice3A_2535 = vector.extract_strided_slice %select_n3A_1037 {offsets = [1], sizes = [1], strides = [1]} : vector<16xf32> to vector<1xf32>
      %squeeze3A_2536 = vector.extract %slice3A_2535[0] : f32 from vector<1xf32>
      %mul3A_2537 = arith.mulf %squeeze3A_2534, %squeeze3A_2536 : f32
      %slice3A_2538 = vector.extract_strided_slice %min3A_1027 {offsets = [1], sizes = [1], strides = [1]} : vector<16xi32> to vector<1xi32>
      %squeeze3A_2539 = vector.extract %slice3A_2538[0] : i32 from vector<1xi32>
      %and3A_2540 = arith.constant 15 : i32
      %and3A_2541 = arith.andi %squeeze3A_2539, %and3A_2540 : i32
      %get3A_2542 = arith.constant 40 : i32
      %get3A_2543 = arith.index_cast %get3A_2542 : i32 to index
      %get3A_2544 = arith.constant 0 : index
      %get3A_2545 = tpu.vector_load %arg8[%get3A_2543, %get3A_2544] {strides = array<i32>} : memref<48x16xf32, #tpu.memory_space<vmem>>, vector<1x16xf32>,
      %get3A_2546 = vector.shape_cast %get3A_2545 : vector<1x16xf32> to vector<16xf32>
      %broadcast_in_dim3A_2547 = vector.broadcast %and3A_2541 : i32 to vector<16xi32>
      %eq3A_2548 = arith.cmpi eq, %iota3A, %broadcast_in_dim3A_2547 : vector<16xi32>
      %broadcast_in_dim3A_2549 = vector.broadcast %mul3A_2537 : f32 to vector<16xf32>
      %mul3A_2550 = arith.mulf %get3A_2546, %broadcast_in_dim3A_2549 : vector<16xf32>
      %select_n3A_2551 = arith.select %eq3A_2548, %mul3A_2550, %broadcast_in_dim3A_8 : vector<16xi1>, vector<16xf32>
      %add3A_2552 = arith.addf %add3A_2532, %select_n3A_2551 : vector<16xf32>
      %slice3A_2553 = vector.extract_strided_slice %select_n3A_1037 {offsets = [2], sizes = [1], strides = [1]} : vector<16xf32> to vector<1xf32>
      %squeeze3A_2554 = vector.extract %slice3A_2553[0] : f32 from vector<1xf32>
      %slice3A_2555 = vector.extract_strided_slice %select_n3A_1037 {offsets = [3], sizes = [1], strides = [1]} : vector<16xf32> to vector<1xf32>
      %squeeze3A_2556 = vector.extract %slice3A_2555[0] : f32 from vector<1xf32>
      %mul3A_2557 = arith.mulf %squeeze3A_2554, %squeeze3A_2556 : f32
      %slice3A_2558 = vector.extract_strided_slice %min3A_1027 {offsets = [3], sizes = [1], strides = [1]} : vector<16xi32> to vector<1xi32>
      %squeeze3A_2559 = vector.extract %slice3A_2558[0] : i32 from vector<1xi32>
      %and3A_2560 = arith.constant 15 : i32
      %and3A_2561 = arith.andi %squeeze3A_2559, %and3A_2560 : i32
      %get3A_2562 = arith.constant 41 : i32
      %get3A_2563 = arith.index_cast %get3A_2562 : i32 to index
      %get3A_2564 = arith.constant 0 : index
      %get3A_2565 = tpu.vector_load %arg8[%get3A_2563, %get3A_2564] {strides = array<i32>} : memref<48x16xf32, #tpu.memory_space<vmem>>, vector<1x16xf32>,
      %get3A_2566 = vector.shape_cast %get3A_2565 : vector<1x16xf32> to vector<16xf32>
      %broadcast_in_dim3A_2567 = vector.broadcast %and3A_2561 : i32 to vector<16xi32>
      %eq3A_2568 = arith.cmpi eq, %iota3A, %broadcast_in_dim3A_2567 : vector<16xi32>
      %broadcast_in_dim3A_2569 = vector.broadcast %mul3A_2557 : f32 to vector<16xf32>
      %mul3A_2570 = arith.mulf %get3A_2566, %broadcast_in_dim3A_2569 : vector<16xf32>
      %select_n3A_2571 = arith.select %eq3A_2568, %mul3A_2570, %broadcast_in_dim3A_8 : vector<16xi1>, vector<16xf32>
      %add3A_2572 = arith.addf %add3A_2552, %select_n3A_2571 : vector<16xf32>
      %slice3A_2573 = vector.extract_strided_slice %select_n3A_1037 {offsets = [4], sizes = [1], strides = [1]} : vector<16xf32> to vector<1xf32>
      %squeeze3A_2574 = vector.extract %slice3A_2573[0] : f32 from vector<1xf32>
      %slice3A_2575 = vector.extract_strided_slice %select_n3A_1037 {offsets = [5], sizes = [1], strides = [1]} : vector<16xf32> to vector<1xf32>
      %squeeze3A_2576 = vector.extract %slice3A_2575[0] : f32 from vector<1xf32>
      %mul3A_2577 = arith.mulf %squeeze3A_2574, %squeeze3A_2576 : f32
      %slice3A_2578 = vector.extract_strided_slice %min3A_1027 {offsets = [5], sizes = [1], strides = [1]} : vector<16xi32> to vector<1xi32>
      %squeeze3A_2579 = vector.extract %slice3A_2578[0] : i32 from vector<1xi32>
      %and3A_2580 = arith.constant 15 : i32
      %and3A_2581 = arith.andi %squeeze3A_2579, %and3A_2580 : i32
      %get3A_2582 = arith.constant 42 : i32
      %get3A_2583 = arith.index_cast %get3A_2582 : i32 to index
      %get3A_2584 = arith.constant 0 : index
      %get3A_2585 = tpu.vector_load %arg8[%get3A_2583, %get3A_2584] {strides = array<i32>} : memref<48x16xf32, #tpu.memory_space<vmem>>, vector<1x16xf32>,
      %get3A_2586 = vector.shape_cast %get3A_2585 : vector<1x16xf32> to vector<16xf32>
      %broadcast_in_dim3A_2587 = vector.broadcast %and3A_2581 : i32 to vector<16xi32>
      %eq3A_2588 = arith.cmpi eq, %iota3A, %broadcast_in_dim3A_2587 : vector<16xi32>
      %broadcast_in_dim3A_2589 = vector.broadcast %mul3A_2577 : f32 to vector<16xf32>
      %mul3A_2590 = arith.mulf %get3A_2586, %broadcast_in_dim3A_2589 : vector<16xf32>
      %select_n3A_2591 = arith.select %eq3A_2588, %mul3A_2590, %broadcast_in_dim3A_8 : vector<16xi1>, vector<16xf32>
      %add3A_2592 = arith.addf %add3A_2572, %select_n3A_2591 : vector<16xf32>
      %slice3A_2593 = vector.extract_strided_slice %select_n3A_1037 {offsets = [6], sizes = [1], strides = [1]} : vector<16xf32> to vector<1xf32>
      %squeeze3A_2594 = vector.extract %slice3A_2593[0] : f32 from vector<1xf32>
      %slice3A_2595 = vector.extract_strided_slice %select_n3A_1037 {offsets = [7], sizes = [1], strides = [1]} : vector<16xf32> to vector<1xf32>
      %squeeze3A_2596 = vector.extract %slice3A_2595[0] : f32 from vector<1xf32>
      %mul3A_2597 = arith.mulf %squeeze3A_2594, %squeeze3A_2596 : f32
      %slice3A_2598 = vector.extract_strided_slice %min3A_1027 {offsets = [7], sizes = [1], strides = [1]} : vector<16xi32> to vector<1xi32>
      %squeeze3A_2599 = vector.extract %slice3A_2598[0] : i32 from vector<1xi32>
      %and3A_2600 = arith.constant 15 : i32
      %and3A_2601 = arith.andi %squeeze3A_2599, %and3A_2600 : i32
      %get3A_2602 = arith.constant 43 : i32
      %get3A_2603 = arith.index_cast %get3A_2602 : i32 to index
      %get3A_2604 = arith.constant 0 : index
      %get3A_2605 = tpu.vector_load %arg8[%get3A_2603, %get3A_2604] {strides = array<i32>} : memref<48x16xf32, #tpu.memory_space<vmem>>, vector<1x16xf32>,
      %get3A_2606 = vector.shape_cast %get3A_2605 : vector<1x16xf32> to vector<16xf32>
      %broadcast_in_dim3A_2607 = vector.broadcast %and3A_2601 : i32 to vector<16xi32>
      %eq3A_2608 = arith.cmpi eq, %iota3A, %broadcast_in_dim3A_2607 : vector<16xi32>
      %broadcast_in_dim3A_2609 = vector.broadcast %mul3A_2597 : f32 to vector<16xf32>
      %mul3A_2610 = arith.mulf %get3A_2606, %broadcast_in_dim3A_2609 : vector<16xf32>
      %select_n3A_2611 = arith.select %eq3A_2608, %mul3A_2610, %broadcast_in_dim3A_8 : vector<16xi1>, vector<16xf32>
      %add3A_2612 = arith.addf %add3A_2592, %select_n3A_2611 : vector<16xf32>
      %slice3A_2613 = vector.extract_strided_slice %select_n3A_1037 {offsets = [8], sizes = [1], strides = [1]} : vector<16xf32> to vector<1xf32>
      %squeeze3A_2614 = vector.extract %slice3A_2613[0] : f32 from vector<1xf32>
      %slice3A_2615 = vector.extract_strided_slice %select_n3A_1037 {offsets = [9], sizes = [1], strides = [1]} : vector<16xf32> to vector<1xf32>
      %squeeze3A_2616 = vector.extract %slice3A_2615[0] : f32 from vector<1xf32>
      %mul3A_2617 = arith.mulf %squeeze3A_2614, %squeeze3A_2616 : f32
      %slice3A_2618 = vector.extract_strided_slice %min3A_1027 {offsets = [9], sizes = [1], strides = [1]} : vector<16xi32> to vector<1xi32>
      %squeeze3A_2619 = vector.extract %slice3A_2618[0] : i32 from vector<1xi32>
      %and3A_2620 = arith.constant 15 : i32
      %and3A_2621 = arith.andi %squeeze3A_2619, %and3A_2620 : i32
      %get3A_2622 = arith.constant 44 : i32
      %get3A_2623 = arith.index_cast %get3A_2622 : i32 to index
      %get3A_2624 = arith.constant 0 : index
      %get3A_2625 = tpu.vector_load %arg8[%get3A_2623, %get3A_2624] {strides = array<i32>} : memref<48x16xf32, #tpu.memory_space<vmem>>, vector<1x16xf32>,
      %get3A_2626 = vector.shape_cast %get3A_2625 : vector<1x16xf32> to vector<16xf32>
      %broadcast_in_dim3A_2627 = vector.broadcast %and3A_2621 : i32 to vector<16xi32>
      %eq3A_2628 = arith.cmpi eq, %iota3A, %broadcast_in_dim3A_2627 : vector<16xi32>
      %broadcast_in_dim3A_2629 = vector.broadcast %mul3A_2617 : f32 to vector<16xf32>
      %mul3A_2630 = arith.mulf %get3A_2626, %broadcast_in_dim3A_2629 : vector<16xf32>
      %select_n3A_2631 = arith.select %eq3A_2628, %mul3A_2630, %broadcast_in_dim3A_8 : vector<16xi1>, vector<16xf32>
      %add3A_2632 = arith.addf %add3A_2612, %select_n3A_2631 : vector<16xf32>
      %slice3A_2633 = vector.extract_strided_slice %select_n3A_1037 {offsets = [10], sizes = [1], strides = [1]} : vector<16xf32> to vector<1xf32>
      %squeeze3A_2634 = vector.extract %slice3A_2633[0] : f32 from vector<1xf32>
      %slice3A_2635 = vector.extract_strided_slice %select_n3A_1037 {offsets = [11], sizes = [1], strides = [1]} : vector<16xf32> to vector<1xf32>
      %squeeze3A_2636 = vector.extract %slice3A_2635[0] : f32 from vector<1xf32>
      %mul3A_2637 = arith.mulf %squeeze3A_2634, %squeeze3A_2636 : f32
      %slice3A_2638 = vector.extract_strided_slice %min3A_1027 {offsets = [11], sizes = [1], strides = [1]} : vector<16xi32> to vector<1xi32>
      %squeeze3A_2639 = vector.extract %slice3A_2638[0] : i32 from vector<1xi32>
      %and3A_2640 = arith.constant 15 : i32
      %and3A_2641 = arith.andi %squeeze3A_2639, %and3A_2640 : i32
      %get3A_2642 = arith.constant 45 : i32
      %get3A_2643 = arith.index_cast %get3A_2642 : i32 to index
      %get3A_2644 = arith.constant 0 : index
      %get3A_2645 = tpu.vector_load %arg8[%get3A_2643, %get3A_2644] {strides = array<i32>} : memref<48x16xf32, #tpu.memory_space<vmem>>, vector<1x16xf32>,
      %get3A_2646 = vector.shape_cast %get3A_2645 : vector<1x16xf32> to vector<16xf32>
      %broadcast_in_dim3A_2647 = vector.broadcast %and3A_2641 : i32 to vector<16xi32>
      %eq3A_2648 = arith.cmpi eq, %iota3A, %broadcast_in_dim3A_2647 : vector<16xi32>
      %broadcast_in_dim3A_2649 = vector.broadcast %mul3A_2637 : f32 to vector<16xf32>
      %mul3A_2650 = arith.mulf %get3A_2646, %broadcast_in_dim3A_2649 : vector<16xf32>
      %select_n3A_2651 = arith.select %eq3A_2648, %mul3A_2650, %broadcast_in_dim3A_8 : vector<16xi1>, vector<16xf32>
      %add3A_2652 = arith.addf %add3A_2632, %select_n3A_2651 : vector<16xf32>
      %slice3A_2653 = vector.extract_strided_slice %select_n3A_1037 {offsets = [12], sizes = [1], strides = [1]} : vector<16xf32> to vector<1xf32>
      %squeeze3A_2654 = vector.extract %slice3A_2653[0] : f32 from vector<1xf32>
      %slice3A_2655 = vector.extract_strided_slice %select_n3A_1037 {offsets = [13], sizes = [1], strides = [1]} : vector<16xf32> to vector<1xf32>
      %squeeze3A_2656 = vector.extract %slice3A_2655[0] : f32 from vector<1xf32>
      %mul3A_2657 = arith.mulf %squeeze3A_2654, %squeeze3A_2656 : f32
      %slice3A_2658 = vector.extract_strided_slice %min3A_1027 {offsets = [13], sizes = [1], strides = [1]} : vector<16xi32> to vector<1xi32>
      %squeeze3A_2659 = vector.extract %slice3A_2658[0] : i32 from vector<1xi32>
      %and3A_2660 = arith.constant 15 : i32
      %and3A_2661 = arith.andi %squeeze3A_2659, %and3A_2660 : i32
      %get3A_2662 = arith.constant 46 : i32
      %get3A_2663 = arith.index_cast %get3A_2662 : i32 to index
      %get3A_2664 = arith.constant 0 : index
      %get3A_2665 = tpu.vector_load %arg8[%get3A_2663, %get3A_2664] {strides = array<i32>} : memref<48x16xf32, #tpu.memory_space<vmem>>, vector<1x16xf32>,
      %get3A_2666 = vector.shape_cast %get3A_2665 : vector<1x16xf32> to vector<16xf32>
      %broadcast_in_dim3A_2667 = vector.broadcast %and3A_2661 : i32 to vector<16xi32>
      %eq3A_2668 = arith.cmpi eq, %iota3A, %broadcast_in_dim3A_2667 : vector<16xi32>
      %broadcast_in_dim3A_2669 = vector.broadcast %mul3A_2657 : f32 to vector<16xf32>
      %mul3A_2670 = arith.mulf %get3A_2666, %broadcast_in_dim3A_2669 : vector<16xf32>
      %select_n3A_2671 = arith.select %eq3A_2668, %mul3A_2670, %broadcast_in_dim3A_8 : vector<16xi1>, vector<16xf32>
      %add3A_2672 = arith.addf %add3A_2652, %select_n3A_2671 : vector<16xf32>
      %slice3A_2673 = vector.extract_strided_slice %select_n3A_1037 {offsets = [14], sizes = [1], strides = [1]} : vector<16xf32> to vector<1xf32>
      %squeeze3A_2674 = vector.extract %slice3A_2673[0] : f32 from vector<1xf32>
      %slice3A_2675 = vector.extract_strided_slice %select_n3A_1037 {offsets = [15], sizes = [1], strides = [1]} : vector<16xf32> to vector<1xf32>
      %squeeze3A_2676 = vector.extract %slice3A_2675[0] : f32 from vector<1xf32>
      %mul3A_2677 = arith.mulf %squeeze3A_2674, %squeeze3A_2676 : f32
      %slice3A_2678 = vector.extract_strided_slice %min3A_1027 {offsets = [15], sizes = [1], strides = [1]} : vector<16xi32> to vector<1xi32>
      %squeeze3A_2679 = vector.extract %slice3A_2678[0] : i32 from vector<1xi32>
      %and3A_2680 = arith.constant 15 : i32
      %and3A_2681 = arith.andi %squeeze3A_2679, %and3A_2680 : i32
      %get3A_2682 = arith.constant 47 : i32
      %get3A_2683 = arith.index_cast %get3A_2682 : i32 to index
      %get3A_2684 = arith.constant 0 : index
      %get3A_2685 = tpu.vector_load %arg8[%get3A_2683, %get3A_2684] {strides = array<i32>} : memref<48x16xf32, #tpu.memory_space<vmem>>, vector<1x16xf32>,
      %get3A_2686 = vector.shape_cast %get3A_2685 : vector<1x16xf32> to vector<16xf32>
      %broadcast_in_dim3A_2687 = vector.broadcast %and3A_2681 : i32 to vector<16xi32>
      %eq3A_2688 = arith.cmpi eq, %iota3A, %broadcast_in_dim3A_2687 : vector<16xi32>
      %broadcast_in_dim3A_2689 = vector.broadcast %mul3A_2677 : f32 to vector<16xf32>
      %mul3A_2690 = arith.mulf %get3A_2686, %broadcast_in_dim3A_2689 : vector<16xf32>
      %select_n3A_2691 = arith.select %eq3A_2688, %mul3A_2690, %broadcast_in_dim3A_8 : vector<16xi1>, vector<16xf32>
      %add3A_2692 = arith.addf %add3A_2672, %select_n3A_2691 : vector<16xf32>
      %swap3A = arith.constant 0 : index
      %swap3A_2693 = tpu.vector_load %arg10[%swap3A] {strides = array<i32>} : memref<16xf32, #tpu.memory_space<vmem>>, vector<16xf32>,
      %swap3A_2694 = vector.shape_cast %swap3A_2693 : vector<16xf32> to vector<16xf32>
      %swap3A_2695 = vector.shape_cast %add3A_2692 : vector<16xf32> to vector<16xf32>
      tpu.vector_store %arg10[%swap3A], %swap3A_2695 {strides = array<i32>} : memref<16xf32, #tpu.memory_space<vmem>>, vector<16xf32>,
      "tpu.region"() ({
        %run_scoped3A = tpu.sem_alloc : memref<!tpu.dma_semaphore, #tpu.memory_space<semaphore_mem>>
        %dma_start3A_2696 = arith.constant 0 : i32
        %dma_start3A_2697 = tpu.memref_slice %arg11[%arg1, %dma_start3A_2696] : memref<14x16xf32, #tpu.memory_space<hbm>> -> memref<1x16xf32, #tpu.memory_space<hbm>>
        %dma_start3A_2698 = tpu.memref_squeeze %dma_start3A_2697 : memref<1x16xf32, #tpu.memory_space<hbm>> -> memref<16xf32, #tpu.memory_space<hbm>>
        %dma_start3A_2699 = arith.constant 0 : i32
        %dma_start3A_2700 = tpu.memref_slice %arg11[%arg1, %dma_start3A_2699] : memref<14x16xf32, #tpu.memory_space<hbm>> -> memref<1x16xf32, #tpu.memory_space<hbm>>
        %dma_start3A_2701 = tpu.memref_squeeze %dma_start3A_2700 : memref<1x16xf32, #tpu.memory_space<hbm>> -> memref<16xf32, #tpu.memory_space<hbm>>
        tpu.enqueue_dma source(%arg10 : memref<16xf32, #tpu.memory_space<vmem>>) target(%dma_start3A_2701 : memref<16xf32, #tpu.memory_space<hbm>>) target_semaphore(%run_scoped3A : memref<!tpu.dma_semaphore, #tpu.memory_space<semaphore_mem>>)
        %dma_wait3A_2702 = arith.constant 0 : i32
        %dma_wait3A_2703 = tpu.memref_slice %arg11[%arg1, %dma_wait3A_2702] : memref<14x16xf32, #tpu.memory_space<hbm>> -> memref<1x16xf32, #tpu.memory_space<hbm>>
        %dma_wait3A_2704 = tpu.memref_squeeze %dma_wait3A_2703 : memref<1x16xf32, #tpu.memory_space<hbm>> -> memref<16xf32, #tpu.memory_space<hbm>>
        %dma_wait3A_2705 = arith.constant 0 : i32
        %dma_wait3A_2706 = tpu.memref_slice %arg11[%arg1, %dma_wait3A_2705] : memref<14x16xf32, #tpu.memory_space<hbm>> -> memref<1x16xf32, #tpu.memory_space<hbm>>
        %dma_wait3A_2707 = tpu.memref_squeeze %dma_wait3A_2706 : memref<1x16xf32, #tpu.memory_space<hbm>> -> memref<16xf32, #tpu.memory_space<hbm>>
        tpu.wait_dma2 semaphore(%run_scoped3A : memref<!tpu.dma_semaphore, #tpu.memory_space<semaphore_mem>>) src(%arg10 : memref<16xf32, #tpu.memory_space<vmem>>) dst(%dma_wait3A_2707 : memref<16xf32, #tpu.memory_space<hbm>>)
        tpu.yield
      }) : () -> ()
    } else {
    }
    %eq3A_3 = arith.constant 0 : i32
    %eq3A_4 = arith.cmpi eq, %arg0, %eq3A_3 : i32
    %convert_element_type3A_5 = arith.extui %eq3A_4 : i1 to i32
    %cond3A_6 = arith.constant 0 : i32
    %cond3A_7 = arith.cmpi ne, %convert_element_type3A_5, %cond3A_6 : i32
    scf.if %cond3A_7 {
      %barrier3A = arith.constant 0 : index
      tpu.barrier barrier_id(%barrier3A)
      %eq3A_8 = arith.constant 0 : i32
      %eq3A_9 = arith.cmpi eq, %arg1, %eq3A_8 : i32
      %convert_element_type3A_10 = arith.extui %eq3A_9 : i1 to i32
      %cond3A_11 = arith.constant 0 : i32
      %cond3A_12 = arith.cmpi ne, %convert_element_type3A_10, %cond3A_11 : i32
      scf.if %cond3A_12 {
        "tpu.region"() ({
          %run_scoped3A = tpu.sem_alloc : memref<!tpu.dma_semaphore, #tpu.memory_space<semaphore_mem>>
          tpu.enqueue_dma source(%arg11 : memref<14x16xf32, #tpu.memory_space<hbm>>) target(%arg9 : memref<14x16xf32, #tpu.memory_space<vmem>>) target_semaphore(%run_scoped3A : memref<!tpu.dma_semaphore, #tpu.memory_space<semaphore_mem>>)
          tpu.wait_dma2 semaphore(%run_scoped3A : memref<!tpu.dma_semaphore, #tpu.memory_space<semaphore_mem>>) src(%arg11 : memref<14x16xf32, #tpu.memory_space<hbm>>) dst(%arg9 : memref<14x16xf32, #tpu.memory_space<vmem>>)
          tpu.yield
        }) : () -> ()
        %broadcast_in_dim3A = arith.constant 0.000000e+00 : f32
        %broadcast_in_dim3A_13 = vector.broadcast %broadcast_in_dim3A : f32 to vector<16xf32>
        %get3A = arith.constant 0 : i32
        %get3A_14 = arith.index_cast %get3A : i32 to index
        %get3A_15 = arith.constant 0 : index
        %get3A_16 = tpu.vector_load %arg9[%get3A_14, %get3A_15] {strides = array<i32>} : memref<14x16xf32, #tpu.memory_space<vmem>>, vector<1x16xf32>,
        %get3A_17 = vector.shape_cast %get3A_16 : vector<1x16xf32> to vector<16xf32>
        %add3A = arith.addf %broadcast_in_dim3A_13, %get3A_17 : vector<16xf32>
        %get3A_18 = arith.constant 1 : i32
        %get3A_19 = arith.index_cast %get3A_18 : i32 to index
        %get3A_20 = arith.constant 0 : index
        %get3A_21 = tpu.vector_load %arg9[%get3A_19, %get3A_20] {strides = array<i32>} : memref<14x16xf32, #tpu.memory_space<vmem>>, vector<1x16xf32>,
        %get3A_22 = vector.shape_cast %get3A_21 : vector<1x16xf32> to vector<16xf32>
        %add3A_23 = arith.addf %add3A, %get3A_22 : vector<16xf32>
        %get3A_24 = arith.constant 2 : i32
        %get3A_25 = arith.index_cast %get3A_24 : i32 to index
        %get3A_26 = arith.constant 0 : index
        %get3A_27 = tpu.vector_load %arg9[%get3A_25, %get3A_26] {strides = array<i32>} : memref<14x16xf32, #tpu.memory_space<vmem>>, vector<1x16xf32>,
        %get3A_28 = vector.shape_cast %get3A_27 : vector<1x16xf32> to vector<16xf32>
        %add3A_29 = arith.addf %add3A_23, %get3A_28 : vector<16xf32>
        %get3A_30 = arith.constant 3 : i32
        %get3A_31 = arith.index_cast %get3A_30 : i32 to index
        %get3A_32 = arith.constant 0 : index
        %get3A_33 = tpu.vector_load %arg9[%get3A_31, %get3A_32] {strides = array<i32>} : memref<14x16xf32, #tpu.memory_space<vmem>>, vector<1x16xf32>,
        %get3A_34 = vector.shape_cast %get3A_33 : vector<1x16xf32> to vector<16xf32>
        %add3A_35 = arith.addf %add3A_29, %get3A_34 : vector<16xf32>
        %get3A_36 = arith.constant 4 : i32
        %get3A_37 = arith.index_cast %get3A_36 : i32 to index
        %get3A_38 = arith.constant 0 : index
        %get3A_39 = tpu.vector_load %arg9[%get3A_37, %get3A_38] {strides = array<i32>} : memref<14x16xf32, #tpu.memory_space<vmem>>, vector<1x16xf32>,
        %get3A_40 = vector.shape_cast %get3A_39 : vector<1x16xf32> to vector<16xf32>
        %add3A_41 = arith.addf %add3A_35, %get3A_40 : vector<16xf32>
        %get3A_42 = arith.constant 5 : i32
        %get3A_43 = arith.index_cast %get3A_42 : i32 to index
        %get3A_44 = arith.constant 0 : index
        %get3A_45 = tpu.vector_load %arg9[%get3A_43, %get3A_44] {strides = array<i32>} : memref<14x16xf32, #tpu.memory_space<vmem>>, vector<1x16xf32>,
        %get3A_46 = vector.shape_cast %get3A_45 : vector<1x16xf32> to vector<16xf32>
        %add3A_47 = arith.addf %add3A_41, %get3A_46 : vector<16xf32>
        %get3A_48 = arith.constant 6 : i32
        %get3A_49 = arith.index_cast %get3A_48 : i32 to index
        %get3A_50 = arith.constant 0 : index
        %get3A_51 = tpu.vector_load %arg9[%get3A_49, %get3A_50] {strides = array<i32>} : memref<14x16xf32, #tpu.memory_space<vmem>>, vector<1x16xf32>,
        %get3A_52 = vector.shape_cast %get3A_51 : vector<1x16xf32> to vector<16xf32>
        %add3A_53 = arith.addf %add3A_47, %get3A_52 : vector<16xf32>
        %get3A_54 = arith.constant 7 : i32
        %get3A_55 = arith.index_cast %get3A_54 : i32 to index
        %get3A_56 = arith.constant 0 : index
        %get3A_57 = tpu.vector_load %arg9[%get3A_55, %get3A_56] {strides = array<i32>} : memref<14x16xf32, #tpu.memory_space<vmem>>, vector<1x16xf32>,
        %get3A_58 = vector.shape_cast %get3A_57 : vector<1x16xf32> to vector<16xf32>
        %add3A_59 = arith.addf %add3A_53, %get3A_58 : vector<16xf32>
        %get3A_60 = arith.constant 8 : i32
        %get3A_61 = arith.index_cast %get3A_60 : i32 to index
        %get3A_62 = arith.constant 0 : index
        %get3A_63 = tpu.vector_load %arg9[%get3A_61, %get3A_62] {strides = array<i32>} : memref<14x16xf32, #tpu.memory_space<vmem>>, vector<1x16xf32>,
        %get3A_64 = vector.shape_cast %get3A_63 : vector<1x16xf32> to vector<16xf32>
        %add3A_65 = arith.addf %add3A_59, %get3A_64 : vector<16xf32>
        %get3A_66 = arith.constant 9 : i32
        %get3A_67 = arith.index_cast %get3A_66 : i32 to index
        %get3A_68 = arith.constant 0 : index
        %get3A_69 = tpu.vector_load %arg9[%get3A_67, %get3A_68] {strides = array<i32>} : memref<14x16xf32, #tpu.memory_space<vmem>>, vector<1x16xf32>,
        %get3A_70 = vector.shape_cast %get3A_69 : vector<1x16xf32> to vector<16xf32>
        %add3A_71 = arith.addf %add3A_65, %get3A_70 : vector<16xf32>
        %get3A_72 = arith.constant 10 : i32
        %get3A_73 = arith.index_cast %get3A_72 : i32 to index
        %get3A_74 = arith.constant 0 : index
        %get3A_75 = tpu.vector_load %arg9[%get3A_73, %get3A_74] {strides = array<i32>} : memref<14x16xf32, #tpu.memory_space<vmem>>, vector<1x16xf32>,
        %get3A_76 = vector.shape_cast %get3A_75 : vector<1x16xf32> to vector<16xf32>
        %add3A_77 = arith.addf %add3A_71, %get3A_76 : vector<16xf32>
        %get3A_78 = arith.constant 11 : i32
        %get3A_79 = arith.index_cast %get3A_78 : i32 to index
        %get3A_80 = arith.constant 0 : index
        %get3A_81 = tpu.vector_load %arg9[%get3A_79, %get3A_80] {strides = array<i32>} : memref<14x16xf32, #tpu.memory_space<vmem>>, vector<1x16xf32>,
        %get3A_82 = vector.shape_cast %get3A_81 : vector<1x16xf32> to vector<16xf32>
        %add3A_83 = arith.addf %add3A_77, %get3A_82 : vector<16xf32>
        %get3A_84 = arith.constant 12 : i32
        %get3A_85 = arith.index_cast %get3A_84 : i32 to index
        %get3A_86 = arith.constant 0 : index
        %get3A_87 = tpu.vector_load %arg9[%get3A_85, %get3A_86] {strides = array<i32>} : memref<14x16xf32, #tpu.memory_space<vmem>>, vector<1x16xf32>,
        %get3A_88 = vector.shape_cast %get3A_87 : vector<1x16xf32> to vector<16xf32>
        %add3A_89 = arith.addf %add3A_83, %get3A_88 : vector<16xf32>
        %get3A_90 = arith.constant 13 : i32
        %get3A_91 = arith.index_cast %get3A_90 : i32 to index
        %get3A_92 = arith.constant 0 : index
        %get3A_93 = tpu.vector_load %arg9[%get3A_91, %get3A_92] {strides = array<i32>} : memref<14x16xf32, #tpu.memory_space<vmem>>, vector<1x16xf32>,
        %get3A_94 = vector.shape_cast %get3A_93 : vector<1x16xf32> to vector<16xf32>
        %add3A_95 = arith.addf %add3A_89, %get3A_94 : vector<16xf32>
        %slice3A = vector.extract_strided_slice %add3A_95 {offsets = [0], sizes = [1], strides = [1]} : vector<16xf32> to vector<1xf32>
        %squeeze3A = vector.extract %slice3A[0] : f32 from vector<1xf32>
        %slice3A_96 = vector.extract_strided_slice %add3A_95 {offsets = [1], sizes = [1], strides = [1]} : vector<16xf32> to vector<1xf32>
        %squeeze3A_97 = vector.extract %slice3A_96[0] : f32 from vector<1xf32>
        %add3A_98 = arith.addf %squeeze3A, %squeeze3A_97 : f32
        %slice3A_99 = vector.extract_strided_slice %add3A_95 {offsets = [2], sizes = [1], strides = [1]} : vector<16xf32> to vector<1xf32>
        %squeeze3A_100 = vector.extract %slice3A_99[0] : f32 from vector<1xf32>
        %add3A_101 = arith.addf %add3A_98, %squeeze3A_100 : f32
        %slice3A_102 = vector.extract_strided_slice %add3A_95 {offsets = [3], sizes = [1], strides = [1]} : vector<16xf32> to vector<1xf32>
        %squeeze3A_103 = vector.extract %slice3A_102[0] : f32 from vector<1xf32>
        %add3A_104 = arith.addf %add3A_101, %squeeze3A_103 : f32
        %slice3A_105 = vector.extract_strided_slice %add3A_95 {offsets = [4], sizes = [1], strides = [1]} : vector<16xf32> to vector<1xf32>
        %squeeze3A_106 = vector.extract %slice3A_105[0] : f32 from vector<1xf32>
        %add3A_107 = arith.addf %add3A_104, %squeeze3A_106 : f32
        %slice3A_108 = vector.extract_strided_slice %add3A_95 {offsets = [5], sizes = [1], strides = [1]} : vector<16xf32> to vector<1xf32>
        %squeeze3A_109 = vector.extract %slice3A_108[0] : f32 from vector<1xf32>
        %add3A_110 = arith.addf %add3A_107, %squeeze3A_109 : f32
        %slice3A_111 = vector.extract_strided_slice %add3A_95 {offsets = [6], sizes = [1], strides = [1]} : vector<16xf32> to vector<1xf32>
        %squeeze3A_112 = vector.extract %slice3A_111[0] : f32 from vector<1xf32>
        %add3A_113 = arith.addf %add3A_110, %squeeze3A_112 : f32
        %slice3A_114 = vector.extract_strided_slice %add3A_95 {offsets = [7], sizes = [1], strides = [1]} : vector<16xf32> to vector<1xf32>
        %squeeze3A_115 = vector.extract %slice3A_114[0] : f32 from vector<1xf32>
        %add3A_116 = arith.addf %add3A_113, %squeeze3A_115 : f32
        %slice3A_117 = vector.extract_strided_slice %add3A_95 {offsets = [8], sizes = [1], strides = [1]} : vector<16xf32> to vector<1xf32>
        %squeeze3A_118 = vector.extract %slice3A_117[0] : f32 from vector<1xf32>
        %add3A_119 = arith.addf %add3A_116, %squeeze3A_118 : f32
        %slice3A_120 = vector.extract_strided_slice %add3A_95 {offsets = [9], sizes = [1], strides = [1]} : vector<16xf32> to vector<1xf32>
        %squeeze3A_121 = vector.extract %slice3A_120[0] : f32 from vector<1xf32>
        %add3A_122 = arith.addf %add3A_119, %squeeze3A_121 : f32
        %slice3A_123 = vector.extract_strided_slice %add3A_95 {offsets = [10], sizes = [1], strides = [1]} : vector<16xf32> to vector<1xf32>
        %squeeze3A_124 = vector.extract %slice3A_123[0] : f32 from vector<1xf32>
        %add3A_125 = arith.addf %add3A_122, %squeeze3A_124 : f32
        %slice3A_126 = vector.extract_strided_slice %add3A_95 {offsets = [11], sizes = [1], strides = [1]} : vector<16xf32> to vector<1xf32>
        %squeeze3A_127 = vector.extract %slice3A_126[0] : f32 from vector<1xf32>
        %add3A_128 = arith.addf %add3A_125, %squeeze3A_127 : f32
        %slice3A_129 = vector.extract_strided_slice %add3A_95 {offsets = [12], sizes = [1], strides = [1]} : vector<16xf32> to vector<1xf32>
        %squeeze3A_130 = vector.extract %slice3A_129[0] : f32 from vector<1xf32>
        %add3A_131 = arith.addf %add3A_128, %squeeze3A_130 : f32
        %slice3A_132 = vector.extract_strided_slice %add3A_95 {offsets = [13], sizes = [1], strides = [1]} : vector<16xf32> to vector<1xf32>
        %squeeze3A_133 = vector.extract %slice3A_132[0] : f32 from vector<1xf32>
        %add3A_134 = arith.addf %add3A_131, %squeeze3A_133 : f32
        %slice3A_135 = vector.extract_strided_slice %add3A_95 {offsets = [14], sizes = [1], strides = [1]} : vector<16xf32> to vector<1xf32>
        %squeeze3A_136 = vector.extract %slice3A_135[0] : f32 from vector<1xf32>
        %add3A_137 = arith.addf %add3A_134, %squeeze3A_136 : f32
        %slice3A_138 = vector.extract_strided_slice %add3A_95 {offsets = [15], sizes = [1], strides = [1]} : vector<16xf32> to vector<1xf32>
        %squeeze3A_139 = vector.extract %slice3A_138[0] : f32 from vector<1xf32>
        %add3A_140 = arith.addf %add3A_137, %squeeze3A_139 : f32
        %mul3A = arith.constant 0.00148809527 : f32
        %mul3A_141 = arith.mulf %add3A_140, %mul3A : f32
        %broadcast_in_dim3A_142 = vector.broadcast %mul3A_141 : f32 to vector<16xf32>
        %swap3A = arith.constant 0 : index
        %swap3A_143 = tpu.vector_load %arg10[%swap3A] {strides = array<i32>} : memref<16xf32, #tpu.memory_space<vmem>>, vector<16xf32>,
        %swap3A_144 = vector.shape_cast %swap3A_143 : vector<16xf32> to vector<16xf32>
        %swap3A_145 = vector.shape_cast %broadcast_in_dim3A_142 : vector<16xf32> to vector<16xf32>
        tpu.vector_store %arg10[%swap3A], %swap3A_145 {strides = array<i32>} : memref<16xf32, #tpu.memory_space<vmem>>, vector<16xf32>,
        "tpu.region"() ({
          %run_scoped3A = tpu.sem_alloc : memref<!tpu.dma_semaphore, #tpu.memory_space<semaphore_mem>>
          tpu.enqueue_dma source(%arg10 : memref<16xf32, #tpu.memory_space<vmem>>) target(%arg5 : memref<16xf32, #tpu.memory_space<hbm>>) target_semaphore(%run_scoped3A : memref<!tpu.dma_semaphore, #tpu.memory_space<semaphore_mem>>)
          tpu.wait_dma2 semaphore(%run_scoped3A : memref<!tpu.dma_semaphore, #tpu.memory_space<semaphore_mem>>) src(%arg10 : memref<16xf32, #tpu.memory_space<vmem>>) dst(%arg5 : memref<16xf32, #tpu.memory_space<hbm>>)
          tpu.yield
        }) : () -> ()
      } else {
      }
    } else {
    }
    return
  }
}

</mosaic_0001>

<sc_bundles>
// kernel: kernel.3.cloned.1.call-start
scs
__scs_entry_jumppad:
0x0: {  	(pc) =	sbr.rel $0x88, $3  }
0x1: {  	(tag) =	ssettag $0x0;
	lr =	simm.s32 $0x1  }
0x2: {  	[smem:$0x3F9F] =	sst lr;
	_ =	strace $0xD0000000  }
0x3: {  	_ = 	snop  }
0x4: {  	_ = 	snop  }
0x5: {  	_ = 	snop  }
0x6: {  	_ = 	snop  }
0x7: {  	_ = 	snop  }
__scs_overlays_trampoline_lowered:
0x8: {  	[smem:$0x3FAE] =	sst s0  }
0x9: {  	[smem:$0x3FAF] =	sst s1  }
0xa: {  	[smem:$0x3FB0] =	sst s2  }
0xb: {  	[smem:$0x3FB1] =	sst s3  }
0xc: {  	[smem:$0x3FB2] =	sst s4  }
0xd: {  	[smem:$0x3FB3] =	sst s5  }
0xe: {  	[smem:$0x3FB4] =	sst s6  }
0xf: {  	[smem:$0x3FB5] =	sst s7  }
0x10: {  	[smem:$0x3FB6] =	sst s8  }
0x11: {  	[smem:$0x3FB7] =	sst s9;
	s0 =	simm.s32 @!p0 $0x0  }
0x12: {  	s1 =	sld [smem:$0x3F9D];
	s0 =	simm.s32 @p0 $0x1  }
0x13: {  	[smem:$0x3FB8] =	sst s0;
	s0 =	simm.s32 @!p1 $0x0  }
0x14: {  	s2 =	sld [smem:$0x3F9C];
	s0 =	simm.s32 @p1 $0x1  }
0x15: {  	[smem:$0x3FB9] =	sst s0;
	s0 =	simm.s32 @!p2 $0x0  }
0x16: {  	s3 =	sld [smem:$0x3FDB];
	s0 =	simm.s32 @p2 $0x1  }
0x17: {  	s4 =	simm.s32 $0x1BF5;
	[smem:$0x3FBB] =	sst s0  }
0x18: {  	s0 =	sld [smem:$0x3F9E];
	_ =	swait.ge [sflag:s4], $0x0  }
0x19: {  	s7 =	sld [smem:$0x3F9F]  }
0x1a: {  	s8 =	sadd.s32 $0xFFFFE003, lr  }
0x1b: {  	s9 =	sadd.s32 $0xFFFFFEF7, lr;
	s5 =	simm.s32 $0xFFFFFFFF;
	p2 =	slt.u32 s8, $0xFFFFF086  }
0x1c: {  	p1 =	slt.u32 s9, $0xF7A;
	s5 =	simm.s32 @!p2 $0x0  }
0x1d: {  	s5 =	simm.s32 @p1 $0x1;
	p0 =	seq.s32 s7, s2  }
0x1e: {  	s7 =	smul.u32 @!p0 $0xF7A, s2;
	p2 =	seq.s32 @!p0 s5, $0x0  }
0x1f: {  	s9 =	smul.u32 $0xF7A, s1;
	s8 =	simm.s32 @!p0 $0x1BF5;
	p2 =	por !p2, p0  }
0x20: {  	[sflag:s8] =	ssyncset.s32 @!p0 $0xFFFFF086;
	s6 =	sadd.s32 @!p0 s3, s7;
	s7 =	simm.s32 @!p0 $0x108  }
0x21: {  	s3 =	sadd.s32 s3, s9;
	s6 =	sadd.s32 @!p0 $0x88, s6;
	s7 =	simm.s32 @p2 $0x1082  }
0x22: {  	[simem:s7], [sflag:s8] =	dma.local @!p0 [hbm:s6], $0xF7A  }
0x23: {  	s9 =	sor.u32 $0xD0000000, s2;
	s6 =	simm.s32 $0x108;
	_ =	swait.ge @!p0 [sflag:s8], $0x0  }
0x24: {  	s3 =	sadd.s32 $0x88, s3;
	s6 =	simm.s32 @!p1 $0x1082;
	[sflag:s4] =	ssyncset.s32 $0xFFFFF086  }
0x25: {  	[simem:s6], [sflag:s4] =	dma.local [hbm:s3], $0xF7A  }
0x26: {  	[smem:$0x3F9F] =	sst s1;
	(tag) =	ssettag s2;
	_ =	strace s9  }
0x27: {  	s1 =	sld [smem:$0x3FAF]  }
0x28: {  	s2 =	sld [smem:$0x3FB0]  }
0x29: {  	s4 =	sld [smem:$0x3FB2]  }
0x2a: {  	p0 =	seq.s32 s5, $0x0;
	s5 =	sld [smem:$0x3FB3]  }
0x2b: {  	s6 =	sld [smem:$0x3FB4]  }
0x2c: {  	s7 =	sld [smem:$0x3FB5]  }
0x2d: {  	s3 =	simm.s32 $0x108;
	s8 =	sld [smem:$0x3FB6]  }
0x2e: {  	s3 =	simm.s32 @!p0 $0x1082;
	s9 =	sld [smem:$0x3FB7]  }
0x2f: {  	lr =	sadd.s32 s0, s3;
	s0 =	sld [smem:$0x3FAE]  }
0x30: {  	s3 =	sld [smem:$0x3FB1]  }
0x31: {  	[smem:$0x3FBA] =	sst s10  }
0x32: {  	s10 =	sld [smem:$0x3FB8];
	_ =	sdelay $0x3  }
0x33: {  	p0 =	seq.s32 s10, $0x1;
	s10 =	sld [smem:$0x3FBA];
	_ =	sdelay $0x3  }
0x34: {  	[smem:$0x3FBA] =	sst s10  }
0x35: {  	s10 =	sld [smem:$0x3FB9];
	_ =	sdelay $0x3  }
0x36: {  	p1 =	seq.s32 s10, $0x1;
	s10 =	sld [smem:$0x3FBA];
	_ =	sdelay $0x3  }
0x37: {  	[smem:$0x3FBA] =	sst s10  }
0x38: {  	s10 =	sld [smem:$0x3FBB]  }
0x39: {  	_ = 	snop;
	(pc) =	sbr.ind lr, $3  }
0x3a: {  	_ = 	snop  }
0x3b: {  	_ = 	snop  }
0x3c: {  	p2 =	seq.s32 s10, $0x1;
	s10 =	sld [smem:$0x3FBA]  }
0x3d: {  	_ =	shalt  }
0x3e: {  	_ =	shalt  }
0x3f: {  	_ =	shalt  }
0x40: {  	_ =	shalt  }
0x41: {  	_ =	shalt  }
0x42: {  	_ =	shalt  }
0x43: {  	_ =	shalt  }
0x44: {  	_ =	shalt  }
0x45: {  	_ =	shalt  }
0x46: {  	_ =	shalt  }
0x47: {  	_ =	shalt  }
0x48: {  	_ =	shalt  }
0x49: {  	_ =	shalt  }
0x4a: {  	_ =	shalt  }
0x4b: {  	_ =	shalt  }
0x4c: {  	_ =	shalt  }
0x4d: {  	_ =	shalt  }
0x4e: {  	_ =	shalt  }
0x4f: {  	_ =	shalt  }
0x50: {  	_ =	shalt  }
0x51: {  	_ =	shalt  }
0x52: {  	_ =	shalt  }
0x53: {  	_ =	shalt  }
0x54: {  	_ =	shalt  }
0x55: {  	_ =	shalt  }
0x56: {  	_ =	shalt  }
0x57: {  	_ =	shalt  }
0x58: {  	_ =	shalt  }
0x59: {  	_ =	shalt  }
0x5a: {  	_ =	shalt  }
0x5b: {  	_ =	shalt  }
0x5c: {  	_ =	shalt  }
0x5d: {  	_ =	shalt  }
0x5e: {  	_ =	shalt  }
0x5f: {  	_ =	shalt  }
0x60: {  	_ =	shalt  }
0x61: {  	_ =	shalt  }
0x62: {  	_ =	shalt  }
0x63: {  	_ =	shalt  }
0x64: {  	_ =	shalt  }
0x65: {  	_ =	shalt  }
0x66: {  	_ =	shalt  }
0x67: {  	_ =	shalt  }
0x68: {  	_ =	shalt  }
0x69: {  	_ =	shalt  }
0x6a: {  	_ =	shalt  }
0x6b: {  	_ =	shalt  }
0x6c: {  	_ =	shalt  }
0x6d: {  	_ =	shalt  }
0x6e: {  	_ =	shalt  }
0x6f: {  	_ =	shalt  }
0x70: {  	_ =	shalt  }
0x71: {  	_ =	shalt  }
0x72: {  	_ =	shalt  }
0x73: {  	_ =	shalt  }
0x74: {  	_ =	shalt  }
0x75: {  	_ =	shalt  }
0x76: {  	_ =	shalt  }
0x77: {  	_ =	shalt  }
0x78: {  	_ =	shalt  }
0x79: {  	_ =	shalt  }
0x7a: {  	_ =	shalt  }
0x7b: {  	_ =	shalt  }
0x7c: {  	_ =	shalt  }
0x7d: {  	_ =	shalt  }
0x7e: {  	_ =	shalt  }
0x7f: {  	_ =	shalt  }
0x80: {  	_ =	shalt  }
0x81: {  	_ =	shalt  }
0x82: {  	_ =	shalt  }
0x83: {  	_ =	shalt  }
0x84: {  	_ =	shalt  }
0x85: {  	_ =	shalt  }
0x86: {  	_ =	shalt  }
0x87: {  	_ =	shalt  }
.Lfunc_end0:
.L_simem_size_0:
called_computation_lowered:
.L_overlay_start_0:
0x88: {  	s2 =	sld [smem:$0x3FD9]  }
0x89: {  	s3 =	sld [smem:$0x3FFE];
	_ =	sdelay $0x1  }
0x8a: {  	s1 =	srdreg.scid  }
0x8b: {  	s0 =	sand.u32 $0x1, s1  }
0x8c: {  	s18 =	sshll.u32 s0, $0xA;
	s2 =	sadd.s32 s3, s2  }
0x8d: {  	s3 =	sadd.s32 s2, s18  }
0x8e: {  	[smem:$0x3FC6] =	sst s3  }
0x8f: {  	_ = 	snop  }
0x90: {  	s3 =	sld [smem:$0x3FC8]  }
0x91: {  	s4 =	sld [smem:$0x3FD0];
	(tm) =	ssettm $0x1  }
0x92: {  	s5 =	sld [smem:$0x3FFB];
	_ =	sdelay $0x3  }
0x93: {  	_ =	strace s5  }
0x94: {  	s5 =	sld [smem:$0x3FFC];
	_ =	sdelay $0x3  }
0x95: {  	_ =	strace s5  }
0x96: {  	s5 =	sld [smem:$0x3FFD];
	_ =	sdelay $0x3  }
0x97: {  	_ =	strace s5  }
0x98: {  	_ =	strace $0x8FFFFFFF  }
0x99: {  	s19 =	sld [smem:$0x3FDB];
	_ =	sdelay $0x1  }
0x9a: {  	s6 =	simm.s32 $_scs_section_size  }
0x9b: {  	s7 =	simm.s32 $_size__tile_overlayer_lowered;
	s8 =	simm.s32 $_tile_overlayer_lowered  }
0x9c: {  	s22 =	simm.s32 $0x1BFF;
	s21 =	sshll.u32 s8, $0x1;
	s5 =	sadd.s32 s6, s19  }
0x9d: {  	s9 =	simm.s32 $0x0;
	s20 =	sshll.u32 s7, $0x1;
	s7 =	sadd.s32 s21, s5  }
0x9e: {  	[timem:s9], [sflag:s22] =	dma.local [hbm:s7], s20  }
0x9f: {  	_ =	swait.ge [sflag:s22], s20  }
0xa0: {  	s6 =	ssub.s32 $0x0, s20;
	[sflag:s22] =	ssyncset.done $0x0  }
0xa1: {  	[sflag:s22] =	ssyncadd.s32 s6;
	_ =	sdelay $0x1  }
0xa2: {  	s23 =	simm.s32 $0x1B8B  }
0xa3: {  	_ =	swait.ge [sflag:s23], $0x1  }
0xa4: {  	[sflag:s23] =	ssyncset.done $0x0  }
0xa5: {  	s25 =	simm.s32 $0x1B8E;
	s24 =	sld [smem:$0x3FFE];
	[sflag:s23] =	ssyncadd.s32 $0xFFFFFFFF  }
0xa6: {  	s26 =	simm.s32 $execute0_lowered;
	[smem:$0x3FD2] =	sst s25  }
0xa7: {  	s7 =	sshll.u32 s26, $0x1;
	_ =	strace $0x80000046;
	[dreg:$0x1] =	wrdreg $0xFFFFFFFF  }
0xa8: {  	s28 =	simm.s32 $_size_execute0_lowered;
	s5 =	sadd.s32 s5, s7;
	[dreg:$0x0] =	wrdreg $0x0  }
0xa9: {  	s7 =	sshll.u32 s28, $0x1;
	[dreg:$0x2] =	wrdreg s5  }
0xaa: {  	[dreg:$0x3] =	wrdreg s7  }
0xab: {  	[dreg:$0x4] =	wrdreg $0xC0  }
0xac: {  	_ =	task [dreg:s9], $0x5FFFF  }
0xad: {  	[dreg:$0x1] =	wrdreg $0xFFFFFFFF  }
0xae: {  	[dreg:$0x0] =	wrdreg $0x60  }
0xaf: {  	[dreg:$0x2] =	wrdreg s24  }
0xb0: {  	[dreg:$0x3] =	wrdreg s3  }
0xb1: {  	s2 =	sadd.s32 $0x800, s2;
	[dreg:$0x4] =	wrdreg s4  }
0xb2: {  	[dreg:$0x5] =	wrdreg s2  }
0xb3: {  	[dreg:$0x6] =	wrdreg $0x9  }
0xb4: {  	_ =	task.clear_ibuf [dreg:s9], $0x7FFFF;
	_ =	strace $0x90000046  }
0xb5: {  	s29 =	simm.s32 $0x9;
	_ =	strace $0x80000048  }
0xb6: {  	_ =	swait.ge [sflag:s29], $0x1  }
0xb7: {  	[sflag:s29] =	ssyncadd.s32 $0xFFFFFFFF  }
0xb8: {  	_ =	strace $0x90000048  }
0xb9: {  	_ =	sfence  }
0xba: {  	s30 =	sld [smem:$0x0];
	_ =	sdelay $0x2  }
0xbb: {  	s31 =	sshll.u32 s1, $0xD;
	s1 =	sshrl.u32 s1, $0x2  }
0xbc: {  	s3 =	sand.u32 $0x4000, s31;
	s1 =	sadd.s32 s1, s30  }
0xbd: {  	s0 =	sor.u32 s3, s0;
	s1 =	sshll.u32 s1, $0x11  }
0xbe: {  	s0 =	sor.u32 s1, s0  }
0xbf: {  	s0 =	sadd.s32 $0x8F2B, s0  }
0xc0: {  	[sflag:s0] =	ssyncadd.remote.s32 $0x1  }
0xc1: {  	_ =	sfence.sel $0xFFFF  }
0xc2: {  	[dreg:$0x0] =	wrdreg $0xFFFFFFFF;
	(pc) =	sbr.abs _section_cstart, $3  }
0xc3: {  	[dreg:$0x1] =	wrdreg $0xFFFFFFFF  }
0xc4: {  	_ =	task.clear_ibuf [dreg:s9], $0x2FFFF;
	_ =	strace $0x9FFFFFFF  }
0xc5: {  	(tm) =	ssettm $0x7FFFFFFF  }
tec
execute0_lowered:
.L_overlay_start_1:
0x0: {  	(tag) =	ssettag $0x1  }
0x1: {  	s0 =	rddreg [dreg:$0x0]  }
0x2: {  	s1 =	rddreg [dreg:$0x1]  }
0x3: {  	s9 =	rddreg [dreg:$0x3];
	s4 =	simm.s32 $0x0;
	s2 =	srdreg.scid  }
0x4: {  	s18 =	stileid.u32;
	s30 =	simm.s32 $0x1;
	[smem:$0x7FF] =	sst s4  }
0x5: {  	s2 =	sand.u32 $0x1, s2;
	s3 =	sadd.s32 $0x400, s0;
	s6 =	smul.u32 $0x180, s18  }
0x6: {  	p1 =	slt.u32 s18, $0xE;
	s8 =	smul.u32 $0x3, s18;
	s0 =	sadd.s32 $0x600, s0  }
0x7: {  	s20 =	smul.u32 $0xC0, s18;
	s25 =	sshll.u32 s18, $0x4;
	_ =	strace $0x80000047  }
0x8: {  	[dreg:$0x5] =	wrdreg s3;
	s5 =	ssub.s32 $0x2, s2;
	p0 =	seq.s32 s2, $0x0  }
0x9: {  	[dreg:$0x6] =	wrdreg s0;
	p2 =	sne.s32 s2, $0x0;
	s31 =	sadd.s32 s25, s9  }
0xa: {  	s7 =	sshrl.u32 s5, $0x1;
	p0 =	por !p0, !p1;
	s6 =	sshrl.u32 s6, $0x2  }
0xb: {  	s22 =	sadd.s32 $0x1, s8;
	s24 =	sadd.s32 $0x2, s8;
	[dreg:$0xd] =	wrdreg s31  }
0xc: {  	s26 =	sshrl.u32 s20, $0x2;
	p1 =	sne.s32 s18, $0x0;
	[dreg:$0x7] =	wrdreg s6  }
.Ltmp0:
0xd: {  	s6 =	sshll.u32 s22, $0x5;
	[dreg:$0xa] =	wrdreg s26;
	(pc) =	sbr.rel .LBB2_1-.Ltmp0, $4  }
0xe: {  	s23 =	sshll.u32 s22, $0x6;
	[dreg:$0x8] =	wrdreg s6;
	s6 =	sshll.u32 s24, $0x5  }
0xf: {  	s8 =	sshll.u32 s24, $0x6;
	s28 =	sshrl.u32 s23, $0x2;
	[dreg:$0x9] =	wrdreg s6  }
0x10: {  	s19 =	ssub.s32 s5, s7;
	s29 =	sshrl.u32 s8, $0x2;
	[dreg:$0xb] =	wrdreg s28  }
0x11: {  	v0 =	vlaneseq.u32;
	p0 =	por !p0, !p0;
	s21 =	smax.u32 s19, $0x1;
	[dreg:$0xc] =	wrdreg s29  }
.LBB2_6:
0x12: {  	s21 =	sadd.s32 $0xFFFFFFFF, s21  }
0x13: {  	p3 =	sne.s32 s21, $0x0  }
.Ltmp1:
0x14: {  	_ = 	snop;
	(pc) =	sbr.rel @!p3 .LBB2_7-.Ltmp1, $1  }
0x15: {  	_ =	sdelay $0x3  }
.LBB2_1:
.Ltmp2:
0x16: {  	(pc) =	sbr.rel @!p0 .LBB2_3-.Ltmp2, $1  }
0x17: {  	_ =	sdelay $0x3  }
0x18: {  	s0 =	rddreg [dreg:$0x5];
	s3 =	simm.s32 $0x2  }
0x19: {  	[tilespmem:s4], [sflag:$0x2] =	stream.linear.gather [hbm4b:s0+s4], $0x580, $0x38;
	[tilespmem:$0x2900] =	vst v63  }
0x1a: {  	_ =	swait.ge [sflag:s3], $0x580  }
0x1b: {  	[sflag:s3] =	ssyncset.done $0x0  }
0x1c: {  	s2 =	simm.s32 $0x580;
	s12 =	rddreg [dreg:$0x6];
	[sflag:s3] =	ssyncadd.s32 $0xFFFFFA80  }
0x1d: {  	[tilespmem:s2], [sflag:$0x2] =	stream.linear.gather [hbm4b:s12+s4], $0x300, $0x38;
	[tilespmem:$0x2900] =	vst v63  }
0x1e: {  	_ =	swait.ge [sflag:s3], $0x300  }
0x1f: {  	[sflag:s3] =	ssyncset.done $0x0  }
0x20: {  	s5 =	rddreg [dreg:$0x7];
	[sflag:s3] =	ssyncadd.s32 $0xFFFFFD00  }
0x21: {  	v1 =	vld [tilespmem:s5+$0x0];
	_ =	sdelay $0x4  }
0x22: {  	v2 =	vadd.f32 $1.000000000e+00, v1;
	_ =	sdelay $0x1  }
0x23: {  	v2 =	vmul.f32 $5.120000000e+02, v2;
	_ =	sdelay $0x1  }
0x24: {  	s13 =	rddreg [dreg:$0xa];
	v2 =	vtrunc.f32 v2  }
0x25: {  	v3 =	vld [tilespmem:s13+$0x580];
	v2 =	vcvt.f32.s32 v2;
	_ =	sdelay $0x1  }
0x26: {  	vm0 =	vlt.s32 v2, $0x3FF  }
0x27: {  	v2 =	vnsel vm0, $0x3FF, v2  }
0x28: {  	(v2sf) =	vpush v2, $0x1  }
0x29: {  	(v2sf) =	vpush v3, $0x0  }
0x2a: {  	(v2sf) =	vpush v2, $0x0;
	_ =	sdelay $0x5  }
0x2b: {  	(v2sf) =	vpush v2, $0x3  }
0x2c: {  	(v2sf) =	vpush v3, $0x1  }
0x2d: {  	(v2sf) =	vpush v2, $0x2;
	_ =	sdelay $0x4  }
0x2e: {  	s22 =	spop (v2sf)  }
0x2f: {  	s14 =	spop (v2sf)  }
0x30: {  	(v2sf) =	vpush v2, $0x5;
	s15 =	spop (v2sf)  }
0x31: {  	(v2sf) =	vpush v3, $0x2;
	s0 =	sadd.s32 s14, s15  }
0x32: {  	(v2sf) =	vpush v2, $0x4;
	s16 =	sshll.u32 s22, $0x3;
	s2 =	sshll.u32 s0, $0xA  }
0x33: {  	s3 =	sand.u32 $0xFFFFFC00, s16;
	s0 =	sshll.u32 s0, $0x7;
	s2 =	sand.u32 $0xFFFFE000, s2  }
0x34: {  	s0 =	sand.u32 $0x380, s0;
	s2 =	sadd.s32 s3, s2  }
0x35: {  	s17 =	sand.u32 $0x70, s22;
	s0 =	sor.u32 s0, s2  }
0x36: {  	s6 =	spop (v2sf);
	s0 =	sor.u32 s17, s0  }
0x37: {  	s19 =	spop (v2sf);
	s0 =	sshrl.u32 s0, $0x3  }
0x38: {  	s18 =	simm.s32 $0x880;
	s20 =	spop (v2sf);
	s0 =	sadd.s32 s1, s0  }
0x39: {  	(v2sf) =	vpush v2, $0x7;
	[tilespmem:s18], [sflag:$0x1] =	stream.linear.gather [hbm4b:s0+s4], $0x10, $0x38;
	[tilespmem:$0x2900] =	vst v63  }
0x3a: {  	(v2sf) =	vpush v3, $0x3;
	s0 =	sadd.s32 s19, s20  }
0x3b: {  	(v2sf) =	vpush v2, $0x6;
	s23 =	sshll.u32 s6, $0x3;
	s2 =	sshll.u32 s0, $0xA  }
0x3c: {  	s3 =	sand.u32 $0xFFFFFC00, s23;
	s0 =	sshll.u32 s0, $0x7;
	s2 =	sand.u32 $0xFFFFE000, s2  }
0x3d: {  	s0 =	sand.u32 $0x380, s0;
	s2 =	sadd.s32 s3, s2  }
0x3e: {  	s24 =	sand.u32 $0x70, s6;
	s0 =	sor.u32 s0, s2  }
0x3f: {  	s26 =	spop (v2sf);
	s0 =	sor.u32 s24, s0  }
0x40: {  	s28 =	spop (v2sf);
	s0 =	sshrl.u32 s0, $0x3  }
0x41: {  	s25 =	simm.s32 $0x900;
	s29 =	spop (v2sf);
	s0 =	sadd.s32 s1, s0  }
0x42: {  	(v2sf) =	vpush v2, $0x9;
	[tilespmem:s25], [sflag:$0x1] =	stream.linear.gather [hbm4b:s0+s4], $0x10, $0x38;
	[tilespmem:$0x2900] =	vst v63  }
0x43: {  	(v2sf) =	vpush v3, $0x4;
	s0 =	sadd.s32 s28, s29  }
0x44: {  	(v2sf) =	vpush v2, $0x8;
	s31 =	sshll.u32 s26, $0x3;
	s2 =	sshll.u32 s0, $0xA  }
0x45: {  	s3 =	sand.u32 $0xFFFFFC00, s31;
	s0 =	sshll.u32 s0, $0x7;
	s2 =	sand.u32 $0xFFFFE000, s2  }
0x46: {  	s0 =	sand.u32 $0x380, s0;
	s2 =	sadd.s32 s3, s2  }
0x47: {  	s7 =	sand.u32 $0x70, s26;
	s0 =	sor.u32 s0, s2  }
0x48: {  	s9 =	spop (v2sf);
	s0 =	sor.u32 s7, s0  }
0x49: {  	s10 =	spop (v2sf);
	s0 =	sshrl.u32 s0, $0x3  }
0x4a: {  	s8 =	simm.s32 $0x980;
	s11 =	spop (v2sf);
	s0 =	sadd.s32 s1, s0  }
0x4b: {  	(v2sf) =	vpush v2, $0xB;
	[tilespmem:s8], [sflag:$0x1] =	stream.linear.gather [hbm4b:s0+s4], $0x10, $0x38;
	[tilespmem:$0x2900] =	vst v63  }
0x4c: {  	(v2sf) =	vpush v3, $0x5;
	s0 =	sadd.s32 s10, s11  }
0x4d: {  	(v2sf) =	vpush v2, $0xA;
	s12 =	sshll.u32 s9, $0x3;
	s2 =	sshll.u32 s0, $0xA  }
0x4e: {  	s3 =	sand.u32 $0xFFFFFC00, s12;
	s0 =	sshll.u32 s0, $0x7;
	s2 =	sand.u32 $0xFFFFE000, s2  }
0x4f: {  	s0 =	sand.u32 $0x380, s0;
	s2 =	sadd.s32 s3, s2  }
0x50: {  	s13 =	sand.u32 $0x70, s9;
	s0 =	sor.u32 s0, s2  }
0x51: {  	s15 =	spop (v2sf);
	s0 =	sor.u32 s13, s0  }
0x52: {  	s16 =	spop (v2sf);
	s0 =	sshrl.u32 s0, $0x3  }
0x53: {  	s14 =	simm.s32 $0xA00;
	s17 =	spop (v2sf);
	s0 =	sadd.s32 s1, s0  }
0x54: {  	(v2sf) =	vpush v2, $0xD;
	[tilespmem:s14], [sflag:$0x1] =	stream.linear.gather [hbm4b:s0+s4], $0x10, $0x38;
	[tilespmem:$0x2900] =	vst v63  }
0x55: {  	(v2sf) =	vpush v3, $0x6;
	s0 =	sadd.s32 s16, s17  }
0x56: {  	(v2sf) =	vpush v2, $0xC;
	s18 =	sshll.u32 s15, $0x3;
	s2 =	sshll.u32 s0, $0xA  }
0x57: {  	s3 =	sand.u32 $0xFFFFFC00, s18;
	s0 =	sshll.u32 s0, $0x7;
	s2 =	sand.u32 $0xFFFFE000, s2  }
0x58: {  	s0 =	sand.u32 $0x380, s0;
	s2 =	sadd.s32 s3, s2  }
0x59: {  	s19 =	sand.u32 $0x70, s15;
	s0 =	sor.u32 s0, s2  }
0x5a: {  	s23 =	spop (v2sf);
	s0 =	sor.u32 s19, s0  }
0x5b: {  	s24 =	spop (v2sf);
	s0 =	sshrl.u32 s0, $0x3  }
0x5c: {  	s20 =	simm.s32 $0xA80;
	s25 =	spop (v2sf);
	s0 =	sadd.s32 s1, s0  }
0x5d: {  	(v2sf) =	vpush v2, $0xF;
	[tilespmem:s20], [sflag:$0x1] =	stream.linear.gather [hbm4b:s0+s4], $0x10, $0x38;
	[tilespmem:$0x2900] =	vst v63  }
0x5e: {  	(v2sf) =	vpush v3, $0x7;
	s0 =	sadd.s32 s24, s25  }
0x5f: {  	[dreg:$0xf] =	wrdreg s26;
	(v2sf) =	vpush v2, $0xE;
	s26 =	sshll.u32 s23, $0x3;
	s2 =	sshll.u32 s0, $0xA  }
0x60: {  	s3 =	sand.u32 $0xFFFFFC00, s26;
	s0 =	sshll.u32 s0, $0x7;
	s2 =	sand.u32 $0xFFFFE000, s2  }
0x61: {  	s0 =	sand.u32 $0x380, s0;
	s2 =	sadd.s32 s3, s2  }
0x62: {  	s28 =	sand.u32 $0x70, s23;
	s0 =	sor.u32 s0, s2  }
0x63: {  	s31 =	spop (v2sf);
	s0 =	sor.u32 s28, s0  }
0x64: {  	s7 =	spop (v2sf);
	s0 =	sshrl.u32 s0, $0x3  }
0x65: {  	s29 =	simm.s32 $0xB00;
	s8 =	spop (v2sf);
	s0 =	sadd.s32 s1, s0  }
0x66: {  	[tilespmem:s29], [sflag:$0x1] =	stream.linear.gather [hbm4b:s0+s4], $0x10, $0x38;
	[tilespmem:$0x2900] =	vst v63  }
0x67: {  	s0 =	sadd.s32 s7, s8  }
0x68: {  	[dreg:$0x10] =	wrdreg s9;
	s9 =	sshll.u32 s31, $0x3;
	s2 =	sshll.u32 s0, $0xA  }
0x69: {  	s3 =	sand.u32 $0xFFFFFC00, s9;
	s0 =	sshll.u32 s0, $0x7;
	s2 =	sand.u32 $0xFFFFE000, s2  }
0x6a: {  	s0 =	sand.u32 $0x380, s0;
	s2 =	sadd.s32 s3, s2  }
0x6b: {  	s10 =	sand.u32 $0x70, s31;
	s0 =	sor.u32 s0, s2  }
0x6c: {  	s12 =	spop (v2sf);
	s0 =	sor.u32 s10, s0  }
0x6d: {  	s13 =	spop (v2sf);
	s0 =	sshrl.u32 s0, $0x3  }
0x6e: {  	s11 =	simm.s32 $0xB80;
	s14 =	spop (v2sf);
	s0 =	sadd.s32 s1, s0  }
0x6f: {  	[tilespmem:s11], [sflag:$0x1] =	stream.linear.gather [hbm4b:s0+s4], $0x10, $0x38;
	[tilespmem:$0x2900] =	vst v63  }
0x70: {  	s0 =	sadd.s32 s13, s14  }
0x71: {  	[dreg:$0x11] =	wrdreg s15;
	s15 =	sshll.u32 s12, $0x3;
	s2 =	sshll.u32 s0, $0xA  }
0x72: {  	s3 =	sand.u32 $0xFFFFFC00, s15;
	s0 =	sshll.u32 s0, $0x7;
	s2 =	sand.u32 $0xFFFFE000, s2  }
0x73: {  	s0 =	sand.u32 $0x380, s0;
	s2 =	sadd.s32 s3, s2  }
0x74: {  	s16 =	sand.u32 $0x70, s12;
	s0 =	sor.u32 s0, s2  }
0x75: {  	s0 =	sor.u32 s16, s0  }
0x76: {  	s0 =	sshrl.u32 s0, $0x3  }
0x77: {  	s17 =	simm.s32 $0xC00;
	s0 =	sadd.s32 s1, s0  }
0x78: {  	[tilespmem:s17], [sflag:$0x1] =	stream.linear.gather [hbm4b:s0+s4], $0x10, $0x38;
	[tilespmem:$0x2900] =	vst v63  }
0x79: {  	v2 =	vld [tilespmem:s5+$0x10];
	_ =	sdelay $0x4  }
0x7a: {  	v4 =	vadd.f32 $1.000000000e+00, v2;
	_ =	sdelay $0x1  }
0x7b: {  	v4 =	vmul.f32 $5.120000000e+02, v4;
	_ =	sdelay $0x1  }
0x7c: {  	v4 =	vtrunc.f32 v4  }
0x7d: {  	v4 =	vcvt.f32.s32 v4;
	_ =	sdelay $0x1  }
0x7e: {  	vm6 =	vlt.s32 v4, $0x3FF  }
0x7f: {  	v4 =	vnsel vm6, $0x3FF, v4  }
0x80: {  	(v2sf) =	vpush v4, $0x1  }
0x81: {  	(v2sf) =	vpush v3, $0x8  }
0x82: {  	(v2sf) =	vpush v4, $0x0;
	_ =	sdelay $0x5  }
0x83: {  	(v2sf) =	vpush v4, $0x3  }
0x84: {  	(v2sf) =	vpush v3, $0x9  }
0x85: {  	(v2sf) =	vpush v4, $0x2;
	_ =	sdelay $0x4  }
0x86: {  	s18 =	spop (v2sf)  }
0x87: {  	s19 =	spop (v2sf)  }
0x88: {  	(v2sf) =	vpush v4, $0x5;
	s20 =	spop (v2sf)  }
0x89: {  	(v2sf) =	vpush v3, $0xA;
	s0 =	sadd.s32 s19, s20  }
0x8a: {  	[dreg:$0x12] =	wrdreg s23;
	(v2sf) =	vpush v4, $0x4;
	s23 =	sshll.u32 s18, $0x3;
	s2 =	sshll.u32 s0, $0xA  }
0x8b: {  	s3 =	sand.u32 $0xFFFFFC00, s23;
	s0 =	sshll.u32 s0, $0x7;
	s2 =	sand.u32 $0xFFFFE000, s2  }
0x8c: {  	s0 =	sand.u32 $0x380, s0;
	s2 =	sadd.s32 s3, s2  }
0x8d: {  	s24 =	sand.u32 $0x70, s18;
	s0 =	sor.u32 s0, s2  }
0x8e: {  	s26 =	spop (v2sf);
	s0 =	sor.u32 s24, s0  }
0x8f: {  	s28 =	spop (v2sf);
	s0 =	sshrl.u32 s0, $0x3  }
0x90: {  	s25 =	simm.s32 $0xC80;
	s29 =	spop (v2sf);
	s0 =	sadd.s32 s1, s0  }
0x91: {  	(v2sf) =	vpush v4, $0x7;
	[tilespmem:s25], [sflag:$0x1] =	stream.linear.gather [hbm4b:s0+s4], $0x10, $0x38;
	[tilespmem:$0x2900] =	vst v63  }
0x92: {  	(v2sf) =	vpush v3, $0xB;
	s0 =	sadd.s32 s28, s29  }
0x93: {  	[dreg:$0x13] =	wrdreg s31;
	(v2sf) =	vpush v4, $0x6;
	s31 =	sshll.u32 s26, $0x3;
	s2 =	sshll.u32 s0, $0xA  }
0x94: {  	s3 =	sand.u32 $0xFFFFFC00, s31;
	s0 =	sshll.u32 s0, $0x7;
	s2 =	sand.u32 $0xFFFFE000, s2  }
0x95: {  	s0 =	sand.u32 $0x380, s0;
	s2 =	sadd.s32 s3, s2  }
0x96: {  	s3 =	sand.u32 $0x70, s26;
	s0 =	sor.u32 s0, s2  }
0x97: {  	[dreg:$0xe] =	wrdreg s6;
	s6 =	spop (v2sf);
	s0 =	sor.u32 s3, s0  }
0x98: {  	s7 =	spop (v2sf);
	s0 =	sshrl.u32 s0, $0x3  }
0x99: {  	s5 =	simm.s32 $0xD00;
	s8 =	spop (v2sf);
	s0 =	sadd.s32 s1, s0  }
0x9a: {  	(v2sf) =	vpush v4, $0x9;
	[tilespmem:s5], [sflag:$0x1] =	stream.linear.gather [hbm4b:s0+s4], $0x10, $0x38;
	[tilespmem:$0x2900] =	vst v63  }
0x9b: {  	(v2sf) =	vpush v3, $0xC;
	s0 =	sadd.s32 s7, s8  }
0x9c: {  	(v2sf) =	vpush v4, $0x8;
	s9 =	sshll.u32 s6, $0x3;
	s2 =	sshll.u32 s0, $0xA  }
0x9d: {  	s3 =	sand.u32 $0xFFFFFC00, s9;
	s0 =	sshll.u32 s0, $0x7;
	s2 =	sand.u32 $0xFFFFE000, s2  }
0x9e: {  	s0 =	sand.u32 $0x380, s0;
	s2 =	sadd.s32 s3, s2  }
0x9f: {  	s10 =	sand.u32 $0x70, s6;
	s0 =	sor.u32 s0, s2  }
0xa0: {  	[dreg:$0x14] =	wrdreg s12;
	s12 =	spop (v2sf);
	s0 =	sor.u32 s10, s0  }
0xa1: {  	s13 =	spop (v2sf);
	s0 =	sshrl.u32 s0, $0x3  }
0xa2: {  	s11 =	simm.s32 $0xD80;
	s14 =	spop (v2sf);
	s0 =	sadd.s32 s1, s0  }
0xa3: {  	(v2sf) =	vpush v4, $0xB;
	[tilespmem:s11], [sflag:$0x1] =	stream.linear.gather [hbm4b:s0+s4], $0x10, $0x38;
	[tilespmem:$0x2900] =	vst v63  }
0xa4: {  	(v2sf) =	vpush v3, $0xD;
	s0 =	sadd.s32 s13, s14  }
0xa5: {  	(v2sf) =	vpush v4, $0xA;
	s15 =	sshll.u32 s12, $0x3;
	s2 =	sshll.u32 s0, $0xA  }
0xa6: {  	s3 =	sand.u32 $0xFFFFFC00, s15;
	s0 =	sshll.u32 s0, $0x7;
	s2 =	sand.u32 $0xFFFFE000, s2  }
0xa7: {  	s0 =	sand.u32 $0x380, s0;
	s2 =	sadd.s32 s3, s2  }
0xa8: {  	s16 =	sand.u32 $0x70, s12;
	s0 =	sor.u32 s0, s2  }
0xa9: {  	[dreg:$0x15] =	wrdreg s18;
	s18 =	spop (v2sf);
	s0 =	sor.u32 s16, s0  }
0xaa: {  	s19 =	spop (v2sf);
	s0 =	sshrl.u32 s0, $0x3  }
0xab: {  	s17 =	simm.s32 $0xE00;
	s20 =	spop (v2sf);
	s0 =	sadd.s32 s1, s0  }
0xac: {  	(v2sf) =	vpush v4, $0xD;
	[tilespmem:s17], [sflag:$0x1] =	stream.linear.gather [hbm4b:s0+s4], $0x10, $0x38;
	[tilespmem:$0x2900] =	vst v63  }
0xad: {  	(v2sf) =	vpush v3, $0xE;
	s0 =	sadd.s32 s19, s20  }
0xae: {  	(v2sf) =	vpush v4, $0xC;
	s23 =	sshll.u32 s18, $0x3;
	s2 =	sshll.u32 s0, $0xA  }
0xaf: {  	s3 =	sand.u32 $0xFFFFFC00, s23;
	s0 =	sshll.u32 s0, $0x7;
	s2 =	sand.u32 $0xFFFFE000, s2  }
0xb0: {  	s0 =	sand.u32 $0x380, s0;
	s2 =	sadd.s32 s3, s2  }
0xb1: {  	s24 =	sand.u32 $0x70, s18;
	s0 =	sor.u32 s0, s2  }
0xb2: {  	[dreg:$0x16] =	wrdreg s26;
	s26 =	spop (v2sf);
	s0 =	sor.u32 s24, s0  }
0xb3: {  	s28 =	spop (v2sf);
	s0 =	sshrl.u32 s0, $0x3  }
0xb4: {  	s25 =	simm.s32 $0xE80;
	s29 =	spop (v2sf);
	s0 =	sadd.s32 s1, s0  }
0xb5: {  	(v2sf) =	vpush v4, $0xF;
	[tilespmem:s25], [sflag:$0x1] =	stream.linear.gather [hbm4b:s0+s4], $0x10, $0x38;
	[tilespmem:$0x2900] =	vst v63  }
0xb6: {  	(v2sf) =	vpush v3, $0xF;
	s0 =	sadd.s32 s28, s29  }
0xb7: {  	(v2sf) =	vpush v4, $0xE;
	s31 =	sshll.u32 s26, $0x3;
	s2 =	sshll.u32 s0, $0xA  }
0xb8: {  	s3 =	sand.u32 $0xFFFFFC00, s31;
	s0 =	sshll.u32 s0, $0x7;
	s2 =	sand.u32 $0xFFFFE000, s2  }
0xb9: {  	s0 =	sand.u32 $0x380, s0;
	s2 =	sadd.s32 s3, s2  }
0xba: {  	[dreg:$0x17] =	wrdreg s6;
	s6 =	sand.u32 $0x70, s26;
	s0 =	sor.u32 s0, s2  }
0xbb: {  	s8 =	spop (v2sf);
	s0 =	sor.u32 s6, s0  }
0xbc: {  	s9 =	spop (v2sf);
	s0 =	sshrl.u32 s0, $0x3  }
0xbd: {  	s7 =	simm.s32 $0xF00;
	s10 =	spop (v2sf);
	s0 =	sadd.s32 s1, s0  }
0xbe: {  	[tilespmem:s7], [sflag:$0x1] =	stream.linear.gather [hbm4b:s0+s4], $0x10, $0x38;
	[tilespmem:$0x2900] =	vst v63  }
0xbf: {  	s0 =	sadd.s32 s9, s10  }
0xc0: {  	s11 =	sshll.u32 s8, $0x3;
	s2 =	sshll.u32 s0, $0xA  }
0xc1: {  	s3 =	sand.u32 $0xFFFFFC00, s11;
	s0 =	sshll.u32 s0, $0x7;
	s2 =	sand.u32 $0xFFFFE000, s2  }
0xc2: {  	s0 =	sand.u32 $0x380, s0;
	s2 =	sadd.s32 s3, s2  }
0xc3: {  	[dreg:$0x18] =	wrdreg s12;
	s12 =	sand.u32 $0x70, s8;
	s0 =	sor.u32 s0, s2  }
0xc4: {  	s14 =	spop (v2sf);
	s0 =	sor.u32 s12, s0  }
0xc5: {  	s15 =	spop (v2sf);
	s0 =	sshrl.u32 s0, $0x3  }
0xc6: {  	s13 =	simm.s32 $0xF80;
	s16 =	spop (v2sf);
	s0 =	sadd.s32 s1, s0  }
0xc7: {  	[tilespmem:s13], [sflag:$0x1] =	stream.linear.gather [hbm4b:s0+s4], $0x10, $0x38;
	[tilespmem:$0x2900] =	vst v63  }
0xc8: {  	s0 =	sadd.s32 s15, s16  }
0xc9: {  	s17 =	sshll.u32 s14, $0x3;
	s2 =	sshll.u32 s0, $0xA  }
0xca: {  	s3 =	sand.u32 $0xFFFFFC00, s17;
	s0 =	sshll.u32 s0, $0x7;
	s2 =	sand.u32 $0xFFFFE000, s2  }
0xcb: {  	s0 =	sand.u32 $0x380, s0;
	s2 =	sadd.s32 s3, s2  }
0xcc: {  	[dreg:$0x19] =	wrdreg s18;
	s18 =	sand.u32 $0x70, s14;
	s0 =	sor.u32 s0, s2  }
0xcd: {  	s0 =	sor.u32 s18, s0  }
0xce: {  	s0 =	sshrl.u32 s0, $0x3  }
0xcf: {  	s5 =	rddreg [dreg:$0x8];
	s19 =	simm.s32 $0x1000;
	s0 =	sadd.s32 s1, s0  }
0xd0: {  	[tilespmem:s19], [sflag:$0x1] =	stream.linear.gather [hbm4b:s0+s4], $0x10, $0x38;
	[tilespmem:$0x2900] =	vst v63  }
0xd1: {  	v3 =	vld [tilespmem:s5+$0x0];
	_ =	sdelay $0x4  }
0xd2: {  	v61 =	vadd.f32 $1.000000000e+00, v3;
	_ =	sdelay $0x1  }
0xd3: {  	v4 =	vmul.f32 $5.120000000e+02, v61;
	_ =	sdelay $0x1  }
0xd4: {  	s20 =	rddreg [dreg:$0xb];
	v4 =	vtrunc.f32 v4  }
0xd5: {  	v6 =	vld [tilespmem:s20+$0x580];
	v4 =	vcvt.f32.s32 v4;
	_ =	sdelay $0x1  }
0xd6: {  	vm7 =	vlt.s32 v4, $0x3FF  }
0xd7: {  	v4 =	vnsel vm7, $0x3FF, v4  }
0xd8: {  	(v2sf) =	vpush v4, $0x1  }
0xd9: {  	(v2sf) =	vpush v6, $0x0  }
0xda: {  	(v2sf) =	vpush v4, $0x0;
	_ =	sdelay $0x5  }
0xdb: {  	(v2sf) =	vpush v4, $0x3  }
0xdc: {  	(v2sf) =	vpush v6, $0x1  }
0xdd: {  	(v2sf) =	vpush v4, $0x2;
	_ =	sdelay $0x4  }
0xde: {  	s23 =	spop (v2sf)  }
0xdf: {  	s24 =	spop (v2sf)  }
0xe0: {  	(v2sf) =	vpush v4, $0x5;
	s25 =	spop (v2sf)  }
0xe1: {  	(v2sf) =	vpush v6, $0x2;
	s0 =	sadd.s32 s24, s25  }
0xe2: {  	[dreg:$0x1a] =	wrdreg s26;
	(v2sf) =	vpush v4, $0x4;
	s26 =	sshll.u32 s23, $0x3;
	s2 =	sshll.u32 s0, $0xA  }
0xe3: {  	s3 =	sand.u32 $0xFFFFFC00, s26;
	s0 =	sshll.u32 s0, $0x7;
	s2 =	sand.u32 $0xFFFFE000, s2  }
0xe4: {  	s0 =	sand.u32 $0x380, s0;
	s2 =	sadd.s32 s3, s2  }
0xe5: {  	s28 =	sand.u32 $0x70, s23;
	s0 =	sor.u32 s0, s2  }
0xe6: {  	s31 =	spop (v2sf);
	s0 =	sor.u32 s28, s0  }
0xe7: {  	[dreg:$0x1b] =	wrdreg s8;
	s7 =	spop (v2sf);
	s0 =	sshrl.u32 s0, $0x3  }
0xe8: {  	s29 =	simm.s32 $0x1080;
	s8 =	spop (v2sf);
	s0 =	sadd.s32 s1, s0  }
0xe9: {  	(v2sf) =	vpush v4, $0x7;
	[tilespmem:s29], [sflag:$0x1] =	stream.linear.gather [hbm4b:s0+s4], $0x10, $0x38;
	[tilespmem:$0x2900] =	vst v63  }
0xea: {  	(v2sf) =	vpush v6, $0x3;
	s0 =	sadd.s32 s7, s8  }
0xeb: {  	(v2sf) =	vpush v4, $0x6;
	s9 =	sshll.u32 s31, $0x3;
	s2 =	sshll.u32 s0, $0xA  }
0xec: {  	s3 =	sand.u32 $0xFFFFFC00, s9;
	s0 =	sshll.u32 s0, $0x7;
	s2 =	sand.u32 $0xFFFFE000, s2  }
0xed: {  	s0 =	sand.u32 $0x380, s0;
	s2 =	sadd.s32 s3, s2  }
0xee: {  	s10 =	sand.u32 $0x70, s31;
	s0 =	sor.u32 s0, s2  }
0xef: {  	s12 =	spop (v2sf);
	s0 =	sor.u32 s10, s0  }
0xf0: {  	[dreg:$0x1c] =	wrdreg s14;
	s13 =	spop (v2sf);
	s0 =	sshrl.u32 s0, $0x3  }
0xf1: {  	s11 =	simm.s32 $0x1100;
	s14 =	spop (v2sf);
	s0 =	sadd.s32 s1, s0  }
0xf2: {  	(v2sf) =	vpush v4, $0x9;
	[tilespmem:s11], [sflag:$0x1] =	stream.linear.gather [hbm4b:s0+s4], $0x10, $0x38;
	[tilespmem:$0x2900] =	vst v63  }
0xf3: {  	(v2sf) =	vpush v6, $0x4;
	s0 =	sadd.s32 s13, s14  }
0xf4: {  	(v2sf) =	vpush v4, $0x8;
	s15 =	sshll.u32 s12, $0x3;
	s2 =	sshll.u32 s0, $0xA  }
0xf5: {  	s3 =	sand.u32 $0xFFFFFC00, s15;
	s0 =	sshll.u32 s0, $0x7;
	s2 =	sand.u32 $0xFFFFE000, s2  }
0xf6: {  	s0 =	sand.u32 $0x380, s0;
	s2 =	sadd.s32 s3, s2  }
0xf7: {  	s16 =	sand.u32 $0x70, s12;
	s0 =	sor.u32 s0, s2  }
0xf8: {  	s18 =	spop (v2sf);
	s0 =	sor.u32 s16, s0  }
0xf9: {  	s19 =	spop (v2sf);
	s0 =	sshrl.u32 s0, $0x3  }
0xfa: {  	s17 =	simm.s32 $0x1180;
	s20 =	spop (v2sf);
	s0 =	sadd.s32 s1, s0  }
0xfb: {  	(v2sf) =	vpush v4, $0xB;
	[tilespmem:s17], [sflag:$0x1] =	stream.linear.gather [hbm4b:s0+s4], $0x10, $0x38;
	[tilespmem:$0x2900] =	vst v63  }
0xfc: {  	(v2sf) =	vpush v6, $0x5;
	s0 =	sadd.s32 s19, s20  }
0xfd: {  	[dreg:$0x1d] =	wrdreg s23;
	(v2sf) =	vpush v4, $0xA;
	s23 =	sshll.u32 s18, $0x3;
	s2 =	sshll.u32 s0, $0xA  }
0xfe: {  	s3 =	sand.u32 $0xFFFFFC00, s23;
	s0 =	sshll.u32 s0, $0x7;
	s2 =	sand.u32 $0xFFFFE000, s2  }
0xff: {  	s0 =	sand.u32 $0x380, s0;
	s2 =	sadd.s32 s3, s2  }
0x100: {  	s24 =	sand.u32 $0x70, s18;
	s0 =	sor.u32 s0, s2  }
0x101: {  	s26 =	spop (v2sf);
	s0 =	sor.u32 s24, s0  }
0x102: {  	s28 =	spop (v2sf);
	s0 =	sshrl.u32 s0, $0x3  }
0x103: {  	s25 =	simm.s32 $0x1200;
	s29 =	spop (v2sf);
	s0 =	sadd.s32 s1, s0  }
0x104: {  	(v2sf) =	vpush v4, $0xD;
	[tilespmem:s25], [sflag:$0x1] =	stream.linear.gather [hbm4b:s0+s4], $0x10, $0x38;
	[tilespmem:$0x2900] =	vst v63  }
0x105: {  	(v2sf) =	vpush v6, $0x6;
	s0 =	sadd.s32 s28, s29  }
0x106: {  	[dreg:$0x1f] =	wrdreg s31;
	(v2sf) =	vpush v4, $0xC;
	s31 =	sshll.u32 s26, $0x3;
	s2 =	sshll.u32 s0, $0xA  }
0x107: {  	s3 =	sand.u32 $0xFFFFFC00, s31;
	s0 =	sshll.u32 s0, $0x7;
	s2 =	sand.u32 $0xFFFFE000, s2  }
0x108: {  	s0 =	sand.u32 $0x380, s0;
	s2 =	sadd.s32 s3, s2  }
0x109: {  	s7 =	sand.u32 $0x70, s26;
	s0 =	sor.u32 s0, s2  }
0x10a: {  	s9 =	spop (v2sf);
	s0 =	sor.u32 s7, s0  }
0x10b: {  	s10 =	spop (v2sf);
	s0 =	sshrl.u32 s0, $0x3  }
0x10c: {  	s8 =	simm.s32 $0x1280;
	s11 =	spop (v2sf);
	s0 =	sadd.s32 s1, s0  }
0x10d: {  	(v2sf) =	vpush v4, $0xF;
	[tilespmem:s8], [sflag:$0x1] =	stream.linear.gather [hbm4b:s0+s4], $0x10, $0x38;
	[tilespmem:$0x2900] =	vst v63  }
0x10e: {  	(v2sf) =	vpush v6, $0x7;
	s0 =	sadd.s32 s10, s11  }
0x10f: {  	[dreg:$0x1e] =	wrdreg s12;
	(v2sf) =	vpush v4, $0xE;
	s12 =	sshll.u32 s9, $0x3;
	s2 =	sshll.u32 s0, $0xA  }
0x110: {  	s3 =	sand.u32 $0xFFFFFC00, s12;
	s0 =	sshll.u32 s0, $0x7;
	s2 =	sand.u32 $0xFFFFE000, s2  }
0x111: {  	s0 =	sand.u32 $0x380, s0;
	s2 =	sadd.s32 s3, s2  }
0x112: {  	s13 =	sand.u32 $0x70, s9;
	s0 =	sor.u32 s0, s2  }
0x113: {  	s15 =	spop (v2sf);
	s0 =	sor.u32 s13, s0  }
0x114: {  	s16 =	spop (v2sf);
	s0 =	sshrl.u32 s0, $0x3  }
0x115: {  	s14 =	simm.s32 $0x1300;
	s17 =	spop (v2sf);
	s0 =	sadd.s32 s1, s0  }
0x116: {  	[tilespmem:s14], [sflag:$0x1] =	stream.linear.gather [hbm4b:s0+s4], $0x10, $0x38;
	[tilespmem:$0x2900] =	vst v63  }
0x117: {  	s0 =	sadd.s32 s16, s17  }
0x118: {  	[smem:$0x7F2] =	sst s18;
	s18 =	sshll.u32 s15, $0x3;
	s2 =	sshll.u32 s0, $0xA  }
0x119: {  	s3 =	sand.u32 $0xFFFFFC00, s18;
	s0 =	sshll.u32 s0, $0x7;
	s2 =	sand.u32 $0xFFFFE000, s2  }
0x11a: {  	s0 =	sand.u32 $0x380, s0;
	s2 =	sadd.s32 s3, s2  }
0x11b: {  	s19 =	sand.u32 $0x70, s15;
	s0 =	sor.u32 s0, s2  }
0x11c: {  	s23 =	spop (v2sf);
	s0 =	sor.u32 s19, s0  }
0x11d: {  	s24 =	spop (v2sf);
	s0 =	sshrl.u32 s0, $0x3  }
0x11e: {  	s20 =	simm.s32 $0x1380;
	s25 =	spop (v2sf);
	s0 =	sadd.s32 s1, s0  }
0x11f: {  	[tilespmem:s20], [sflag:$0x1] =	stream.linear.gather [hbm4b:s0+s4], $0x10, $0x38;
	[tilespmem:$0x2900] =	vst v63  }
0x120: {  	s0 =	sadd.s32 s24, s25  }
0x121: {  	[smem:$0x7F3] =	sst s26;
	s26 =	sshll.u32 s23, $0x3;
	s2 =	sshll.u32 s0, $0xA  }
0x122: {  	s3 =	sand.u32 $0xFFFFFC00, s26;
	s0 =	sshll.u32 s0, $0x7;
	s2 =	sand.u32 $0xFFFFE000, s2  }
0x123: {  	s0 =	sand.u32 $0x380, s0;
	s2 =	sadd.s32 s3, s2  }
0x124: {  	s28 =	sand.u32 $0x70, s23;
	s0 =	sor.u32 s0, s2  }
0x125: {  	s0 =	sor.u32 s28, s0  }
0x126: {  	s0 =	sshrl.u32 s0, $0x3  }
0x127: {  	s29 =	simm.s32 $0x1400;
	s0 =	sadd.s32 s1, s0  }
0x128: {  	[tilespmem:s29], [sflag:$0x1] =	stream.linear.gather [hbm4b:s0+s4], $0x10, $0x38;
	[tilespmem:$0x2900] =	vst v63  }
0x129: {  	v62 =	vld [tilespmem:s5+$0x10];
	_ =	sdelay $0x4  }
0x12a: {  	v5 =	vadd.f32 $1.000000000e+00, v62;
	_ =	sdelay $0x1  }
0x12b: {  	v5 =	vmul.f32 $5.120000000e+02, v5;
	_ =	sdelay $0x1  }
0x12c: {  	v5 =	vtrunc.f32 v5  }
0x12d: {  	v5 =	vcvt.f32.s32 v5;
	_ =	sdelay $0x1  }
0x12e: {  	vm8 =	vlt.s32 v5, $0x3FF  }
0x12f: {  	v7 =	vnsel vm8, $0x3FF, v5  }
0x130: {  	(v2sf) =	vpush v7, $0x1  }
0x131: {  	(v2sf) =	vpush v6, $0x8  }
0x132: {  	(v2sf) =	vpush v7, $0x0;
	_ =	sdelay $0x5  }
0x133: {  	(v2sf) =	vpush v7, $0x3  }
0x134: {  	(v2sf) =	vpush v6, $0x9  }
0x135: {  	(v2sf) =	vpush v7, $0x2;
	_ =	sdelay $0x4  }
0x136: {  	s31 =	spop (v2sf)  }
0x137: {  	s2 =	spop (v2sf)  }
0x138: {  	(v2sf) =	vpush v7, $0x5;
	s3 =	spop (v2sf)  }
0x139: {  	(v2sf) =	vpush v6, $0xA;
	s0 =	sadd.s32 s2, s3  }
0x13a: {  	(v2sf) =	vpush v7, $0x4;
	s6 =	sshll.u32 s31, $0x3;
	s2 =	sshll.u32 s0, $0xA  }
0x13b: {  	s3 =	sand.u32 $0xFFFFFC00, s6;
	s0 =	sshll.u32 s0, $0x7;
	s2 =	sand.u32 $0xFFFFE000, s2  }
0x13c: {  	s0 =	sand.u32 $0x380, s0;
	s2 =	sadd.s32 s3, s2  }
0x13d: {  	s7 =	sand.u32 $0x70, s31;
	s0 =	sor.u32 s0, s2  }
0x13e: {  	[smem:$0x7F4] =	sst s9;
	s9 =	spop (v2sf);
	s0 =	sor.u32 s7, s0  }
0x13f: {  	s10 =	spop (v2sf);
	s0 =	sshrl.u32 s0, $0x3  }
0x140: {  	s8 =	simm.s32 $0x1480;
	s11 =	spop (v2sf);
	s0 =	sadd.s32 s1, s0  }
0x141: {  	(v2sf) =	vpush v7, $0x7;
	[tilespmem:s8], [sflag:$0x1] =	stream.linear.gather [hbm4b:s0+s4], $0x10, $0x38;
	[tilespmem:$0x2900] =	vst v63  }
0x142: {  	(v2sf) =	vpush v6, $0xB;
	s0 =	sadd.s32 s10, s11  }
0x143: {  	(v2sf) =	vpush v7, $0x6;
	s12 =	sshll.u32 s9, $0x3;
	s2 =	sshll.u32 s0, $0xA  }
0x144: {  	s3 =	sand.u32 $0xFFFFFC00, s12;
	s0 =	sshll.u32 s0, $0x7;
	s2 =	sand.u32 $0xFFFFE000, s2  }
0x145: {  	s0 =	sand.u32 $0x380, s0;
	s2 =	sadd.s32 s3, s2  }
0x146: {  	s13 =	sand.u32 $0x70, s9;
	s0 =	sor.u32 s0, s2  }
0x147: {  	[smem:$0x7F5] =	sst s15;
	s15 =	spop (v2sf);
	s0 =	sor.u32 s13, s0  }
0x148: {  	s16 =	spop (v2sf);
	s0 =	sshrl.u32 s0, $0x3  }
0x149: {  	s14 =	simm.s32 $0x1500;
	s17 =	spop (v2sf);
	s0 =	sadd.s32 s1, s0  }
0x14a: {  	(v2sf) =	vpush v7, $0x9;
	[tilespmem:s14], [sflag:$0x1] =	stream.linear.gather [hbm4b:s0+s4], $0x10, $0x38;
	[tilespmem:$0x2900] =	vst v63  }
0x14b: {  	(v2sf) =	vpush v6, $0xC;
	s0 =	sadd.s32 s16, s17  }
0x14c: {  	(v2sf) =	vpush v7, $0x8;
	s18 =	sshll.u32 s15, $0x3;
	s2 =	sshll.u32 s0, $0xA  }
0x14d: {  	s3 =	sand.u32 $0xFFFFFC00, s18;
	s0 =	sshll.u32 s0, $0x7;
	s2 =	sand.u32 $0xFFFFE000, s2  }
0x14e: {  	s0 =	sand.u32 $0x380, s0;
	s2 =	sadd.s32 s3, s2  }
0x14f: {  	s19 =	sand.u32 $0x70, s15;
	s0 =	sor.u32 s0, s2  }
0x150: {  	[smem:$0x7F6] =	sst s23;
	s23 =	spop (v2sf);
	s0 =	sor.u32 s19, s0  }
0x151: {  	s24 =	spop (v2sf);
	s0 =	sshrl.u32 s0, $0x3  }
0x152: {  	s20 =	simm.s32 $0x1580;
	s25 =	spop (v2sf);
	s0 =	sadd.s32 s1, s0  }
0x153: {  	(v2sf) =	vpush v7, $0xB;
	[tilespmem:s20], [sflag:$0x1] =	stream.linear.gather [hbm4b:s0+s4], $0x10, $0x38;
	[tilespmem:$0x2900] =	vst v63  }
0x154: {  	(v2sf) =	vpush v6, $0xD;
	s0 =	sadd.s32 s24, s25  }
0x155: {  	(v2sf) =	vpush v7, $0xA;
	s26 =	sshll.u32 s23, $0x3;
	s2 =	sshll.u32 s0, $0xA  }
0x156: {  	s3 =	sand.u32 $0xFFFFFC00, s26;
	s0 =	sshll.u32 s0, $0x7;
	s2 =	sand.u32 $0xFFFFE000, s2  }
0x157: {  	s0 =	sand.u32 $0x380, s0;
	s2 =	sadd.s32 s3, s2  }
0x158: {  	s28 =	sand.u32 $0x70, s23;
	s0 =	sor.u32 s0, s2  }
0x159: {  	[smem:$0x7F7] =	sst s31;
	s31 =	spop (v2sf);
	s0 =	sor.u32 s28, s0  }
0x15a: {  	s6 =	spop (v2sf);
	s0 =	sshrl.u32 s0, $0x3  }
0x15b: {  	s29 =	simm.s32 $0x1600;
	s7 =	spop (v2sf);
	s0 =	sadd.s32 s1, s0  }
0x15c: {  	[tilespmem:s29], [sflag:$0x1] =	stream.linear.gather [hbm4b:s0+s4], $0x10, $0x38;
	[tilespmem:$0x2900] =	vst v63  }
0x15d: {  	s0 =	sadd.s32 s6, s7  }
0x15e: {  	(v2sf) =	vpush v7, $0xD;
	s8 =	sshll.u32 s31, $0x3;
	s2 =	sshll.u32 s0, $0xA  }
0x15f: {  	s3 =	sand.u32 $0xFFFFFC00, s8;
	s0 =	sshll.u32 s0, $0x7;
	s2 =	sand.u32 $0xFFFFE000, s2  }
0x160: {  	s0 =	sand.u32 $0x380, s0;
	s2 =	sadd.s32 s3, s2  }
0x161: {  	[smem:$0x7F8] =	sst s9;
	(v2sf) =	vpush v6, $0xE;
	s9 =	sand.u32 $0x70, s31;
	s0 =	sor.u32 s0, s2  }
0x162: {  	(v2sf) =	vpush v7, $0xC;
	s11 =	spop (v2sf);
	s0 =	sor.u32 s9, s0  }
0x163: {  	(erf) = vrcp.f32 v1;
	s12 =	spop (v2sf);
	s0 =	sshrl.u32 s0, $0x3  }
0x164: {  	(erf) = vrcp.f32 v2;
	s10 =	simm.s32 $0x1680;
	s13 =	spop (v2sf);
	s0 =	sadd.s32 s1, s0  }
0x165: {  	(erf) = vrcp.f32 v3;
	[tilespmem:s10], [sflag:$0x1] =	stream.linear.gather [hbm4b:s0+s4], $0x10, $0x38;
	[tilespmem:$0x2900] =	vst v63  }
0x166: {  	(erf) = vrcp.f32 v62;
	s0 =	sadd.s32 s12, s13  }
0x167: {  	s14 =	sshll.u32 s11, $0x3;
	s2 =	sshll.u32 s0, $0xA  }
0x168: {  	(v2sf) =	vpush v7, $0xF;
	s3 =	sand.u32 $0xFFFFFC00, s14;
	s0 =	sshll.u32 s0, $0x7;
	s2 =	sand.u32 $0xFFFFE000, s2  }
0x169: {  	[smem:$0x7F9] =	sst s15;
	(v2sf) =	vpush v6, $0xF;
	s0 =	sand.u32 $0x380, s0;
	s2 =	sadd.s32 s3, s2  }
0x16a: {  	[smem:$0x7FA] =	sst s23;
	(v2sf) =	vpush v7, $0xE;
	s15 =	sand.u32 $0x70, s11;
	s0 =	sor.u32 s0, s2  }
0x16b: {  	[smem:$0x7FB] =	sst s31;
	s0 =	sor.u32 s15, s0  }
0x16c: {  	v10 =	vpop (erf);
	[smem:$0x7FC] =	sst s11;
	s0 =	sshrl.u32 s0, $0x3  }
0x16d: {  	v9 =	vpop (erf);
	s16 =	simm.s32 $0x1700;
	s17 =	spop (v2sf);
	s0 =	sadd.s32 s1, s0  }
0x16e: {  	v8 =	vpop (erf);
	[tilespmem:s16], [sflag:$0x1] =	stream.linear.gather [hbm4b:s0+s4], $0x10, $0x38;
	[tilespmem:$0x2900] =	vst v63  }
0x16f: {  	v63 =	vpop (erf);
	[smem:$0x7FD] =	sst s17  }
0x170: {  	s18 =	spop (v2sf)  }
0x171: {  	s19 =	spop (v2sf)  }
0x172: {  	s0 =	sadd.s32 s18, s19  }
0x173: {  	s20 =	sshll.u32 s17, $0x3;
	s2 =	sshll.u32 s0, $0xA  }
0x174: {  	s3 =	sand.u32 $0xFFFFFC00, s20;
	s0 =	sshll.u32 s0, $0x7;
	s2 =	sand.u32 $0xFFFFE000, s2  }
0x175: {  	s0 =	sand.u32 $0x380, s0;
	s2 =	sadd.s32 s3, s2  }
0x176: {  	s23 =	sand.u32 $0x70, s17;
	s0 =	sor.u32 s0, s2  }
0x177: {  	s20 =	spop (v2sf);
	s0 =	sor.u32 s23, s0  }
0x178: {  	s25 =	spop (v2sf);
	s0 =	sshrl.u32 s0, $0x3  }
0x179: {  	s24 =	simm.s32 $0x1780;
	s26 =	spop (v2sf);
	s0 =	sadd.s32 s1, s0  }
0x17a: {  	[tilespmem:s24], [sflag:$0x1] =	stream.linear.gather [hbm4b:s0+s4], $0x10, $0x38;
	[tilespmem:$0x2900] =	vst v63  }
0x17b: {  	s0 =	sadd.s32 s25, s26  }
0x17c: {  	s28 =	sshll.u32 s20, $0x3;
	s2 =	sshll.u32 s0, $0xA  }
0x17d: {  	s3 =	sand.u32 $0xFFFFFC00, s28;
	s0 =	sshll.u32 s0, $0x7;
	s2 =	sand.u32 $0xFFFFE000, s2  }
0x17e: {  	s0 =	sand.u32 $0x380, s0;
	s2 =	sadd.s32 s3, s2  }
0x17f: {  	s29 =	sand.u32 $0x70, s20;
	s0 =	sor.u32 s0, s2  }
0x180: {  	s0 =	sor.u32 s29, s0  }
0x181: {  	s0 =	sshrl.u32 s0, $0x3  }
0x182: {  	s31 =	simm.s32 $0x1800;
	s5 =	rddreg [dreg:$0x9];
	s0 =	sadd.s32 s1, s0  }
0x183: {  	[tilespmem:s31], [sflag:$0x1] =	stream.linear.gather [hbm4b:s0+s4], $0x10, $0x38;
	[tilespmem:$0x2900] =	vst v63  }
0x184: {  	v6 =	vld [tilespmem:s5+$0x0];
	_ =	sdelay $0x4  }
0x185: {  	v28 =	vadd.f32 $1.000000000e+00, v6;
	_ =	sdelay $0x1  }
0x186: {  	v7 =	vmul.f32 $5.120000000e+02, v28;
	_ =	sdelay $0x1  }
0x187: {  	s2 =	rddreg [dreg:$0xc];
	v7 =	vtrunc.f32 v7  }
0x188: {  	v11 =	vld [tilespmem:s2+$0x580];
	v7 =	vcvt.f32.s32 v7;
	_ =	sdelay $0x1  }
0x189: {  	vm9 =	vlt.s32 v7, $0x3FF  }
0x18a: {  	v7 =	vnsel vm9, $0x3FF, v7  }
0x18b: {  	(v2sf) =	vpush v7, $0x1  }
0x18c: {  	(v2sf) =	vpush v11, $0x0  }
0x18d: {  	(v2sf) =	vpush v7, $0x0;
	_ =	sdelay $0x5  }
0x18e: {  	(v2sf) =	vpush v7, $0x3  }
0x18f: {  	(v2sf) =	vpush v11, $0x1  }
0x190: {  	(v2sf) =	vpush v7, $0x2;
	_ =	sdelay $0x4  }
0x191: {  	s19 =	spop (v2sf)  }
0x192: {  	s3 =	spop (v2sf)  }
0x193: {  	(v2sf) =	vpush v7, $0x5;
	s6 =	spop (v2sf)  }
0x194: {  	(v2sf) =	vpush v11, $0x2;
	s0 =	sadd.s32 s3, s6  }
0x195: {  	(v2sf) =	vpush v7, $0x4;
	s7 =	sshll.u32 s19, $0x3;
	s2 =	sshll.u32 s0, $0xA  }
0x196: {  	s3 =	sand.u32 $0xFFFFFC00, s7;
	s0 =	sshll.u32 s0, $0x7;
	s2 =	sand.u32 $0xFFFFE000, s2  }
0x197: {  	s0 =	sand.u32 $0x380, s0;
	s2 =	sadd.s32 s3, s2  }
0x198: {  	s8 =	sand.u32 $0x70, s19;
	s0 =	sor.u32 s0, s2  }
0x199: {  	s18 =	spop (v2sf);
	s0 =	sor.u32 s8, s0  }
0x19a: {  	s10 =	spop (v2sf);
	s0 =	sshrl.u32 s0, $0x3  }
0x19b: {  	s9 =	simm.s32 $0x1880;
	s11 =	spop (v2sf);
	s0 =	sadd.s32 s1, s0  }
0x19c: {  	(v2sf) =	vpush v7, $0x7;
	[tilespmem:s9], [sflag:$0x1] =	stream.linear.gather [hbm4b:s0+s4], $0x10, $0x38;
	[tilespmem:$0x2900] =	vst v63  }
0x19d: {  	(v2sf) =	vpush v11, $0x3;
	s0 =	sadd.s32 s10, s11  }
0x19e: {  	(v2sf) =	vpush v7, $0x6;
	s12 =	sshll.u32 s18, $0x3;
	s2 =	sshll.u32 s0, $0xA  }
0x19f: {  	s3 =	sand.u32 $0xFFFFFC00, s12;
	s0 =	sshll.u32 s0, $0x7;
	s2 =	sand.u32 $0xFFFFE000, s2  }
0x1a0: {  	s0 =	sand.u32 $0x380, s0;
	s2 =	sadd.s32 s3, s2  }
0x1a1: {  	s13 =	sand.u32 $0x70, s18;
	s0 =	sor.u32 s0, s2  }
0x1a2: {  	s17 =	spop (v2sf);
	s0 =	sor.u32 s13, s0  }
0x1a3: {  	s15 =	spop (v2sf);
	s0 =	sshrl.u32 s0, $0x3  }
0x1a4: {  	s14 =	simm.s32 $0x1900;
	s16 =	spop (v2sf);
	s0 =	sadd.s32 s1, s0  }
0x1a5: {  	(v2sf) =	vpush v7, $0x9;
	[tilespmem:s14], [sflag:$0x1] =	stream.linear.gather [hbm4b:s0+s4], $0x10, $0x38;
	[tilespmem:$0x2900] =	vst v63  }
0x1a6: {  	(v2sf) =	vpush v11, $0x4;
	s0 =	sadd.s32 s15, s16  }
0x1a7: {  	(v2sf) =	vpush v7, $0x8;
	s23 =	sshll.u32 s17, $0x3;
	s2 =	sshll.u32 s0, $0xA  }
0x1a8: {  	s3 =	sand.u32 $0xFFFFFC00, s23;
	s0 =	sshll.u32 s0, $0x7;
	s2 =	sand.u32 $0xFFFFE000, s2  }
0x1a9: {  	s0 =	sand.u32 $0x380, s0;
	s2 =	sadd.s32 s3, s2  }
0x1aa: {  	s24 =	sand.u32 $0x70, s17;
	s0 =	sor.u32 s0, s2  }
0x1ab: {  	s16 =	spop (v2sf);
	s0 =	sor.u32 s24, s0  }
0x1ac: {  	s26 =	spop (v2sf);
	s0 =	sshrl.u32 s0, $0x3  }
0x1ad: {  	s25 =	simm.s32 $0x1980;
	s28 =	spop (v2sf);
	s0 =	sadd.s32 s1, s0  }
0x1ae: {  	(v2sf) =	vpush v7, $0xB;
	[tilespmem:s25], [sflag:$0x1] =	stream.linear.gather [hbm4b:s0+s4], $0x10, $0x38;
	[tilespmem:$0x2900] =	vst v63  }
0x1af: {  	(v2sf) =	vpush v11, $0x5;
	s0 =	sadd.s32 s26, s28  }
0x1b0: {  	(v2sf) =	vpush v7, $0xA;
	s29 =	sshll.u32 s16, $0x3;
	s2 =	sshll.u32 s0, $0xA  }
0x1b1: {  	s3 =	sand.u32 $0xFFFFFC00, s29;
	s0 =	sshll.u32 s0, $0x7;
	s2 =	sand.u32 $0xFFFFE000, s2  }
0x1b2: {  	s0 =	sand.u32 $0x380, s0;
	s2 =	sadd.s32 s3, s2  }
0x1b3: {  	s31 =	sand.u32 $0x70, s16;
	s0 =	sor.u32 s0, s2  }
0x1b4: {  	s15 =	spop (v2sf);
	s0 =	sor.u32 s31, s0  }
0x1b5: {  	s6 =	spop (v2sf);
	s0 =	sshrl.u32 s0, $0x3  }
0x1b6: {  	s7 =	spop (v2sf);
	s3 =	simm.s32 $0x1A00;
	s0 =	sadd.s32 s1, s0  }
0x1b7: {  	(v2sf) =	vpush v7, $0xD;
	[tilespmem:s3], [sflag:$0x1] =	stream.linear.gather [hbm4b:s0+s4], $0x10, $0x38;
	[tilespmem:$0x2900] =	vst v63  }
0x1b8: {  	(v2sf) =	vpush v11, $0x6;
	s0 =	sadd.s32 s6, s7  }
0x1b9: {  	(v2sf) =	vpush v7, $0xC;
	s8 =	sshll.u32 s15, $0x3;
	s2 =	sshll.u32 s0, $0xA  }
0x1ba: {  	s3 =	sand.u32 $0xFFFFFC00, s8;
	s0 =	sshll.u32 s0, $0x7;
	s2 =	sand.u32 $0xFFFFE000, s2  }
0x1bb: {  	s0 =	sand.u32 $0x380, s0;
	s2 =	sadd.s32 s3, s2  }
0x1bc: {  	s9 =	sand.u32 $0x70, s15;
	s0 =	sor.u32 s0, s2  }
0x1bd: {  	s14 =	spop (v2sf);
	s0 =	sor.u32 s9, s0  }
0x1be: {  	s11 =	spop (v2sf);
	s0 =	sshrl.u32 s0, $0x3  }
0x1bf: {  	s10 =	simm.s32 $0x1A80;
	s12 =	spop (v2sf);
	s0 =	sadd.s32 s1, s0  }
0x1c0: {  	(v2sf) =	vpush v7, $0xF;
	[tilespmem:s10], [sflag:$0x1] =	stream.linear.gather [hbm4b:s0+s4], $0x10, $0x38;
	[tilespmem:$0x2900] =	vst v63  }
0x1c1: {  	(v2sf) =	vpush v11, $0x7;
	s0 =	sadd.s32 s11, s12  }
0x1c2: {  	(v2sf) =	vpush v7, $0xE;
	s13 =	sshll.u32 s14, $0x3;
	s2 =	sshll.u32 s0, $0xA  }
0x1c3: {  	s3 =	sand.u32 $0xFFFFFC00, s13;
	s0 =	sshll.u32 s0, $0x7;
	s2 =	sand.u32 $0xFFFFE000, s2  }
0x1c4: {  	s0 =	sand.u32 $0x380, s0;
	s2 =	sadd.s32 s3, s2  }
0x1c5: {  	s23 =	sand.u32 $0x70, s14;
	s0 =	sor.u32 s0, s2  }
0x1c6: {  	s13 =	spop (v2sf);
	s0 =	sor.u32 s23, s0  }
0x1c7: {  	s25 =	spop (v2sf);
	s0 =	sshrl.u32 s0, $0x3  }
0x1c8: {  	s24 =	simm.s32 $0x1B00;
	s26 =	spop (v2sf);
	s0 =	sadd.s32 s1, s0  }
0x1c9: {  	[tilespmem:s24], [sflag:$0x1] =	stream.linear.gather [hbm4b:s0+s4], $0x10, $0x38;
	[tilespmem:$0x2900] =	vst v63  }
0x1ca: {  	s0 =	sadd.s32 s25, s26  }
0x1cb: {  	s28 =	sshll.u32 s13, $0x3;
	s2 =	sshll.u32 s0, $0xA  }
0x1cc: {  	s3 =	sand.u32 $0xFFFFFC00, s28;
	s0 =	sshll.u32 s0, $0x7;
	s2 =	sand.u32 $0xFFFFE000, s2  }
0x1cd: {  	s0 =	sand.u32 $0x380, s0;
	s2 =	sadd.s32 s3, s2  }
0x1ce: {  	s29 =	sand.u32 $0x70, s13;
	s0 =	sor.u32 s0, s2  }
0x1cf: {  	s12 =	spop (v2sf);
	s0 =	sor.u32 s29, s0  }
0x1d0: {  	s3 =	spop (v2sf);
	s0 =	sshrl.u32 s0, $0x3  }
0x1d1: {  	s31 =	simm.s32 $0x1B80;
	s6 =	spop (v2sf);
	s0 =	sadd.s32 s1, s0  }
0x1d2: {  	[tilespmem:s31], [sflag:$0x1] =	stream.linear.gather [hbm4b:s0+s4], $0x10, $0x38;
	[tilespmem:$0x2900] =	vst v63  }
0x1d3: {  	s0 =	sadd.s32 s3, s6  }
0x1d4: {  	s7 =	sshll.u32 s12, $0x3;
	s2 =	sshll.u32 s0, $0xA  }
0x1d5: {  	s3 =	sand.u32 $0xFFFFFC00, s7;
	s0 =	sshll.u32 s0, $0x7;
	s2 =	sand.u32 $0xFFFFE000, s2  }
0x1d6: {  	s0 =	sand.u32 $0x380, s0;
	s2 =	sadd.s32 s3, s2  }
0x1d7: {  	s8 =	sand.u32 $0x70, s12;
	s0 =	sor.u32 s0, s2  }
0x1d8: {  	s0 =	sor.u32 s8, s0  }
0x1d9: {  	s0 =	sshrl.u32 s0, $0x3  }
0x1da: {  	s9 =	simm.s32 $0x1C00;
	s0 =	sadd.s32 s1, s0  }
0x1db: {  	[tilespmem:s9], [sflag:$0x1] =	stream.linear.gather [hbm4b:s0+s4], $0x10, $0x38;
	[tilespmem:$0x2900] =	vst v63  }
0x1dc: {  	v7 =	vld [tilespmem:s5+$0x10];
	_ =	sdelay $0x4  }
0x1dd: {  	v12 =	vadd.f32 $1.000000000e+00, v7;
	_ =	sdelay $0x1  }
0x1de: {  	v12 =	vmul.f32 $5.120000000e+02, v12;
	_ =	sdelay $0x1  }
0x1df: {  	v12 =	vtrunc.f32 v12  }
0x1e0: {  	v12 =	vcvt.f32.s32 v12;
	_ =	sdelay $0x1  }
0x1e1: {  	vm10 =	vlt.s32 v12, $0x3FF  }
0x1e2: {  	v12 =	vnsel vm10, $0x3FF, v12  }
0x1e3: {  	(v2sf) =	vpush v12, $0x1  }
0x1e4: {  	(v2sf) =	vpush v11, $0x8  }
0x1e5: {  	(v2sf) =	vpush v12, $0x0;
	_ =	sdelay $0x5  }
0x1e6: {  	(v2sf) =	vpush v12, $0x3  }
0x1e7: {  	(v2sf) =	vpush v11, $0x9  }
0x1e8: {  	(v2sf) =	vpush v12, $0x2;
	_ =	sdelay $0x4  }
0x1e9: {  	s11 =	spop (v2sf)  }
0x1ea: {  	s10 =	spop (v2sf)  }
0x1eb: {  	(v2sf) =	vpush v12, $0x5;
	s23 =	spop (v2sf)  }
0x1ec: {  	(v2sf) =	vpush v11, $0xA;
	s0 =	sadd.s32 s10, s23  }
0x1ed: {  	(v2sf) =	vpush v12, $0x4;
	s24 =	sshll.u32 s11, $0x3;
	s2 =	sshll.u32 s0, $0xA  }
0x1ee: {  	s3 =	sand.u32 $0xFFFFFC00, s24;
	s0 =	sshll.u32 s0, $0x7;
	s2 =	sand.u32 $0xFFFFE000, s2  }
0x1ef: {  	s0 =	sand.u32 $0x380, s0;
	s2 =	sadd.s32 s3, s2  }
0x1f0: {  	s25 =	sand.u32 $0x70, s11;
	s0 =	sor.u32 s0, s2  }
0x1f1: {  	s9 =	spop (v2sf);
	s0 =	sor.u32 s25, s0  }
0x1f2: {  	s28 =	spop (v2sf);
	s0 =	sshrl.u32 s0, $0x3  }
0x1f3: {  	s26 =	simm.s32 $0x1C80;
	s29 =	spop (v2sf);
	s0 =	sadd.s32 s1, s0  }
0x1f4: {  	(v2sf) =	vpush v12, $0x7;
	[tilespmem:s26], [sflag:$0x1] =	stream.linear.gather [hbm4b:s0+s4], $0x10, $0x38;
	[tilespmem:$0x2900] =	vst v63  }
0x1f5: {  	(v2sf) =	vpush v11, $0xB;
	s0 =	sadd.s32 s28, s29  }
0x1f6: {  	(v2sf) =	vpush v12, $0x6;
	s31 =	sshll.u32 s9, $0x3;
	s2 =	sshll.u32 s0, $0xA  }
0x1f7: {  	s3 =	sand.u32 $0xFFFFFC00, s31;
	s0 =	sshll.u32 s0, $0x7;
	s2 =	sand.u32 $0xFFFFE000, s2  }
0x1f8: {  	s0 =	sand.u32 $0x380, s0;
	s2 =	sadd.s32 s3, s2  }
0x1f9: {  	s3 =	sand.u32 $0x70, s9;
	s0 =	sor.u32 s0, s2  }
0x1fa: {  	s8 =	spop (v2sf);
	s0 =	sor.u32 s3, s0  }
0x1fb: {  	s6 =	spop (v2sf);
	s0 =	sshrl.u32 s0, $0x3  }
0x1fc: {  	s5 =	simm.s32 $0x1D00;
	s7 =	spop (v2sf);
	s0 =	sadd.s32 s1, s0  }
0x1fd: {  	(v2sf) =	vpush v12, $0x9;
	[tilespmem:s5], [sflag:$0x1] =	stream.linear.gather [hbm4b:s0+s4], $0x10, $0x38;
	[tilespmem:$0x2900] =	vst v63  }
0x1fe: {  	(v2sf) =	vpush v11, $0xC;
	s0 =	sadd.s32 s6, s7  }
0x1ff: {  	(v2sf) =	vpush v12, $0x8;
	s10 =	sshll.u32 s8, $0x3;
	s2 =	sshll.u32 s0, $0xA  }
0x200: {  	s3 =	sand.u32 $0xFFFFFC00, s10;
	s0 =	sshll.u32 s0, $0x7;
	s2 =	sand.u32 $0xFFFFE000, s2  }
0x201: {  	s0 =	sand.u32 $0x380, s0;
	s2 =	sadd.s32 s3, s2  }
0x202: {  	s23 =	sand.u32 $0x70, s8;
	s0 =	sor.u32 s0, s2  }
0x203: {  	s7 =	spop (v2sf);
	s0 =	sor.u32 s23, s0  }
0x204: {  	s25 =	spop (v2sf);
	s0 =	sshrl.u32 s0, $0x3  }
0x205: {  	s24 =	simm.s32 $0x1D80;
	s26 =	spop (v2sf);
	s0 =	sadd.s32 s1, s0  }
0x206: {  	(v2sf) =	vpush v12, $0xB;
	[tilespmem:s24], [sflag:$0x1] =	stream.linear.gather [hbm4b:s0+s4], $0x10, $0x38;
	[tilespmem:$0x2900] =	vst v63  }
0x207: {  	(v2sf) =	vpush v11, $0xD;
	s0 =	sadd.s32 s25, s26  }
0x208: {  	(v2sf) =	vpush v12, $0xA;
	s28 =	sshll.u32 s7, $0x3;
	s2 =	sshll.u32 s0, $0xA  }
0x209: {  	s3 =	sand.u32 $0xFFFFFC00, s28;
	s0 =	sshll.u32 s0, $0x7;
	s2 =	sand.u32 $0xFFFFE000, s2  }
0x20a: {  	s0 =	sand.u32 $0x380, s0;
	s2 =	sadd.s32 s3, s2  }
0x20b: {  	s29 =	sand.u32 $0x70, s7;
	s0 =	sor.u32 s0, s2  }
0x20c: {  	s6 =	spop (v2sf);
	s0 =	sor.u32 s29, s0  }
0x20d: {  	s2 =	spop (v2sf);
	s0 =	sshrl.u32 s0, $0x3  }
0x20e: {  	s31 =	simm.s32 $0x1E00;
	s3 =	spop (v2sf);
	s0 =	sadd.s32 s1, s0  }
0x20f: {  	(v2sf) =	vpush v12, $0xD;
	[tilespmem:s31], [sflag:$0x1] =	stream.linear.gather [hbm4b:s0+s4], $0x10, $0x38;
	[tilespmem:$0x2900] =	vst v63  }
0x210: {  	(v2sf) =	vpush v11, $0xE;
	s0 =	sadd.s32 s2, s3  }
0x211: {  	(v2sf) =	vpush v12, $0xC;
	s5 =	sshll.u32 s6, $0x3;
	s2 =	sshll.u32 s0, $0xA  }
0x212: {  	s3 =	sand.u32 $0xFFFFFC00, s5;
	s0 =	sshll.u32 s0, $0x7;
	s2 =	sand.u32 $0xFFFFE000, s2  }
0x213: {  	s0 =	sand.u32 $0x380, s0;
	s2 =	sadd.s32 s3, s2  }
0x214: {  	s10 =	sand.u32 $0x70, s6;
	s0 =	sor.u32 s0, s2  }
0x215: {  	s5 =	spop (v2sf);
	s0 =	sor.u32 s10, s0  }
0x216: {  	s24 =	spop (v2sf);
	s0 =	sshrl.u32 s0, $0x3  }
0x217: {  	s23 =	simm.s32 $0x1E80;
	s25 =	spop (v2sf);
	s0 =	sadd.s32 s1, s0  }
0x218: {  	[tilespmem:s23], [sflag:$0x1] =	stream.linear.gather [hbm4b:s0+s4], $0x10, $0x38;
	[tilespmem:$0x2900] =	vst v63  }
0x219: {  	(v2sf) =	vpush v11, $0xF;
	s0 =	sadd.s32 s24, s25  }
0x21a: {  	(v2sf) =	vpush v12, $0xE;
	s10 =	sshll.u32 s5, $0x3;
	s2 =	sshll.u32 s0, $0xA  }
0x21b: {  	s10 =	sand.u32 $0xFFFFFC00, s10;
	s0 =	sshll.u32 s0, $0x7;
	s2 =	sand.u32 $0xFFFFE000, s2  }
0x21c: {  	(v2sf) =	vpush v12, $0xF;
	s0 =	sand.u32 $0x380, s0;
	s2 =	sadd.s32 s10, s2  }
0x21d: {  	s26 =	sand.u32 $0x70, s5;
	s0 =	sor.u32 s0, s2  }
0x21e: {  	s3 =	spop (v2sf);
	s0 =	sor.u32 s26, s0  }
0x21f: {  	s29 =	spop (v2sf);
	s0 =	sshrl.u32 s0, $0x3  }
0x220: {  	s28 =	simm.s32 $0x1F00;
	s31 =	spop (v2sf);
	s0 =	sadd.s32 s1, s0  }
0x221: {  	[tilespmem:s28], [sflag:$0x1] =	stream.linear.gather [hbm4b:s0+s4], $0x10, $0x38;
	[tilespmem:$0x2900] =	vst v63  }
0x222: {  	s0 =	sadd.s32 s29, s31  }
0x223: {  	s31 =	sshll.u32 s3, $0x3;
	s10 =	sshll.u32 s0, $0xA  }
0x224: {  	s31 =	sand.u32 $0xFFFFFC00, s31;
	s0 =	sshll.u32 s0, $0x7;
	s10 =	sand.u32 $0xFFFFE000, s10  }
0x225: {  	s0 =	sand.u32 $0x380, s0;
	s10 =	sadd.s32 s31, s10  }
0x226: {  	s2 =	sand.u32 $0x70, s3;
	s0 =	sor.u32 s0, s10  }
0x227: {  	s0 =	sor.u32 s2, s0  }
0x228: {  	s23 =	spop (v2sf);
	s0 =	sshrl.u32 s0, $0x3  }
0x229: {  	(erf) = vrcp.f32 v6;
	s24 =	spop (v2sf);
	s10 =	simm.s32 $0x1F80;
	s0 =	sadd.s32 s1, s0  }
0x22a: {  	(erf) = vrcp.f32 v7;
	[tilespmem:s10], [sflag:$0x1] =	stream.linear.gather [hbm4b:s0+s4], $0x10, $0x38;
	[tilespmem:$0x2900] =	vst v63  }
0x22b: {  	s2 =	spop (v2sf);
	s10 =	sadd.s32 s23, s24  }
0x22c: {  	s26 =	sshll.u32 s2, $0x3;
	s25 =	sshll.u32 s10, $0xA  }
0x22d: {  	s0 =	sand.u32 $0xFFFFFC00, s26;
	s10 =	sshll.u32 s10, $0x7;
	s31 =	sand.u32 $0xFFFFE000, s25  }
0x22e: {  	s10 =	sand.u32 $0x380, s10;
	s0 =	sadd.s32 s0, s31  }
0x22f: {  	s28 =	sand.u32 $0x70, s2;
	s0 =	sor.u32 s10, s0  }
0x230: {  	s0 =	sor.u32 s28, s0  }
0x231: {  	s0 =	sshrl.u32 s0, $0x3  }
0x232: {  	v29 =	vpop (erf);
	s29 =	simm.s32 $0x2000;
	s0 =	sadd.s32 s1, s0  }
0x233: {  	v11 =	vpop (erf);
	[tilespmem:s29], [sflag:$0x1] =	stream.linear.gather [hbm4b:s0+s4], $0x10, $0x38;
	[tilespmem:$0x2900] =	vst v63  }
0x234: {  	_ =	swait.ge [sflag:s30], $0x10  }
0x235: {  	[sflag:s30] =	ssyncset.done $0x0  }
0x236: {  	[sflag:s30] =	ssyncadd.s32 $0xFFFFFFF0  }
0x237: {  	_ =	swait.ge [sflag:s30], $0x10  }
0x238: {  	[sflag:s30] =	ssyncset.done $0x0  }
0x239: {  	[sflag:s30] =	ssyncadd.s32 $0xFFFFFFF0  }
0x23a: {  	_ =	swait.ge [sflag:s30], $0x10  }
0x23b: {  	[sflag:s30] =	ssyncset.done $0x0  }
0x23c: {  	[sflag:s30] =	ssyncadd.s32 $0xFFFFFFF0  }
0x23d: {  	_ =	swait.ge [sflag:s30], $0x10  }
0x23e: {  	[sflag:s30] =	ssyncset.done $0x0  }
0x23f: {  	[sflag:s30] =	ssyncadd.s32 $0xFFFFFFF0  }
0x240: {  	_ =	swait.ge [sflag:s30], $0x10  }
0x241: {  	[sflag:s30] =	ssyncset.done $0x0  }
0x242: {  	[sflag:s30] =	ssyncadd.s32 $0xFFFFFFF0  }
0x243: {  	_ =	swait.ge [sflag:s30], $0x10  }
0x244: {  	[sflag:s30] =	ssyncset.done $0x0  }
0x245: {  	[sflag:s30] =	ssyncadd.s32 $0xFFFFFFF0  }
0x246: {  	_ =	swait.ge [sflag:s30], $0x10  }
0x247: {  	[sflag:s30] =	ssyncset.done $0x0  }
0x248: {  	[sflag:s30] =	ssyncadd.s32 $0xFFFFFFF0  }
0x249: {  	_ =	swait.ge [sflag:s30], $0x10  }
0x24a: {  	[sflag:s30] =	ssyncset.done $0x0  }
0x24b: {  	[sflag:s30] =	ssyncadd.s32 $0xFFFFFFF0  }
0x24c: {  	_ =	swait.ge [sflag:s30], $0x10  }
0x24d: {  	[sflag:s30] =	ssyncset.done $0x0  }
0x24e: {  	[sflag:s30] =	ssyncadd.s32 $0xFFFFFFF0  }
0x24f: {  	_ =	swait.ge [sflag:s30], $0x10  }
0x250: {  	[sflag:s30] =	ssyncset.done $0x0  }
0x251: {  	[sflag:s30] =	ssyncadd.s32 $0xFFFFFFF0  }
0x252: {  	_ =	swait.ge [sflag:s30], $0x10  }
0x253: {  	[sflag:s30] =	ssyncset.done $0x0  }
0x254: {  	[sflag:s30] =	ssyncadd.s32 $0xFFFFFFF0  }
0x255: {  	_ =	swait.ge [sflag:s30], $0x10  }
0x256: {  	[sflag:s30] =	ssyncset.done $0x0  }
0x257: {  	[sflag:s30] =	ssyncadd.s32 $0xFFFFFFF0  }
0x258: {  	_ =	swait.ge [sflag:s30], $0x10  }
0x259: {  	[sflag:s30] =	ssyncset.done $0x0  }
0x25a: {  	[sflag:s30] =	ssyncadd.s32 $0xFFFFFFF0  }
0x25b: {  	_ =	swait.ge [sflag:s30], $0x10  }
0x25c: {  	[sflag:s30] =	ssyncset.done $0x0  }
0x25d: {  	[sflag:s30] =	ssyncadd.s32 $0xFFFFFFF0  }
0x25e: {  	_ =	swait.ge [sflag:s30], $0x10  }
0x25f: {  	[sflag:s30] =	ssyncset.done $0x0  }
0x260: {  	[sflag:s30] =	ssyncadd.s32 $0xFFFFFFF0  }
0x261: {  	_ =	swait.ge [sflag:s30], $0x10  }
0x262: {  	[sflag:s30] =	ssyncset.done $0x0  }
0x263: {  	[sflag:s30] =	ssyncadd.s32 $0xFFFFFFF0  }
0x264: {  	_ =	swait.ge [sflag:s30], $0x10  }
0x265: {  	[sflag:s30] =	ssyncset.done $0x0  }
0x266: {  	[sflag:s30] =	ssyncadd.s32 $0xFFFFFFF0  }
0x267: {  	_ =	swait.ge [sflag:s30], $0x10  }
0x268: {  	[sflag:s30] =	ssyncset.done $0x0  }
0x269: {  	[sflag:s30] =	ssyncadd.s32 $0xFFFFFFF0  }
0x26a: {  	_ =	swait.ge [sflag:s30], $0x10  }
0x26b: {  	[sflag:s30] =	ssyncset.done $0x0  }
0x26c: {  	[sflag:s30] =	ssyncadd.s32 $0xFFFFFFF0  }
0x26d: {  	_ =	swait.ge [sflag:s30], $0x10  }
0x26e: {  	[sflag:s30] =	ssyncset.done $0x0  }
0x26f: {  	[sflag:s30] =	ssyncadd.s32 $0xFFFFFFF0  }
0x270: {  	_ =	swait.ge [sflag:s30], $0x10  }
0x271: {  	[sflag:s30] =	ssyncset.done $0x0  }
0x272: {  	[sflag:s30] =	ssyncadd.s32 $0xFFFFFFF0  }
0x273: {  	_ =	swait.ge [sflag:s30], $0x10  }
0x274: {  	[sflag:s30] =	ssyncset.done $0x0  }
0x275: {  	[sflag:s30] =	ssyncadd.s32 $0xFFFFFFF0  }
0x276: {  	_ =	swait.ge [sflag:s30], $0x10  }
0x277: {  	[sflag:s30] =	ssyncset.done $0x0  }
0x278: {  	[sflag:s30] =	ssyncadd.s32 $0xFFFFFFF0  }
0x279: {  	_ =	swait.ge [sflag:s30], $0x10  }
0x27a: {  	[sflag:s30] =	ssyncset.done $0x0  }
0x27b: {  	[sflag:s30] =	ssyncadd.s32 $0xFFFFFFF0  }
0x27c: {  	_ =	swait.ge [sflag:s30], $0x10  }
0x27d: {  	[sflag:s30] =	ssyncset.done $0x0  }
0x27e: {  	[sflag:s30] =	ssyncadd.s32 $0xFFFFFFF0  }
0x27f: {  	_ =	swait.ge [sflag:s30], $0x10  }
0x280: {  	[sflag:s30] =	ssyncset.done $0x0  }
0x281: {  	[sflag:s30] =	ssyncadd.s32 $0xFFFFFFF0  }
0x282: {  	_ =	swait.ge [sflag:s30], $0x10  }
0x283: {  	[sflag:s30] =	ssyncset.done $0x0  }
0x284: {  	[sflag:s30] =	ssyncadd.s32 $0xFFFFFFF0  }
0x285: {  	_ =	swait.ge [sflag:s30], $0x10  }
0x286: {  	[sflag:s30] =	ssyncset.done $0x0  }
0x287: {  	[sflag:s30] =	ssyncadd.s32 $0xFFFFFFF0  }
0x288: {  	_ =	swait.ge [sflag:s30], $0x10  }
0x289: {  	[sflag:s30] =	ssyncset.done $0x0  }
0x28a: {  	[sflag:s30] =	ssyncadd.s32 $0xFFFFFFF0  }
0x28b: {  	_ =	swait.ge [sflag:s30], $0x10  }
0x28c: {  	[sflag:s30] =	ssyncset.done $0x0  }
0x28d: {  	[sflag:s30] =	ssyncadd.s32 $0xFFFFFFF0  }
0x28e: {  	_ =	swait.ge [sflag:s30], $0x10  }
0x28f: {  	[sflag:s30] =	ssyncset.done $0x0  }
0x290: {  	[sflag:s30] =	ssyncadd.s32 $0xFFFFFFF0  }
0x291: {  	_ =	swait.ge [sflag:s30], $0x10  }
0x292: {  	[sflag:s30] =	ssyncset.done $0x0  }
0x293: {  	[sflag:s30] =	ssyncadd.s32 $0xFFFFFFF0  }
0x294: {  	_ =	swait.ge [sflag:s30], $0x10  }
0x295: {  	[sflag:s30] =	ssyncset.done $0x0  }
0x296: {  	[sflag:s30] =	ssyncadd.s32 $0xFFFFFFF0  }
0x297: {  	_ =	swait.ge [sflag:s30], $0x10  }
0x298: {  	[sflag:s30] =	ssyncset.done $0x0  }
0x299: {  	[sflag:s30] =	ssyncadd.s32 $0xFFFFFFF0  }
0x29a: {  	_ =	swait.ge [sflag:s30], $0x10  }
0x29b: {  	[sflag:s30] =	ssyncset.done $0x0  }
0x29c: {  	[sflag:s30] =	ssyncadd.s32 $0xFFFFFFF0  }
0x29d: {  	_ =	swait.ge [sflag:s30], $0x10  }
0x29e: {  	[sflag:s30] =	ssyncset.done $0x0  }
0x29f: {  	[sflag:s30] =	ssyncadd.s32 $0xFFFFFFF0  }
0x2a0: {  	_ =	swait.ge [sflag:s30], $0x10  }
0x2a1: {  	[sflag:s30] =	ssyncset.done $0x0  }
0x2a2: {  	[sflag:s30] =	ssyncadd.s32 $0xFFFFFFF0  }
0x2a3: {  	_ =	swait.ge [sflag:s30], $0x10  }
0x2a4: {  	[sflag:s30] =	ssyncset.done $0x0  }
0x2a5: {  	[sflag:s30] =	ssyncadd.s32 $0xFFFFFFF0  }
0x2a6: {  	_ =	swait.ge [sflag:s30], $0x10  }
0x2a7: {  	[sflag:s30] =	ssyncset.done $0x0  }
0x2a8: {  	[sflag:s30] =	ssyncadd.s32 $0xFFFFFFF0  }
0x2a9: {  	_ =	swait.ge [sflag:s30], $0x10  }
0x2aa: {  	[sflag:s30] =	ssyncset.done $0x0  }
0x2ab: {  	[sflag:s30] =	ssyncadd.s32 $0xFFFFFFF0  }
0x2ac: {  	_ =	swait.ge [sflag:s30], $0x10  }
0x2ad: {  	[sflag:s30] =	ssyncset.done $0x0  }
0x2ae: {  	[sflag:s30] =	ssyncadd.s32 $0xFFFFFFF0  }
0x2af: {  	_ =	swait.ge [sflag:s30], $0x10  }
0x2b0: {  	[sflag:s30] =	ssyncset.done $0x0  }
0x2b1: {  	[sflag:s30] =	ssyncadd.s32 $0xFFFFFFF0  }
0x2b2: {  	_ =	swait.ge [sflag:s30], $0x10  }
0x2b3: {  	[sflag:s30] =	ssyncset.done $0x0  }
0x2b4: {  	[sflag:s30] =	ssyncadd.s32 $0xFFFFFFF0  }
0x2b5: {  	_ =	swait.ge [sflag:s30], $0x10  }
0x2b6: {  	[sflag:s30] =	ssyncset.done $0x0  }
0x2b7: {  	[sflag:s30] =	ssyncadd.s32 $0xFFFFFFF0  }
0x2b8: {  	_ =	swait.ge [sflag:s30], $0x10  }
0x2b9: {  	[sflag:s30] =	ssyncset.done $0x0  }
0x2ba: {  	[sflag:s30] =	ssyncadd.s32 $0xFFFFFFF0  }
0x2bb: {  	_ =	swait.ge [sflag:s30], $0x10  }
0x2bc: {  	[sflag:s30] =	ssyncset.done $0x0  }
0x2bd: {  	v1 =	vmul.f32 v10, v1;
	[sflag:s30] =	ssyncadd.s32 $0xFFFFFFF0  }
0x2be: {  	_ =	swait.ge [sflag:s30], $0x10  }
0x2bf: {  	v10 =	vmul.f32 $0.0e+00, v1;
	[sflag:s30] =	ssyncset.done $0x0  }
0x2c0: {  	vm11 =	vge.f32 v1, $1.000000000e+00;
	[sflag:s30] =	ssyncadd.s32 $0xFFFFFFF0  }
0x2c1: {  	v1 =	vsel vm11, $0x3F800000, v10;
	_ =	swait.ge [sflag:s30], $0x10  }
0x2c2: {  	(v2sf) =	vpush v1, $0x0  }
0x2c3: {  	(v2sf) =	vpush v1, $0x1  }
0x2c4: {  	(v2sf) =	vpush v1, $0x2  }
0x2c5: {  	(v2sf) =	vpush v1, $0x3  }
0x2c6: {  	(v2sf) =	vpush v1, $0x4  }
0x2c7: {  	(v2sf) =	vpush v1, $0x5  }
0x2c8: {  	(v2sf) =	vpush v1, $0x6  }
0x2c9: {  	(v2sf) =	vpush v1, $0x7  }
0x2ca: {  	(v2sf) =	vpush v1, $0x8  }
0x2cb: {  	(v2sf) =	vpush v1, $0x9  }
0x2cc: {  	(v2sf) =	vpush v1, $0xA  }
0x2cd: {  	(v2sf) =	vpush v1, $0xB  }
0x2ce: {  	(v2sf) =	vpush v1, $0xC  }
0x2cf: {  	v2 =	vmul.f32 v9, v2;
	(v2sf) =	vpush v1, $0xD  }
0x2d0: {  	(v2sf) =	vpush v1, $0xE  }
0x2d1: {  	[sflag:s30] =	ssyncset.done $0x0;
	(v2sf) =	vpush v1, $0xF;
	v1 =	vmul.f32 $0.0e+00, v2  }
0x2d2: {  	vm12 =	vge.f32 v2, $1.000000000e+00;
	v3 =	vmul.f32 v8, v3;
	[sflag:s30] =	ssyncadd.s32 $0xFFFFFFF0;
	s0 =	spop (v2sf)  }
0x2d3: {  	v2 =	vld [tilespmem:$0x880];
	s10 =	spop (v2sf);
	v1 =	vsel vm12, $0x3F800000, v1  }
0x2d4: {  	v25 =	vmul.f32 $0.0e+00, v3;
	v30 =	vld [tilespmem:$0x900];
	s31 =	spop (v2sf);
	(v2sf) =	vpush v1, $0x0  }
0x2d5: {  	vm13 =	vge.f32 v3, $1.000000000e+00;
	v4 =	vmul.f32 v63, v62;
	s0 =	smul.f32 s10, s0;
	s10 =	sand.u32 $0xF, s22;
	s29 =	spop (v2sf);
	(v2sf) =	vpush v1, $0x1  }
0x2d6: {  	v33 =	vsel vm13, $0x3F800000, v25;
	v31 =	vld [tilespmem:$0x980];
	v14 =	vmov s10;
	s28 =	spop (v2sf);
	s10 =	smul.f32 s29, s31  }
0x2d7: {  	v55 =	vmul.f32 $0.0e+00, v4;
	v6 =	vmul.f32 v29, v6;
	s31 =	rddreg [dreg:$0xe];
	s26 =	spop (v2sf);
	(v2sf) =	vpush v1, $0x2  }
0x2d8: {  	vm1 =	veq.s32 v14, v0;
	s29 =	sand.u32 $0xF, s31;
	v2 =	vmul.f32 s0, v2;
	s25 =	spop (v2sf);
	(v2sf) =	vpush v1, $0x3  }
0x2d9: {  	v13 =	vld [tilespmem:$0xA00];
	v16 =	vmov s29;
	s0 =	smul.f32 s26, s28;
	s28 =	rddreg [dreg:$0xf];
	v9 =	vmul.f32 s10, v30;
	(v2sf) =	vpush v1, $0x4  }
0x2da: {  	s24 =	spop (v2sf);
	s26 =	sand.u32 $0xF, s28;
	v2 =	vadd.f32 $0.0e+00, v2;
	vm14 =	veq.s32 v16, v0;
	(v2sf) =	vpush v1, $0x5  }
0x2db: {  	s29 =	rddreg [dreg:$0x10];
	s23 =	spop (v2sf);
	v18 =	vmov s26;
	v10 =	vmul.f32 s0, v31;
	(v2sf) =	vpush v1, $0x6  }
0x2dc: {  	v15 =	vld [tilespmem:$0xA80];
	s10 =	smul.f32 s24, s25;
	s24 =	sand.u32 $0xF, s29;
	v9 =	vnsel vm14, $0x0, v9;
	v31 =	vmul.f32 v11, v7;
	s22 =	spop (v2sf);
	(v2sf) =	vpush v1, $0x7  }
0x2dd: {  	s29 =	rddreg [dreg:$0x12];
	v20 =	vmov s24;
	v2 =	vnsel vm1, $0x0, v2;
	s31 =	spop (v2sf);
	(v2sf) =	vpush v1, $0x8  }
0x2de: {  	s24 =	rddreg [dreg:$0x11];
	vm15 =	veq.s32 v18, v0;
	v13 =	vmul.f32 s10, v13;
	s28 =	spop (v2sf);
	(v2sf) =	vpush v1, $0x9  }
0x2df: {  	v17 =	vld [tilespmem:$0xB00];
	s23 =	smul.f32 s22, s23;
	s22 =	sand.u32 $0xF, s24;
	v10 =	vnsel vm15, $0x0, v10;
	vm4 =	veq.s32 v20, v0;
	s25 =	spop (v2sf);
	(v2sf) =	vpush v1, $0xA  }
0x2e0: {  	v19 =	vld [tilespmem:$0xB80];
	vm15 =	vge.f32 v4, $1.000000000e+00;
	v22 =	vmov s22;
	s22 =	sand.u32 $0xF, s29;
	s29 =	rddreg [dreg:$0x13];
	s26 =	spop (v2sf);
	(v2sf) =	vpush v1, $0xB  }
0x2e1: {  	v58 =	vsel vm15, $0x3F800000, v55;
	s28 =	smul.f32 s28, s31;
	v15 =	vmul.f32 s23, v15;
	s31 =	spop (v2sf);
	(v2sf) =	vpush v1, $0xC  }
0x2e2: {  	v21 =	vld [tilespmem:$0xC00];
	v23 =	vmov s22;
	v13 =	vnsel vm4, $0x0, v13;
	s25 =	smul.f32 s26, s25;
	s26 =	spop (v2sf);
	(v2sf) =	vpush v1, $0xD  }
0x2e3: {  	s22 =	sand.u32 $0xF, s29;
	vm5 =	veq.s32 v22, v0;
	v22 =	vmul.f32 $0.0e+00, v6;
	s10 =	spop (v2sf);
	(v2sf) =	vpush v1, $0xE  }
0x2e4: {  	v32 =	vmov s22;
	v17 =	vmul.f32 s28, v17;
	s22 =	spop (v2sf);
	(v2sf) =	vpush v1, $0xF  }
0x2e5: {  	v3 =	vld [tilespmem:$0xC80];
	vm6 =	veq.s32 v23, v0;
	v15 =	vnsel vm5, $0x0, v15;
	s28 =	smul.f32 s26, s31;
	v19 =	vmul.f32 s25, v19;
	s31 =	rddreg [dreg:$0x14]  }
0x2e6: {  	s24 =	rddreg [dreg:$0x15];
	vm7 =	veq.s32 v32, v0;
	v17 =	vnsel vm6, $0x0, v17;
	s0 =	sand.u32 $0xF, s31;
	v1 =	vadd.f32 v9, v2;
	s23 =	spop (v2sf)  }
0x2e7: {  	v24 =	vmov s0;
	v21 =	vmul.f32 s28, v21;
	s28 =	rddreg [dreg:$0x16];
	v44 =	vnsel vm7, $0x0, v19;
	v2 =	vld [tilespmem:$0xD00];
	s25 =	spop (v2sf)  }
0x2e8: {  	vm8 =	veq.s32 v24, v0;
	s0 =	smul.f32 s22, s10;
	s10 =	sand.u32 $0xF, s24;
	(v2sf) =	vpush v33, $0x0;
	v1 =	vadd.f32 v10, v1;
	s26 =	spop (v2sf)  }
0x2e9: {  	v35 =	vld [tilespmem:$0xD80];
	v46 =	vnsel vm8, $0x0, v21;
	v34 =	vmov s10;
	(v2sf) =	vpush v33, $0x1;
	s22 =	smul.f32 s25, s23;
	s29 =	spop (v2sf)  }
0x2ea: {  	v3 =	vmul.f32 s0, v3;
	s0 =	sand.u32 $0xF, s28;
	s25 =	rddreg [dreg:$0x17];
	(v2sf) =	vpush v33, $0x2;
	v1 =	vadd.f32 v13, v1;
	s31 =	spop (v2sf)  }
0x2eb: {  	v36 =	vld [tilespmem:$0xE00];
	vm9 =	veq.s32 v34, v0;
	v37 =	vmov s0;
	s23 =	sand.u32 $0xF, s25;
	s10 =	smul.f32 s29, s26;
	(v2sf) =	vpush v33, $0x3;
	s26 =	spop (v2sf)  }
0x2ec: {  	v2 =	vmul.f32 s22, v2;
	v39 =	vmov s23;
	s29 =	rddreg [dreg:$0x18];
	v1 =	vadd.f32 v15, v1;
	s28 =	spop (v2sf)  }
0x2ed: {  	v3 =	vnsel vm9, $0x0, v3;
	vm10 =	veq.s32 v37, v0;
	(v2sf) =	vpush v33, $0x4;
	s0 =	smul.f32 s26, s31;
	s31 =	spop (v2sf)  }
0x2ee: {  	v40 =	vld [tilespmem:$0xF00];
	s23 =	rddreg [dreg:$0x19];
	vm11 =	veq.s32 v39, v0;
	v16 =	vmul.f32 s10, v35;
	s10 =	sand.u32 $0xF, s29;
	v1 =	vadd.f32 v17, v1;
	s24 =	spop (v2sf)  }
0x2ef: {  	v38 =	vld [tilespmem:$0xE80];
	v2 =	vnsel vm10, $0x0, v2;
	v35 =	vmul.f32 $0.0e+00, v31;
	v41 =	vmov s10;
	s10 =	sand.u32 $0xF, s23;
	s23 =	rddreg [dreg:$0x1b];
	s25 =	spop (v2sf)  }
0x2f0: {  	v10 =	vmul.f32 s0, v36;
	s22 =	smul.f32 s31, s28;
	v1 =	vadd.f32 v44, v1;
	s28 =	spop (v2sf);
	(v2sf) =	vpush v33, $0x5  }
0x2f1: {  	v42 =	vmov s10;
	v16 =	vnsel vm11, $0x0, v16;
	s26 =	smul.f32 s25, s24;
	s31 =	spop (v2sf);
	(v2sf) =	vpush v33, $0x6  }
0x2f2: {  	s10 =	sand.u32 $0xF, s23;
	vm12 =	veq.s32 v41, v0;
	v1 =	vadd.f32 v46, v1;
	s24 =	spop (v2sf);
	(v2sf) =	vpush v33, $0x7  }
0x2f3: {  	v47 =	vmov s10;
	v15 =	vmul.f32 s26, v40;
	s26 =	spop (v2sf);
	(v2sf) =	vpush v33, $0x8  }
0x2f4: {  	s29 =	rddreg [dreg:$0x1a];
	vm13 =	veq.s32 v42, v0;
	v13 =	vmul.f32 s22, v38;
	v1 =	vadd.f32 v3, v1  }
0x2f5: {  	v43 =	vld [tilespmem:$0xF80];
	s22 =	sand.u32 $0xF, s29;
	s25 =	rddreg [dreg:$0x1c];
	v10 =	vnsel vm12, $0x0, v10;
	vm4 =	veq.s32 v47, v0;
	(v2sf) =	vpush v33, $0x9  }
0x2f6: {  	v45 =	vmov s22;
	s10 =	sand.u32 $0xF, s25;
	v1 =	vadd.f32 v2, v1;
	(v2sf) =	vpush v33, $0xA  }
0x2f7: {  	s22 =	smul.f32 s31, s28;
	v49 =	vmov s10;
	v53 =	vnsel vm13, $0x0, v13;
	s28 =	spop (v2sf);
	(v2sf) =	vpush v33, $0xB  }
0x2f8: {  	v48 =	vld [tilespmem:$0x1000];
	s29 =	rddreg [dreg:$0x1d];
	vm14 =	veq.s32 v45, v0;
	vm13 =	vge.f32 v6, $1.000000000e+00;
	s31 =	spop (v2sf);
	v1 =	vadd.f32 v16, v1  }
0x2f9: {  	v3 =	vld [tilespmem:$0x1080];
	vm5 =	veq.s32 v49, v0;
	v5 =	vsel vm13, $0x3F800000, v22;
	s0 =	smul.f32 s26, s24;
	s24 =	spop (v2sf);
	(v2sf) =	vpush v33, $0xC  }
0x2fa: {  	v8 =	vmul.f32 s22, v43;
	s22 =	sand.u32 $0xF, s29;
	v1 =	vadd.f32 v10, v1;
	(v2sf) =	vpush v33, $0xD  }
0x2fb: {  	v57 =	vnsel vm14, $0x0, v15;
	v50 =	vmov s22;
	(v2sf) =	vpush v33, $0xE  }
0x2fc: {  	v51 =	vld [tilespmem:$0x1100];
	v8 =	vnsel vm4, $0x0, v8;
	s23 =	smul.f32 s31, s28;
	s26 =	spop (v2sf);
	v1 =	vadd.f32 v53, v1;
	(v2sf) =	vpush v33, $0xF  }
0x2fd: {  	s25 =	rddreg [dreg:$0x1f];
	vm6 =	veq.s32 v50, v0;
	v2 =	vmul.f32 s0, v48;
	s28 =	spop (v2sf);
	(v2sf) =	vpush v58, $0x0  }
0x2fe: {  	s0 =	sand.u32 $0xF, s25;
	v3 =	vmul.f32 s23, v3;
	s23 =	sld [smem:$0x7F2];
	v1 =	vadd.f32 v57, v1;
	(v2sf) =	vpush v58, $0x1  }
0x2ff: {  	v56 =	vld [tilespmem:$0x1180];
	v52 =	vmov s0;
	v2 =	vnsel vm5, $0x0, v2;
	s10 =	smul.f32 s26, s24;
	s31 =	spop (v2sf);
	(v2sf) =	vpush v58, $0x2  }
0x300: {  	s29 =	rddreg [dreg:$0x1e];
	vm7 =	veq.s32 v52, v0;
	v1 =	vadd.f32 v8, v1;
	s22 =	spop (v2sf);
	(v2sf) =	vpush v58, $0x3  }
0x301: {  	v60 =	vld [tilespmem:$0x1200];
	v3 =	vnsel vm6, $0x0, v3;
	v54 =	vmul.f32 s10, v51;
	s10 =	sand.u32 $0xF, s29;
	s29 =	sld [smem:$0x7F3];
	s24 =	spop (v2sf);
	(v2sf) =	vpush v58, $0x4  }
0x302: {  	v59 =	vmov s10;
	s10 =	sand.u32 $0xF, s23;
	s0 =	smul.f32 s31, s28;
	v1 =	vadd.f32 v2, v1;
	s25 =	spop (v2sf);
	(v2sf) =	vpush v58, $0x5  }
0x303: {  	v61 =	vmov s10;
	v62 =	vnsel vm7, $0x0, v54;
	v2 =	vld [tilespmem:$0x1280];
	(v2sf) =	vpush v58, $0x6  }
0x304: {  	v63 =	vld [tilespmem:$0x1300];
	s10 =	sand.u32 $0xF, s29;
	v13 =	vmul.f32 s0, v56;
	s0 =	smul.f32 s24, s22;
	v1 =	vadd.f32 v3, v1;
	s26 =	spop (v2sf);
	(v2sf) =	vpush v58, $0x7  }
0x305: {  	vm8 =	veq.s32 v59, v0;
	vm9 =	veq.s32 v61, v0;
	v14 =	vmov s10;
	s22 =	sld [smem:$0x7F4];
	s31 =	spop (v2sf)  }
0x306: {  	v3 =	vmul.f32 s0, v60;
	s28 =	smul.f32 s26, s25;
	v1 =	vadd.f32 v62, v1;
	s10 =	spop (v2sf);
	(v2sf) =	vpush v58, $0x8  }
0x307: {  	v16 =	vld [tilespmem:$0x1380];
	vm10 =	veq.s32 v14, v0;
	s24 =	sld [smem:$0x7F5];
	v15 =	vnsel vm8, $0x0, v13;
	s0 =	smul.f32 s10, s31;
	(v2sf) =	vpush v58, $0x9  }
0x308: {  	v2 =	vmul.f32 s28, v2;
	v1 =	vadd.f32 v15, v1;
	s10 =	sand.u32 $0xF, s22;
	v3 =	vnsel vm9, $0x0, v3;
	s23 =	spop (v2sf)  }
0x309: {  	s29 =	sld [smem:$0x7F6];
	v17 =	vmov s10;
	s25 =	spop (v2sf);
	(v2sf) =	vpush v58, $0xA;
	v10 =	vmul.f32 s0, v63  }
0x30a: {  	v1 =	vadd.f32 v3, v1;
	s0 =	sand.u32 $0xF, s24;
	v3 =	vld [tilespmem:$0x1400];
	s10 =	smul.f32 s25, s23;
	v2 =	vnsel vm10, $0x0, v2;
	s26 =	spop (v2sf);
	(v2sf) =	vpush v58, $0xB  }
0x30b: {  	vm11 =	veq.s32 v17, v0;
	s23 =	sld [smem:$0x7F7];
	vm10 =	vge.f32 v31, $1.000000000e+00;
	v18 =	vmov s0;
	s28 =	spop (v2sf)  }
0x30c: {  	v20 =	vld [tilespmem:$0x1480];
	(v2sf) =	vpush v58, $0xC;
	v1 =	vadd.f32 v2, v1;
	v2 =	vmul.f32 s10, v16;
	s0 =	smul.f32 s28, s26;
	s31 =	spop (v2sf)  }
0x30d: {  	v19 =	vnsel vm11, $0x0, v10;
	s10 =	sand.u32 $0xF, s29;
	vm12 =	veq.s32 v18, v0;
	s26 =	sld [smem:$0x7F8];
	s22 =	spop (v2sf);
	(v2sf) =	vpush v58, $0xD  }
0x30e: {  	v23 =	vld [tilespmem:$0x1500];
	v21 =	vmov s10;
	s10 =	sand.u32 $0xF, s23;
	s23 =	sld [smem:$0x7F9];
	v1 =	vadd.f32 v19, v1;
	(v2sf) =	vpush v58, $0xE;
	s24 =	spop (v2sf)  }
0x30f: {  	v2 =	vnsel vm12, $0x0, v2;
	v3 =	vmul.f32 s0, v3;
	s0 =	smul.f32 s22, s31;
	s25 =	spop (v2sf);
	(v2sf) =	vpush v58, $0xF  }
0x310: {  	vm14 =	veq.s32 v21, v0;
	v1 =	vadd.f32 v2, v1;
	v2 =	vmov s10;
	s10 =	smul.f32 s25, s24;
	s28 =	spop (v2sf)  }
0x311: {  	v24 =	vld [tilespmem:$0x1580];
	v25 =	vmul.f32 s0, v20;
	s0 =	sand.u32 $0xF, s26;
	v3 =	vnsel vm14, $0x0, v3;
	vm15 =	veq.s32 v2, v0;
	s26 =	sld [smem:$0x7FA];
	s29 =	spop (v2sf)  }
0x312: {  	v26 =	vmov s0;
	v1 =	vadd.f32 v3, v1;
	(v2sf) =	vpush v5, $0x0;
	s31 =	spop (v2sf)  }
0x313: {  	v27 =	vld [tilespmem:$0x1600];
	v2 =	vnsel vm15, $0x0, v25;
	v3 =	vmul.f32 s10, v23;
	s10 =	sand.u32 $0xF, s23;
	s0 =	smul.f32 s29, s28;
	(v2sf) =	vpush v5, $0x1;
	s24 =	spop (v2sf)  }
0x314: {  	vm4 =	veq.s32 v26, v0;
	v28 =	vmov s10;
	s10 =	sand.u32 $0xF, s26;
	(v2sf) =	vpush v5, $0x2;
	s25 =	smul.f32 s24, s31  }
0x315: {  	v1 =	vadd.f32 v2, v1;
	v2 =	vld [tilespmem:$0x1680];
	v29 =	vmov s10;
	s28 =	spop (v2sf);
	(v2sf) =	vpush v5, $0x3;
	s31 =	sld [smem:$0x7FB]  }
0x316: {  	v3 =	vnsel vm4, $0x0, v3;
	v4 =	vmul.f32 s0, v24;
	s29 =	spop (v2sf);
	(v2sf) =	vpush v5, $0x4  }
0x317: {  	vm5 =	veq.s32 v28, v0;
	v1 =	vadd.f32 v3, v1;
	v3 =	vld [tilespmem:$0x1700];
	s24 =	sld [smem:$0x7FC];
	(v2sf) =	vpush v5, $0x5  }
0x318: {  	vm6 =	veq.s32 v29, v0;
	v9 =	vmul.f32 s25, v27;
	s0 =	smul.f32 s29, s28;
	v4 =	vnsel vm5, $0x0, v4;
	s22 =	spop (v2sf);
	s10 =	sand.u32 $0xF, s31  }
0x319: {  	v1 =	vadd.f32 v4, v1;
	s23 =	spop (v2sf);
	(v2sf) =	vpush v5, $0x6;
	v30 =	vmov s10  }
0x31a: {  	v33 =	vld [tilespmem:$0x1780];
	s28 =	sld [smem:$0x7FD];
	v2 =	vmul.f32 s0, v2;
	s0 =	smul.f32 s23, s22;
	v32 =	vnsel vm6, $0x0, v9;
	s10 =	sand.u32 $0xF, s24;
	(v2sf) =	vpush v5, $0x7  }
0x31b: {  	v6 =	vsel vm10, $0x3F800000, v35;
	s25 =	spop (v2sf);
	v1 =	vadd.f32 v32, v1;
	v34 =	vmov s10  }
0x31c: {  	vm7 =	veq.s32 v30, v0;
	(v2sf) =	vpush v5, $0x8;
	v3 =	vmul.f32 s0, v3;
	s26 =	spop (v2sf)  }
0x31d: {  	s10 =	sand.u32 $0xF, s28;
	v2 =	vnsel vm7, $0x0, v2;
	(v2sf) =	vpush v5, $0x9;
	vm8 =	veq.s32 v34, v0;
	s0 =	smul.f32 s26, s25;
	s29 =	spop (v2sf)  }
0x31e: {  	v36 =	vld [tilespmem:$0x1800];
	v1 =	vadd.f32 v2, v1;
	v2 =	vmov s10;
	s31 =	spop (v2sf);
	(v2sf) =	vpush v5, $0xA  }
0x31f: {  	v3 =	vnsel vm8, $0x0, v3;
	v37 =	vmul.f32 s0, v33;
	(v2sf) =	vpush v5, $0xB  }
0x320: {  	s22 =	sand.u32 $0xF, s20;
	vm9 =	veq.s32 v2, v0;
	v2 =	vld [tilespmem:$0x1880];
	v1 =	vadd.f32 v3, v1;
	(v2sf) =	vpush v5, $0xC  }
0x321: {  	v38 =	vmov s22;
	s0 =	smul.f32 s31, s29;
	v3 =	vnsel vm9, $0x0, v37;
	s23 =	spop (v2sf);
	(v2sf) =	vpush v5, $0xD  }
0x322: {  	vm11 =	veq.s32 v38, v0;
	s25 =	sand.u32 $0xF, s19;
	v1 =	vadd.f32 v3, v1;
	v3 =	vld [tilespmem:$0x1900];
	s24 =	spop (v2sf);
	(v2sf) =	vpush v5, $0xE  }
0x323: {  	s22 =	sand.u32 $0xF, s17;
	v40 =	vmov s25;
	v39 =	vmul.f32 s0, v36;
	s0 =	smul.f32 s24, s23;
	s26 =	spop (v2sf);
	(v2sf) =	vpush v5, $0xF  }
0x324: {  	v41 =	vld [tilespmem:$0x1980];
	v43 =	vmov s22;
	vm12 =	veq.s32 v40, v0;
	s28 =	spop (v2sf);
	(v2sf) =	vpush v6, $0x0  }
0x325: {  	s29 =	sand.u32 $0xF, s18;
	v4 =	vnsel vm11, $0x0, v39;
	v2 =	vmul.f32 s0, v2;
	s0 =	smul.f32 s28, s26;
	s31 =	spop (v2sf);
	(v2sf) =	vpush v6, $0x1  }
0x326: {  	v42 =	vmov s29;
	v1 =	vadd.f32 v4, v1;
	s19 =	spop (v2sf);
	(v2sf) =	vpush v6, $0x2  }
0x327: {  	v2 =	vnsel vm12, $0x0, v2;
	v3 =	vmul.f32 s0, v3;
	s20 =	smul.f32 s19, s31;
	(v2sf) =	vpush v6, $0x3  }
0x328: {  	vm13 =	veq.s32 v42, v0;
	s23 =	spop (v2sf);
	v1 =	vadd.f32 v2, v1;
	v2 =	vld [tilespmem:$0x1A00];
	(v2sf) =	vpush v6, $0x4  }
0x329: {  	s24 =	spop (v2sf);
	v3 =	vnsel vm13, $0x0, v3;
	v5 =	vmul.f32 s20, v41;
	(v2sf) =	vpush v6, $0x5  }
0x32a: {  	v44 =	vld [tilespmem:$0x1A80];
	s17 =	sand.u32 $0xF, s14;
	vm14 =	veq.s32 v43, v0;
	v1 =	vadd.f32 v3, v1;
	(v2sf) =	vpush v6, $0x6  }
0x32b: {  	v49 =	vmov s17;
	s0 =	smul.f32 s24, s23;
	s26 =	spop (v2sf);
	v3 =	vnsel vm14, $0x0, v5;
	(v2sf) =	vpush v6, $0x7  }
0x32c: {  	vm5 =	veq.s32 v49, v0;
	s25 =	sand.u32 $0xF, s16;
	s28 =	spop (v2sf);
	v1 =	vadd.f32 v3, v1;
	v3 =	vld [tilespmem:$0x1B00];
	(v2sf) =	vpush v6, $0x8  }
0x32d: {  	v45 =	vmov s25;
	s31 =	sand.u32 $0xF, s15;
	s29 =	smul.f32 s28, s26;
	v2 =	vmul.f32 s0, v2;
	s15 =	spop (v2sf);
	(v2sf) =	vpush v6, $0x9  }
0x32e: {  	v48 =	vld [tilespmem:$0x1B80];
	vm15 =	veq.s32 v45, v0;
	v46 =	vmov s31;
	s16 =	spop (v2sf);
	(v2sf) =	vpush v6, $0xA  }
0x32f: {  	v47 =	vmul.f32 s29, v44;
	v2 =	vnsel vm15, $0x0, v2;
	s0 =	smul.f32 s16, s15;
	s18 =	spop (v2sf);
	(v2sf) =	vpush v6, $0xB  }
0x330: {  	v50 =	vld [tilespmem:$0x1C00];
	vm4 =	veq.s32 v46, v0;
	v1 =	vadd.f32 v2, v1;
	s19 =	spop (v2sf);
	(v2sf) =	vpush v6, $0xC  }
0x331: {  	s22 =	sand.u32 $0xF, s13;
	v2 =	vnsel vm4, $0x0, v47;
	v3 =	vmul.f32 s0, v3;
	s20 =	smul.f32 s19, s18;
	s23 =	spop (v2sf);
	(v2sf) =	vpush v6, $0xD  }
0x332: {  	v51 =	vld [tilespmem:$0x1C80];
	v1 =	vadd.f32 v2, v1;
	v2 =	vmov s22;
	s24 =	spop (v2sf);
	(v2sf) =	vpush v6, $0xE  }
0x333: {  	v3 =	vnsel vm5, $0x0, v3;
	v7 =	vmul.f32 s20, v48;
	s25 =	smul.f32 s24, s23;
	s26 =	spop (v2sf);
	(v2sf) =	vpush v6, $0xF  }
0x334: {  	s12 =	sand.u32 $0xF, s12;
	vm6 =	veq.s32 v2, v0;
	v2 =	vld [tilespmem:$0x1D00];
	s28 =	spop (v2sf);
	v1 =	vadd.f32 v3, v1  }
0x335: {  	v3 =	vmov s12;
	v5 =	vmul.f32 s25, v50;
	s29 =	spop (v2sf);
	v52 =	vnsel vm6, $0x0, v7;
	s10 =	smul.f32 s28, s26  }
0x336: {  	s11 =	sand.u32 $0xF, s11;
	vm7 =	veq.s32 v3, v0;
	v3 =	vld [tilespmem:$0x1D80];
	s31 =	spop (v2sf);
	v1 =	vadd.f32 v52, v1  }
0x337: {  	v53 =	vmov s11;
	v4 =	vmul.f32 s10, v51;
	s11 =	spop (v2sf);
	v5 =	vnsel vm7, $0x0, v5;
	s0 =	smul.f32 s31, s29  }
0x338: {  	s9 =	sand.u32 $0xF, s9;
	v54 =	vld [tilespmem:$0x1E00];
	vm8 =	veq.s32 v53, v0;
	s12 =	spop (v2sf);
	v1 =	vadd.f32 v5, v1  }
0x339: {  	v55 =	vmov s9;
	v2 =	vmul.f32 s0, v2;
	s13 =	spop (v2sf);
	v4 =	vnsel vm8, $0x0, v4;
	s14 =	smul.f32 s12, s11  }
0x33a: {  	s8 =	sand.u32 $0xF, s8;
	v56 =	vld [tilespmem:$0x1E80];
	vm9 =	veq.s32 v55, v0;
	s15 =	spop (v2sf);
	v1 =	vadd.f32 v4, v1  }
0x33b: {  	v57 =	vmov s8;
	v3 =	vmul.f32 s14, v3;
	s16 =	spop (v2sf);
	v2 =	vnsel vm9, $0x0, v2;
	s0 =	smul.f32 s15, s13  }
0x33c: {  	s7 =	sand.u32 $0xF, s7;
	vm10 =	veq.s32 v57, v0;
	s17 =	spop (v2sf);
	v1 =	vadd.f32 v2, v1;
	v2 =	vld [tilespmem:$0x1F00]  }
0x33d: {  	v58 =	vmov s7;
	v5 =	vmul.f32 s0, v54;
	s18 =	spop (v2sf);
	v3 =	vnsel vm10, $0x0, v3;
	s19 =	smul.f32 s17, s16  }
0x33e: {  	s6 =	sand.u32 $0xF, s6;
	vm11 =	veq.s32 v58, v0;
	s20 =	spop (v2sf);
	v1 =	vadd.f32 v3, v1;
	v3 =	vld [tilespmem:$0x1F80]  }
0x33f: {  	v59 =	vmov s6;
	v4 =	vmul.f32 s19, v56;
	s22 =	spop (v2sf);
	v5 =	vnsel vm11, $0x0, v5;
	s0 =	smul.f32 s20, s18  }
0x340: {  	s5 =	sand.u32 $0xF, s5;
	v60 =	vld [tilespmem:$0x2000];
	vm12 =	veq.s32 v59, v0;
	s23 =	spop (v2sf);
	v1 =	vadd.f32 v5, v1  }
0x341: {  	v61 =	vmov s5;
	v2 =	vmul.f32 s0, v2;
	s24 =	spop (v2sf);
	v4 =	vnsel vm12, $0x0, v4;
	s25 =	smul.f32 s23, s22  }
0x342: {  	s3 =	sand.u32 $0xF, s3;
	vm13 =	veq.s32 v61, v0;
	v1 =	vadd.f32 v4, v1;
	s26 =	spop (v2sf)  }
0x343: {  	v62 =	vmov s3;
	v3 =	vmul.f32 s25, v3;
	s0 =	smul.f32 s26, s24;
	v2 =	vnsel vm13, $0x0, v2  }
0x344: {  	s2 =	sand.u32 $0xF, s2;
	vm14 =	veq.s32 v62, v0;
	v1 =	vadd.f32 v2, v1  }
0x345: {  	v2 =	vmov s2;
	v63 =	vmul.f32 s0, v60;
	v3 =	vnsel vm14, $0x0, v3  }
0x346: {  	vm15 =	veq.s32 v2, v0;
	v1 =	vadd.f32 v3, v1  }
0x347: {  	v2 =	vnsel vm15, $0x0, v63  }
0x348: {  	v1 =	vadd.f32 v2, v1  }
0x349: {  	s28 =	rddreg [dreg:$0xd]  }
.Ltmp3:
0x34a: {  	s29 =	simm.s32 $0x2880;
	s31 =	simm.s32 $0x2;
	[tilespmem:$0x2880] =	vst v1;
	(pc) =	sbr.rel .LBB2_4-.Ltmp3, $4  }
0x34b: {  	[hbm4b:s28+s4] =	stream.linear.scatter [tilespmem:s29], [sflag:$0x2], $0x80, $0x38;
	[tilespmem:$0x2900] =	vst v63  }
0x34c: {  	_ =	swait.ge [sflag:s31], $0x80  }
0x34d: {  	[sflag:s31] =	ssyncset.done $0x0  }
0x34e: {  	[sflag:s31] =	ssyncadd.s32 $0xFFFFFF80  }
.LBB2_3:
.Ltmp4:
0x34f: {  	(pc) =	sbr.rel @p2 .LBB2_6-.Ltmp4, $1  }
0x350: {  	_ =	sdelay $0x3  }
.LBB2_4:
.Ltmp5:
0x351: {  	(pc) =	sbr.rel @p1 .LBB2_6-.Ltmp5, $2  }
0x352: {  	_ =	sdelay $0x1  }
0x353: {  	[bflag:$0x0] =	sbarrier.arrive $0xFFFF;
	_ =	sdelay $0x1  }
0x354: {  	s0 =	rddreg [dreg:$0x3];
	s2 =	simm.s32 $0x2080;
	s3 =	simm.s32 $0x2  }
0x355: {  	[tilespmem:s2], [sflag:$0x2] =	stream.linear.gather [hbm4b:s0+s4], $0x700, $0x38;
	[tilespmem:$0x2900] =	vst v63  }
0x356: {  	_ =	swait.ge [sflag:s3], $0x700  }
0x357: {  	[sflag:s3] =	ssyncset.done $0x0  }
0x358: {  	[sflag:s3] =	ssyncadd.s32 $0xFFFFF900  }
0x359: {  	v1 =	vld [tilespmem:$0x2080];
	_ =	sdelay $0x1  }
0x35a: {  	v2 =	vld [tilespmem:$0x2100];
	_ =	sdelay $0x1  }
0x35b: {  	v3 =	vld [tilespmem:$0x2180]  }
0x35c: {  	v1 =	vadd.f32 $0.0e+00, v1  }
0x35d: {  	v4 =	vld [tilespmem:$0x2200]  }
0x35e: {  	v1 =	vadd.f32 v2, v1  }
0x35f: {  	v2 =	vld [tilespmem:$0x2280]  }
0x360: {  	v1 =	vadd.f32 v3, v1  }
0x361: {  	v3 =	vld [tilespmem:$0x2300]  }
0x362: {  	v1 =	vadd.f32 v4, v1  }
0x363: {  	v61 =	vld [tilespmem:$0x2380]  }
0x364: {  	v1 =	vadd.f32 v2, v1  }
0x365: {  	v2 =	vld [tilespmem:$0x2400]  }
0x366: {  	v1 =	vadd.f32 v3, v1  }
0x367: {  	v3 =	vld [tilespmem:$0x2480]  }
0x368: {  	v1 =	vadd.f32 v61, v1  }
0x369: {  	v62 =	vld [tilespmem:$0x2500]  }
0x36a: {  	v1 =	vadd.f32 v2, v1  }
0x36b: {  	v2 =	vld [tilespmem:$0x2580]  }
0x36c: {  	v1 =	vadd.f32 v3, v1  }
0x36d: {  	v3 =	vld [tilespmem:$0x2600]  }
0x36e: {  	v1 =	vadd.f32 v62, v1  }
0x36f: {  	v63 =	vld [tilespmem:$0x2680]  }
0x370: {  	v1 =	vadd.f32 v2, v1  }
0x371: {  	v2 =	vld [tilespmem:$0x2700]  }
0x372: {  	v1 =	vadd.f32 v3, v1;
	_ =	sdelay $0x1  }
0x373: {  	v1 =	vadd.f32 v63, v1;
	_ =	sdelay $0x1  }
0x374: {  	v1 =	vadd.f32 v2, v1;
	_ =	sdelay $0x1  }
0x375: {  	(v2sf) =	vpush v1, $0x0  }
0x376: {  	(v2sf) =	vpush v1, $0x1;
	_ =	sdelay $0x1  }
0x377: {  	(v2sf) =	vpush v1, $0x2;
	_ =	sdelay $0x1  }
0x378: {  	(v2sf) =	vpush v1, $0x3;
	_ =	sdelay $0x1  }
0x379: {  	(v2sf) =	vpush v1, $0x4;
	_ =	sdelay $0x1  }
0x37a: {  	(v2sf) =	vpush v1, $0x5;
	_ =	sdelay $0x1  }
0x37b: {  	(v2sf) =	vpush v1, $0x6;
	_ =	sdelay $0x1  }
0x37c: {  	(v2sf) =	vpush v1, $0x7;
	_ =	sdelay $0x1  }
0x37d: {  	s11 =	spop (v2sf);
	(v2sf) =	vpush v1, $0x8  }
0x37e: {  	s12 =	spop (v2sf)  }
0x37f: {  	(v2sf) =	vpush v1, $0x9;
	s0 =	sadd.f32 s12, s11  }
0x380: {  	s13 =	spop (v2sf)  }
0x381: {  	(v2sf) =	vpush v1, $0xA;
	s0 =	sadd.f32 s0, s13  }
0x382: {  	s14 =	spop (v2sf)  }
0x383: {  	(v2sf) =	vpush v1, $0xB;
	s0 =	sadd.f32 s0, s14  }
0x384: {  	s15 =	spop (v2sf)  }
0x385: {  	(v2sf) =	vpush v1, $0xC;
	s0 =	sadd.f32 s0, s15  }
0x386: {  	s16 =	spop (v2sf)  }
0x387: {  	(v2sf) =	vpush v1, $0xD;
	s0 =	sadd.f32 s0, s16  }
0x388: {  	s17 =	spop (v2sf)  }
0x389: {  	(v2sf) =	vpush v1, $0xE;
	s0 =	sadd.f32 s0, s17  }
0x38a: {  	s18 =	spop (v2sf)  }
0x38b: {  	(v2sf) =	vpush v1, $0xF;
	s0 =	sadd.f32 s0, s18  }
0x38c: {  	s19 =	spop (v2sf)  }
0x38d: {  	s0 =	sadd.f32 s0, s19  }
0x38e: {  	s20 =	spop (v2sf)  }
0x38f: {  	s0 =	sadd.f32 s0, s20  }
0x390: {  	s22 =	spop (v2sf)  }
0x391: {  	s0 =	sadd.f32 s0, s22  }
0x392: {  	s23 =	spop (v2sf)  }
0x393: {  	s0 =	sadd.f32 s0, s23  }
0x394: {  	s24 =	spop (v2sf)  }
0x395: {  	s0 =	sadd.f32 s0, s24  }
0x396: {  	s25 =	spop (v2sf)  }
0x397: {  	s0 =	sadd.f32 s0, s25  }
0x398: {  	s26 =	spop (v2sf)  }
0x399: {  	s0 =	sadd.f32 s0, s26  }
0x39a: {  	s28 =	spop (v2sf)  }
0x39b: {  	s0 =	sadd.f32 s0, s28;
	_ =	sdelay $0x1  }
0x39c: {  	s0 =	smul.f32 $1.488095270e-03, s0;
	_ =	sdelay $0x1  }
0x39d: {  	v1 =	vmov s0  }
.Ltmp6:
0x39e: {  	s31 =	simm.s32 $0x2880;
	s29 =	rddreg [dreg:$0x2];
	[tilespmem:$0x2880] =	vst v1;
	(pc) =	sbr.rel .LBB2_6-.Ltmp6, $4  }
0x39f: {  	[hbm4b:s29+s4] =	stream.linear.scatter [tilespmem:s31], [sflag:$0x2], $0x80, $0x38;
	[tilespmem:$0x2900] =	vst v63  }
0x3a0: {  	_ =	swait.ge [sflag:s3], $0x80  }
0x3a1: {  	[sflag:s3] =	ssyncset.done $0x0  }
0x3a2: {  	[sflag:s3] =	ssyncadd.s32 $0xFFFFFF80  }
.LBB2_7:
0x3a3: {  	_ =	sfence.sel $0x180000  }
0x3a4: {  	[bflag:$0x0] =	sbarrier.arrive $0xFFFF  }
0x3a5: {  	_ =	strace $0x90000047  }
0x3a6: {  	[bflag:$0x2] =	sbarrier.arrive $0xFFFF  }
0x3a7: {  	s0 =	rddreg [dreg:$0x4]  }
0x3a8: {  	s0 =	sadd.s32 @!p1 $0x100000, s0  }
0x3a9: {  	[sflag:s0] =	ssyncadd.tile.s32 @!p1 $0x1;
	_ =	shalt  }
.Lfunc_end2:
_tile_overlayer_lowered:
.L_overlay_start_2:
0x3aa: {  	(tag) =	ssettag $0x2  }
0x3ab: {  	s0 =	rddreg [dreg:$0x0];
	s2 =	stileid.u32  }
0x3ac: {  	s1 =	rddreg [dreg:$0x1];
	p0 =	sne.s32 s2, $0x0  }
0x3ad: {  	s3 =	rddreg [dreg:$0x2];
	[bflag:$0x3] =	sbarrier.arrive $0xFFFF;
	s2 =	simm.s32 @!p0 $0x1C02  }
0x3ae: {  	[timem:s3], [sflag:s2] =	dma.local @!p0 [hbm:s0], s1  }
0x3af: {  	s0 =	simm.s32 @!p0 $0x2  }
0x3b0: {  	_ =	swait.ge @!p0 [sflag:s0], s1  }
0x3b1: {  	s1 =	ssub.s32 @!p0 $0x0, s1;
	[sflag:s0] =	ssyncset.done @!p0 $0x0  }
0x3b2: {  	[sflag:s0] =	ssyncadd.s32 @!p0 s1  }
0x3b3: {  	[bflag:$0x3] =	sbarrier.arrive $0xFFFF  }
0x3b4: {  	_ =	shalt  }

</sc_bundles>
